<compile_context>
chip_gen: v7x
topology: tpu7x:2x2x1
jax: 0.10.2.dev20260603
libtpu: 0.0.44.dev20260713+nightly
codegen_flags: <defaults>
</compile_context>

<pallas_src>
import functools

import jax
import jax.numpy as jnp
from jax import lax
from jax.experimental import pallas as pl
from jax.experimental.pallas import tpu as pltpu
from jax.experimental.pallas import tpu_sc as plsc

N = 10000
E = 320000
D = 128
NC = 2
NS = 16
NW = NC * NS
EPW = E // NW
B = 80
PW = 256
NCHUNK = EPW // B
CPS = 25
RPS = 1000


def _proj_body(x_ref, w_ref, b_ref, ptop_ref, pbot_ref):
    p = jnp.dot(x_ref[...], w_ref[...], preferred_element_type=jnp.float32)
    p = p + b_ref[...]
    for t in range(3):
        ptop_ref[t] = p[:, t * D:(t + 1) * D]
        pbot_ref[t] = p[:, 3 * D + t * D:3 * D + (t + 1) * D]


def _node_body(x_ref, zt0_ref, zt1_ref, d0_ref, d1_ref, wt_ref, wb_ref, b_ref,
               out_ref):
    i = pl.program_id(0)
    den = d0_ref[...] + d1_ref[...] + 1e-9
    z = (zt0_ref[...] + zt1_ref[...]) / den
    sel = i < 3
    wt = jnp.where(sel, wt_ref[0], wt_ref[1])
    wb = jnp.where(sel, wb_ref[0], wb_ref[1])
    b = jnp.where(sel, b_ref[0], b_ref[1])
    acc = jnp.dot(x_ref[...], wt, preferred_element_type=jnp.float32)
    acc = acc + jnp.dot(z, wb, preferred_element_type=jnp.float32)
    out_ref[...] = jnp.maximum(acc + b, 0.0)


def _edge_body(cidx_hbm, tbl_hbm, wa_hbm, bav_hbm,
               zt_out, den_out,
               cidx_st, iv_s, iv_d, iv_x, dv, rs, rd, rx, ex, tbuf,
               wa_v, bav_v, z_sh, den_sh, sem):
    cid = lax.axis_index("c")
    sid = lax.axis_index("s")
    wid = sid * NC + cid
    t = jnp.where(wid < 16, 0, jnp.where(wid < 24, 1, 2))
    toff3 = ((3 + t) * N).astype(jnp.int32)

    pltpu.sync_copy(wa_hbm, wa_v)
    pltpu.sync_copy(bav_hbm, bav_v)

    zeros16 = jnp.zeros((16,), jnp.float32)

    def zb_body(r, carry):
        for c in range(8):
            rx[r, pl.ds(c * 16, 16)] = zeros16
        return carry

    lax.fori_loop(0, 40, zb_body, 0)
    for i in range(5):
        ex[pl.ds(i * 16, 16)] = zeros16
    for e in range(16):
        tbuf[e, pl.ds(0, 16)] = zeros16

    @pl.when(sid < 10)
    def _():
        z0 = sid * RPS
        for i in range(RPS // 40):
            pltpu.sync_copy(rx.at[pl.ds(0, 40), :],
                            z_sh.at[pl.ds(z0 + i * 40, 40), :])
        def dz_body(i2, carry):
            off = pl.multiple_of(z0 + i2 * 40, 8)
            pltpu.sync_copy(ex.at[pl.ds(0, 40)], den_sh.at[pl.ds(off, 40)])
            return carry
        lax.fori_loop(0, RPS // 40, dz_body, 0)

    plsc.subcore_barrier()

    lane = lax.iota(jnp.int32, 16)
    pbase = wid * NCHUNK * PW

    def compute():
        wv = [wa_v[pl.ds(k * 16, 16)] for k in range(8)]
        bav = bav_v[...]

        def edge_partial(row):
            p = None
            for k in range(8):
                sl = pl.ds(k * 16, 16)
                u = jnp.maximum(rs[row, sl] + rd[row, sl], 0.0)
                m = u * wv[k]
                p = m if p is None else p + m
            return p

        def grp(g, carry):
            g0 = g * 16
            for e in range(16):
                tbuf[e, pl.ds(0, 16)] = edge_partial(g0 + e)
            s = None
            for l in range(16):
                c = plsc.load_gather(tbuf, [lane, jnp.full((16,), l, jnp.int32)])
                s = c if s is None else s + c
            ex[pl.ds(pl.multiple_of(g0, 16), 16)] = jnp.exp(s + bav)
            return carry

        lax.fori_loop(0, B // 16, grp, 0)

        def scale(g, carry):
            exv = ex[pl.ds(pl.multiple_of(g * 16, 16), 16)]
            for e in range(16):
                row = g * 16 + e
                exs = exv[e]
                for k in range(8):
                    sl = pl.ds(k * 16, 16)
                    rx[row, sl] = rx[row, sl] * exs
            return carry

        lax.fori_loop(0, B // 16, scale, 0)

    def chunk_body(c, carry):
        koff = pl.multiple_of(lax.rem(c, CPS) * PW, 8)

        @pl.when(lax.rem(c, CPS) == 0)
        def _():
            off = pl.multiple_of(pbase + c * PW, 8)
            pltpu.sync_copy(cidx_hbm.at[pl.ds(off, CPS * PW)], cidx_st)

        for i in range(B // 16):
            sl16 = pl.ds(i * 16, 16)
            iv_s[sl16] = cidx_st[pl.ds(koff + i * 16, 16)]
            dval = cidx_st[pl.ds(koff + B + i * 16, 16)]
            iv_d[sl16] = dval
            dv[sl16] = dval - toff3
            iv_x[sl16] = cidx_st[pl.ds(koff + 2 * B + i * 16, 16)]

        cp_s = pltpu.async_copy(tbl_hbm.at[iv_s], rs, sem)
        cp_d = pltpu.async_copy(tbl_hbm.at[iv_d], rd, sem)
        cp_x = pltpu.async_copy(tbl_hbm.at[iv_x], rx, sem)
        cp_s.wait()
        cp_d.wait()
        cp_x.wait()

        compute()

        cs_z = pltpu.async_copy(rx, z_sh.at[dv], sem, add=True)
        cs_d = pltpu.async_copy(ex, den_sh.at[dv], sem, add=True)
        cs_z.wait()
        cs_d.wait()
        return carry

    lax.fori_loop(0, NCHUNK, chunk_body, 0)

    plsc.subcore_barrier()

    @pl.when(sid < 10)
    def _():
        r0 = sid * RPS
        pltpu.sync_copy(z_sh.at[pl.ds(r0, RPS), :],
                        zt_out.at[cid, pl.ds(r0, RPS), :])

    @pl.when(sid == 0)
    def _():
        pltpu.sync_copy(den_sh, den_out.at[cid])


_edge_call = functools.partial(
    pl.kernel,
    out_type=[
        jax.ShapeDtypeStruct((NC, N, D), jnp.float32),
        jax.ShapeDtypeStruct((NC, N), jnp.float32),
    ],
    mesh=plsc.VectorSubcoreMesh(core_axis_name="c", subcore_axis_name="s"),
    compiler_params=pltpu.CompilerParams(needs_layout_passes=False),
    scratch_types=[
        pltpu.VMEM((CPS * PW,), jnp.int32),
        pltpu.VMEM((B,), jnp.int32),
        pltpu.VMEM((B,), jnp.int32),
        pltpu.VMEM((B,), jnp.int32),
        pltpu.VMEM((B,), jnp.int32),
        pltpu.VMEM((B, D), jnp.float32),
        pltpu.VMEM((B, D), jnp.float32),
        pltpu.VMEM((B, D), jnp.float32),
        pltpu.VMEM((B,), jnp.float32),
        pltpu.VMEM((16, 17), jnp.float32),
        pltpu.VMEM((D,), jnp.float32),
        pltpu.VMEM((16,), jnp.float32),
        pltpu.VMEM_SHARED((N, D), jnp.float32),
        pltpu.VMEM_SHARED((N,), jnp.float32),
        pltpu.SemaphoreType.DMA,
    ],
)(_edge_body)


def kernel(x, edge_index, W_hh, b_hh, W_oo, b_oo, W_ho, b_ho, W_a, b_a,
           W_hn, b_hn, W_on, b_on):
    R = 1000

    wfull = jnp.concatenate(
        [W_hh[:D], W_oo[:D], W_ho[:D], W_hh[D:], W_oo[D:], W_ho[D:]], axis=1)
    bfull = jnp.concatenate(
        [b_hh, b_oo, b_ho, jnp.zeros((3 * D,), jnp.float32)]).reshape(1, 6 * D)

    ptop, pbot = pl.pallas_call(
        _proj_body,
        grid=(N // R,),
        in_specs=[
            pl.BlockSpec((R, D), lambda i: (i, 0)),
            pl.BlockSpec((D, 6 * D), lambda i: (0, 0)),
            pl.BlockSpec((1, 6 * D), lambda i: (0, 0)),
        ],
        out_specs=[
            pl.BlockSpec((3, R, D), lambda i: (0, i, 0)),
            pl.BlockSpec((3, R, D), lambda i: (0, i, 0)),
        ],
        out_shape=[
            jax.ShapeDtypeStruct((3, N, D), jnp.float32),
            jax.ShapeDtypeStruct((3, N, D), jnp.float32),
        ],
    )(x, wfull, bfull)

    src = edge_index[0]
    dst = edge_index[1]
    toff = jnp.concatenate([
        jnp.zeros((E // 2,), jnp.int32),
        jnp.full((E // 4,), N, jnp.int32),
        jnp.full((E - E // 2 - E // 4,), 2 * N, jnp.int32),
    ])
    sadj = (src + toff).reshape(NW, NCHUNK, B)
    dadj = (dst + toff + 3 * N).reshape(NW, NCHUNK, B)
    xidx = (src + 6 * N).reshape(NW, NCHUNK, B)
    pad = jnp.zeros((NW, NCHUNK, PW - 3 * B), jnp.int32)
    cidx = jnp.concatenate([sadj, dadj, xidx, pad], axis=2).reshape(-1)
    tbl = jnp.concatenate([ptop.reshape(3 * N, D), pbot.reshape(3 * N, D), x])
    wa = W_a[:, 0]
    bav = jnp.full((16,), b_a[0], jnp.float32)

    zt, den = _edge_call(cidx, tbl, wa, bav)

    wt_s = jnp.stack([W_hn[:D], W_on[:D]])
    wb_s = jnp.stack([W_hn[D:], W_on[D:]])
    b_s = jnp.stack([b_hn.reshape(1, D), b_on.reshape(1, D)])

    out = pl.pallas_call(
        _node_body,
        grid=(N // R,),
        in_specs=[
            pl.BlockSpec((R, D), lambda i: (i, 0)),
            pl.BlockSpec((R, D), lambda i: (i, 0)),
            pl.BlockSpec((R, D), lambda i: (i, 0)),
            pl.BlockSpec((R, 1), lambda i: (i, 0)),
            pl.BlockSpec((R, 1), lambda i: (i, 0)),
            pl.BlockSpec((2, D, D), lambda i: (0, 0, 0)),
            pl.BlockSpec((2, D, D), lambda i: (0, 0, 0)),
            pl.BlockSpec((2, 1, D), lambda i: (0, 0, 0)),
        ],
        out_specs=pl.BlockSpec((R, D), lambda i: (i, 0)),
        out_shape=jax.ShapeDtypeStruct((N, D), jnp.float32),
    )(x, zt[0], zt[1], den[0].reshape(N, 1), den[1].reshape(N, 1),
      wt_s, wb_s, b_s)
    return out

# --- scband reference (transcript-rebuilt; emitter-appended) ---
"""Pipeline reference for scband-gnn-47682726921133 (READ-ONLY COPY).

The authoritative reference and input builder live on the scoring server;
editing this copy changes nothing except your own understanding.
"""

import jax, jax.numpy as jnp
import numpy as np

N = 10000
E = 320000
D = 128


def setup_inputs(seed: int = 0) -> dict:
    key = jax.random.key(seed)
    ks = jax.random.split(key, 16)
    x = jax.random.normal(ks[0], (N, D), dtype=jnp.float32)
    edge_index = jax.random.randint(ks[1], (2, E), 0, N, dtype=jnp.int32)
    s = 0.05
    W_hh = jax.random.normal(ks[2], (2 * D, D), dtype=jnp.float32) * s
    b_hh = jnp.zeros((D,), dtype=jnp.float32)
    W_oo = jax.random.normal(ks[3], (2 * D, D), dtype=jnp.float32) * s
    b_oo = jnp.zeros((D,), dtype=jnp.float32)
    W_ho = jax.random.normal(ks[4], (2 * D, D), dtype=jnp.float32) * s
    b_ho = jnp.zeros((D,), dtype=jnp.float32)
    W_a = jax.random.normal(ks[5], (D, 1), dtype=jnp.float32) * s
    b_a = jnp.zeros((1,), dtype=jnp.float32)
    W_hn = jax.random.normal(ks[6], (2 * D, D), dtype=jnp.float32) * s
    b_hn = jnp.zeros((D,), dtype=jnp.float32)
    W_on = jax.random.normal(ks[7], (2 * D, D), dtype=jnp.float32) * s
    b_on = jnp.zeros((D,), dtype=jnp.float32)
    return {"x": x, "edge_index": edge_index, "W_hh": W_hh, "b_hh": b_hh,
            "W_oo": W_oo, "b_oo": b_oo, "W_ho": W_ho, "b_ho": b_ho,
            "W_a": W_a, "b_a": b_a, "W_hn": W_hn, "b_hn": b_hn,
            "W_on": W_on, "b_on": b_on}


def reference(x, edge_index, W_hh, b_hh, W_oo, b_oo, W_ho, b_ho, W_a, b_a, W_hn, b_hn, W_on, b_on):
    src = edge_index[0]
    dst = edge_index[1]
    n_edges = edge_index.shape[1]
    n_nodes = x.shape[0]
    # edge-type partition: first half h-h edges, next quarter o-o, rest h-o
    e_hh = n_edges // 2
    e_oo = n_edges // 4
    # apply_edges: e_f = edge_fc(cat(src_feat, dst_feat))
    feat = jnp.concatenate([x[src], x[dst]], axis=1)  # [E, 2D] gather
    ef_hh = jax.nn.relu(feat[:e_hh] @ W_hh + b_hh)
    ef_oo = jax.nn.relu(feat[e_hh:e_hh + e_oo] @ W_oo + b_oo)
    ef_ho = jax.nn.relu(feat[e_hh + e_oo:] @ W_ho + b_ho)
    e_f = jnp.concatenate([ef_hh, ef_oo, ef_ho], axis=0)  # [E, D]
    # apply_edge_attn: a_feat = attn_fc(e_f)
    a_feat = (e_f @ W_a + b_a)[:, 0]  # [E]
    # update_all: softmax of a_feat over incoming edges per dst node (mailbox softmax)
    m = jax.ops.segment_max(a_feat, dst, num_segments=n_nodes)
    m = jnp.where(jnp.isfinite(m), m, 0.0)
    a_exp = jnp.exp(a_feat - m[dst])
    denom = jax.ops.segment_sum(a_exp, dst, num_segments=n_nodes)
    alpha = a_exp / (denom[dst] + 1e-9)
    # z = sum(alpha * nei_n_f)
    z = jax.ops.segment_sum(alpha[:, None] * x[src], dst, num_segments=n_nodes)  # [N, D]
    # apply_nodes: new_n_f = node_fc(cat(n_f, z_f)); first 30% are h nodes, rest o nodes
    nf = jnp.concatenate([x, z], axis=1)  # [N, 2D]
    n_h = (n_nodes * 3) // 10
    new_h = jax.nn.relu(nf[:n_h] @ W_hn + b_hn)
    new_o = jax.nn.relu(nf[n_h:] @ W_on + b_on)
    new_n_f = jnp.concatenate([new_h, new_o], axis=0)  # [N, D]
    return new_n_f

if __name__ == "__main__":
    import jax
    _d = setup_inputs()
    print(jax.jit(kernel)(*tuple(_d.values())))

</pallas_src>

<mosaic_0001>
#map = affine_map<(d0, d1) -> (0)>
#map1 = affine_map<(d0, d1) -> (0, 0)>
#map2 = affine_map<(d0, d1) -> (0, 0, 0)>
module attributes {stable_mosaic.version = 14 : i64} {
  func.func @_edge_body(%arg0: i32, %arg1: i32, %arg2: memref<1024000xi32, #tpu.memory_space<hbm>>, %arg3: memref<70000x128xf32, #tpu.memory_space<hbm>>, %arg4: memref<128xf32, #tpu.memory_space<hbm>>, %arg5: memref<16xf32, #tpu.memory_space<hbm>>, %arg6: memref<2x10000x128xf32, #tpu.memory_space<hbm>>, %arg7: memref<2x10000xf32, #tpu.memory_space<hbm>>, %arg8: memref<6400xi32, #tpu.memory_space<vmem>>, %arg9: memref<80xi32, #tpu.memory_space<vmem>>, %arg10: memref<80xi32, #tpu.memory_space<vmem>>, %arg11: memref<80xi32, #tpu.memory_space<vmem>>, %arg12: memref<80xi32, #tpu.memory_space<vmem>>, %arg13: memref<80x128xf32, #tpu.memory_space<vmem>>, %arg14: memref<80x128xf32, #tpu.memory_space<vmem>>, %arg15: memref<80x128xf32, #tpu.memory_space<vmem>>, %arg16: memref<80xf32, #tpu.memory_space<vmem>>, %arg17: memref<16x17xf32, #tpu.memory_space<vmem>>, %arg18: memref<128xf32, #tpu.memory_space<vmem>>, %arg19: memref<16xf32, #tpu.memory_space<vmem>>, %arg20: memref<10000x128xf32, #tpu.memory_space<vmem_shared>>, %arg21: memref<10000xf32, #tpu.memory_space<vmem_shared>>, %arg22: memref<!tpu.dma_semaphore, #tpu.memory_space<semaphore_mem>>) attributes {dimension_semantics = [#tpu.dimension_semantics<core_parallel>, #tpu.dimension_semantics<subcore_parallel>], iteration_bounds = array<i64: 2, 16>, scalar_prefetch = 0 : i64, scratch_operands = 15 : i64, tpu.core_type = #tpu.core_type<sc_vector_subcore>, window_params = [{transform_indices = #map}, {transform_indices = #map1}, {transform_indices = #map}, {transform_indices = #map}, {transform_indices = #map2}, {transform_indices = #map1}]} {
    %mul3A = arith.constant 2 : i32
    %mul3A_0 = arith.muli %arg1, %mul3A : i32
    %add3A = arith.addi %mul3A_0, %arg0 : i32
    %lt3A = arith.constant 16 : i32
    %lt3A_1 = arith.cmpi slt, %add3A, %lt3A : i32
    %lt3A_2 = arith.constant 24 : i32
    %lt3A_3 = arith.cmpi slt, %add3A, %lt3A_2 : i32
    %jit3A = arith.constant 1 : i32
    %jit3A_4 = arith.constant 2 : i32
    %select_n3A = arith.select %lt3A_3, %jit3A, %jit3A_4 : i32
    %jit3A_5 = arith.constant 0 : i32
    %select_n3A_6 = arith.select %lt3A_1, %jit3A_5, %select_n3A : i32
    %add3A_7 = arith.constant 3 : i32
    %add3A_8 = arith.addi %add3A_7, %select_n3A_6 : i32
    %mul3A_9 = arith.constant 10000 : i32
    %mul3A_10 = arith.muli %add3A_8, %mul3A_9 : i32
    "tpu.region"() ({
      %run_scoped3A = tpu.sem_alloc : memref<!tpu.dma_semaphore, #tpu.memory_space<semaphore_mem>>
      tpu.enqueue_dma source(%arg4 : memref<128xf32, #tpu.memory_space<hbm>>) target(%arg18 : memref<128xf32, #tpu.memory_space<vmem>>) target_semaphore(%run_scoped3A : memref<!tpu.dma_semaphore, #tpu.memory_space<semaphore_mem>>)
      tpu.wait_dma2 semaphore(%run_scoped3A : memref<!tpu.dma_semaphore, #tpu.memory_space<semaphore_mem>>) src(%arg4 : memref<128xf32, #tpu.memory_space<hbm>>) dst(%arg18 : memref<128xf32, #tpu.memory_space<vmem>>)
      tpu.yield
    }) : () -> ()
    "tpu.region"() ({
      %run_scoped3A = tpu.sem_alloc : memref<!tpu.dma_semaphore, #tpu.memory_space<semaphore_mem>>
      tpu.enqueue_dma source(%arg5 : memref<16xf32, #tpu.memory_space<hbm>>) target(%arg19 : memref<16xf32, #tpu.memory_space<vmem>>) target_semaphore(%run_scoped3A : memref<!tpu.dma_semaphore, #tpu.memory_space<semaphore_mem>>)
      tpu.wait_dma2 semaphore(%run_scoped3A : memref<!tpu.dma_semaphore, #tpu.memory_space<semaphore_mem>>) src(%arg5 : memref<16xf32, #tpu.memory_space<hbm>>) dst(%arg19 : memref<16xf32, #tpu.memory_space<vmem>>)
      tpu.yield
    }) : () -> ()
    %broadcast_in_dim3A = arith.constant 0.000000e+00 : f32
    %broadcast_in_dim3A_11 = vector.broadcast %broadcast_in_dim3A : f32 to vector<16xf32>
    %scan3A = arith.constant 0 : i32
    %scan3A_12 = arith.constant 0 : i32
    %scan3A_13 = arith.constant 40 : i32
    %scan3A_14 = arith.addi %scan3A_12, %scan3A_13 : i32
    %scan3A_15 = arith.constant 1 : i32
    scf.for %scan3A_113 = %scan3A_12 to %scan3A_14 step %scan3A_15  : i32 {
      %swap3A_114 = arith.index_cast %scan3A_113 : i32 to index
      %swap3A_115 = arith.constant 0 : index
      %swap3A_116 = tpu.vector_load %arg15[%swap3A_114, %swap3A_115] {strides = array<i32>} : memref<80x128xf32, #tpu.memory_space<vmem>>, vector<16xf32>,
      tpu.vector_store %arg15[%swap3A_114, %swap3A_115], %broadcast_in_dim3A_11 {strides = array<i32>} : memref<80x128xf32, #tpu.memory_space<vmem>>, vector<16xf32>,
      %swap3A_117 = arith.index_cast %scan3A_113 : i32 to index
      %swap3A_118 = arith.constant 16 : index
      %swap3A_119 = tpu.vector_load %arg15[%swap3A_117, %swap3A_118] {strides = array<i32>} : memref<80x128xf32, #tpu.memory_space<vmem>>, vector<16xf32>,
      tpu.vector_store %arg15[%swap3A_117, %swap3A_118], %broadcast_in_dim3A_11 {strides = array<i32>} : memref<80x128xf32, #tpu.memory_space<vmem>>, vector<16xf32>,
      %swap3A_120 = arith.index_cast %scan3A_113 : i32 to index
      %swap3A_121 = arith.constant 32 : index
      %swap3A_122 = tpu.vector_load %arg15[%swap3A_120, %swap3A_121] {strides = array<i32>} : memref<80x128xf32, #tpu.memory_space<vmem>>, vector<16xf32>,
      tpu.vector_store %arg15[%swap3A_120, %swap3A_121], %broadcast_in_dim3A_11 {strides = array<i32>} : memref<80x128xf32, #tpu.memory_space<vmem>>, vector<16xf32>,
      %swap3A_123 = arith.index_cast %scan3A_113 : i32 to index
      %swap3A_124 = arith.constant 48 : index
      %swap3A_125 = tpu.vector_load %arg15[%swap3A_123, %swap3A_124] {strides = array<i32>} : memref<80x128xf32, #tpu.memory_space<vmem>>, vector<16xf32>,
      tpu.vector_store %arg15[%swap3A_123, %swap3A_124], %broadcast_in_dim3A_11 {strides = array<i32>} : memref<80x128xf32, #tpu.memory_space<vmem>>, vector<16xf32>,
      %swap3A_126 = arith.index_cast %scan3A_113 : i32 to index
      %swap3A_127 = arith.constant 64 : index
      %swap3A_128 = tpu.vector_load %arg15[%swap3A_126, %swap3A_127] {strides = array<i32>} : memref<80x128xf32, #tpu.memory_space<vmem>>, vector<16xf32>,
      tpu.vector_store %arg15[%swap3A_126, %swap3A_127], %broadcast_in_dim3A_11 {strides = array<i32>} : memref<80x128xf32, #tpu.memory_space<vmem>>, vector<16xf32>,
      %swap3A_129 = arith.index_cast %scan3A_113 : i32 to index
      %swap3A_130 = arith.constant 80 : index
      %swap3A_131 = tpu.vector_load %arg15[%swap3A_129, %swap3A_130] {strides = array<i32>} : memref<80x128xf32, #tpu.memory_space<vmem>>, vector<16xf32>,
      tpu.vector_store %arg15[%swap3A_129, %swap3A_130], %broadcast_in_dim3A_11 {strides = array<i32>} : memref<80x128xf32, #tpu.memory_space<vmem>>, vector<16xf32>,
      %swap3A_132 = arith.index_cast %scan3A_113 : i32 to index
      %swap3A_133 = arith.constant 96 : index
      %swap3A_134 = tpu.vector_load %arg15[%swap3A_132, %swap3A_133] {strides = array<i32>} : memref<80x128xf32, #tpu.memory_space<vmem>>, vector<16xf32>,
      tpu.vector_store %arg15[%swap3A_132, %swap3A_133], %broadcast_in_dim3A_11 {strides = array<i32>} : memref<80x128xf32, #tpu.memory_space<vmem>>, vector<16xf32>,
      %swap3A_135 = arith.index_cast %scan3A_113 : i32 to index
      %swap3A_136 = arith.constant 112 : index
      %swap3A_137 = tpu.vector_load %arg15[%swap3A_135, %swap3A_136] {strides = array<i32>} : memref<80x128xf32, #tpu.memory_space<vmem>>, vector<16xf32>,
      tpu.vector_store %arg15[%swap3A_135, %swap3A_136], %broadcast_in_dim3A_11 {strides = array<i32>} : memref<80x128xf32, #tpu.memory_space<vmem>>, vector<16xf32>,
    }
    %scan3A_16 = arith.constant 40 : i32
    %swap3A = arith.constant 0 : index
    %swap3A_17 = tpu.vector_load %arg16[%swap3A] {strides = array<i32>} : memref<80xf32, #tpu.memory_space<vmem>>, vector<16xf32>,
    tpu.vector_store %arg16[%swap3A], %broadcast_in_dim3A_11 {strides = array<i32>} : memref<80xf32, #tpu.memory_space<vmem>>, vector<16xf32>,
    %swap3A_18 = arith.constant 16 : index
    %swap3A_19 = tpu.vector_load %arg16[%swap3A_18] {strides = array<i32>} : memref<80xf32, #tpu.memory_space<vmem>>, vector<16xf32>,
    tpu.vector_store %arg16[%swap3A_18], %broadcast_in_dim3A_11 {strides = array<i32>} : memref<80xf32, #tpu.memory_space<vmem>>, vector<16xf32>,
    %swap3A_20 = arith.constant 32 : index
    %swap3A_21 = tpu.vector_load %arg16[%swap3A_20] {strides = array<i32>} : memref<80xf32, #tpu.memory_space<vmem>>, vector<16xf32>,
    tpu.vector_store %arg16[%swap3A_20], %broadcast_in_dim3A_11 {strides = array<i32>} : memref<80xf32, #tpu.memory_space<vmem>>, vector<16xf32>,
    %swap3A_22 = arith.constant 48 : index
    %swap3A_23 = tpu.vector_load %arg16[%swap3A_22] {strides = array<i32>} : memref<80xf32, #tpu.memory_space<vmem>>, vector<16xf32>,
    tpu.vector_store %arg16[%swap3A_22], %broadcast_in_dim3A_11 {strides = array<i32>} : memref<80xf32, #tpu.memory_space<vmem>>, vector<16xf32>,
    %swap3A_24 = arith.constant 64 : index
    %swap3A_25 = tpu.vector_load %arg16[%swap3A_24] {strides = array<i32>} : memref<80xf32, #tpu.memory_space<vmem>>, vector<16xf32>,
    tpu.vector_store %arg16[%swap3A_24], %broadcast_in_dim3A_11 {strides = array<i32>} : memref<80xf32, #tpu.memory_space<vmem>>, vector<16xf32>,
    %swap3A_26 = arith.constant 0 : i32
    %swap3A_27 = arith.index_cast %swap3A_26 : i32 to index
    %swap3A_28 = arith.constant 0 : index
    %swap3A_29 = tpu.vector_load %arg17[%swap3A_27, %swap3A_28] {strides = array<i32>} : memref<16x17xf32, #tpu.memory_space<vmem>>, vector<16xf32>,
    tpu.vector_store %arg17[%swap3A_27, %swap3A_28], %broadcast_in_dim3A_11 {strides = array<i32>} : memref<16x17xf32, #tpu.memory_space<vmem>>, vector<16xf32>,
    %swap3A_30 = arith.constant 1 : i32
    %swap3A_31 = arith.index_cast %swap3A_30 : i32 to index
    %swap3A_32 = arith.constant 0 : index
    %swap3A_33 = tpu.vector_load %arg17[%swap3A_31, %swap3A_32] {strides = array<i32>} : memref<16x17xf32, #tpu.memory_space<vmem>>, vector<16xf32>,
    tpu.vector_store %arg17[%swap3A_31, %swap3A_32], %broadcast_in_dim3A_11 {strides = array<i32>} : memref<16x17xf32, #tpu.memory_space<vmem>>, vector<16xf32>,
    %swap3A_34 = arith.constant 2 : i32
    %swap3A_35 = arith.index_cast %swap3A_34 : i32 to index
    %swap3A_36 = arith.constant 0 : index
    %swap3A_37 = tpu.vector_load %arg17[%swap3A_35, %swap3A_36] {strides = array<i32>} : memref<16x17xf32, #tpu.memory_space<vmem>>, vector<16xf32>,
    tpu.vector_store %arg17[%swap3A_35, %swap3A_36], %broadcast_in_dim3A_11 {strides = array<i32>} : memref<16x17xf32, #tpu.memory_space<vmem>>, vector<16xf32>,
    %swap3A_38 = arith.constant 3 : i32
    %swap3A_39 = arith.index_cast %swap3A_38 : i32 to index
    %swap3A_40 = arith.constant 0 : index
    %swap3A_41 = tpu.vector_load %arg17[%swap3A_39, %swap3A_40] {strides = array<i32>} : memref<16x17xf32, #tpu.memory_space<vmem>>, vector<16xf32>,
    tpu.vector_store %arg17[%swap3A_39, %swap3A_40], %broadcast_in_dim3A_11 {strides = array<i32>} : memref<16x17xf32, #tpu.memory_space<vmem>>, vector<16xf32>,
    %swap3A_42 = arith.constant 4 : i32
    %swap3A_43 = arith.index_cast %swap3A_42 : i32 to index
    %swap3A_44 = arith.constant 0 : index
    %swap3A_45 = tpu.vector_load %arg17[%swap3A_43, %swap3A_44] {strides = array<i32>} : memref<16x17xf32, #tpu.memory_space<vmem>>, vector<16xf32>,
    tpu.vector_store %arg17[%swap3A_43, %swap3A_44], %broadcast_in_dim3A_11 {strides = array<i32>} : memref<16x17xf32, #tpu.memory_space<vmem>>, vector<16xf32>,
    %swap3A_46 = arith.constant 5 : i32
    %swap3A_47 = arith.index_cast %swap3A_46 : i32 to index
    %swap3A_48 = arith.constant 0 : index
    %swap3A_49 = tpu.vector_load %arg17[%swap3A_47, %swap3A_48] {strides = array<i32>} : memref<16x17xf32, #tpu.memory_space<vmem>>, vector<16xf32>,
    tpu.vector_store %arg17[%swap3A_47, %swap3A_48], %broadcast_in_dim3A_11 {strides = array<i32>} : memref<16x17xf32, #tpu.memory_space<vmem>>, vector<16xf32>,
    %swap3A_50 = arith.constant 6 : i32
    %swap3A_51 = arith.index_cast %swap3A_50 : i32 to index
    %swap3A_52 = arith.constant 0 : index
    %swap3A_53 = tpu.vector_load %arg17[%swap3A_51, %swap3A_52] {strides = array<i32>} : memref<16x17xf32, #tpu.memory_space<vmem>>, vector<16xf32>,
    tpu.vector_store %arg17[%swap3A_51, %swap3A_52], %broadcast_in_dim3A_11 {strides = array<i32>} : memref<16x17xf32, #tpu.memory_space<vmem>>, vector<16xf32>,
    %swap3A_54 = arith.constant 7 : i32
    %swap3A_55 = arith.index_cast %swap3A_54 : i32 to index
    %swap3A_56 = arith.constant 0 : index
    %swap3A_57 = tpu.vector_load %arg17[%swap3A_55, %swap3A_56] {strides = array<i32>} : memref<16x17xf32, #tpu.memory_space<vmem>>, vector<16xf32>,
    tpu.vector_store %arg17[%swap3A_55, %swap3A_56], %broadcast_in_dim3A_11 {strides = array<i32>} : memref<16x17xf32, #tpu.memory_space<vmem>>, vector<16xf32>,
    %swap3A_58 = arith.constant 8 : i32
    %swap3A_59 = arith.index_cast %swap3A_58 : i32 to index
    %swap3A_60 = arith.constant 0 : index
    %swap3A_61 = tpu.vector_load %arg17[%swap3A_59, %swap3A_60] {strides = array<i32>} : memref<16x17xf32, #tpu.memory_space<vmem>>, vector<16xf32>,
    tpu.vector_store %arg17[%swap3A_59, %swap3A_60], %broadcast_in_dim3A_11 {strides = array<i32>} : memref<16x17xf32, #tpu.memory_space<vmem>>, vector<16xf32>,
    %swap3A_62 = arith.constant 9 : i32
    %swap3A_63 = arith.index_cast %swap3A_62 : i32 to index
    %swap3A_64 = arith.constant 0 : index
    %swap3A_65 = tpu.vector_load %arg17[%swap3A_63, %swap3A_64] {strides = array<i32>} : memref<16x17xf32, #tpu.memory_space<vmem>>, vector<16xf32>,
    tpu.vector_store %arg17[%swap3A_63, %swap3A_64], %broadcast_in_dim3A_11 {strides = array<i32>} : memref<16x17xf32, #tpu.memory_space<vmem>>, vector<16xf32>,
    %swap3A_66 = arith.constant 10 : i32
    %swap3A_67 = arith.index_cast %swap3A_66 : i32 to index
    %swap3A_68 = arith.constant 0 : index
    %swap3A_69 = tpu.vector_load %arg17[%swap3A_67, %swap3A_68] {strides = array<i32>} : memref<16x17xf32, #tpu.memory_space<vmem>>, vector<16xf32>,
    tpu.vector_store %arg17[%swap3A_67, %swap3A_68], %broadcast_in_dim3A_11 {strides = array<i32>} : memref<16x17xf32, #tpu.memory_space<vmem>>, vector<16xf32>,
    %swap3A_70 = arith.constant 11 : i32
    %swap3A_71 = arith.index_cast %swap3A_70 : i32 to index
    %swap3A_72 = arith.constant 0 : index
    %swap3A_73 = tpu.vector_load %arg17[%swap3A_71, %swap3A_72] {strides = array<i32>} : memref<16x17xf32, #tpu.memory_space<vmem>>, vector<16xf32>,
    tpu.vector_store %arg17[%swap3A_71, %swap3A_72], %broadcast_in_dim3A_11 {strides = array<i32>} : memref<16x17xf32, #tpu.memory_space<vmem>>, vector<16xf32>,
    %swap3A_74 = arith.constant 12 : i32
    %swap3A_75 = arith.index_cast %swap3A_74 : i32 to index
    %swap3A_76 = arith.constant 0 : index
    %swap3A_77 = tpu.vector_load %arg17[%swap3A_75, %swap3A_76] {strides = array<i32>} : memref<16x17xf32, #tpu.memory_space<vmem>>, vector<16xf32>,
    tpu.vector_store %arg17[%swap3A_75, %swap3A_76], %broadcast_in_dim3A_11 {strides = array<i32>} : memref<16x17xf32, #tpu.memory_space<vmem>>, vector<16xf32>,
    %swap3A_78 = arith.constant 13 : i32
    %swap3A_79 = arith.index_cast %swap3A_78 : i32 to index
    %swap3A_80 = arith.constant 0 : index
    %swap3A_81 = tpu.vector_load %arg17[%swap3A_79, %swap3A_80] {strides = array<i32>} : memref<16x17xf32, #tpu.memory_space<vmem>>, vector<16xf32>,
    tpu.vector_store %arg17[%swap3A_79, %swap3A_80], %broadcast_in_dim3A_11 {strides = array<i32>} : memref<16x17xf32, #tpu.memory_space<vmem>>, vector<16xf32>,
    %swap3A_82 = arith.constant 14 : i32
    %swap3A_83 = arith.index_cast %swap3A_82 : i32 to index
    %swap3A_84 = arith.constant 0 : index
    %swap3A_85 = tpu.vector_load %arg17[%swap3A_83, %swap3A_84] {strides = array<i32>} : memref<16x17xf32, #tpu.memory_space<vmem>>, vector<16xf32>,
    tpu.vector_store %arg17[%swap3A_83, %swap3A_84], %broadcast_in_dim3A_11 {strides = array<i32>} : memref<16x17xf32, #tpu.memory_space<vmem>>, vector<16xf32>,
    %swap3A_86 = arith.constant 15 : i32
    %swap3A_87 = arith.index_cast %swap3A_86 : i32 to index
    %swap3A_88 = arith.constant 0 : index
    %swap3A_89 = tpu.vector_load %arg17[%swap3A_87, %swap3A_88] {strides = array<i32>} : memref<16x17xf32, #tpu.memory_space<vmem>>, vector<16xf32>,
    tpu.vector_store %arg17[%swap3A_87, %swap3A_88], %broadcast_in_dim3A_11 {strides = array<i32>} : memref<16x17xf32, #tpu.memory_space<vmem>>, vector<16xf32>,
    %lt3A_90 = arith.constant 10 : i32
    %lt3A_91 = arith.cmpi slt, %arg1, %lt3A_90 : i32
    %convert_element_type3A = arith.extui %lt3A_91 : i1 to i32
    %cond3A = arith.constant 0 : i32
    %cond3A_92 = arith.cmpi ne, %convert_element_type3A, %cond3A : i32
    scf.if %cond3A_92 {
      %mul3A_113 = arith.constant 1000 : i32
      %mul3A_114 = arith.muli %arg1, %mul3A_113 : i32
      %add3A_115 = arith.constant 0 : i32
      %add3A_116 = arith.addi %mul3A_114, %add3A_115 : i32
      "tpu.region"() ({
        %run_scoped3A = tpu.sem_alloc : memref<!tpu.dma_semaphore, #tpu.memory_space<semaphore_mem>>
        %dma_start3A = arith.constant 0 : i32
        %dma_start3A_171 = arith.constant 0 : i32
        %dma_start3A_172 = tpu.memref_slice %arg15[%dma_start3A, %dma_start3A_171] : memref<80x128xf32, #tpu.memory_space<vmem>> -> memref<40x128xf32, #tpu.memory_space<vmem>>
        %dma_start3A_173 = arith.constant 0 : i32
        %dma_start3A_174 = tpu.memref_slice %arg20[%add3A_116, %dma_start3A_173] : memref<10000x128xf32, #tpu.memory_space<vmem_shared>> -> memref<40x128xf32, #tpu.memory_space<vmem_shared>>
        %dma_start3A_175 = arith.constant 0 : i32
        %dma_start3A_176 = tpu.memref_slice %arg20[%add3A_116, %dma_start3A_175] : memref<10000x128xf32, #tpu.memory_space<vmem_shared>> -> memref<40x128xf32, #tpu.memory_space<vmem_shared>>
        %dma_start3A_177 = arith.constant 0 : i32
        %dma_start3A_178 = arith.constant 0 : i32
        %dma_start3A_179 = tpu.memref_slice %arg15[%dma_start3A_177, %dma_start3A_178] : memref<80x128xf32, #tpu.memory_space<vmem>> -> memref<40x128xf32, #tpu.memory_space<vmem>>
        tpu.enqueue_dma source(%dma_start3A_179 : memref<40x128xf32, #tpu.memory_space<vmem>>) target(%dma_start3A_176 : memref<40x128xf32, #tpu.memory_space<vmem_shared>>) target_semaphore(%run_scoped3A : memref<!tpu.dma_semaphore, #tpu.memory_space<semaphore_mem>>)
        %dma_wait3A = arith.constant 0 : i32
        %dma_wait3A_180 = arith.constant 0 : i32
        %dma_wait3A_181 = tpu.memref_slice %arg15[%dma_wait3A, %dma_wait3A_180] : memref<80x128xf32, #tpu.memory_space<vmem>> -> memref<40x128xf32, #tpu.memory_space<vmem>>
        %dma_wait3A_182 = arith.constant 0 : i32
        %dma_wait3A_183 = tpu.memref_slice %arg20[%add3A_116, %dma_wait3A_182] : memref<10000x128xf32, #tpu.memory_space<vmem_shared>> -> memref<40x128xf32, #tpu.memory_space<vmem_shared>>
        %dma_wait3A_184 = arith.constant 0 : i32
        %dma_wait3A_185 = tpu.memref_slice %arg20[%add3A_116, %dma_wait3A_184] : memref<10000x128xf32, #tpu.memory_space<vmem_shared>> -> memref<40x128xf32, #tpu.memory_space<vmem_shared>>
        %dma_wait3A_186 = arith.constant 0 : i32
        %dma_wait3A_187 = arith.constant 0 : i32
        %dma_wait3A_188 = tpu.memref_slice %arg15[%dma_wait3A_186, %dma_wait3A_187] : memref<80x128xf32, #tpu.memory_space<vmem>> -> memref<40x128xf32, #tpu.memory_space<vmem>>
        tpu.wait_dma2 semaphore(%run_scoped3A : memref<!tpu.dma_semaphore, #tpu.memory_space<semaphore_mem>>) src(%dma_wait3A_188 : memref<40x128xf32, #tpu.memory_space<vmem>>) dst(%dma_wait3A_185 : memref<40x128xf32, #tpu.memory_space<vmem_shared>>)
        tpu.yield
      }) : () -> ()
      %add3A_117 = arith.constant 40 : i32
      %add3A_118 = arith.addi %mul3A_114, %add3A_117 : i32
      "tpu.region"() ({
        %run_scoped3A = tpu.sem_alloc : memref<!tpu.dma_semaphore, #tpu.memory_space<semaphore_mem>>
        %dma_start3A = arith.constant 0 : i32
        %dma_start3A_171 = arith.constant 0 : i32
        %dma_start3A_172 = tpu.memref_slice %arg15[%dma_start3A, %dma_start3A_171] : memref<80x128xf32, #tpu.memory_space<vmem>> -> memref<40x128xf32, #tpu.memory_space<vmem>>
        %dma_start3A_173 = arith.constant 0 : i32
        %dma_start3A_174 = tpu.memref_slice %arg20[%add3A_118, %dma_start3A_173] : memref<10000x128xf32, #tpu.memory_space<vmem_shared>> -> memref<40x128xf32, #tpu.memory_space<vmem_shared>>
        %dma_start3A_175 = arith.constant 0 : i32
        %dma_start3A_176 = tpu.memref_slice %arg20[%add3A_118, %dma_start3A_175] : memref<10000x128xf32, #tpu.memory_space<vmem_shared>> -> memref<40x128xf32, #tpu.memory_space<vmem_shared>>
        %dma_start3A_177 = arith.constant 0 : i32
        %dma_start3A_178 = arith.constant 0 : i32
        %dma_start3A_179 = tpu.memref_slice %arg15[%dma_start3A_177, %dma_start3A_178] : memref<80x128xf32, #tpu.memory_space<vmem>> -> memref<40x128xf32, #tpu.memory_space<vmem>>
        tpu.enqueue_dma source(%dma_start3A_179 : memref<40x128xf32, #tpu.memory_space<vmem>>) target(%dma_start3A_176 : memref<40x128xf32, #tpu.memory_space<vmem_shared>>) target_semaphore(%run_scoped3A : memref<!tpu.dma_semaphore, #tpu.memory_space<semaphore_mem>>)
        %dma_wait3A = arith.constant 0 : i32
        %dma_wait3A_180 = arith.constant 0 : i32
        %dma_wait3A_181 = tpu.memref_slice %arg15[%dma_wait3A, %dma_wait3A_180] : memref<80x128xf32, #tpu.memory_space<vmem>> -> memref<40x128xf32, #tpu.memory_space<vmem>>
        %dma_wait3A_182 = arith.constant 0 : i32
        %dma_wait3A_183 = tpu.memref_slice %arg20[%add3A_118, %dma_wait3A_182] : memref<10000x128xf32, #tpu.memory_space<vmem_shared>> -> memref<40x128xf32, #tpu.memory_space<vmem_shared>>
        %dma_wait3A_184 = arith.constant 0 : i32
        %dma_wait3A_185 = tpu.memref_slice %arg20[%add3A_118, %dma_wait3A_184] : memref<10000x128xf32, #tpu.memory_space<vmem_shared>> -> memref<40x128xf32, #tpu.memory_space<vmem_shared>>
        %dma_wait3A_186 = arith.constant 0 : i32
        %dma_wait3A_187 = arith.constant 0 : i32
        %dma_wait3A_188 = tpu.memref_slice %arg15[%dma_wait3A_186, %dma_wait3A_187] : memref<80x128xf32, #tpu.memory_space<vmem>> -> memref<40x128xf32, #tpu.memory_space<vmem>>
        tpu.wait_dma2 semaphore(%run_scoped3A : memref<!tpu.dma_semaphore, #tpu.memory_space<semaphore_mem>>) src(%dma_wait3A_188 : memref<40x128xf32, #tpu.memory_space<vmem>>) dst(%dma_wait3A_185 : memref<40x128xf32, #tpu.memory_space<vmem_shared>>)
        tpu.yield
      }) : () -> ()
      %add3A_119 = arith.constant 80 : i32
      %add3A_120 = arith.addi %mul3A_114, %add3A_119 : i32
      "tpu.region"() ({
        %run_scoped3A = tpu.sem_alloc : memref<!tpu.dma_semaphore, #tpu.memory_space<semaphore_mem>>
        %dma_start3A = arith.constant 0 : i32
        %dma_start3A_171 = arith.constant 0 : i32
        %dma_start3A_172 = tpu.memref_slice %arg15[%dma_start3A, %dma_start3A_171] : memref<80x128xf32, #tpu.memory_space<vmem>> -> memref<40x128xf32, #tpu.memory_space<vmem>>
        %dma_start3A_173 = arith.constant 0 : i32
        %dma_start3A_174 = tpu.memref_slice %arg20[%add3A_120, %dma_start3A_173] : memref<10000x128xf32, #tpu.memory_space<vmem_shared>> -> memref<40x128xf32, #tpu.memory_space<vmem_shared>>
        %dma_start3A_175 = arith.constant 0 : i32
        %dma_start3A_176 = tpu.memref_slice %arg20[%add3A_120, %dma_start3A_175] : memref<10000x128xf32, #tpu.memory_space<vmem_shared>> -> memref<40x128xf32, #tpu.memory_space<vmem_shared>>
        %dma_start3A_177 = arith.constant 0 : i32
        %dma_start3A_178 = arith.constant 0 : i32
        %dma_start3A_179 = tpu.memref_slice %arg15[%dma_start3A_177, %dma_start3A_178] : memref<80x128xf32, #tpu.memory_space<vmem>> -> memref<40x128xf32, #tpu.memory_space<vmem>>
        tpu.enqueue_dma source(%dma_start3A_179 : memref<40x128xf32, #tpu.memory_space<vmem>>) target(%dma_start3A_176 : memref<40x128xf32, #tpu.memory_space<vmem_shared>>) target_semaphore(%run_scoped3A : memref<!tpu.dma_semaphore, #tpu.memory_space<semaphore_mem>>)
        %dma_wait3A = arith.constant 0 : i32
        %dma_wait3A_180 = arith.constant 0 : i32
        %dma_wait3A_181 = tpu.memref_slice %arg15[%dma_wait3A, %dma_wait3A_180] : memref<80x128xf32, #tpu.memory_space<vmem>> -> memref<40x128xf32, #tpu.memory_space<vmem>>
        %dma_wait3A_182 = arith.constant 0 : i32
        %dma_wait3A_183 = tpu.memref_slice %arg20[%add3A_120, %dma_wait3A_182] : memref<10000x128xf32, #tpu.memory_space<vmem_shared>> -> memref<40x128xf32, #tpu.memory_space<vmem_shared>>
        %dma_wait3A_184 = arith.constant 0 : i32
        %dma_wait3A_185 = tpu.memref_slice %arg20[%add3A_120, %dma_wait3A_184] : memref<10000x128xf32, #tpu.memory_space<vmem_shared>> -> memref<40x128xf32, #tpu.memory_space<vmem_shared>>
        %dma_wait3A_186 = arith.constant 0 : i32
        %dma_wait3A_187 = arith.constant 0 : i32
        %dma_wait3A_188 = tpu.memref_slice %arg15[%dma_wait3A_186, %dma_wait3A_187] : memref<80x128xf32, #tpu.memory_space<vmem>> -> memref<40x128xf32, #tpu.memory_space<vmem>>
        tpu.wait_dma2 semaphore(%run_scoped3A : memref<!tpu.dma_semaphore, #tpu.memory_space<semaphore_mem>>) src(%dma_wait3A_188 : memref<40x128xf32, #tpu.memory_space<vmem>>) dst(%dma_wait3A_185 : memref<40x128xf32, #tpu.memory_space<vmem_shared>>)
        tpu.yield
      }) : () -> ()
      %add3A_121 = arith.constant 120 : i32
      %add3A_122 = arith.addi %mul3A_114, %add3A_121 : i32
      "tpu.region"() ({
        %run_scoped3A = tpu.sem_alloc : memref<!tpu.dma_semaphore, #tpu.memory_space<semaphore_mem>>
        %dma_start3A = arith.constant 0 : i32
        %dma_start3A_171 = arith.constant 0 : i32
        %dma_start3A_172 = tpu.memref_slice %arg15[%dma_start3A, %dma_start3A_171] : memref<80x128xf32, #tpu.memory_space<vmem>> -> memref<40x128xf32, #tpu.memory_space<vmem>>
        %dma_start3A_173 = arith.constant 0 : i32
        %dma_start3A_174 = tpu.memref_slice %arg20[%add3A_122, %dma_start3A_173] : memref<10000x128xf32, #tpu.memory_space<vmem_shared>> -> memref<40x128xf32, #tpu.memory_space<vmem_shared>>
        %dma_start3A_175 = arith.constant 0 : i32
        %dma_start3A_176 = tpu.memref_slice %arg20[%add3A_122, %dma_start3A_175] : memref<10000x128xf32, #tpu.memory_space<vmem_shared>> -> memref<40x128xf32, #tpu.memory_space<vmem_shared>>
        %dma_start3A_177 = arith.constant 0 : i32
        %dma_start3A_178 = arith.constant 0 : i32
        %dma_start3A_179 = tpu.memref_slice %arg15[%dma_start3A_177, %dma_start3A_178] : memref<80x128xf32, #tpu.memory_space<vmem>> -> memref<40x128xf32, #tpu.memory_space<vmem>>
        tpu.enqueue_dma source(%dma_start3A_179 : memref<40x128xf32, #tpu.memory_space<vmem>>) target(%dma_start3A_176 : memref<40x128xf32, #tpu.memory_space<vmem_shared>>) target_semaphore(%run_scoped3A : memref<!tpu.dma_semaphore, #tpu.memory_space<semaphore_mem>>)
        %dma_wait3A = arith.constant 0 : i32
        %dma_wait3A_180 = arith.constant 0 : i32
        %dma_wait3A_181 = tpu.memref_slice %arg15[%dma_wait3A, %dma_wait3A_180] : memref<80x128xf32, #tpu.memory_space<vmem>> -> memref<40x128xf32, #tpu.memory_space<vmem>>
        %dma_wait3A_182 = arith.constant 0 : i32
        %dma_wait3A_183 = tpu.memref_slice %arg20[%add3A_122, %dma_wait3A_182] : memref<10000x128xf32, #tpu.memory_space<vmem_shared>> -> memref<40x128xf32, #tpu.memory_space<vmem_shared>>
        %dma_wait3A_184 = arith.constant 0 : i32
        %dma_wait3A_185 = tpu.memref_slice %arg20[%add3A_122, %dma_wait3A_184] : memref<10000x128xf32, #tpu.memory_space<vmem_shared>> -> memref<40x128xf32, #tpu.memory_space<vmem_shared>>
        %dma_wait3A_186 = arith.constant 0 : i32
        %dma_wait3A_187 = arith.constant 0 : i32
        %dma_wait3A_188 = tpu.memref_slice %arg15[%dma_wait3A_186, %dma_wait3A_187] : memref<80x128xf32, #tpu.memory_space<vmem>> -> memref<40x128xf32, #tpu.memory_space<vmem>>
        tpu.wait_dma2 semaphore(%run_scoped3A : memref<!tpu.dma_semaphore, #tpu.memory_space<semaphore_mem>>) src(%dma_wait3A_188 : memref<40x128xf32, #tpu.memory_space<vmem>>) dst(%dma_wait3A_185 : memref<40x128xf32, #tpu.memory_space<vmem_shared>>)
        tpu.yield
      }) : () -> ()
      %add3A_123 = arith.constant 160 : i32
      %add3A_124 = arith.addi %mul3A_114, %add3A_123 : i32
      "tpu.region"() ({
        %run_scoped3A = tpu.sem_alloc : memref<!tpu.dma_semaphore, #tpu.memory_space<semaphore_mem>>
        %dma_start3A = arith.constant 0 : i32
        %dma_start3A_171 = arith.constant 0 : i32
        %dma_start3A_172 = tpu.memref_slice %arg15[%dma_start3A, %dma_start3A_171] : memref<80x128xf32, #tpu.memory_space<vmem>> -> memref<40x128xf32, #tpu.memory_space<vmem>>
        %dma_start3A_173 = arith.constant 0 : i32
        %dma_start3A_174 = tpu.memref_slice %arg20[%add3A_124, %dma_start3A_173] : memref<10000x128xf32, #tpu.memory_space<vmem_shared>> -> memref<40x128xf32, #tpu.memory_space<vmem_shared>>
        %dma_start3A_175 = arith.constant 0 : i32
        %dma_start3A_176 = tpu.memref_slice %arg20[%add3A_124, %dma_start3A_175] : memref<10000x128xf32, #tpu.memory_space<vmem_shared>> -> memref<40x128xf32, #tpu.memory_space<vmem_shared>>
        %dma_start3A_177 = arith.constant 0 : i32
        %dma_start3A_178 = arith.constant 0 : i32
        %dma_start3A_179 = tpu.memref_slice %arg15[%dma_start3A_177, %dma_start3A_178] : memref<80x128xf32, #tpu.memory_space<vmem>> -> memref<40x128xf32, #tpu.memory_space<vmem>>
        tpu.enqueue_dma source(%dma_start3A_179 : memref<40x128xf32, #tpu.memory_space<vmem>>) target(%dma_start3A_176 : memref<40x128xf32, #tpu.memory_space<vmem_shared>>) target_semaphore(%run_scoped3A : memref<!tpu.dma_semaphore, #tpu.memory_space<semaphore_mem>>)
        %dma_wait3A = arith.constant 0 : i32
        %dma_wait3A_180 = arith.constant 0 : i32
        %dma_wait3A_181 = tpu.memref_slice %arg15[%dma_wait3A, %dma_wait3A_180] : memref<80x128xf32, #tpu.memory_space<vmem>> -> memref<40x128xf32, #tpu.memory_space<vmem>>
        %dma_wait3A_182 = arith.constant 0 : i32
        %dma_wait3A_183 = tpu.memref_slice %arg20[%add3A_124, %dma_wait3A_182] : memref<10000x128xf32, #tpu.memory_space<vmem_shared>> -> memref<40x128xf32, #tpu.memory_space<vmem_shared>>
        %dma_wait3A_184 = arith.constant 0 : i32
        %dma_wait3A_185 = tpu.memref_slice %arg20[%add3A_124, %dma_wait3A_184] : memref<10000x128xf32, #tpu.memory_space<vmem_shared>> -> memref<40x128xf32, #tpu.memory_space<vmem_shared>>
        %dma_wait3A_186 = arith.constant 0 : i32
        %dma_wait3A_187 = arith.constant 0 : i32
        %dma_wait3A_188 = tpu.memref_slice %arg15[%dma_wait3A_186, %dma_wait3A_187] : memref<80x128xf32, #tpu.memory_space<vmem>> -> memref<40x128xf32, #tpu.memory_space<vmem>>
        tpu.wait_dma2 semaphore(%run_scoped3A : memref<!tpu.dma_semaphore, #tpu.memory_space<semaphore_mem>>) src(%dma_wait3A_188 : memref<40x128xf32, #tpu.memory_space<vmem>>) dst(%dma_wait3A_185 : memref<40x128xf32, #tpu.memory_space<vmem_shared>>)
        tpu.yield
      }) : () -> ()
      %add3A_125 = arith.constant 200 : i32
      %add3A_126 = arith.addi %mul3A_114, %add3A_125 : i32
      "tpu.region"() ({
        %run_scoped3A = tpu.sem_alloc : memref<!tpu.dma_semaphore, #tpu.memory_space<semaphore_mem>>
        %dma_start3A = arith.constant 0 : i32
        %dma_start3A_171 = arith.constant 0 : i32
        %dma_start3A_172 = tpu.memref_slice %arg15[%dma_start3A, %dma_start3A_171] : memref<80x128xf32, #tpu.memory_space<vmem>> -> memref<40x128xf32, #tpu.memory_space<vmem>>
        %dma_start3A_173 = arith.constant 0 : i32
        %dma_start3A_174 = tpu.memref_slice %arg20[%add3A_126, %dma_start3A_173] : memref<10000x128xf32, #tpu.memory_space<vmem_shared>> -> memref<40x128xf32, #tpu.memory_space<vmem_shared>>
        %dma_start3A_175 = arith.constant 0 : i32
        %dma_start3A_176 = tpu.memref_slice %arg20[%add3A_126, %dma_start3A_175] : memref<10000x128xf32, #tpu.memory_space<vmem_shared>> -> memref<40x128xf32, #tpu.memory_space<vmem_shared>>
        %dma_start3A_177 = arith.constant 0 : i32
        %dma_start3A_178 = arith.constant 0 : i32
        %dma_start3A_179 = tpu.memref_slice %arg15[%dma_start3A_177, %dma_start3A_178] : memref<80x128xf32, #tpu.memory_space<vmem>> -> memref<40x128xf32, #tpu.memory_space<vmem>>
        tpu.enqueue_dma source(%dma_start3A_179 : memref<40x128xf32, #tpu.memory_space<vmem>>) target(%dma_start3A_176 : memref<40x128xf32, #tpu.memory_space<vmem_shared>>) target_semaphore(%run_scoped3A : memref<!tpu.dma_semaphore, #tpu.memory_space<semaphore_mem>>)
        %dma_wait3A = arith.constant 0 : i32
        %dma_wait3A_180 = arith.constant 0 : i32
        %dma_wait3A_181 = tpu.memref_slice %arg15[%dma_wait3A, %dma_wait3A_180] : memref<80x128xf32, #tpu.memory_space<vmem>> -> memref<40x128xf32, #tpu.memory_space<vmem>>
        %dma_wait3A_182 = arith.constant 0 : i32
        %dma_wait3A_183 = tpu.memref_slice %arg20[%add3A_126, %dma_wait3A_182] : memref<10000x128xf32, #tpu.memory_space<vmem_shared>> -> memref<40x128xf32, #tpu.memory_space<vmem_shared>>
        %dma_wait3A_184 = arith.constant 0 : i32
        %dma_wait3A_185 = tpu.memref_slice %arg20[%add3A_126, %dma_wait3A_184] : memref<10000x128xf32, #tpu.memory_space<vmem_shared>> -> memref<40x128xf32, #tpu.memory_space<vmem_shared>>
        %dma_wait3A_186 = arith.constant 0 : i32
        %dma_wait3A_187 = arith.constant 0 : i32
        %dma_wait3A_188 = tpu.memref_slice %arg15[%dma_wait3A_186, %dma_wait3A_187] : memref<80x128xf32, #tpu.memory_space<vmem>> -> memref<40x128xf32, #tpu.memory_space<vmem>>
        tpu.wait_dma2 semaphore(%run_scoped3A : memref<!tpu.dma_semaphore, #tpu.memory_space<semaphore_mem>>) src(%dma_wait3A_188 : memref<40x128xf32, #tpu.memory_space<vmem>>) dst(%dma_wait3A_185 : memref<40x128xf32, #tpu.memory_space<vmem_shared>>)
        tpu.yield
      }) : () -> ()
      %add3A_127 = arith.constant 240 : i32
      %add3A_128 = arith.addi %mul3A_114, %add3A_127 : i32
      "tpu.region"() ({
        %run_scoped3A = tpu.sem_alloc : memref<!tpu.dma_semaphore, #tpu.memory_space<semaphore_mem>>
        %dma_start3A = arith.constant 0 : i32
        %dma_start3A_171 = arith.constant 0 : i32
        %dma_start3A_172 = tpu.memref_slice %arg15[%dma_start3A, %dma_start3A_171] : memref<80x128xf32, #tpu.memory_space<vmem>> -> memref<40x128xf32, #tpu.memory_space<vmem>>
        %dma_start3A_173 = arith.constant 0 : i32
        %dma_start3A_174 = tpu.memref_slice %arg20[%add3A_128, %dma_start3A_173] : memref<10000x128xf32, #tpu.memory_space<vmem_shared>> -> memref<40x128xf32, #tpu.memory_space<vmem_shared>>
        %dma_start3A_175 = arith.constant 0 : i32
        %dma_start3A_176 = tpu.memref_slice %arg20[%add3A_128, %dma_start3A_175] : memref<10000x128xf32, #tpu.memory_space<vmem_shared>> -> memref<40x128xf32, #tpu.memory_space<vmem_shared>>
        %dma_start3A_177 = arith.constant 0 : i32
        %dma_start3A_178 = arith.constant 0 : i32
        %dma_start3A_179 = tpu.memref_slice %arg15[%dma_start3A_177, %dma_start3A_178] : memref<80x128xf32, #tpu.memory_space<vmem>> -> memref<40x128xf32, #tpu.memory_space<vmem>>
        tpu.enqueue_dma source(%dma_start3A_179 : memref<40x128xf32, #tpu.memory_space<vmem>>) target(%dma_start3A_176 : memref<40x128xf32, #tpu.memory_space<vmem_shared>>) target_semaphore(%run_scoped3A : memref<!tpu.dma_semaphore, #tpu.memory_space<semaphore_mem>>)
        %dma_wait3A = arith.constant 0 : i32
        %dma_wait3A_180 = arith.constant 0 : i32
        %dma_wait3A_181 = tpu.memref_slice %arg15[%dma_wait3A, %dma_wait3A_180] : memref<80x128xf32, #tpu.memory_space<vmem>> -> memref<40x128xf32, #tpu.memory_space<vmem>>
        %dma_wait3A_182 = arith.constant 0 : i32
        %dma_wait3A_183 = tpu.memref_slice %arg20[%add3A_128, %dma_wait3A_182] : memref<10000x128xf32, #tpu.memory_space<vmem_shared>> -> memref<40x128xf32, #tpu.memory_space<vmem_shared>>
        %dma_wait3A_184 = arith.constant 0 : i32
        %dma_wait3A_185 = tpu.memref_slice %arg20[%add3A_128, %dma_wait3A_184] : memref<10000x128xf32, #tpu.memory_space<vmem_shared>> -> memref<40x128xf32, #tpu.memory_space<vmem_shared>>
        %dma_wait3A_186 = arith.constant 0 : i32
        %dma_wait3A_187 = arith.constant 0 : i32
        %dma_wait3A_188 = tpu.memref_slice %arg15[%dma_wait3A_186, %dma_wait3A_187] : memref<80x128xf32, #tpu.memory_space<vmem>> -> memref<40x128xf32, #tpu.memory_space<vmem>>
        tpu.wait_dma2 semaphore(%run_scoped3A : memref<!tpu.dma_semaphore, #tpu.memory_space<semaphore_mem>>) src(%dma_wait3A_188 : memref<40x128xf32, #tpu.memory_space<vmem>>) dst(%dma_wait3A_185 : memref<40x128xf32, #tpu.memory_space<vmem_shared>>)
        tpu.yield
      }) : () -> ()
      %add3A_129 = arith.constant 280 : i32
      %add3A_130 = arith.addi %mul3A_114, %add3A_129 : i32
      "tpu.region"() ({
        %run_scoped3A = tpu.sem_alloc : memref<!tpu.dma_semaphore, #tpu.memory_space<semaphore_mem>>
        %dma_start3A = arith.constant 0 : i32
        %dma_start3A_171 = arith.constant 0 : i32
        %dma_start3A_172 = tpu.memref_slice %arg15[%dma_start3A, %dma_start3A_171] : memref<80x128xf32, #tpu.memory_space<vmem>> -> memref<40x128xf32, #tpu.memory_space<vmem>>
        %dma_start3A_173 = arith.constant 0 : i32
        %dma_start3A_174 = tpu.memref_slice %arg20[%add3A_130, %dma_start3A_173] : memref<10000x128xf32, #tpu.memory_space<vmem_shared>> -> memref<40x128xf32, #tpu.memory_space<vmem_shared>>
        %dma_start3A_175 = arith.constant 0 : i32
        %dma_start3A_176 = tpu.memref_slice %arg20[%add3A_130, %dma_start3A_175] : memref<10000x128xf32, #tpu.memory_space<vmem_shared>> -> memref<40x128xf32, #tpu.memory_space<vmem_shared>>
        %dma_start3A_177 = arith.constant 0 : i32
        %dma_start3A_178 = arith.constant 0 : i32
        %dma_start3A_179 = tpu.memref_slice %arg15[%dma_start3A_177, %dma_start3A_178] : memref<80x128xf32, #tpu.memory_space<vmem>> -> memref<40x128xf32, #tpu.memory_space<vmem>>
        tpu.enqueue_dma source(%dma_start3A_179 : memref<40x128xf32, #tpu.memory_space<vmem>>) target(%dma_start3A_176 : memref<40x128xf32, #tpu.memory_space<vmem_shared>>) target_semaphore(%run_scoped3A : memref<!tpu.dma_semaphore, #tpu.memory_space<semaphore_mem>>)
        %dma_wait3A = arith.constant 0 : i32
        %dma_wait3A_180 = arith.constant 0 : i32
        %dma_wait3A_181 = tpu.memref_slice %arg15[%dma_wait3A, %dma_wait3A_180] : memref<80x128xf32, #tpu.memory_space<vmem>> -> memref<40x128xf32, #tpu.memory_space<vmem>>
        %dma_wait3A_182 = arith.constant 0 : i32
        %dma_wait3A_183 = tpu.memref_slice %arg20[%add3A_130, %dma_wait3A_182] : memref<10000x128xf32, #tpu.memory_space<vmem_shared>> -> memref<40x128xf32, #tpu.memory_space<vmem_shared>>
        %dma_wait3A_184 = arith.constant 0 : i32
        %dma_wait3A_185 = tpu.memref_slice %arg20[%add3A_130, %dma_wait3A_184] : memref<10000x128xf32, #tpu.memory_space<vmem_shared>> -> memref<40x128xf32, #tpu.memory_space<vmem_shared>>
        %dma_wait3A_186 = arith.constant 0 : i32
        %dma_wait3A_187 = arith.constant 0 : i32
        %dma_wait3A_188 = tpu.memref_slice %arg15[%dma_wait3A_186, %dma_wait3A_187] : memref<80x128xf32, #tpu.memory_space<vmem>> -> memref<40x128xf32, #tpu.memory_space<vmem>>
        tpu.wait_dma2 semaphore(%run_scoped3A : memref<!tpu.dma_semaphore, #tpu.memory_space<semaphore_mem>>) src(%dma_wait3A_188 : memref<40x128xf32, #tpu.memory_space<vmem>>) dst(%dma_wait3A_185 : memref<40x128xf32, #tpu.memory_space<vmem_shared>>)
        tpu.yield
      }) : () -> ()
      %add3A_131 = arith.constant 320 : i32
      %add3A_132 = arith.addi %mul3A_114, %add3A_131 : i32
      "tpu.region"() ({
        %run_scoped3A = tpu.sem_alloc : memref<!tpu.dma_semaphore, #tpu.memory_space<semaphore_mem>>
        %dma_start3A = arith.constant 0 : i32
        %dma_start3A_171 = arith.constant 0 : i32
        %dma_start3A_172 = tpu.memref_slice %arg15[%dma_start3A, %dma_start3A_171] : memref<80x128xf32, #tpu.memory_space<vmem>> -> memref<40x128xf32, #tpu.memory_space<vmem>>
        %dma_start3A_173 = arith.constant 0 : i32
        %dma_start3A_174 = tpu.memref_slice %arg20[%add3A_132, %dma_start3A_173] : memref<10000x128xf32, #tpu.memory_space<vmem_shared>> -> memref<40x128xf32, #tpu.memory_space<vmem_shared>>
        %dma_start3A_175 = arith.constant 0 : i32
        %dma_start3A_176 = tpu.memref_slice %arg20[%add3A_132, %dma_start3A_175] : memref<10000x128xf32, #tpu.memory_space<vmem_shared>> -> memref<40x128xf32, #tpu.memory_space<vmem_shared>>
        %dma_start3A_177 = arith.constant 0 : i32
        %dma_start3A_178 = arith.constant 0 : i32
        %dma_start3A_179 = tpu.memref_slice %arg15[%dma_start3A_177, %dma_start3A_178] : memref<80x128xf32, #tpu.memory_space<vmem>> -> memref<40x128xf32, #tpu.memory_space<vmem>>
        tpu.enqueue_dma source(%dma_start3A_179 : memref<40x128xf32, #tpu.memory_space<vmem>>) target(%dma_start3A_176 : memref<40x128xf32, #tpu.memory_space<vmem_shared>>) target_semaphore(%run_scoped3A : memref<!tpu.dma_semaphore, #tpu.memory_space<semaphore_mem>>)
        %dma_wait3A = arith.constant 0 : i32
        %dma_wait3A_180 = arith.constant 0 : i32
        %dma_wait3A_181 = tpu.memref_slice %arg15[%dma_wait3A, %dma_wait3A_180] : memref<80x128xf32, #tpu.memory_space<vmem>> -> memref<40x128xf32, #tpu.memory_space<vmem>>
        %dma_wait3A_182 = arith.constant 0 : i32
        %dma_wait3A_183 = tpu.memref_slice %arg20[%add3A_132, %dma_wait3A_182] : memref<10000x128xf32, #tpu.memory_space<vmem_shared>> -> memref<40x128xf32, #tpu.memory_space<vmem_shared>>
        %dma_wait3A_184 = arith.constant 0 : i32
        %dma_wait3A_185 = tpu.memref_slice %arg20[%add3A_132, %dma_wait3A_184] : memref<10000x128xf32, #tpu.memory_space<vmem_shared>> -> memref<40x128xf32, #tpu.memory_space<vmem_shared>>
        %dma_wait3A_186 = arith.constant 0 : i32
        %dma_wait3A_187 = arith.constant 0 : i32
        %dma_wait3A_188 = tpu.memref_slice %arg15[%dma_wait3A_186, %dma_wait3A_187] : memref<80x128xf32, #tpu.memory_space<vmem>> -> memref<40x128xf32, #tpu.memory_space<vmem>>
        tpu.wait_dma2 semaphore(%run_scoped3A : memref<!tpu.dma_semaphore, #tpu.memory_space<semaphore_mem>>) src(%dma_wait3A_188 : memref<40x128xf32, #tpu.memory_space<vmem>>) dst(%dma_wait3A_185 : memref<40x128xf32, #tpu.memory_space<vmem_shared>>)
        tpu.yield
      }) : () -> ()
      %add3A_133 = arith.constant 360 : i32
      %add3A_134 = arith.addi %mul3A_114, %add3A_133 : i32
      "tpu.region"() ({
        %run_scoped3A = tpu.sem_alloc : memref<!tpu.dma_semaphore, #tpu.memory_space<semaphore_mem>>
        %dma_start3A = arith.constant 0 : i32
        %dma_start3A_171 = arith.constant 0 : i32
        %dma_start3A_172 = tpu.memref_slice %arg15[%dma_start3A, %dma_start3A_171] : memref<80x128xf32, #tpu.memory_space<vmem>> -> memref<40x128xf32, #tpu.memory_space<vmem>>
        %dma_start3A_173 = arith.constant 0 : i32
        %dma_start3A_174 = tpu.memref_slice %arg20[%add3A_134, %dma_start3A_173] : memref<10000x128xf32, #tpu.memory_space<vmem_shared>> -> memref<40x128xf32, #tpu.memory_space<vmem_shared>>
        %dma_start3A_175 = arith.constant 0 : i32
        %dma_start3A_176 = tpu.memref_slice %arg20[%add3A_134, %dma_start3A_175] : memref<10000x128xf32, #tpu.memory_space<vmem_shared>> -> memref<40x128xf32, #tpu.memory_space<vmem_shared>>
        %dma_start3A_177 = arith.constant 0 : i32
        %dma_start3A_178 = arith.constant 0 : i32
        %dma_start3A_179 = tpu.memref_slice %arg15[%dma_start3A_177, %dma_start3A_178] : memref<80x128xf32, #tpu.memory_space<vmem>> -> memref<40x128xf32, #tpu.memory_space<vmem>>
        tpu.enqueue_dma source(%dma_start3A_179 : memref<40x128xf32, #tpu.memory_space<vmem>>) target(%dma_start3A_176 : memref<40x128xf32, #tpu.memory_space<vmem_shared>>) target_semaphore(%run_scoped3A : memref<!tpu.dma_semaphore, #tpu.memory_space<semaphore_mem>>)
        %dma_wait3A = arith.constant 0 : i32
        %dma_wait3A_180 = arith.constant 0 : i32
        %dma_wait3A_181 = tpu.memref_slice %arg15[%dma_wait3A, %dma_wait3A_180] : memref<80x128xf32, #tpu.memory_space<vmem>> -> memref<40x128xf32, #tpu.memory_space<vmem>>
        %dma_wait3A_182 = arith.constant 0 : i32
        %dma_wait3A_183 = tpu.memref_slice %arg20[%add3A_134, %dma_wait3A_182] : memref<10000x128xf32, #tpu.memory_space<vmem_shared>> -> memref<40x128xf32, #tpu.memory_space<vmem_shared>>
        %dma_wait3A_184 = arith.constant 0 : i32
        %dma_wait3A_185 = tpu.memref_slice %arg20[%add3A_134, %dma_wait3A_184] : memref<10000x128xf32, #tpu.memory_space<vmem_shared>> -> memref<40x128xf32, #tpu.memory_space<vmem_shared>>
        %dma_wait3A_186 = arith.constant 0 : i32
        %dma_wait3A_187 = arith.constant 0 : i32
        %dma_wait3A_188 = tpu.memref_slice %arg15[%dma_wait3A_186, %dma_wait3A_187] : memref<80x128xf32, #tpu.memory_space<vmem>> -> memref<40x128xf32, #tpu.memory_space<vmem>>
        tpu.wait_dma2 semaphore(%run_scoped3A : memref<!tpu.dma_semaphore, #tpu.memory_space<semaphore_mem>>) src(%dma_wait3A_188 : memref<40x128xf32, #tpu.memory_space<vmem>>) dst(%dma_wait3A_185 : memref<40x128xf32, #tpu.memory_space<vmem_shared>>)
        tpu.yield
      }) : () -> ()
      %add3A_135 = arith.constant 400 : i32
      %add3A_136 = arith.addi %mul3A_114, %add3A_135 : i32
      "tpu.region"() ({
        %run_scoped3A = tpu.sem_alloc : memref<!tpu.dma_semaphore, #tpu.memory_space<semaphore_mem>>
        %dma_start3A = arith.constant 0 : i32
        %dma_start3A_171 = arith.constant 0 : i32
        %dma_start3A_172 = tpu.memref_slice %arg15[%dma_start3A, %dma_start3A_171] : memref<80x128xf32, #tpu.memory_space<vmem>> -> memref<40x128xf32, #tpu.memory_space<vmem>>
        %dma_start3A_173 = arith.constant 0 : i32
        %dma_start3A_174 = tpu.memref_slice %arg20[%add3A_136, %dma_start3A_173] : memref<10000x128xf32, #tpu.memory_space<vmem_shared>> -> memref<40x128xf32, #tpu.memory_space<vmem_shared>>
        %dma_start3A_175 = arith.constant 0 : i32
        %dma_start3A_176 = tpu.memref_slice %arg20[%add3A_136, %dma_start3A_175] : memref<10000x128xf32, #tpu.memory_space<vmem_shared>> -> memref<40x128xf32, #tpu.memory_space<vmem_shared>>
        %dma_start3A_177 = arith.constant 0 : i32
        %dma_start3A_178 = arith.constant 0 : i32
        %dma_start3A_179 = tpu.memref_slice %arg15[%dma_start3A_177, %dma_start3A_178] : memref<80x128xf32, #tpu.memory_space<vmem>> -> memref<40x128xf32, #tpu.memory_space<vmem>>
        tpu.enqueue_dma source(%dma_start3A_179 : memref<40x128xf32, #tpu.memory_space<vmem>>) target(%dma_start3A_176 : memref<40x128xf32, #tpu.memory_space<vmem_shared>>) target_semaphore(%run_scoped3A : memref<!tpu.dma_semaphore, #tpu.memory_space<semaphore_mem>>)
        %dma_wait3A = arith.constant 0 : i32
        %dma_wait3A_180 = arith.constant 0 : i32
        %dma_wait3A_181 = tpu.memref_slice %arg15[%dma_wait3A, %dma_wait3A_180] : memref<80x128xf32, #tpu.memory_space<vmem>> -> memref<40x128xf32, #tpu.memory_space<vmem>>
        %dma_wait3A_182 = arith.constant 0 : i32
        %dma_wait3A_183 = tpu.memref_slice %arg20[%add3A_136, %dma_wait3A_182] : memref<10000x128xf32, #tpu.memory_space<vmem_shared>> -> memref<40x128xf32, #tpu.memory_space<vmem_shared>>
        %dma_wait3A_184 = arith.constant 0 : i32
        %dma_wait3A_185 = tpu.memref_slice %arg20[%add3A_136, %dma_wait3A_184] : memref<10000x128xf32, #tpu.memory_space<vmem_shared>> -> memref<40x128xf32, #tpu.memory_space<vmem_shared>>
        %dma_wait3A_186 = arith.constant 0 : i32
        %dma_wait3A_187 = arith.constant 0 : i32
        %dma_wait3A_188 = tpu.memref_slice %arg15[%dma_wait3A_186, %dma_wait3A_187] : memref<80x128xf32, #tpu.memory_space<vmem>> -> memref<40x128xf32, #tpu.memory_space<vmem>>
        tpu.wait_dma2 semaphore(%run_scoped3A : memref<!tpu.dma_semaphore, #tpu.memory_space<semaphore_mem>>) src(%dma_wait3A_188 : memref<40x128xf32, #tpu.memory_space<vmem>>) dst(%dma_wait3A_185 : memref<40x128xf32, #tpu.memory_space<vmem_shared>>)
        tpu.yield
      }) : () -> ()
      %add3A_137 = arith.constant 440 : i32
      %add3A_138 = arith.addi %mul3A_114, %add3A_137 : i32
      "tpu.region"() ({
        %run_scoped3A = tpu.sem_alloc : memref<!tpu.dma_semaphore, #tpu.memory_space<semaphore_mem>>
        %dma_start3A = arith.constant 0 : i32
        %dma_start3A_171 = arith.constant 0 : i32
        %dma_start3A_172 = tpu.memref_slice %arg15[%dma_start3A, %dma_start3A_171] : memref<80x128xf32, #tpu.memory_space<vmem>> -> memref<40x128xf32, #tpu.memory_space<vmem>>
        %dma_start3A_173 = arith.constant 0 : i32
        %dma_start3A_174 = tpu.memref_slice %arg20[%add3A_138, %dma_start3A_173] : memref<10000x128xf32, #tpu.memory_space<vmem_shared>> -> memref<40x128xf32, #tpu.memory_space<vmem_shared>>
        %dma_start3A_175 = arith.constant 0 : i32
        %dma_start3A_176 = tpu.memref_slice %arg20[%add3A_138, %dma_start3A_175] : memref<10000x128xf32, #tpu.memory_space<vmem_shared>> -> memref<40x128xf32, #tpu.memory_space<vmem_shared>>
        %dma_start3A_177 = arith.constant 0 : i32
        %dma_start3A_178 = arith.constant 0 : i32
        %dma_start3A_179 = tpu.memref_slice %arg15[%dma_start3A_177, %dma_start3A_178] : memref<80x128xf32, #tpu.memory_space<vmem>> -> memref<40x128xf32, #tpu.memory_space<vmem>>
        tpu.enqueue_dma source(%dma_start3A_179 : memref<40x128xf32, #tpu.memory_space<vmem>>) target(%dma_start3A_176 : memref<40x128xf32, #tpu.memory_space<vmem_shared>>) target_semaphore(%run_scoped3A : memref<!tpu.dma_semaphore, #tpu.memory_space<semaphore_mem>>)
        %dma_wait3A = arith.constant 0 : i32
        %dma_wait3A_180 = arith.constant 0 : i32
        %dma_wait3A_181 = tpu.memref_slice %arg15[%dma_wait3A, %dma_wait3A_180] : memref<80x128xf32, #tpu.memory_space<vmem>> -> memref<40x128xf32, #tpu.memory_space<vmem>>
        %dma_wait3A_182 = arith.constant 0 : i32
        %dma_wait3A_183 = tpu.memref_slice %arg20[%add3A_138, %dma_wait3A_182] : memref<10000x128xf32, #tpu.memory_space<vmem_shared>> -> memref<40x128xf32, #tpu.memory_space<vmem_shared>>
        %dma_wait3A_184 = arith.constant 0 : i32
        %dma_wait3A_185 = tpu.memref_slice %arg20[%add3A_138, %dma_wait3A_184] : memref<10000x128xf32, #tpu.memory_space<vmem_shared>> -> memref<40x128xf32, #tpu.memory_space<vmem_shared>>
        %dma_wait3A_186 = arith.constant 0 : i32
        %dma_wait3A_187 = arith.constant 0 : i32
        %dma_wait3A_188 = tpu.memref_slice %arg15[%dma_wait3A_186, %dma_wait3A_187] : memref<80x128xf32, #tpu.memory_space<vmem>> -> memref<40x128xf32, #tpu.memory_space<vmem>>
        tpu.wait_dma2 semaphore(%run_scoped3A : memref<!tpu.dma_semaphore, #tpu.memory_space<semaphore_mem>>) src(%dma_wait3A_188 : memref<40x128xf32, #tpu.memory_space<vmem>>) dst(%dma_wait3A_185 : memref<40x128xf32, #tpu.memory_space<vmem_shared>>)
        tpu.yield
      }) : () -> ()
      %add3A_139 = arith.constant 480 : i32
      %add3A_140 = arith.addi %mul3A_114, %add3A_139 : i32
      "tpu.region"() ({
        %run_scoped3A = tpu.sem_alloc : memref<!tpu.dma_semaphore, #tpu.memory_space<semaphore_mem>>
        %dma_start3A = arith.constant 0 : i32
        %dma_start3A_171 = arith.constant 0 : i32
        %dma_start3A_172 = tpu.memref_slice %arg15[%dma_start3A, %dma_start3A_171] : memref<80x128xf32, #tpu.memory_space<vmem>> -> memref<40x128xf32, #tpu.memory_space<vmem>>
        %dma_start3A_173 = arith.constant 0 : i32
        %dma_start3A_174 = tpu.memref_slice %arg20[%add3A_140, %dma_start3A_173] : memref<10000x128xf32, #tpu.memory_space<vmem_shared>> -> memref<40x128xf32, #tpu.memory_space<vmem_shared>>
        %dma_start3A_175 = arith.constant 0 : i32
        %dma_start3A_176 = tpu.memref_slice %arg20[%add3A_140, %dma_start3A_175] : memref<10000x128xf32, #tpu.memory_space<vmem_shared>> -> memref<40x128xf32, #tpu.memory_space<vmem_shared>>
        %dma_start3A_177 = arith.constant 0 : i32
        %dma_start3A_178 = arith.constant 0 : i32
        %dma_start3A_179 = tpu.memref_slice %arg15[%dma_start3A_177, %dma_start3A_178] : memref<80x128xf32, #tpu.memory_space<vmem>> -> memref<40x128xf32, #tpu.memory_space<vmem>>
        tpu.enqueue_dma source(%dma_start3A_179 : memref<40x128xf32, #tpu.memory_space<vmem>>) target(%dma_start3A_176 : memref<40x128xf32, #tpu.memory_space<vmem_shared>>) target_semaphore(%run_scoped3A : memref<!tpu.dma_semaphore, #tpu.memory_space<semaphore_mem>>)
        %dma_wait3A = arith.constant 0 : i32
        %dma_wait3A_180 = arith.constant 0 : i32
        %dma_wait3A_181 = tpu.memref_slice %arg15[%dma_wait3A, %dma_wait3A_180] : memref<80x128xf32, #tpu.memory_space<vmem>> -> memref<40x128xf32, #tpu.memory_space<vmem>>
        %dma_wait3A_182 = arith.constant 0 : i32
        %dma_wait3A_183 = tpu.memref_slice %arg20[%add3A_140, %dma_wait3A_182] : memref<10000x128xf32, #tpu.memory_space<vmem_shared>> -> memref<40x128xf32, #tpu.memory_space<vmem_shared>>
        %dma_wait3A_184 = arith.constant 0 : i32
        %dma_wait3A_185 = tpu.memref_slice %arg20[%add3A_140, %dma_wait3A_184] : memref<10000x128xf32, #tpu.memory_space<vmem_shared>> -> memref<40x128xf32, #tpu.memory_space<vmem_shared>>
        %dma_wait3A_186 = arith.constant 0 : i32
        %dma_wait3A_187 = arith.constant 0 : i32
        %dma_wait3A_188 = tpu.memref_slice %arg15[%dma_wait3A_186, %dma_wait3A_187] : memref<80x128xf32, #tpu.memory_space<vmem>> -> memref<40x128xf32, #tpu.memory_space<vmem>>
        tpu.wait_dma2 semaphore(%run_scoped3A : memref<!tpu.dma_semaphore, #tpu.memory_space<semaphore_mem>>) src(%dma_wait3A_188 : memref<40x128xf32, #tpu.memory_space<vmem>>) dst(%dma_wait3A_185 : memref<40x128xf32, #tpu.memory_space<vmem_shared>>)
        tpu.yield
      }) : () -> ()
      %add3A_141 = arith.constant 520 : i32
      %add3A_142 = arith.addi %mul3A_114, %add3A_141 : i32
      "tpu.region"() ({
        %run_scoped3A = tpu.sem_alloc : memref<!tpu.dma_semaphore, #tpu.memory_space<semaphore_mem>>
        %dma_start3A = arith.constant 0 : i32
        %dma_start3A_171 = arith.constant 0 : i32
        %dma_start3A_172 = tpu.memref_slice %arg15[%dma_start3A, %dma_start3A_171] : memref<80x128xf32, #tpu.memory_space<vmem>> -> memref<40x128xf32, #tpu.memory_space<vmem>>
        %dma_start3A_173 = arith.constant 0 : i32
        %dma_start3A_174 = tpu.memref_slice %arg20[%add3A_142, %dma_start3A_173] : memref<10000x128xf32, #tpu.memory_space<vmem_shared>> -> memref<40x128xf32, #tpu.memory_space<vmem_shared>>
        %dma_start3A_175 = arith.constant 0 : i32
        %dma_start3A_176 = tpu.memref_slice %arg20[%add3A_142, %dma_start3A_175] : memref<10000x128xf32, #tpu.memory_space<vmem_shared>> -> memref<40x128xf32, #tpu.memory_space<vmem_shared>>
        %dma_start3A_177 = arith.constant 0 : i32
        %dma_start3A_178 = arith.constant 0 : i32
        %dma_start3A_179 = tpu.memref_slice %arg15[%dma_start3A_177, %dma_start3A_178] : memref<80x128xf32, #tpu.memory_space<vmem>> -> memref<40x128xf32, #tpu.memory_space<vmem>>
        tpu.enqueue_dma source(%dma_start3A_179 : memref<40x128xf32, #tpu.memory_space<vmem>>) target(%dma_start3A_176 : memref<40x128xf32, #tpu.memory_space<vmem_shared>>) target_semaphore(%run_scoped3A : memref<!tpu.dma_semaphore, #tpu.memory_space<semaphore_mem>>)
        %dma_wait3A = arith.constant 0 : i32
        %dma_wait3A_180 = arith.constant 0 : i32
        %dma_wait3A_181 = tpu.memref_slice %arg15[%dma_wait3A, %dma_wait3A_180] : memref<80x128xf32, #tpu.memory_space<vmem>> -> memref<40x128xf32, #tpu.memory_space<vmem>>
        %dma_wait3A_182 = arith.constant 0 : i32
        %dma_wait3A_183 = tpu.memref_slice %arg20[%add3A_142, %dma_wait3A_182] : memref<10000x128xf32, #tpu.memory_space<vmem_shared>> -> memref<40x128xf32, #tpu.memory_space<vmem_shared>>
        %dma_wait3A_184 = arith.constant 0 : i32
        %dma_wait3A_185 = tpu.memref_slice %arg20[%add3A_142, %dma_wait3A_184] : memref<10000x128xf32, #tpu.memory_space<vmem_shared>> -> memref<40x128xf32, #tpu.memory_space<vmem_shared>>
        %dma_wait3A_186 = arith.constant 0 : i32
        %dma_wait3A_187 = arith.constant 0 : i32
        %dma_wait3A_188 = tpu.memref_slice %arg15[%dma_wait3A_186, %dma_wait3A_187] : memref<80x128xf32, #tpu.memory_space<vmem>> -> memref<40x128xf32, #tpu.memory_space<vmem>>
        tpu.wait_dma2 semaphore(%run_scoped3A : memref<!tpu.dma_semaphore, #tpu.memory_space<semaphore_mem>>) src(%dma_wait3A_188 : memref<40x128xf32, #tpu.memory_space<vmem>>) dst(%dma_wait3A_185 : memref<40x128xf32, #tpu.memory_space<vmem_shared>>)
        tpu.yield
      }) : () -> ()
      %add3A_143 = arith.constant 560 : i32
      %add3A_144 = arith.addi %mul3A_114, %add3A_143 : i32
      "tpu.region"() ({
        %run_scoped3A = tpu.sem_alloc : memref<!tpu.dma_semaphore, #tpu.memory_space<semaphore_mem>>
        %dma_start3A = arith.constant 0 : i32
        %dma_start3A_171 = arith.constant 0 : i32
        %dma_start3A_172 = tpu.memref_slice %arg15[%dma_start3A, %dma_start3A_171] : memref<80x128xf32, #tpu.memory_space<vmem>> -> memref<40x128xf32, #tpu.memory_space<vmem>>
        %dma_start3A_173 = arith.constant 0 : i32
        %dma_start3A_174 = tpu.memref_slice %arg20[%add3A_144, %dma_start3A_173] : memref<10000x128xf32, #tpu.memory_space<vmem_shared>> -> memref<40x128xf32, #tpu.memory_space<vmem_shared>>
        %dma_start3A_175 = arith.constant 0 : i32
        %dma_start3A_176 = tpu.memref_slice %arg20[%add3A_144, %dma_start3A_175] : memref<10000x128xf32, #tpu.memory_space<vmem_shared>> -> memref<40x128xf32, #tpu.memory_space<vmem_shared>>
        %dma_start3A_177 = arith.constant 0 : i32
        %dma_start3A_178 = arith.constant 0 : i32
        %dma_start3A_179 = tpu.memref_slice %arg15[%dma_start3A_177, %dma_start3A_178] : memref<80x128xf32, #tpu.memory_space<vmem>> -> memref<40x128xf32, #tpu.memory_space<vmem>>
        tpu.enqueue_dma source(%dma_start3A_179 : memref<40x128xf32, #tpu.memory_space<vmem>>) target(%dma_start3A_176 : memref<40x128xf32, #tpu.memory_space<vmem_shared>>) target_semaphore(%run_scoped3A : memref<!tpu.dma_semaphore, #tpu.memory_space<semaphore_mem>>)
        %dma_wait3A = arith.constant 0 : i32
        %dma_wait3A_180 = arith.constant 0 : i32
        %dma_wait3A_181 = tpu.memref_slice %arg15[%dma_wait3A, %dma_wait3A_180] : memref<80x128xf32, #tpu.memory_space<vmem>> -> memref<40x128xf32, #tpu.memory_space<vmem>>
        %dma_wait3A_182 = arith.constant 0 : i32
        %dma_wait3A_183 = tpu.memref_slice %arg20[%add3A_144, %dma_wait3A_182] : memref<10000x128xf32, #tpu.memory_space<vmem_shared>> -> memref<40x128xf32, #tpu.memory_space<vmem_shared>>
        %dma_wait3A_184 = arith.constant 0 : i32
        %dma_wait3A_185 = tpu.memref_slice %arg20[%add3A_144, %dma_wait3A_184] : memref<10000x128xf32, #tpu.memory_space<vmem_shared>> -> memref<40x128xf32, #tpu.memory_space<vmem_shared>>
        %dma_wait3A_186 = arith.constant 0 : i32
        %dma_wait3A_187 = arith.constant 0 : i32
        %dma_wait3A_188 = tpu.memref_slice %arg15[%dma_wait3A_186, %dma_wait3A_187] : memref<80x128xf32, #tpu.memory_space<vmem>> -> memref<40x128xf32, #tpu.memory_space<vmem>>
        tpu.wait_dma2 semaphore(%run_scoped3A : memref<!tpu.dma_semaphore, #tpu.memory_space<semaphore_mem>>) src(%dma_wait3A_188 : memref<40x128xf32, #tpu.memory_space<vmem>>) dst(%dma_wait3A_185 : memref<40x128xf32, #tpu.memory_space<vmem_shared>>)
        tpu.yield
      }) : () -> ()
      %add3A_145 = arith.constant 600 : i32
      %add3A_146 = arith.addi %mul3A_114, %add3A_145 : i32
      "tpu.region"() ({
        %run_scoped3A = tpu.sem_alloc : memref<!tpu.dma_semaphore, #tpu.memory_space<semaphore_mem>>
        %dma_start3A = arith.constant 0 : i32
        %dma_start3A_171 = arith.constant 0 : i32
        %dma_start3A_172 = tpu.memref_slice %arg15[%dma_start3A, %dma_start3A_171] : memref<80x128xf32, #tpu.memory_space<vmem>> -> memref<40x128xf32, #tpu.memory_space<vmem>>
        %dma_start3A_173 = arith.constant 0 : i32
        %dma_start3A_174 = tpu.memref_slice %arg20[%add3A_146, %dma_start3A_173] : memref<10000x128xf32, #tpu.memory_space<vmem_shared>> -> memref<40x128xf32, #tpu.memory_space<vmem_shared>>
        %dma_start3A_175 = arith.constant 0 : i32
        %dma_start3A_176 = tpu.memref_slice %arg20[%add3A_146, %dma_start3A_175] : memref<10000x128xf32, #tpu.memory_space<vmem_shared>> -> memref<40x128xf32, #tpu.memory_space<vmem_shared>>
        %dma_start3A_177 = arith.constant 0 : i32
        %dma_start3A_178 = arith.constant 0 : i32
        %dma_start3A_179 = tpu.memref_slice %arg15[%dma_start3A_177, %dma_start3A_178] : memref<80x128xf32, #tpu.memory_space<vmem>> -> memref<40x128xf32, #tpu.memory_space<vmem>>
        tpu.enqueue_dma source(%dma_start3A_179 : memref<40x128xf32, #tpu.memory_space<vmem>>) target(%dma_start3A_176 : memref<40x128xf32, #tpu.memory_space<vmem_shared>>) target_semaphore(%run_scoped3A : memref<!tpu.dma_semaphore, #tpu.memory_space<semaphore_mem>>)
        %dma_wait3A = arith.constant 0 : i32
        %dma_wait3A_180 = arith.constant 0 : i32
        %dma_wait3A_181 = tpu.memref_slice %arg15[%dma_wait3A, %dma_wait3A_180] : memref<80x128xf32, #tpu.memory_space<vmem>> -> memref<40x128xf32, #tpu.memory_space<vmem>>
        %dma_wait3A_182 = arith.constant 0 : i32
        %dma_wait3A_183 = tpu.memref_slice %arg20[%add3A_146, %dma_wait3A_182] : memref<10000x128xf32, #tpu.memory_space<vmem_shared>> -> memref<40x128xf32, #tpu.memory_space<vmem_shared>>
        %dma_wait3A_184 = arith.constant 0 : i32
        %dma_wait3A_185 = tpu.memref_slice %arg20[%add3A_146, %dma_wait3A_184] : memref<10000x128xf32, #tpu.memory_space<vmem_shared>> -> memref<40x128xf32, #tpu.memory_space<vmem_shared>>
        %dma_wait3A_186 = arith.constant 0 : i32
        %dma_wait3A_187 = arith.constant 0 : i32
        %dma_wait3A_188 = tpu.memref_slice %arg15[%dma_wait3A_186, %dma_wait3A_187] : memref<80x128xf32, #tpu.memory_space<vmem>> -> memref<40x128xf32, #tpu.memory_space<vmem>>
        tpu.wait_dma2 semaphore(%run_scoped3A : memref<!tpu.dma_semaphore, #tpu.memory_space<semaphore_mem>>) src(%dma_wait3A_188 : memref<40x128xf32, #tpu.memory_space<vmem>>) dst(%dma_wait3A_185 : memref<40x128xf32, #tpu.memory_space<vmem_shared>>)
        tpu.yield
      }) : () -> ()
      %add3A_147 = arith.constant 640 : i32
      %add3A_148 = arith.addi %mul3A_114, %add3A_147 : i32
      "tpu.region"() ({
        %run_scoped3A = tpu.sem_alloc : memref<!tpu.dma_semaphore, #tpu.memory_space<semaphore_mem>>
        %dma_start3A = arith.constant 0 : i32
        %dma_start3A_171 = arith.constant 0 : i32
        %dma_start3A_172 = tpu.memref_slice %arg15[%dma_start3A, %dma_start3A_171] : memref<80x128xf32, #tpu.memory_space<vmem>> -> memref<40x128xf32, #tpu.memory_space<vmem>>
        %dma_start3A_173 = arith.constant 0 : i32
        %dma_start3A_174 = tpu.memref_slice %arg20[%add3A_148, %dma_start3A_173] : memref<10000x128xf32, #tpu.memory_space<vmem_shared>> -> memref<40x128xf32, #tpu.memory_space<vmem_shared>>
        %dma_start3A_175 = arith.constant 0 : i32
        %dma_start3A_176 = tpu.memref_slice %arg20[%add3A_148, %dma_start3A_175] : memref<10000x128xf32, #tpu.memory_space<vmem_shared>> -> memref<40x128xf32, #tpu.memory_space<vmem_shared>>
        %dma_start3A_177 = arith.constant 0 : i32
        %dma_start3A_178 = arith.constant 0 : i32
        %dma_start3A_179 = tpu.memref_slice %arg15[%dma_start3A_177, %dma_start3A_178] : memref<80x128xf32, #tpu.memory_space<vmem>> -> memref<40x128xf32, #tpu.memory_space<vmem>>
        tpu.enqueue_dma source(%dma_start3A_179 : memref<40x128xf32, #tpu.memory_space<vmem>>) target(%dma_start3A_176 : memref<40x128xf32, #tpu.memory_space<vmem_shared>>) target_semaphore(%run_scoped3A : memref<!tpu.dma_semaphore, #tpu.memory_space<semaphore_mem>>)
        %dma_wait3A = arith.constant 0 : i32
        %dma_wait3A_180 = arith.constant 0 : i32
        %dma_wait3A_181 = tpu.memref_slice %arg15[%dma_wait3A, %dma_wait3A_180] : memref<80x128xf32, #tpu.memory_space<vmem>> -> memref<40x128xf32, #tpu.memory_space<vmem>>
        %dma_wait3A_182 = arith.constant 0 : i32
        %dma_wait3A_183 = tpu.memref_slice %arg20[%add3A_148, %dma_wait3A_182] : memref<10000x128xf32, #tpu.memory_space<vmem_shared>> -> memref<40x128xf32, #tpu.memory_space<vmem_shared>>
        %dma_wait3A_184 = arith.constant 0 : i32
        %dma_wait3A_185 = tpu.memref_slice %arg20[%add3A_148, %dma_wait3A_184] : memref<10000x128xf32, #tpu.memory_space<vmem_shared>> -> memref<40x128xf32, #tpu.memory_space<vmem_shared>>
        %dma_wait3A_186 = arith.constant 0 : i32
        %dma_wait3A_187 = arith.constant 0 : i32
        %dma_wait3A_188 = tpu.memref_slice %arg15[%dma_wait3A_186, %dma_wait3A_187] : memref<80x128xf32, #tpu.memory_space<vmem>> -> memref<40x128xf32, #tpu.memory_space<vmem>>
        tpu.wait_dma2 semaphore(%run_scoped3A : memref<!tpu.dma_semaphore, #tpu.memory_space<semaphore_mem>>) src(%dma_wait3A_188 : memref<40x128xf32, #tpu.memory_space<vmem>>) dst(%dma_wait3A_185 : memref<40x128xf32, #tpu.memory_space<vmem_shared>>)
        tpu.yield
      }) : () -> ()
      %add3A_149 = arith.constant 680 : i32
      %add3A_150 = arith.addi %mul3A_114, %add3A_149 : i32
      "tpu.region"() ({
        %run_scoped3A = tpu.sem_alloc : memref<!tpu.dma_semaphore, #tpu.memory_space<semaphore_mem>>
        %dma_start3A = arith.constant 0 : i32
        %dma_start3A_171 = arith.constant 0 : i32
        %dma_start3A_172 = tpu.memref_slice %arg15[%dma_start3A, %dma_start3A_171] : memref<80x128xf32, #tpu.memory_space<vmem>> -> memref<40x128xf32, #tpu.memory_space<vmem>>
        %dma_start3A_173 = arith.constant 0 : i32
        %dma_start3A_174 = tpu.memref_slice %arg20[%add3A_150, %dma_start3A_173] : memref<10000x128xf32, #tpu.memory_space<vmem_shared>> -> memref<40x128xf32, #tpu.memory_space<vmem_shared>>
        %dma_start3A_175 = arith.constant 0 : i32
        %dma_start3A_176 = tpu.memref_slice %arg20[%add3A_150, %dma_start3A_175] : memref<10000x128xf32, #tpu.memory_space<vmem_shared>> -> memref<40x128xf32, #tpu.memory_space<vmem_shared>>
        %dma_start3A_177 = arith.constant 0 : i32
        %dma_start3A_178 = arith.constant 0 : i32
        %dma_start3A_179 = tpu.memref_slice %arg15[%dma_start3A_177, %dma_start3A_178] : memref<80x128xf32, #tpu.memory_space<vmem>> -> memref<40x128xf32, #tpu.memory_space<vmem>>
        tpu.enqueue_dma source(%dma_start3A_179 : memref<40x128xf32, #tpu.memory_space<vmem>>) target(%dma_start3A_176 : memref<40x128xf32, #tpu.memory_space<vmem_shared>>) target_semaphore(%run_scoped3A : memref<!tpu.dma_semaphore, #tpu.memory_space<semaphore_mem>>)
        %dma_wait3A = arith.constant 0 : i32
        %dma_wait3A_180 = arith.constant 0 : i32
        %dma_wait3A_181 = tpu.memref_slice %arg15[%dma_wait3A, %dma_wait3A_180] : memref<80x128xf32, #tpu.memory_space<vmem>> -> memref<40x128xf32, #tpu.memory_space<vmem>>
        %dma_wait3A_182 = arith.constant 0 : i32
        %dma_wait3A_183 = tpu.memref_slice %arg20[%add3A_150, %dma_wait3A_182] : memref<10000x128xf32, #tpu.memory_space<vmem_shared>> -> memref<40x128xf32, #tpu.memory_space<vmem_shared>>
        %dma_wait3A_184 = arith.constant 0 : i32
        %dma_wait3A_185 = tpu.memref_slice %arg20[%add3A_150, %dma_wait3A_184] : memref<10000x128xf32, #tpu.memory_space<vmem_shared>> -> memref<40x128xf32, #tpu.memory_space<vmem_shared>>
        %dma_wait3A_186 = arith.constant 0 : i32
        %dma_wait3A_187 = arith.constant 0 : i32
        %dma_wait3A_188 = tpu.memref_slice %arg15[%dma_wait3A_186, %dma_wait3A_187] : memref<80x128xf32, #tpu.memory_space<vmem>> -> memref<40x128xf32, #tpu.memory_space<vmem>>
        tpu.wait_dma2 semaphore(%run_scoped3A : memref<!tpu.dma_semaphore, #tpu.memory_space<semaphore_mem>>) src(%dma_wait3A_188 : memref<40x128xf32, #tpu.memory_space<vmem>>) dst(%dma_wait3A_185 : memref<40x128xf32, #tpu.memory_space<vmem_shared>>)
        tpu.yield
      }) : () -> ()
      %add3A_151 = arith.constant 720 : i32
      %add3A_152 = arith.addi %mul3A_114, %add3A_151 : i32
      "tpu.region"() ({
        %run_scoped3A = tpu.sem_alloc : memref<!tpu.dma_semaphore, #tpu.memory_space<semaphore_mem>>
        %dma_start3A = arith.constant 0 : i32
        %dma_start3A_171 = arith.constant 0 : i32
        %dma_start3A_172 = tpu.memref_slice %arg15[%dma_start3A, %dma_start3A_171] : memref<80x128xf32, #tpu.memory_space<vmem>> -> memref<40x128xf32, #tpu.memory_space<vmem>>
        %dma_start3A_173 = arith.constant 0 : i32
        %dma_start3A_174 = tpu.memref_slice %arg20[%add3A_152, %dma_start3A_173] : memref<10000x128xf32, #tpu.memory_space<vmem_shared>> -> memref<40x128xf32, #tpu.memory_space<vmem_shared>>
        %dma_start3A_175 = arith.constant 0 : i32
        %dma_start3A_176 = tpu.memref_slice %arg20[%add3A_152, %dma_start3A_175] : memref<10000x128xf32, #tpu.memory_space<vmem_shared>> -> memref<40x128xf32, #tpu.memory_space<vmem_shared>>
        %dma_start3A_177 = arith.constant 0 : i32
        %dma_start3A_178 = arith.constant 0 : i32
        %dma_start3A_179 = tpu.memref_slice %arg15[%dma_start3A_177, %dma_start3A_178] : memref<80x128xf32, #tpu.memory_space<vmem>> -> memref<40x128xf32, #tpu.memory_space<vmem>>
        tpu.enqueue_dma source(%dma_start3A_179 : memref<40x128xf32, #tpu.memory_space<vmem>>) target(%dma_start3A_176 : memref<40x128xf32, #tpu.memory_space<vmem_shared>>) target_semaphore(%run_scoped3A : memref<!tpu.dma_semaphore, #tpu.memory_space<semaphore_mem>>)
        %dma_wait3A = arith.constant 0 : i32
        %dma_wait3A_180 = arith.constant 0 : i32
        %dma_wait3A_181 = tpu.memref_slice %arg15[%dma_wait3A, %dma_wait3A_180] : memref<80x128xf32, #tpu.memory_space<vmem>> -> memref<40x128xf32, #tpu.memory_space<vmem>>
        %dma_wait3A_182 = arith.constant 0 : i32
        %dma_wait3A_183 = tpu.memref_slice %arg20[%add3A_152, %dma_wait3A_182] : memref<10000x128xf32, #tpu.memory_space<vmem_shared>> -> memref<40x128xf32, #tpu.memory_space<vmem_shared>>
        %dma_wait3A_184 = arith.constant 0 : i32
        %dma_wait3A_185 = tpu.memref_slice %arg20[%add3A_152, %dma_wait3A_184] : memref<10000x128xf32, #tpu.memory_space<vmem_shared>> -> memref<40x128xf32, #tpu.memory_space<vmem_shared>>
        %dma_wait3A_186 = arith.constant 0 : i32
        %dma_wait3A_187 = arith.constant 0 : i32
        %dma_wait3A_188 = tpu.memref_slice %arg15[%dma_wait3A_186, %dma_wait3A_187] : memref<80x128xf32, #tpu.memory_space<vmem>> -> memref<40x128xf32, #tpu.memory_space<vmem>>
        tpu.wait_dma2 semaphore(%run_scoped3A : memref<!tpu.dma_semaphore, #tpu.memory_space<semaphore_mem>>) src(%dma_wait3A_188 : memref<40x128xf32, #tpu.memory_space<vmem>>) dst(%dma_wait3A_185 : memref<40x128xf32, #tpu.memory_space<vmem_shared>>)
        tpu.yield
      }) : () -> ()
      %add3A_153 = arith.constant 760 : i32
      %add3A_154 = arith.addi %mul3A_114, %add3A_153 : i32
      "tpu.region"() ({
        %run_scoped3A = tpu.sem_alloc : memref<!tpu.dma_semaphore, #tpu.memory_space<semaphore_mem>>
        %dma_start3A = arith.constant 0 : i32
        %dma_start3A_171 = arith.constant 0 : i32
        %dma_start3A_172 = tpu.memref_slice %arg15[%dma_start3A, %dma_start3A_171] : memref<80x128xf32, #tpu.memory_space<vmem>> -> memref<40x128xf32, #tpu.memory_space<vmem>>
        %dma_start3A_173 = arith.constant 0 : i32
        %dma_start3A_174 = tpu.memref_slice %arg20[%add3A_154, %dma_start3A_173] : memref<10000x128xf32, #tpu.memory_space<vmem_shared>> -> memref<40x128xf32, #tpu.memory_space<vmem_shared>>
        %dma_start3A_175 = arith.constant 0 : i32
        %dma_start3A_176 = tpu.memref_slice %arg20[%add3A_154, %dma_start3A_175] : memref<10000x128xf32, #tpu.memory_space<vmem_shared>> -> memref<40x128xf32, #tpu.memory_space<vmem_shared>>
        %dma_start3A_177 = arith.constant 0 : i32
        %dma_start3A_178 = arith.constant 0 : i32
        %dma_start3A_179 = tpu.memref_slice %arg15[%dma_start3A_177, %dma_start3A_178] : memref<80x128xf32, #tpu.memory_space<vmem>> -> memref<40x128xf32, #tpu.memory_space<vmem>>
        tpu.enqueue_dma source(%dma_start3A_179 : memref<40x128xf32, #tpu.memory_space<vmem>>) target(%dma_start3A_176 : memref<40x128xf32, #tpu.memory_space<vmem_shared>>) target_semaphore(%run_scoped3A : memref<!tpu.dma_semaphore, #tpu.memory_space<semaphore_mem>>)
        %dma_wait3A = arith.constant 0 : i32
        %dma_wait3A_180 = arith.constant 0 : i32
        %dma_wait3A_181 = tpu.memref_slice %arg15[%dma_wait3A, %dma_wait3A_180] : memref<80x128xf32, #tpu.memory_space<vmem>> -> memref<40x128xf32, #tpu.memory_space<vmem>>
        %dma_wait3A_182 = arith.constant 0 : i32
        %dma_wait3A_183 = tpu.memref_slice %arg20[%add3A_154, %dma_wait3A_182] : memref<10000x128xf32, #tpu.memory_space<vmem_shared>> -> memref<40x128xf32, #tpu.memory_space<vmem_shared>>
        %dma_wait3A_184 = arith.constant 0 : i32
        %dma_wait3A_185 = tpu.memref_slice %arg20[%add3A_154, %dma_wait3A_184] : memref<10000x128xf32, #tpu.memory_space<vmem_shared>> -> memref<40x128xf32, #tpu.memory_space<vmem_shared>>
        %dma_wait3A_186 = arith.constant 0 : i32
        %dma_wait3A_187 = arith.constant 0 : i32
        %dma_wait3A_188 = tpu.memref_slice %arg15[%dma_wait3A_186, %dma_wait3A_187] : memref<80x128xf32, #tpu.memory_space<vmem>> -> memref<40x128xf32, #tpu.memory_space<vmem>>
        tpu.wait_dma2 semaphore(%run_scoped3A : memref<!tpu.dma_semaphore, #tpu.memory_space<semaphore_mem>>) src(%dma_wait3A_188 : memref<40x128xf32, #tpu.memory_space<vmem>>) dst(%dma_wait3A_185 : memref<40x128xf32, #tpu.memory_space<vmem_shared>>)
        tpu.yield
      }) : () -> ()
      %add3A_155 = arith.constant 800 : i32
      %add3A_156 = arith.addi %mul3A_114, %add3A_155 : i32
      "tpu.region"() ({
        %run_scoped3A = tpu.sem_alloc : memref<!tpu.dma_semaphore, #tpu.memory_space<semaphore_mem>>
        %dma_start3A = arith.constant 0 : i32
        %dma_start3A_171 = arith.constant 0 : i32
        %dma_start3A_172 = tpu.memref_slice %arg15[%dma_start3A, %dma_start3A_171] : memref<80x128xf32, #tpu.memory_space<vmem>> -> memref<40x128xf32, #tpu.memory_space<vmem>>
        %dma_start3A_173 = arith.constant 0 : i32
        %dma_start3A_174 = tpu.memref_slice %arg20[%add3A_156, %dma_start3A_173] : memref<10000x128xf32, #tpu.memory_space<vmem_shared>> -> memref<40x128xf32, #tpu.memory_space<vmem_shared>>
        %dma_start3A_175 = arith.constant 0 : i32
        %dma_start3A_176 = tpu.memref_slice %arg20[%add3A_156, %dma_start3A_175] : memref<10000x128xf32, #tpu.memory_space<vmem_shared>> -> memref<40x128xf32, #tpu.memory_space<vmem_shared>>
        %dma_start3A_177 = arith.constant 0 : i32
        %dma_start3A_178 = arith.constant 0 : i32
        %dma_start3A_179 = tpu.memref_slice %arg15[%dma_start3A_177, %dma_start3A_178] : memref<80x128xf32, #tpu.memory_space<vmem>> -> memref<40x128xf32, #tpu.memory_space<vmem>>
        tpu.enqueue_dma source(%dma_start3A_179 : memref<40x128xf32, #tpu.memory_space<vmem>>) target(%dma_start3A_176 : memref<40x128xf32, #tpu.memory_space<vmem_shared>>) target_semaphore(%run_scoped3A : memref<!tpu.dma_semaphore, #tpu.memory_space<semaphore_mem>>)
        %dma_wait3A = arith.constant 0 : i32
        %dma_wait3A_180 = arith.constant 0 : i32
        %dma_wait3A_181 = tpu.memref_slice %arg15[%dma_wait3A, %dma_wait3A_180] : memref<80x128xf32, #tpu.memory_space<vmem>> -> memref<40x128xf32, #tpu.memory_space<vmem>>
        %dma_wait3A_182 = arith.constant 0 : i32
        %dma_wait3A_183 = tpu.memref_slice %arg20[%add3A_156, %dma_wait3A_182] : memref<10000x128xf32, #tpu.memory_space<vmem_shared>> -> memref<40x128xf32, #tpu.memory_space<vmem_shared>>
        %dma_wait3A_184 = arith.constant 0 : i32
        %dma_wait3A_185 = tpu.memref_slice %arg20[%add3A_156, %dma_wait3A_184] : memref<10000x128xf32, #tpu.memory_space<vmem_shared>> -> memref<40x128xf32, #tpu.memory_space<vmem_shared>>
        %dma_wait3A_186 = arith.constant 0 : i32
        %dma_wait3A_187 = arith.constant 0 : i32
        %dma_wait3A_188 = tpu.memref_slice %arg15[%dma_wait3A_186, %dma_wait3A_187] : memref<80x128xf32, #tpu.memory_space<vmem>> -> memref<40x128xf32, #tpu.memory_space<vmem>>
        tpu.wait_dma2 semaphore(%run_scoped3A : memref<!tpu.dma_semaphore, #tpu.memory_space<semaphore_mem>>) src(%dma_wait3A_188 : memref<40x128xf32, #tpu.memory_space<vmem>>) dst(%dma_wait3A_185 : memref<40x128xf32, #tpu.memory_space<vmem_shared>>)
        tpu.yield
      }) : () -> ()
      %add3A_157 = arith.constant 840 : i32
      %add3A_158 = arith.addi %mul3A_114, %add3A_157 : i32
      "tpu.region"() ({
        %run_scoped3A = tpu.sem_alloc : memref<!tpu.dma_semaphore, #tpu.memory_space<semaphore_mem>>
        %dma_start3A = arith.constant 0 : i32
        %dma_start3A_171 = arith.constant 0 : i32
        %dma_start3A_172 = tpu.memref_slice %arg15[%dma_start3A, %dma_start3A_171] : memref<80x128xf32, #tpu.memory_space<vmem>> -> memref<40x128xf32, #tpu.memory_space<vmem>>
        %dma_start3A_173 = arith.constant 0 : i32
        %dma_start3A_174 = tpu.memref_slice %arg20[%add3A_158, %dma_start3A_173] : memref<10000x128xf32, #tpu.memory_space<vmem_shared>> -> memref<40x128xf32, #tpu.memory_space<vmem_shared>>
        %dma_start3A_175 = arith.constant 0 : i32
        %dma_start3A_176 = tpu.memref_slice %arg20[%add3A_158, %dma_start3A_175] : memref<10000x128xf32, #tpu.memory_space<vmem_shared>> -> memref<40x128xf32, #tpu.memory_space<vmem_shared>>
        %dma_start3A_177 = arith.constant 0 : i32
        %dma_start3A_178 = arith.constant 0 : i32
        %dma_start3A_179 = tpu.memref_slice %arg15[%dma_start3A_177, %dma_start3A_178] : memref<80x128xf32, #tpu.memory_space<vmem>> -> memref<40x128xf32, #tpu.memory_space<vmem>>
        tpu.enqueue_dma source(%dma_start3A_179 : memref<40x128xf32, #tpu.memory_space<vmem>>) target(%dma_start3A_176 : memref<40x128xf32, #tpu.memory_space<vmem_shared>>) target_semaphore(%run_scoped3A : memref<!tpu.dma_semaphore, #tpu.memory_space<semaphore_mem>>)
        %dma_wait3A = arith.constant 0 : i32
        %dma_wait3A_180 = arith.constant 0 : i32
        %dma_wait3A_181 = tpu.memref_slice %arg15[%dma_wait3A, %dma_wait3A_180] : memref<80x128xf32, #tpu.memory_space<vmem>> -> memref<40x128xf32, #tpu.memory_space<vmem>>
        %dma_wait3A_182 = arith.constant 0 : i32
        %dma_wait3A_183 = tpu.memref_slice %arg20[%add3A_158, %dma_wait3A_182] : memref<10000x128xf32, #tpu.memory_space<vmem_shared>> -> memref<40x128xf32, #tpu.memory_space<vmem_shared>>
        %dma_wait3A_184 = arith.constant 0 : i32
        %dma_wait3A_185 = tpu.memref_slice %arg20[%add3A_158, %dma_wait3A_184] : memref<10000x128xf32, #tpu.memory_space<vmem_shared>> -> memref<40x128xf32, #tpu.memory_space<vmem_shared>>
        %dma_wait3A_186 = arith.constant 0 : i32
        %dma_wait3A_187 = arith.constant 0 : i32
        %dma_wait3A_188 = tpu.memref_slice %arg15[%dma_wait3A_186, %dma_wait3A_187] : memref<80x128xf32, #tpu.memory_space<vmem>> -> memref<40x128xf32, #tpu.memory_space<vmem>>
        tpu.wait_dma2 semaphore(%run_scoped3A : memref<!tpu.dma_semaphore, #tpu.memory_space<semaphore_mem>>) src(%dma_wait3A_188 : memref<40x128xf32, #tpu.memory_space<vmem>>) dst(%dma_wait3A_185 : memref<40x128xf32, #tpu.memory_space<vmem_shared>>)
        tpu.yield
      }) : () -> ()
      %add3A_159 = arith.constant 880 : i32
      %add3A_160 = arith.addi %mul3A_114, %add3A_159 : i32
      "tpu.region"() ({
        %run_scoped3A = tpu.sem_alloc : memref<!tpu.dma_semaphore, #tpu.memory_space<semaphore_mem>>
        %dma_start3A = arith.constant 0 : i32
        %dma_start3A_171 = arith.constant 0 : i32
        %dma_start3A_172 = tpu.memref_slice %arg15[%dma_start3A, %dma_start3A_171] : memref<80x128xf32, #tpu.memory_space<vmem>> -> memref<40x128xf32, #tpu.memory_space<vmem>>
        %dma_start3A_173 = arith.constant 0 : i32
        %dma_start3A_174 = tpu.memref_slice %arg20[%add3A_160, %dma_start3A_173] : memref<10000x128xf32, #tpu.memory_space<vmem_shared>> -> memref<40x128xf32, #tpu.memory_space<vmem_shared>>
        %dma_start3A_175 = arith.constant 0 : i32
        %dma_start3A_176 = tpu.memref_slice %arg20[%add3A_160, %dma_start3A_175] : memref<10000x128xf32, #tpu.memory_space<vmem_shared>> -> memref<40x128xf32, #tpu.memory_space<vmem_shared>>
        %dma_start3A_177 = arith.constant 0 : i32
        %dma_start3A_178 = arith.constant 0 : i32
        %dma_start3A_179 = tpu.memref_slice %arg15[%dma_start3A_177, %dma_start3A_178] : memref<80x128xf32, #tpu.memory_space<vmem>> -> memref<40x128xf32, #tpu.memory_space<vmem>>
        tpu.enqueue_dma source(%dma_start3A_179 : memref<40x128xf32, #tpu.memory_space<vmem>>) target(%dma_start3A_176 : memref<40x128xf32, #tpu.memory_space<vmem_shared>>) target_semaphore(%run_scoped3A : memref<!tpu.dma_semaphore, #tpu.memory_space<semaphore_mem>>)
        %dma_wait3A = arith.constant 0 : i32
        %dma_wait3A_180 = arith.constant 0 : i32
        %dma_wait3A_181 = tpu.memref_slice %arg15[%dma_wait3A, %dma_wait3A_180] : memref<80x128xf32, #tpu.memory_space<vmem>> -> memref<40x128xf32, #tpu.memory_space<vmem>>
        %dma_wait3A_182 = arith.constant 0 : i32
        %dma_wait3A_183 = tpu.memref_slice %arg20[%add3A_160, %dma_wait3A_182] : memref<10000x128xf32, #tpu.memory_space<vmem_shared>> -> memref<40x128xf32, #tpu.memory_space<vmem_shared>>
        %dma_wait3A_184 = arith.constant 0 : i32
        %dma_wait3A_185 = tpu.memref_slice %arg20[%add3A_160, %dma_wait3A_184] : memref<10000x128xf32, #tpu.memory_space<vmem_shared>> -> memref<40x128xf32, #tpu.memory_space<vmem_shared>>
        %dma_wait3A_186 = arith.constant 0 : i32
        %dma_wait3A_187 = arith.constant 0 : i32
        %dma_wait3A_188 = tpu.memref_slice %arg15[%dma_wait3A_186, %dma_wait3A_187] : memref<80x128xf32, #tpu.memory_space<vmem>> -> memref<40x128xf32, #tpu.memory_space<vmem>>
        tpu.wait_dma2 semaphore(%run_scoped3A : memref<!tpu.dma_semaphore, #tpu.memory_space<semaphore_mem>>) src(%dma_wait3A_188 : memref<40x128xf32, #tpu.memory_space<vmem>>) dst(%dma_wait3A_185 : memref<40x128xf32, #tpu.memory_space<vmem_shared>>)
        tpu.yield
      }) : () -> ()
      %add3A_161 = arith.constant 920 : i32
      %add3A_162 = arith.addi %mul3A_114, %add3A_161 : i32
      "tpu.region"() ({
        %run_scoped3A = tpu.sem_alloc : memref<!tpu.dma_semaphore, #tpu.memory_space<semaphore_mem>>
        %dma_start3A = arith.constant 0 : i32
        %dma_start3A_171 = arith.constant 0 : i32
        %dma_start3A_172 = tpu.memref_slice %arg15[%dma_start3A, %dma_start3A_171] : memref<80x128xf32, #tpu.memory_space<vmem>> -> memref<40x128xf32, #tpu.memory_space<vmem>>
        %dma_start3A_173 = arith.constant 0 : i32
        %dma_start3A_174 = tpu.memref_slice %arg20[%add3A_162, %dma_start3A_173] : memref<10000x128xf32, #tpu.memory_space<vmem_shared>> -> memref<40x128xf32, #tpu.memory_space<vmem_shared>>
        %dma_start3A_175 = arith.constant 0 : i32
        %dma_start3A_176 = tpu.memref_slice %arg20[%add3A_162, %dma_start3A_175] : memref<10000x128xf32, #tpu.memory_space<vmem_shared>> -> memref<40x128xf32, #tpu.memory_space<vmem_shared>>
        %dma_start3A_177 = arith.constant 0 : i32
        %dma_start3A_178 = arith.constant 0 : i32
        %dma_start3A_179 = tpu.memref_slice %arg15[%dma_start3A_177, %dma_start3A_178] : memref<80x128xf32, #tpu.memory_space<vmem>> -> memref<40x128xf32, #tpu.memory_space<vmem>>
        tpu.enqueue_dma source(%dma_start3A_179 : memref<40x128xf32, #tpu.memory_space<vmem>>) target(%dma_start3A_176 : memref<40x128xf32, #tpu.memory_space<vmem_shared>>) target_semaphore(%run_scoped3A : memref<!tpu.dma_semaphore, #tpu.memory_space<semaphore_mem>>)
        %dma_wait3A = arith.constant 0 : i32
        %dma_wait3A_180 = arith.constant 0 : i32
        %dma_wait3A_181 = tpu.memref_slice %arg15[%dma_wait3A, %dma_wait3A_180] : memref<80x128xf32, #tpu.memory_space<vmem>> -> memref<40x128xf32, #tpu.memory_space<vmem>>
        %dma_wait3A_182 = arith.constant 0 : i32
        %dma_wait3A_183 = tpu.memref_slice %arg20[%add3A_162, %dma_wait3A_182] : memref<10000x128xf32, #tpu.memory_space<vmem_shared>> -> memref<40x128xf32, #tpu.memory_space<vmem_shared>>
        %dma_wait3A_184 = arith.constant 0 : i32
        %dma_wait3A_185 = tpu.memref_slice %arg20[%add3A_162, %dma_wait3A_184] : memref<10000x128xf32, #tpu.memory_space<vmem_shared>> -> memref<40x128xf32, #tpu.memory_space<vmem_shared>>
        %dma_wait3A_186 = arith.constant 0 : i32
        %dma_wait3A_187 = arith.constant 0 : i32
        %dma_wait3A_188 = tpu.memref_slice %arg15[%dma_wait3A_186, %dma_wait3A_187] : memref<80x128xf32, #tpu.memory_space<vmem>> -> memref<40x128xf32, #tpu.memory_space<vmem>>
        tpu.wait_dma2 semaphore(%run_scoped3A : memref<!tpu.dma_semaphore, #tpu.memory_space<semaphore_mem>>) src(%dma_wait3A_188 : memref<40x128xf32, #tpu.memory_space<vmem>>) dst(%dma_wait3A_185 : memref<40x128xf32, #tpu.memory_space<vmem_shared>>)
        tpu.yield
      }) : () -> ()
      %add3A_163 = arith.constant 960 : i32
      %add3A_164 = arith.addi %mul3A_114, %add3A_163 : i32
      "tpu.region"() ({
        %run_scoped3A = tpu.sem_alloc : memref<!tpu.dma_semaphore, #tpu.memory_space<semaphore_mem>>
        %dma_start3A = arith.constant 0 : i32
        %dma_start3A_171 = arith.constant 0 : i32
        %dma_start3A_172 = tpu.memref_slice %arg15[%dma_start3A, %dma_start3A_171] : memref<80x128xf32, #tpu.memory_space<vmem>> -> memref<40x128xf32, #tpu.memory_space<vmem>>
        %dma_start3A_173 = arith.constant 0 : i32
        %dma_start3A_174 = tpu.memref_slice %arg20[%add3A_164, %dma_start3A_173] : memref<10000x128xf32, #tpu.memory_space<vmem_shared>> -> memref<40x128xf32, #tpu.memory_space<vmem_shared>>
        %dma_start3A_175 = arith.constant 0 : i32
        %dma_start3A_176 = tpu.memref_slice %arg20[%add3A_164, %dma_start3A_175] : memref<10000x128xf32, #tpu.memory_space<vmem_shared>> -> memref<40x128xf32, #tpu.memory_space<vmem_shared>>
        %dma_start3A_177 = arith.constant 0 : i32
        %dma_start3A_178 = arith.constant 0 : i32
        %dma_start3A_179 = tpu.memref_slice %arg15[%dma_start3A_177, %dma_start3A_178] : memref<80x128xf32, #tpu.memory_space<vmem>> -> memref<40x128xf32, #tpu.memory_space<vmem>>
        tpu.enqueue_dma source(%dma_start3A_179 : memref<40x128xf32, #tpu.memory_space<vmem>>) target(%dma_start3A_176 : memref<40x128xf32, #tpu.memory_space<vmem_shared>>) target_semaphore(%run_scoped3A : memref<!tpu.dma_semaphore, #tpu.memory_space<semaphore_mem>>)
        %dma_wait3A = arith.constant 0 : i32
        %dma_wait3A_180 = arith.constant 0 : i32
        %dma_wait3A_181 = tpu.memref_slice %arg15[%dma_wait3A, %dma_wait3A_180] : memref<80x128xf32, #tpu.memory_space<vmem>> -> memref<40x128xf32, #tpu.memory_space<vmem>>
        %dma_wait3A_182 = arith.constant 0 : i32
        %dma_wait3A_183 = tpu.memref_slice %arg20[%add3A_164, %dma_wait3A_182] : memref<10000x128xf32, #tpu.memory_space<vmem_shared>> -> memref<40x128xf32, #tpu.memory_space<vmem_shared>>
        %dma_wait3A_184 = arith.constant 0 : i32
        %dma_wait3A_185 = tpu.memref_slice %arg20[%add3A_164, %dma_wait3A_184] : memref<10000x128xf32, #tpu.memory_space<vmem_shared>> -> memref<40x128xf32, #tpu.memory_space<vmem_shared>>
        %dma_wait3A_186 = arith.constant 0 : i32
        %dma_wait3A_187 = arith.constant 0 : i32
        %dma_wait3A_188 = tpu.memref_slice %arg15[%dma_wait3A_186, %dma_wait3A_187] : memref<80x128xf32, #tpu.memory_space<vmem>> -> memref<40x128xf32, #tpu.memory_space<vmem>>
        tpu.wait_dma2 semaphore(%run_scoped3A : memref<!tpu.dma_semaphore, #tpu.memory_space<semaphore_mem>>) src(%dma_wait3A_188 : memref<40x128xf32, #tpu.memory_space<vmem>>) dst(%dma_wait3A_185 : memref<40x128xf32, #tpu.memory_space<vmem_shared>>)
        tpu.yield
      }) : () -> ()
      %scan3A_165 = arith.constant 0 : i32
      %scan3A_166 = arith.constant 0 : i32
      %scan3A_167 = arith.constant 25 : i32
      %scan3A_168 = arith.addi %scan3A_166, %scan3A_167 : i32
      %scan3A_169 = arith.constant 1 : i32
      scf.for %scan3A_171 = %scan3A_166 to %scan3A_168 step %scan3A_169  : i32 {
        %mul3A_172 = arith.constant 40 : i32
        %mul3A_173 = arith.muli %scan3A_171, %mul3A_172 : i32
        %add3A_174 = arith.addi %mul3A_114, %mul3A_173 : i32
        %multiple_of3A = tpu.assume_multiple %add3A_174, 8 : i32
        "tpu.region"() ({
          %run_scoped3A = tpu.sem_alloc : memref<!tpu.dma_semaphore, #tpu.memory_space<semaphore_mem>>
          %dma_start3A = arith.constant 0 : i32
          %dma_start3A_175 = tpu.memref_slice %arg16[%dma_start3A] : memref<80xf32, #tpu.memory_space<vmem>> -> memref<40xf32, #tpu.memory_space<vmem>>
          %dma_start3A_176 = tpu.memref_slice %arg21[%multiple_of3A] : memref<10000xf32, #tpu.memory_space<vmem_shared>> -> memref<40xf32, #tpu.memory_space<vmem_shared>>
          %dma_start3A_177 = tpu.memref_slice %arg21[%multiple_of3A] : memref<10000xf32, #tpu.memory_space<vmem_shared>> -> memref<40xf32, #tpu.memory_space<vmem_shared>>
          %dma_start3A_178 = arith.constant 0 : i32
          %dma_start3A_179 = tpu.memref_slice %arg16[%dma_start3A_178] : memref<80xf32, #tpu.memory_space<vmem>> -> memref<40xf32, #tpu.memory_space<vmem>>
          tpu.enqueue_dma source(%dma_start3A_179 : memref<40xf32, #tpu.memory_space<vmem>>) target(%dma_start3A_177 : memref<40xf32, #tpu.memory_space<vmem_shared>>) target_semaphore(%run_scoped3A : memref<!tpu.dma_semaphore, #tpu.memory_space<semaphore_mem>>)
          %dma_wait3A = arith.constant 0 : i32
          %dma_wait3A_180 = tpu.memref_slice %arg16[%dma_wait3A] : memref<80xf32, #tpu.memory_space<vmem>> -> memref<40xf32, #tpu.memory_space<vmem>>
          %dma_wait3A_181 = tpu.memref_slice %arg21[%multiple_of3A] : memref<10000xf32, #tpu.memory_space<vmem_shared>> -> memref<40xf32, #tpu.memory_space<vmem_shared>>
          %dma_wait3A_182 = tpu.memref_slice %arg21[%multiple_of3A] : memref<10000xf32, #tpu.memory_space<vmem_shared>> -> memref<40xf32, #tpu.memory_space<vmem_shared>>
          %dma_wait3A_183 = arith.constant 0 : i32
          %dma_wait3A_184 = tpu.memref_slice %arg16[%dma_wait3A_183] : memref<80xf32, #tpu.memory_space<vmem>> -> memref<40xf32, #tpu.memory_space<vmem>>
          tpu.wait_dma2 semaphore(%run_scoped3A : memref<!tpu.dma_semaphore, #tpu.memory_space<semaphore_mem>>) src(%dma_wait3A_184 : memref<40xf32, #tpu.memory_space<vmem>>) dst(%dma_wait3A_182 : memref<40xf32, #tpu.memory_space<vmem_shared>>)
          tpu.yield
        }) : () -> ()
      }
      %scan3A_170 = arith.constant 25 : i32
    } else {
    }
    %barrier3A = arith.constant 0 : index
    tpu.barrier barrier_id(%barrier3A)
    %iota3A = tpu.iota {dimensions = array<i32: 0>} : vector<16xi32>
    %mul3A_93 = arith.constant 125 : i32
    %mul3A_94 = arith.muli %add3A, %mul3A_93 : i32
    %mul3A_95 = arith.constant 256 : i32
    %mul3A_96 = arith.muli %mul3A_94, %mul3A_95 : i32
    %scan3A_97 = arith.constant 0 : i32
    %scan3A_98 = arith.constant 0 : i32
    %scan3A_99 = arith.constant 125 : i32
    %scan3A_100 = arith.addi %scan3A_98, %scan3A_99 : i32
    %scan3A_101 = arith.constant 1 : i32
    scf.for %scan3A_113 = %scan3A_98 to %scan3A_100 step %scan3A_101  : i32 {
      %rem3A = arith.constant 25 : i32
      %rem3A_114 = arith.remsi %scan3A_113, %rem3A : i32
      %mul3A_115 = arith.constant 256 : i32
      %mul3A_116 = arith.muli %rem3A_114, %mul3A_115 : i32
      %multiple_of3A = tpu.assume_multiple %mul3A_116, 8 : i32
      %rem3A_117 = arith.constant 25 : i32
      %rem3A_118 = arith.remsi %scan3A_113, %rem3A_117 : i32
      %eq3A_119 = arith.constant 0 : i32
      %eq3A_120 = arith.cmpi eq, %rem3A_118, %eq3A_119 : i32
      %convert_element_type3A_121 = arith.extui %eq3A_120 : i1 to i32
      %cond3A_122 = arith.constant 0 : i32
      %cond3A_123 = arith.cmpi ne, %convert_element_type3A_121, %cond3A_122 : i32
      scf.if %cond3A_123 {
        %mul3A_308 = arith.constant 256 : i32
        %mul3A_309 = arith.muli %scan3A_113, %mul3A_308 : i32
        %add3A_310 = arith.addi %mul3A_96, %mul3A_309 : i32
        %multiple_of3A_311 = tpu.assume_multiple %add3A_310, 8 : i32
        "tpu.region"() ({
          %run_scoped3A = tpu.sem_alloc : memref<!tpu.dma_semaphore, #tpu.memory_space<semaphore_mem>>
          %dma_start3A_312 = tpu.memref_slice %arg2[%multiple_of3A_311] : memref<1024000xi32, #tpu.memory_space<hbm>> -> memref<6400xi32, #tpu.memory_space<hbm>>
          %dma_start3A_313 = tpu.memref_slice %arg2[%multiple_of3A_311] : memref<1024000xi32, #tpu.memory_space<hbm>> -> memref<6400xi32, #tpu.memory_space<hbm>>
          tpu.enqueue_dma source(%dma_start3A_313 : memref<6400xi32, #tpu.memory_space<hbm>>) target(%arg8 : memref<6400xi32, #tpu.memory_space<vmem>>) target_semaphore(%run_scoped3A : memref<!tpu.dma_semaphore, #tpu.memory_space<semaphore_mem>>)
          %dma_wait3A_314 = tpu.memref_slice %arg2[%multiple_of3A_311] : memref<1024000xi32, #tpu.memory_space<hbm>> -> memref<6400xi32, #tpu.memory_space<hbm>>
          %dma_wait3A_315 = tpu.memref_slice %arg2[%multiple_of3A_311] : memref<1024000xi32, #tpu.memory_space<hbm>> -> memref<6400xi32, #tpu.memory_space<hbm>>
          tpu.wait_dma2 semaphore(%run_scoped3A : memref<!tpu.dma_semaphore, #tpu.memory_space<semaphore_mem>>) src(%dma_wait3A_315 : memref<6400xi32, #tpu.memory_space<hbm>>) dst(%arg8 : memref<6400xi32, #tpu.memory_space<vmem>>)
          tpu.yield
        }) : () -> ()
      } else {
      }
      %add3A_124 = arith.constant 0 : i32
      %add3A_125 = arith.addi %multiple_of3A, %add3A_124 : i32
      %get3A = arith.index_cast %add3A_125 : i32 to index
      %get3A_126 = tpu.vector_load %arg8[%get3A] {strides = array<i32>} : memref<6400xi32, #tpu.memory_space<vmem>>, vector<16xi32>,
      %swap3A_127 = arith.constant 0 : index
      %swap3A_128 = tpu.vector_load %arg9[%swap3A_127] {strides = array<i32>} : memref<80xi32, #tpu.memory_space<vmem>>, vector<16xi32>,
      tpu.vector_store %arg9[%swap3A_127], %get3A_126 {strides = array<i32>} : memref<80xi32, #tpu.memory_space<vmem>>, vector<16xi32>,
      %add3A_129 = arith.constant 80 : i32
      %add3A_130 = arith.addi %multiple_of3A, %add3A_129 : i32
      %add3A_131 = arith.constant 0 : i32
      %add3A_132 = arith.addi %add3A_130, %add3A_131 : i32
      %get3A_133 = arith.index_cast %add3A_132 : i32 to index
      %get3A_134 = tpu.vector_load %arg8[%get3A_133] {strides = array<i32>} : memref<6400xi32, #tpu.memory_space<vmem>>, vector<16xi32>,
      %swap3A_135 = arith.constant 0 : index
      %swap3A_136 = tpu.vector_load %arg10[%swap3A_135] {strides = array<i32>} : memref<80xi32, #tpu.memory_space<vmem>>, vector<16xi32>,
      tpu.vector_store %arg10[%swap3A_135], %get3A_134 {strides = array<i32>} : memref<80xi32, #tpu.memory_space<vmem>>, vector<16xi32>,
      %sub3A = vector.broadcast %mul3A_10 : i32 to vector<16xi32>
      %sub3A_137 = arith.subi %get3A_134, %sub3A : vector<16xi32>
      %swap3A_138 = arith.constant 0 : index
      %swap3A_139 = tpu.vector_load %arg12[%swap3A_138] {strides = array<i32>} : memref<80xi32, #tpu.memory_space<vmem>>, vector<16xi32>,
      tpu.vector_store %arg12[%swap3A_138], %sub3A_137 {strides = array<i32>} : memref<80xi32, #tpu.memory_space<vmem>>, vector<16xi32>,
      %add3A_140 = arith.constant 160 : i32
      %add3A_141 = arith.addi %multiple_of3A, %add3A_140 : i32
      %add3A_142 = arith.constant 0 : i32
      %add3A_143 = arith.addi %add3A_141, %add3A_142 : i32
      %get3A_144 = arith.index_cast %add3A_143 : i32 to index
      %get3A_145 = tpu.vector_load %arg8[%get3A_144] {strides = array<i32>} : memref<6400xi32, #tpu.memory_space<vmem>>, vector<16xi32>,
      %swap3A_146 = arith.constant 0 : index
      %swap3A_147 = tpu.vector_load %arg11[%swap3A_146] {strides = array<i32>} : memref<80xi32, #tpu.memory_space<vmem>>, vector<16xi32>,
      tpu.vector_store %arg11[%swap3A_146], %get3A_145 {strides = array<i32>} : memref<80xi32, #tpu.memory_space<vmem>>, vector<16xi32>,
      %add3A_148 = arith.constant 16 : i32
      %add3A_149 = arith.addi %multiple_of3A, %add3A_148 : i32
      %get3A_150 = arith.index_cast %add3A_149 : i32 to index
      %get3A_151 = tpu.vector_load %arg8[%get3A_150] {strides = array<i32>} : memref<6400xi32, #tpu.memory_space<vmem>>, vector<16xi32>,
      %swap3A_152 = arith.constant 16 : index
      %swap3A_153 = tpu.vector_load %arg9[%swap3A_152] {strides = array<i32>} : memref<80xi32, #tpu.memory_space<vmem>>, vector<16xi32>,
      tpu.vector_store %arg9[%swap3A_152], %get3A_151 {strides = array<i32>} : memref<80xi32, #tpu.memory_space<vmem>>, vector<16xi32>,
      %add3A_154 = arith.constant 80 : i32
      %add3A_155 = arith.addi %multiple_of3A, %add3A_154 : i32
      %add3A_156 = arith.constant 16 : i32
      %add3A_157 = arith.addi %add3A_155, %add3A_156 : i32
      %get3A_158 = arith.index_cast %add3A_157 : i32 to index
      %get3A_159 = tpu.vector_load %arg8[%get3A_158] {strides = array<i32>} : memref<6400xi32, #tpu.memory_space<vmem>>, vector<16xi32>,
      %swap3A_160 = arith.constant 16 : index
      %swap3A_161 = tpu.vector_load %arg10[%swap3A_160] {strides = array<i32>} : memref<80xi32, #tpu.memory_space<vmem>>, vector<16xi32>,
      tpu.vector_store %arg10[%swap3A_160], %get3A_159 {strides = array<i32>} : memref<80xi32, #tpu.memory_space<vmem>>, vector<16xi32>,
      %sub3A_162 = vector.broadcast %mul3A_10 : i32 to vector<16xi32>
      %sub3A_163 = arith.subi %get3A_159, %sub3A_162 : vector<16xi32>
      %swap3A_164 = arith.constant 16 : index
      %swap3A_165 = tpu.vector_load %arg12[%swap3A_164] {strides = array<i32>} : memref<80xi32, #tpu.memory_space<vmem>>, vector<16xi32>,
      tpu.vector_store %arg12[%swap3A_164], %sub3A_163 {strides = array<i32>} : memref<80xi32, #tpu.memory_space<vmem>>, vector<16xi32>,
      %add3A_166 = arith.constant 160 : i32
      %add3A_167 = arith.addi %multiple_of3A, %add3A_166 : i32
      %add3A_168 = arith.constant 16 : i32
      %add3A_169 = arith.addi %add3A_167, %add3A_168 : i32
      %get3A_170 = arith.index_cast %add3A_169 : i32 to index
      %get3A_171 = tpu.vector_load %arg8[%get3A_170] {strides = array<i32>} : memref<6400xi32, #tpu.memory_space<vmem>>, vector<16xi32>,
      %swap3A_172 = arith.constant 16 : index
      %swap3A_173 = tpu.vector_load %arg11[%swap3A_172] {strides = array<i32>} : memref<80xi32, #tpu.memory_space<vmem>>, vector<16xi32>,
      tpu.vector_store %arg11[%swap3A_172], %get3A_171 {strides = array<i32>} : memref<80xi32, #tpu.memory_space<vmem>>, vector<16xi32>,
      %add3A_174 = arith.constant 32 : i32
      %add3A_175 = arith.addi %multiple_of3A, %add3A_174 : i32
      %get3A_176 = arith.index_cast %add3A_175 : i32 to index
      %get3A_177 = tpu.vector_load %arg8[%get3A_176] {strides = array<i32>} : memref<6400xi32, #tpu.memory_space<vmem>>, vector<16xi32>,
      %swap3A_178 = arith.constant 32 : index
      %swap3A_179 = tpu.vector_load %arg9[%swap3A_178] {strides = array<i32>} : memref<80xi32, #tpu.memory_space<vmem>>, vector<16xi32>,
      tpu.vector_store %arg9[%swap3A_178], %get3A_177 {strides = array<i32>} : memref<80xi32, #tpu.memory_space<vmem>>, vector<16xi32>,
      %add3A_180 = arith.constant 80 : i32
      %add3A_181 = arith.addi %multiple_of3A, %add3A_180 : i32
      %add3A_182 = arith.constant 32 : i32
      %add3A_183 = arith.addi %add3A_181, %add3A_182 : i32
      %get3A_184 = arith.index_cast %add3A_183 : i32 to index
      %get3A_185 = tpu.vector_load %arg8[%get3A_184] {strides = array<i32>} : memref<6400xi32, #tpu.memory_space<vmem>>, vector<16xi32>,
      %swap3A_186 = arith.constant 32 : index
      %swap3A_187 = tpu.vector_load %arg10[%swap3A_186] {strides = array<i32>} : memref<80xi32, #tpu.memory_space<vmem>>, vector<16xi32>,
      tpu.vector_store %arg10[%swap3A_186], %get3A_185 {strides = array<i32>} : memref<80xi32, #tpu.memory_space<vmem>>, vector<16xi32>,
      %sub3A_188 = vector.broadcast %mul3A_10 : i32 to vector<16xi32>
      %sub3A_189 = arith.subi %get3A_185, %sub3A_188 : vector<16xi32>
      %swap3A_190 = arith.constant 32 : index
      %swap3A_191 = tpu.vector_load %arg12[%swap3A_190] {strides = array<i32>} : memref<80xi32, #tpu.memory_space<vmem>>, vector<16xi32>,
      tpu.vector_store %arg12[%swap3A_190], %sub3A_189 {strides = array<i32>} : memref<80xi32, #tpu.memory_space<vmem>>, vector<16xi32>,
      %add3A_192 = arith.constant 160 : i32
      %add3A_193 = arith.addi %multiple_of3A, %add3A_192 : i32
      %add3A_194 = arith.constant 32 : i32
      %add3A_195 = arith.addi %add3A_193, %add3A_194 : i32
      %get3A_196 = arith.index_cast %add3A_195 : i32 to index
      %get3A_197 = tpu.vector_load %arg8[%get3A_196] {strides = array<i32>} : memref<6400xi32, #tpu.memory_space<vmem>>, vector<16xi32>,
      %swap3A_198 = arith.constant 32 : index
      %swap3A_199 = tpu.vector_load %arg11[%swap3A_198] {strides = array<i32>} : memref<80xi32, #tpu.memory_space<vmem>>, vector<16xi32>,
      tpu.vector_store %arg11[%swap3A_198], %get3A_197 {strides = array<i32>} : memref<80xi32, #tpu.memory_space<vmem>>, vector<16xi32>,
      %add3A_200 = arith.constant 48 : i32
      %add3A_201 = arith.addi %multiple_of3A, %add3A_200 : i32
      %get3A_202 = arith.index_cast %add3A_201 : i32 to index
      %get3A_203 = tpu.vector_load %arg8[%get3A_202] {strides = array<i32>} : memref<6400xi32, #tpu.memory_space<vmem>>, vector<16xi32>,
      %swap3A_204 = arith.constant 48 : index
      %swap3A_205 = tpu.vector_load %arg9[%swap3A_204] {strides = array<i32>} : memref<80xi32, #tpu.memory_space<vmem>>, vector<16xi32>,
      tpu.vector_store %arg9[%swap3A_204], %get3A_203 {strides = array<i32>} : memref<80xi32, #tpu.memory_space<vmem>>, vector<16xi32>,
      %add3A_206 = arith.constant 80 : i32
      %add3A_207 = arith.addi %multiple_of3A, %add3A_206 : i32
      %add3A_208 = arith.constant 48 : i32
      %add3A_209 = arith.addi %add3A_207, %add3A_208 : i32
      %get3A_210 = arith.index_cast %add3A_209 : i32 to index
      %get3A_211 = tpu.vector_load %arg8[%get3A_210] {strides = array<i32>} : memref<6400xi32, #tpu.memory_space<vmem>>, vector<16xi32>,
      %swap3A_212 = arith.constant 48 : index
      %swap3A_213 = tpu.vector_load %arg10[%swap3A_212] {strides = array<i32>} : memref<80xi32, #tpu.memory_space<vmem>>, vector<16xi32>,
      tpu.vector_store %arg10[%swap3A_212], %get3A_211 {strides = array<i32>} : memref<80xi32, #tpu.memory_space<vmem>>, vector<16xi32>,
      %sub3A_214 = vector.broadcast %mul3A_10 : i32 to vector<16xi32>
      %sub3A_215 = arith.subi %get3A_211, %sub3A_214 : vector<16xi32>
      %swap3A_216 = arith.constant 48 : index
      %swap3A_217 = tpu.vector_load %arg12[%swap3A_216] {strides = array<i32>} : memref<80xi32, #tpu.memory_space<vmem>>, vector<16xi32>,
      tpu.vector_store %arg12[%swap3A_216], %sub3A_215 {strides = array<i32>} : memref<80xi32, #tpu.memory_space<vmem>>, vector<16xi32>,
      %add3A_218 = arith.constant 160 : i32
      %add3A_219 = arith.addi %multiple_of3A, %add3A_218 : i32
      %add3A_220 = arith.constant 48 : i32
      %add3A_221 = arith.addi %add3A_219, %add3A_220 : i32
      %get3A_222 = arith.index_cast %add3A_221 : i32 to index
      %get3A_223 = tpu.vector_load %arg8[%get3A_222] {strides = array<i32>} : memref<6400xi32, #tpu.memory_space<vmem>>, vector<16xi32>,
      %swap3A_224 = arith.constant 48 : index
      %swap3A_225 = tpu.vector_load %arg11[%swap3A_224] {strides = array<i32>} : memref<80xi32, #tpu.memory_space<vmem>>, vector<16xi32>,
      tpu.vector_store %arg11[%swap3A_224], %get3A_223 {strides = array<i32>} : memref<80xi32, #tpu.memory_space<vmem>>, vector<16xi32>,
      %add3A_226 = arith.constant 64 : i32
      %add3A_227 = arith.addi %multiple_of3A, %add3A_226 : i32
      %get3A_228 = arith.index_cast %add3A_227 : i32 to index
      %get3A_229 = tpu.vector_load %arg8[%get3A_228] {strides = array<i32>} : memref<6400xi32, #tpu.memory_space<vmem>>, vector<16xi32>,
      %swap3A_230 = arith.constant 64 : index
      %swap3A_231 = tpu.vector_load %arg9[%swap3A_230] {strides = array<i32>} : memref<80xi32, #tpu.memory_space<vmem>>, vector<16xi32>,
      tpu.vector_store %arg9[%swap3A_230], %get3A_229 {strides = array<i32>} : memref<80xi32, #tpu.memory_space<vmem>>, vector<16xi32>,
      %add3A_232 = arith.constant 80 : i32
      %add3A_233 = arith.addi %multiple_of3A, %add3A_232 : i32
      %add3A_234 = arith.constant 64 : i32
      %add3A_235 = arith.addi %add3A_233, %add3A_234 : i32
      %get3A_236 = arith.index_cast %add3A_235 : i32 to index
      %get3A_237 = tpu.vector_load %arg8[%get3A_236] {strides = array<i32>} : memref<6400xi32, #tpu.memory_space<vmem>>, vector<16xi32>,
      %swap3A_238 = arith.constant 64 : index
      %swap3A_239 = tpu.vector_load %arg10[%swap3A_238] {strides = array<i32>} : memref<80xi32, #tpu.memory_space<vmem>>, vector<16xi32>,
      tpu.vector_store %arg10[%swap3A_238], %get3A_237 {strides = array<i32>} : memref<80xi32, #tpu.memory_space<vmem>>, vector<16xi32>,
      %sub3A_240 = vector.broadcast %mul3A_10 : i32 to vector<16xi32>
      %sub3A_241 = arith.subi %get3A_237, %sub3A_240 : vector<16xi32>
      %swap3A_242 = arith.constant 64 : index
      %swap3A_243 = tpu.vector_load %arg12[%swap3A_242] {strides = array<i32>} : memref<80xi32, #tpu.memory_space<vmem>>, vector<16xi32>,
      tpu.vector_store %arg12[%swap3A_242], %sub3A_241 {strides = array<i32>} : memref<80xi32, #tpu.memory_space<vmem>>, vector<16xi32>,
      %add3A_244 = arith.constant 160 : i32
      %add3A_245 = arith.addi %multiple_of3A, %add3A_244 : i32
      %add3A_246 = arith.constant 64 : i32
      %add3A_247 = arith.addi %add3A_245, %add3A_246 : i32
      %get3A_248 = arith.index_cast %add3A_247 : i32 to index
      %get3A_249 = tpu.vector_load %arg8[%get3A_248] {strides = array<i32>} : memref<6400xi32, #tpu.memory_space<vmem>>, vector<16xi32>,
      %swap3A_250 = arith.constant 64 : index
      %swap3A_251 = tpu.vector_load %arg11[%swap3A_250] {strides = array<i32>} : memref<80xi32, #tpu.memory_space<vmem>>, vector<16xi32>,
      tpu.vector_store %arg11[%swap3A_250], %get3A_249 {strides = array<i32>} : memref<80xi32, #tpu.memory_space<vmem>>, vector<16xi32>,
      %dma_start3A = arith.constant 0 : i32
      %dma_start3A_252 = arith.constant 0 : i32
      %dma_start3A_253 = tpu.memref_slice %arg3[%dma_start3A, %dma_start3A_252] : memref<70000x128xf32, #tpu.memory_space<hbm>> -> memref<70000x128xf32, #tpu.memory_space<hbm>>
      tpu.enqueue_indirect_dma source(%dma_start3A_253 : memref<70000x128xf32, #tpu.memory_space<hbm>>) target(%arg13 : memref<80x128xf32, #tpu.memory_space<vmem>>) offsets(%arg9 : memref<80xi32, #tpu.memory_space<vmem>>) semaphore(%arg22 : memref<!tpu.dma_semaphore, #tpu.memory_space<semaphore_mem>>)
      %dma_start3A_254 = arith.constant 0 : i32
      %dma_start3A_255 = arith.constant 0 : i32
      %dma_start3A_256 = tpu.memref_slice %arg3[%dma_start3A_254, %dma_start3A_255] : memref<70000x128xf32, #tpu.memory_space<hbm>> -> memref<70000x128xf32, #tpu.memory_space<hbm>>
      tpu.enqueue_indirect_dma source(%dma_start3A_256 : memref<70000x128xf32, #tpu.memory_space<hbm>>) target(%arg14 : memref<80x128xf32, #tpu.memory_space<vmem>>) offsets(%arg10 : memref<80xi32, #tpu.memory_space<vmem>>) semaphore(%arg22 : memref<!tpu.dma_semaphore, #tpu.memory_space<semaphore_mem>>)
      %dma_start3A_257 = arith.constant 0 : i32
      %dma_start3A_258 = arith.constant 0 : i32
      %dma_start3A_259 = tpu.memref_slice %arg3[%dma_start3A_257, %dma_start3A_258] : memref<70000x128xf32, #tpu.memory_space<hbm>> -> memref<70000x128xf32, #tpu.memory_space<hbm>>
      tpu.enqueue_indirect_dma source(%dma_start3A_259 : memref<70000x128xf32, #tpu.memory_space<hbm>>) target(%arg15 : memref<80x128xf32, #tpu.memory_space<vmem>>) offsets(%arg11 : memref<80xi32, #tpu.memory_space<vmem>>) semaphore(%arg22 : memref<!tpu.dma_semaphore, #tpu.memory_space<semaphore_mem>>)
      %dma_wait3A = arith.constant 0 : i32
      %dma_wait3A_260 = arith.constant 0 : i32
      %dma_wait3A_261 = tpu.memref_slice %arg3[%dma_wait3A, %dma_wait3A_260] : memref<70000x128xf32, #tpu.memory_space<hbm>> -> memref<70000x128xf32, #tpu.memory_space<hbm>>
      tpu.wait_indirect_dma semaphore(%arg22 : memref<!tpu.dma_semaphore, #tpu.memory_space<semaphore_mem>>) src(%dma_wait3A_261 : memref<70000x128xf32, #tpu.memory_space<hbm>>) dst(%arg13 : memref<80x128xf32, #tpu.memory_space<vmem>>)
      %dma_wait3A_262 = arith.constant 0 : i32
      %dma_wait3A_263 = arith.constant 0 : i32
      %dma_wait3A_264 = tpu.memref_slice %arg3[%dma_wait3A_262, %dma_wait3A_263] : memref<70000x128xf32, #tpu.memory_space<hbm>> -> memref<70000x128xf32, #tpu.memory_space<hbm>>
      tpu.wait_indirect_dma semaphore(%arg22 : memref<!tpu.dma_semaphore, #tpu.memory_space<semaphore_mem>>) src(%dma_wait3A_264 : memref<70000x128xf32, #tpu.memory_space<hbm>>) dst(%arg14 : memref<80x128xf32, #tpu.memory_space<vmem>>)
      %dma_wait3A_265 = arith.constant 0 : i32
      %dma_wait3A_266 = arith.constant 0 : i32
      %dma_wait3A_267 = tpu.memref_slice %arg3[%dma_wait3A_265, %dma_wait3A_266] : memref<70000x128xf32, #tpu.memory_space<hbm>> -> memref<70000x128xf32, #tpu.memory_space<hbm>>
      tpu.wait_indirect_dma semaphore(%arg22 : memref<!tpu.dma_semaphore, #tpu.memory_space<semaphore_mem>>) src(%dma_wait3A_267 : memref<70000x128xf32, #tpu.memory_space<hbm>>) dst(%arg15 : memref<80x128xf32, #tpu.memory_space<vmem>>)
      %get3A_268 = arith.constant 0 : index
      %get3A_269 = tpu.vector_load %arg18[%get3A_268] {strides = array<i32>} : memref<128xf32, #tpu.memory_space<vmem>>, vector<16xf32>,
      %get3A_270 = arith.constant 16 : index
      %get3A_271 = tpu.vector_load %arg18[%get3A_270] {strides = array<i32>} : memref<128xf32, #tpu.memory_space<vmem>>, vector<16xf32>,
      %get3A_272 = arith.constant 32 : index
      %get3A_273 = tpu.vector_load %arg18[%get3A_272] {strides = array<i32>} : memref<128xf32, #tpu.memory_space<vmem>>, vector<16xf32>,
      %get3A_274 = arith.constant 48 : index
      %get3A_275 = tpu.vector_load %arg18[%get3A_274] {strides = array<i32>} : memref<128xf32, #tpu.memory_space<vmem>>, vector<16xf32>,
      %get3A_276 = arith.constant 64 : index
      %get3A_277 = tpu.vector_load %arg18[%get3A_276] {strides = array<i32>} : memref<128xf32, #tpu.memory_space<vmem>>, vector<16xf32>,
      %get3A_278 = arith.constant 80 : index
      %get3A_279 = tpu.vector_load %arg18[%get3A_278] {strides = array<i32>} : memref<128xf32, #tpu.memory_space<vmem>>, vector<16xf32>,
      %get3A_280 = arith.constant 96 : index
      %get3A_281 = tpu.vector_load %arg18[%get3A_280] {strides = array<i32>} : memref<128xf32, #tpu.memory_space<vmem>>, vector<16xf32>,
      %get3A_282 = arith.constant 112 : index
      %get3A_283 = tpu.vector_load %arg18[%get3A_282] {strides = array<i32>} : memref<128xf32, #tpu.memory_space<vmem>>, vector<16xf32>,
      %get3A_284 = arith.constant 0 : index
      %get3A_285 = tpu.vector_load %arg19[%get3A_284] {strides = array<i32>} : memref<16xf32, #tpu.memory_space<vmem>>, vector<16xf32>,
      %scan3A_286 = arith.constant 0 : i32
      %scan3A_287 = arith.constant 0 : i32
      %scan3A_288 = arith.constant 5 : i32
      %scan3A_289 = arith.addi %scan3A_287, %scan3A_288 : i32
      %scan3A_290 = arith.constant 1 : i32
      scf.for %scan3A_308 = %scan3A_287 to %scan3A_289 step %scan3A_290  : i32 {
        %mul3A_309 = arith.constant 16 : i32
        %mul3A_310 = arith.muli %scan3A_308, %mul3A_309 : i32
        %add3A_311 = arith.constant 0 : i32
        %add3A_312 = arith.addi %mul3A_310, %add3A_311 : i32
        %get3A_313 = arith.index_cast %add3A_312 : i32 to index
        %get3A_314 = arith.constant 0 : index
        %get3A_315 = tpu.vector_load %arg13[%get3A_313, %get3A_314] {strides = array<i32>} : memref<80x128xf32, #tpu.memory_space<vmem>>, vector<16xf32>,
        %get3A_316 = arith.index_cast %add3A_312 : i32 to index
        %get3A_317 = arith.constant 0 : index
        %get3A_318 = tpu.vector_load %arg14[%get3A_316, %get3A_317] {strides = array<i32>} : memref<80x128xf32, #tpu.memory_space<vmem>>, vector<16xf32>,
        %add3A_319 = arith.addf %get3A_315, %get3A_318 : vector<16xf32>
        %max3A = arith.constant 0.000000e+00 : f32
        %max3A_320 = vector.broadcast %max3A : f32 to vector<16xf32>
        %max3A_321 = arith.maximumf %add3A_319, %max3A_320 : vector<16xf32>
        %mul3A_322 = arith.mulf %max3A_321, %get3A_269 : vector<16xf32>
        %get3A_323 = arith.index_cast %add3A_312 : i32 to index
        %get3A_324 = arith.constant 16 : index
        %get3A_325 = tpu.vector_load %arg13[%get3A_323, %get3A_324] {strides = array<i32>} : memref<80x128xf32, #tpu.memory_space<vmem>>, vector<16xf32>,
        %get3A_326 = arith.index_cast %add3A_312 : i32 to index
        %get3A_327 = arith.constant 16 : index
        %get3A_328 = tpu.vector_load %arg14[%get3A_326, %get3A_327] {strides = array<i32>} : memref<80x128xf32, #tpu.memory_space<vmem>>, vector<16xf32>,
        %add3A_329 = arith.addf %get3A_325, %get3A_328 : vector<16xf32>
        %max3A_330 = arith.constant 0.000000e+00 : f32
        %max3A_331 = vector.broadcast %max3A_330 : f32 to vector<16xf32>
        %max3A_332 = arith.maximumf %add3A_329, %max3A_331 : vector<16xf32>
        %mul3A_333 = arith.mulf %max3A_332, %get3A_271 : vector<16xf32>
        %add3A_334 = arith.addf %mul3A_322, %mul3A_333 : vector<16xf32>
        %get3A_335 = arith.index_cast %add3A_312 : i32 to index
        %get3A_336 = arith.constant 32 : index
        %get3A_337 = tpu.vector_load %arg13[%get3A_335, %get3A_336] {strides = array<i32>} : memref<80x128xf32, #tpu.memory_space<vmem>>, vector<16xf32>,
        %get3A_338 = arith.index_cast %add3A_312 : i32 to index
        %get3A_339 = arith.constant 32 : index
        %get3A_340 = tpu.vector_load %arg14[%get3A_338, %get3A_339] {strides = array<i32>} : memref<80x128xf32, #tpu.memory_space<vmem>>, vector<16xf32>,
        %add3A_341 = arith.addf %get3A_337, %get3A_340 : vector<16xf32>
        %max3A_342 = arith.constant 0.000000e+00 : f32
        %max3A_343 = vector.broadcast %max3A_342 : f32 to vector<16xf32>
        %max3A_344 = arith.maximumf %add3A_341, %max3A_343 : vector<16xf32>
        %mul3A_345 = arith.mulf %max3A_344, %get3A_273 : vector<16xf32>
        %add3A_346 = arith.addf %add3A_334, %mul3A_345 : vector<16xf32>
        %get3A_347 = arith.index_cast %add3A_312 : i32 to index
        %get3A_348 = arith.constant 48 : index
        %get3A_349 = tpu.vector_load %arg13[%get3A_347, %get3A_348] {strides = array<i32>} : memref<80x128xf32, #tpu.memory_space<vmem>>, vector<16xf32>,
        %get3A_350 = arith.index_cast %add3A_312 : i32 to index
        %get3A_351 = arith.constant 48 : index
        %get3A_352 = tpu.vector_load %arg14[%get3A_350, %get3A_351] {strides = array<i32>} : memref<80x128xf32, #tpu.memory_space<vmem>>, vector<16xf32>,
        %add3A_353 = arith.addf %get3A_349, %get3A_352 : vector<16xf32>
        %max3A_354 = arith.constant 0.000000e+00 : f32
        %max3A_355 = vector.broadcast %max3A_354 : f32 to vector<16xf32>
        %max3A_356 = arith.maximumf %add3A_353, %max3A_355 : vector<16xf32>
        %mul3A_357 = arith.mulf %max3A_356, %get3A_275 : vector<16xf32>
        %add3A_358 = arith.addf %add3A_346, %mul3A_357 : vector<16xf32>
        %get3A_359 = arith.index_cast %add3A_312 : i32 to index
        %get3A_360 = arith.constant 64 : index
        %get3A_361 = tpu.vector_load %arg13[%get3A_359, %get3A_360] {strides = array<i32>} : memref<80x128xf32, #tpu.memory_space<vmem>>, vector<16xf32>,
        %get3A_362 = arith.index_cast %add3A_312 : i32 to index
        %get3A_363 = arith.constant 64 : index
        %get3A_364 = tpu.vector_load %arg14[%get3A_362, %get3A_363] {strides = array<i32>} : memref<80x128xf32, #tpu.memory_space<vmem>>, vector<16xf32>,
        %add3A_365 = arith.addf %get3A_361, %get3A_364 : vector<16xf32>
        %max3A_366 = arith.constant 0.000000e+00 : f32
        %max3A_367 = vector.broadcast %max3A_366 : f32 to vector<16xf32>
        %max3A_368 = arith.maximumf %add3A_365, %max3A_367 : vector<16xf32>
        %mul3A_369 = arith.mulf %max3A_368, %get3A_277 : vector<16xf32>
        %add3A_370 = arith.addf %add3A_358, %mul3A_369 : vector<16xf32>
        %get3A_371 = arith.index_cast %add3A_312 : i32 to index
        %get3A_372 = arith.constant 80 : index
        %get3A_373 = tpu.vector_load %arg13[%get3A_371, %get3A_372] {strides = array<i32>} : memref<80x128xf32, #tpu.memory_space<vmem>>, vector<16xf32>,
        %get3A_374 = arith.index_cast %add3A_312 : i32 to index
        %get3A_375 = arith.constant 80 : index
        %get3A_376 = tpu.vector_load %arg14[%get3A_374, %get3A_375] {strides = array<i32>} : memref<80x128xf32, #tpu.memory_space<vmem>>, vector<16xf32>,
        %add3A_377 = arith.addf %get3A_373, %get3A_376 : vector<16xf32>
        %max3A_378 = arith.constant 0.000000e+00 : f32
        %max3A_379 = vector.broadcast %max3A_378 : f32 to vector<16xf32>
        %max3A_380 = arith.maximumf %add3A_377, %max3A_379 : vector<16xf32>
        %mul3A_381 = arith.mulf %max3A_380, %get3A_279 : vector<16xf32>
        %add3A_382 = arith.addf %add3A_370, %mul3A_381 : vector<16xf32>
        %get3A_383 = arith.index_cast %add3A_312 : i32 to index
        %get3A_384 = arith.constant 96 : index
        %get3A_385 = tpu.vector_load %arg13[%get3A_383, %get3A_384] {strides = array<i32>} : memref<80x128xf32, #tpu.memory_space<vmem>>, vector<16xf32>,
        %get3A_386 = arith.index_cast %add3A_312 : i32 to index
        %get3A_387 = arith.constant 96 : index
        %get3A_388 = tpu.vector_load %arg14[%get3A_386, %get3A_387] {strides = array<i32>} : memref<80x128xf32, #tpu.memory_space<vmem>>, vector<16xf32>,
        %add3A_389 = arith.addf %get3A_385, %get3A_388 : vector<16xf32>
        %max3A_390 = arith.constant 0.000000e+00 : f32
        %max3A_391 = vector.broadcast %max3A_390 : f32 to vector<16xf32>
        %max3A_392 = arith.maximumf %add3A_389, %max3A_391 : vector<16xf32>
        %mul3A_393 = arith.mulf %max3A_392, %get3A_281 : vector<16xf32>
        %add3A_394 = arith.addf %add3A_382, %mul3A_393 : vector<16xf32>
        %get3A_395 = arith.index_cast %add3A_312 : i32 to index
        %get3A_396 = arith.constant 112 : index
        %get3A_397 = tpu.vector_load %arg13[%get3A_395, %get3A_396] {strides = array<i32>} : memref<80x128xf32, #tpu.memory_space<vmem>>, vector<16xf32>,
        %get3A_398 = arith.index_cast %add3A_312 : i32 to index
        %get3A_399 = arith.constant 112 : index
        %get3A_400 = tpu.vector_load %arg14[%get3A_398, %get3A_399] {strides = array<i32>} : memref<80x128xf32, #tpu.memory_space<vmem>>, vector<16xf32>,
        %add3A_401 = arith.addf %get3A_397, %get3A_400 : vector<16xf32>
        %max3A_402 = arith.constant 0.000000e+00 : f32
        %max3A_403 = vector.broadcast %max3A_402 : f32 to vector<16xf32>
        %max3A_404 = arith.maximumf %add3A_401, %max3A_403 : vector<16xf32>
        %mul3A_405 = arith.mulf %max3A_404, %get3A_283 : vector<16xf32>
        %add3A_406 = arith.addf %add3A_394, %mul3A_405 : vector<16xf32>
        %swap3A_407 = arith.constant 0 : i32
        %swap3A_408 = arith.index_cast %swap3A_407 : i32 to index
        %swap3A_409 = arith.constant 0 : index
        %swap3A_410 = tpu.vector_load %arg17[%swap3A_408, %swap3A_409] {strides = array<i32>} : memref<16x17xf32, #tpu.memory_space<vmem>>, vector<16xf32>,
        tpu.vector_store %arg17[%swap3A_408, %swap3A_409], %add3A_406 {strides = array<i32>} : memref<16x17xf32, #tpu.memory_space<vmem>>, vector<16xf32>,
        %add3A_411 = arith.constant 1 : i32
        %add3A_412 = arith.addi %mul3A_310, %add3A_411 : i32
        %get3A_413 = arith.index_cast %add3A_412 : i32 to index
        %get3A_414 = arith.constant 0 : index
        %get3A_415 = tpu.vector_load %arg13[%get3A_413, %get3A_414] {strides = array<i32>} : memref<80x128xf32, #tpu.memory_space<vmem>>, vector<16xf32>,
        %get3A_416 = arith.index_cast %add3A_412 : i32 to index
        %get3A_417 = arith.constant 0 : index
        %get3A_418 = tpu.vector_load %arg14[%get3A_416, %get3A_417] {strides = array<i32>} : memref<80x128xf32, #tpu.memory_space<vmem>>, vector<16xf32>,
        %add3A_419 = arith.addf %get3A_415, %get3A_418 : vector<16xf32>
        %max3A_420 = arith.constant 0.000000e+00 : f32
        %max3A_421 = vector.broadcast %max3A_420 : f32 to vector<16xf32>
        %max3A_422 = arith.maximumf %add3A_419, %max3A_421 : vector<16xf32>
        %mul3A_423 = arith.mulf %max3A_422, %get3A_269 : vector<16xf32>
        %get3A_424 = arith.index_cast %add3A_412 : i32 to index
        %get3A_425 = arith.constant 16 : index
        %get3A_426 = tpu.vector_load %arg13[%get3A_424, %get3A_425] {strides = array<i32>} : memref<80x128xf32, #tpu.memory_space<vmem>>, vector<16xf32>,
        %get3A_427 = arith.index_cast %add3A_412 : i32 to index
        %get3A_428 = arith.constant 16 : index
        %get3A_429 = tpu.vector_load %arg14[%get3A_427, %get3A_428] {strides = array<i32>} : memref<80x128xf32, #tpu.memory_space<vmem>>, vector<16xf32>,
        %add3A_430 = arith.addf %get3A_426, %get3A_429 : vector<16xf32>
        %max3A_431 = arith.constant 0.000000e+00 : f32
        %max3A_432 = vector.broadcast %max3A_431 : f32 to vector<16xf32>
        %max3A_433 = arith.maximumf %add3A_430, %max3A_432 : vector<16xf32>
        %mul3A_434 = arith.mulf %max3A_433, %get3A_271 : vector<16xf32>
        %add3A_435 = arith.addf %mul3A_423, %mul3A_434 : vector<16xf32>
        %get3A_436 = arith.index_cast %add3A_412 : i32 to index
        %get3A_437 = arith.constant 32 : index
        %get3A_438 = tpu.vector_load %arg13[%get3A_436, %get3A_437] {strides = array<i32>} : memref<80x128xf32, #tpu.memory_space<vmem>>, vector<16xf32>,
        %get3A_439 = arith.index_cast %add3A_412 : i32 to index
        %get3A_440 = arith.constant 32 : index
        %get3A_441 = tpu.vector_load %arg14[%get3A_439, %get3A_440] {strides = array<i32>} : memref<80x128xf32, #tpu.memory_space<vmem>>, vector<16xf32>,
        %add3A_442 = arith.addf %get3A_438, %get3A_441 : vector<16xf32>
        %max3A_443 = arith.constant 0.000000e+00 : f32
        %max3A_444 = vector.broadcast %max3A_443 : f32 to vector<16xf32>
        %max3A_445 = arith.maximumf %add3A_442, %max3A_444 : vector<16xf32>
        %mul3A_446 = arith.mulf %max3A_445, %get3A_273 : vector<16xf32>
        %add3A_447 = arith.addf %add3A_435, %mul3A_446 : vector<16xf32>
        %get3A_448 = arith.index_cast %add3A_412 : i32 to index
        %get3A_449 = arith.constant 48 : index
        %get3A_450 = tpu.vector_load %arg13[%get3A_448, %get3A_449] {strides = array<i32>} : memref<80x128xf32, #tpu.memory_space<vmem>>, vector<16xf32>,
        %get3A_451 = arith.index_cast %add3A_412 : i32 to index
        %get3A_452 = arith.constant 48 : index
        %get3A_453 = tpu.vector_load %arg14[%get3A_451, %get3A_452] {strides = array<i32>} : memref<80x128xf32, #tpu.memory_space<vmem>>, vector<16xf32>,
        %add3A_454 = arith.addf %get3A_450, %get3A_453 : vector<16xf32>
        %max3A_455 = arith.constant 0.000000e+00 : f32
        %max3A_456 = vector.broadcast %max3A_455 : f32 to vector<16xf32>
        %max3A_457 = arith.maximumf %add3A_454, %max3A_456 : vector<16xf32>
        %mul3A_458 = arith.mulf %max3A_457, %get3A_275 : vector<16xf32>
        %add3A_459 = arith.addf %add3A_447, %mul3A_458 : vector<16xf32>
        %get3A_460 = arith.index_cast %add3A_412 : i32 to index
        %get3A_461 = arith.constant 64 : index
        %get3A_462 = tpu.vector_load %arg13[%get3A_460, %get3A_461] {strides = array<i32>} : memref<80x128xf32, #tpu.memory_space<vmem>>, vector<16xf32>,
        %get3A_463 = arith.index_cast %add3A_412 : i32 to index
        %get3A_464 = arith.constant 64 : index
        %get3A_465 = tpu.vector_load %arg14[%get3A_463, %get3A_464] {strides = array<i32>} : memref<80x128xf32, #tpu.memory_space<vmem>>, vector<16xf32>,
        %add3A_466 = arith.addf %get3A_462, %get3A_465 : vector<16xf32>
        %max3A_467 = arith.constant 0.000000e+00 : f32
        %max3A_468 = vector.broadcast %max3A_467 : f32 to vector<16xf32>
        %max3A_469 = arith.maximumf %add3A_466, %max3A_468 : vector<16xf32>
        %mul3A_470 = arith.mulf %max3A_469, %get3A_277 : vector<16xf32>
        %add3A_471 = arith.addf %add3A_459, %mul3A_470 : vector<16xf32>
        %get3A_472 = arith.index_cast %add3A_412 : i32 to index
        %get3A_473 = arith.constant 80 : index
        %get3A_474 = tpu.vector_load %arg13[%get3A_472, %get3A_473] {strides = array<i32>} : memref<80x128xf32, #tpu.memory_space<vmem>>, vector<16xf32>,
        %get3A_475 = arith.index_cast %add3A_412 : i32 to index
        %get3A_476 = arith.constant 80 : index
        %get3A_477 = tpu.vector_load %arg14[%get3A_475, %get3A_476] {strides = array<i32>} : memref<80x128xf32, #tpu.memory_space<vmem>>, vector<16xf32>,
        %add3A_478 = arith.addf %get3A_474, %get3A_477 : vector<16xf32>
        %max3A_479 = arith.constant 0.000000e+00 : f32
        %max3A_480 = vector.broadcast %max3A_479 : f32 to vector<16xf32>
        %max3A_481 = arith.maximumf %add3A_478, %max3A_480 : vector<16xf32>
        %mul3A_482 = arith.mulf %max3A_481, %get3A_279 : vector<16xf32>
        %add3A_483 = arith.addf %add3A_471, %mul3A_482 : vector<16xf32>
        %get3A_484 = arith.index_cast %add3A_412 : i32 to index
        %get3A_485 = arith.constant 96 : index
        %get3A_486 = tpu.vector_load %arg13[%get3A_484, %get3A_485] {strides = array<i32>} : memref<80x128xf32, #tpu.memory_space<vmem>>, vector<16xf32>,
        %get3A_487 = arith.index_cast %add3A_412 : i32 to index
        %get3A_488 = arith.constant 96 : index
        %get3A_489 = tpu.vector_load %arg14[%get3A_487, %get3A_488] {strides = array<i32>} : memref<80x128xf32, #tpu.memory_space<vmem>>, vector<16xf32>,
        %add3A_490 = arith.addf %get3A_486, %get3A_489 : vector<16xf32>
        %max3A_491 = arith.constant 0.000000e+00 : f32
        %max3A_492 = vector.broadcast %max3A_491 : f32 to vector<16xf32>
        %max3A_493 = arith.maximumf %add3A_490, %max3A_492 : vector<16xf32>
        %mul3A_494 = arith.mulf %max3A_493, %get3A_281 : vector<16xf32>
        %add3A_495 = arith.addf %add3A_483, %mul3A_494 : vector<16xf32>
        %get3A_496 = arith.index_cast %add3A_412 : i32 to index
        %get3A_497 = arith.constant 112 : index
        %get3A_498 = tpu.vector_load %arg13[%get3A_496, %get3A_497] {strides = array<i32>} : memref<80x128xf32, #tpu.memory_space<vmem>>, vector<16xf32>,
        %get3A_499 = arith.index_cast %add3A_412 : i32 to index
        %get3A_500 = arith.constant 112 : index
        %get3A_501 = tpu.vector_load %arg14[%get3A_499, %get3A_500] {strides = array<i32>} : memref<80x128xf32, #tpu.memory_space<vmem>>, vector<16xf32>,
        %add3A_502 = arith.addf %get3A_498, %get3A_501 : vector<16xf32>
        %max3A_503 = arith.constant 0.000000e+00 : f32
        %max3A_504 = vector.broadcast %max3A_503 : f32 to vector<16xf32>
        %max3A_505 = arith.maximumf %add3A_502, %max3A_504 : vector<16xf32>
        %mul3A_506 = arith.mulf %max3A_505, %get3A_283 : vector<16xf32>
        %add3A_507 = arith.addf %add3A_495, %mul3A_506 : vector<16xf32>
        %swap3A_508 = arith.constant 1 : i32
        %swap3A_509 = arith.index_cast %swap3A_508 : i32 to index
        %swap3A_510 = arith.constant 0 : index
        %swap3A_511 = tpu.vector_load %arg17[%swap3A_509, %swap3A_510] {strides = array<i32>} : memref<16x17xf32, #tpu.memory_space<vmem>>, vector<16xf32>,
        tpu.vector_store %arg17[%swap3A_509, %swap3A_510], %add3A_507 {strides = array<i32>} : memref<16x17xf32, #tpu.memory_space<vmem>>, vector<16xf32>,
        %add3A_512 = arith.constant 2 : i32
        %add3A_513 = arith.addi %mul3A_310, %add3A_512 : i32
        %get3A_514 = arith.index_cast %add3A_513 : i32 to index
        %get3A_515 = arith.constant 0 : index
        %get3A_516 = tpu.vector_load %arg13[%get3A_514, %get3A_515] {strides = array<i32>} : memref<80x128xf32, #tpu.memory_space<vmem>>, vector<16xf32>,
        %get3A_517 = arith.index_cast %add3A_513 : i32 to index
        %get3A_518 = arith.constant 0 : index
        %get3A_519 = tpu.vector_load %arg14[%get3A_517, %get3A_518] {strides = array<i32>} : memref<80x128xf32, #tpu.memory_space<vmem>>, vector<16xf32>,
        %add3A_520 = arith.addf %get3A_516, %get3A_519 : vector<16xf32>
        %max3A_521 = arith.constant 0.000000e+00 : f32
        %max3A_522 = vector.broadcast %max3A_521 : f32 to vector<16xf32>
        %max3A_523 = arith.maximumf %add3A_520, %max3A_522 : vector<16xf32>
        %mul3A_524 = arith.mulf %max3A_523, %get3A_269 : vector<16xf32>
        %get3A_525 = arith.index_cast %add3A_513 : i32 to index
        %get3A_526 = arith.constant 16 : index
        %get3A_527 = tpu.vector_load %arg13[%get3A_525, %get3A_526] {strides = array<i32>} : memref<80x128xf32, #tpu.memory_space<vmem>>, vector<16xf32>,
        %get3A_528 = arith.index_cast %add3A_513 : i32 to index
        %get3A_529 = arith.constant 16 : index
        %get3A_530 = tpu.vector_load %arg14[%get3A_528, %get3A_529] {strides = array<i32>} : memref<80x128xf32, #tpu.memory_space<vmem>>, vector<16xf32>,
        %add3A_531 = arith.addf %get3A_527, %get3A_530 : vector<16xf32>
        %max3A_532 = arith.constant 0.000000e+00 : f32
        %max3A_533 = vector.broadcast %max3A_532 : f32 to vector<16xf32>
        %max3A_534 = arith.maximumf %add3A_531, %max3A_533 : vector<16xf32>
        %mul3A_535 = arith.mulf %max3A_534, %get3A_271 : vector<16xf32>
        %add3A_536 = arith.addf %mul3A_524, %mul3A_535 : vector<16xf32>
        %get3A_537 = arith.index_cast %add3A_513 : i32 to index
        %get3A_538 = arith.constant 32 : index
        %get3A_539 = tpu.vector_load %arg13[%get3A_537, %get3A_538] {strides = array<i32>} : memref<80x128xf32, #tpu.memory_space<vmem>>, vector<16xf32>,
        %get3A_540 = arith.index_cast %add3A_513 : i32 to index
        %get3A_541 = arith.constant 32 : index
        %get3A_542 = tpu.vector_load %arg14[%get3A_540, %get3A_541] {strides = array<i32>} : memref<80x128xf32, #tpu.memory_space<vmem>>, vector<16xf32>,
        %add3A_543 = arith.addf %get3A_539, %get3A_542 : vector<16xf32>
        %max3A_544 = arith.constant 0.000000e+00 : f32
        %max3A_545 = vector.broadcast %max3A_544 : f32 to vector<16xf32>
        %max3A_546 = arith.maximumf %add3A_543, %max3A_545 : vector<16xf32>
        %mul3A_547 = arith.mulf %max3A_546, %get3A_273 : vector<16xf32>
        %add3A_548 = arith.addf %add3A_536, %mul3A_547 : vector<16xf32>
        %get3A_549 = arith.index_cast %add3A_513 : i32 to index
        %get3A_550 = arith.constant 48 : index
        %get3A_551 = tpu.vector_load %arg13[%get3A_549, %get3A_550] {strides = array<i32>} : memref<80x128xf32, #tpu.memory_space<vmem>>, vector<16xf32>,
        %get3A_552 = arith.index_cast %add3A_513 : i32 to index
        %get3A_553 = arith.constant 48 : index
        %get3A_554 = tpu.vector_load %arg14[%get3A_552, %get3A_553] {strides = array<i32>} : memref<80x128xf32, #tpu.memory_space<vmem>>, vector<16xf32>,
        %add3A_555 = arith.addf %get3A_551, %get3A_554 : vector<16xf32>
        %max3A_556 = arith.constant 0.000000e+00 : f32
        %max3A_557 = vector.broadcast %max3A_556 : f32 to vector<16xf32>
        %max3A_558 = arith.maximumf %add3A_555, %max3A_557 : vector<16xf32>
        %mul3A_559 = arith.mulf %max3A_558, %get3A_275 : vector<16xf32>
        %add3A_560 = arith.addf %add3A_548, %mul3A_559 : vector<16xf32>
        %get3A_561 = arith.index_cast %add3A_513 : i32 to index
        %get3A_562 = arith.constant 64 : index
        %get3A_563 = tpu.vector_load %arg13[%get3A_561, %get3A_562] {strides = array<i32>} : memref<80x128xf32, #tpu.memory_space<vmem>>, vector<16xf32>,
        %get3A_564 = arith.index_cast %add3A_513 : i32 to index
        %get3A_565 = arith.constant 64 : index
        %get3A_566 = tpu.vector_load %arg14[%get3A_564, %get3A_565] {strides = array<i32>} : memref<80x128xf32, #tpu.memory_space<vmem>>, vector<16xf32>,
        %add3A_567 = arith.addf %get3A_563, %get3A_566 : vector<16xf32>
        %max3A_568 = arith.constant 0.000000e+00 : f32
        %max3A_569 = vector.broadcast %max3A_568 : f32 to vector<16xf32>
        %max3A_570 = arith.maximumf %add3A_567, %max3A_569 : vector<16xf32>
        %mul3A_571 = arith.mulf %max3A_570, %get3A_277 : vector<16xf32>
        %add3A_572 = arith.addf %add3A_560, %mul3A_571 : vector<16xf32>
        %get3A_573 = arith.index_cast %add3A_513 : i32 to index
        %get3A_574 = arith.constant 80 : index
        %get3A_575 = tpu.vector_load %arg13[%get3A_573, %get3A_574] {strides = array<i32>} : memref<80x128xf32, #tpu.memory_space<vmem>>, vector<16xf32>,
        %get3A_576 = arith.index_cast %add3A_513 : i32 to index
        %get3A_577 = arith.constant 80 : index
        %get3A_578 = tpu.vector_load %arg14[%get3A_576, %get3A_577] {strides = array<i32>} : memref<80x128xf32, #tpu.memory_space<vmem>>, vector<16xf32>,
        %add3A_579 = arith.addf %get3A_575, %get3A_578 : vector<16xf32>
        %max3A_580 = arith.constant 0.000000e+00 : f32
        %max3A_581 = vector.broadcast %max3A_580 : f32 to vector<16xf32>
        %max3A_582 = arith.maximumf %add3A_579, %max3A_581 : vector<16xf32>
        %mul3A_583 = arith.mulf %max3A_582, %get3A_279 : vector<16xf32>
        %add3A_584 = arith.addf %add3A_572, %mul3A_583 : vector<16xf32>
        %get3A_585 = arith.index_cast %add3A_513 : i32 to index
        %get3A_586 = arith.constant 96 : index
        %get3A_587 = tpu.vector_load %arg13[%get3A_585, %get3A_586] {strides = array<i32>} : memref<80x128xf32, #tpu.memory_space<vmem>>, vector<16xf32>,
        %get3A_588 = arith.index_cast %add3A_513 : i32 to index
        %get3A_589 = arith.constant 96 : index
        %get3A_590 = tpu.vector_load %arg14[%get3A_588, %get3A_589] {strides = array<i32>} : memref<80x128xf32, #tpu.memory_space<vmem>>, vector<16xf32>,
        %add3A_591 = arith.addf %get3A_587, %get3A_590 : vector<16xf32>
        %max3A_592 = arith.constant 0.000000e+00 : f32
        %max3A_593 = vector.broadcast %max3A_592 : f32 to vector<16xf32>
        %max3A_594 = arith.maximumf %add3A_591, %max3A_593 : vector<16xf32>
        %mul3A_595 = arith.mulf %max3A_594, %get3A_281 : vector<16xf32>
        %add3A_596 = arith.addf %add3A_584, %mul3A_595 : vector<16xf32>
        %get3A_597 = arith.index_cast %add3A_513 : i32 to index
        %get3A_598 = arith.constant 112 : index
        %get3A_599 = tpu.vector_load %arg13[%get3A_597, %get3A_598] {strides = array<i32>} : memref<80x128xf32, #tpu.memory_space<vmem>>, vector<16xf32>,
        %get3A_600 = arith.index_cast %add3A_513 : i32 to index
        %get3A_601 = arith.constant 112 : index
        %get3A_602 = tpu.vector_load %arg14[%get3A_600, %get3A_601] {strides = array<i32>} : memref<80x128xf32, #tpu.memory_space<vmem>>, vector<16xf32>,
        %add3A_603 = arith.addf %get3A_599, %get3A_602 : vector<16xf32>
        %max3A_604 = arith.constant 0.000000e+00 : f32
        %max3A_605 = vector.broadcast %max3A_604 : f32 to vector<16xf32>
        %max3A_606 = arith.maximumf %add3A_603, %max3A_605 : vector<16xf32>
        %mul3A_607 = arith.mulf %max3A_606, %get3A_283 : vector<16xf32>
        %add3A_608 = arith.addf %add3A_596, %mul3A_607 : vector<16xf32>
        %swap3A_609 = arith.constant 2 : i32
        %swap3A_610 = arith.index_cast %swap3A_609 : i32 to index
        %swap3A_611 = arith.constant 0 : index
        %swap3A_612 = tpu.vector_load %arg17[%swap3A_610, %swap3A_611] {strides = array<i32>} : memref<16x17xf32, #tpu.memory_space<vmem>>, vector<16xf32>,
        tpu.vector_store %arg17[%swap3A_610, %swap3A_611], %add3A_608 {strides = array<i32>} : memref<16x17xf32, #tpu.memory_space<vmem>>, vector<16xf32>,
        %add3A_613 = arith.constant 3 : i32
        %add3A_614 = arith.addi %mul3A_310, %add3A_613 : i32
        %get3A_615 = arith.index_cast %add3A_614 : i32 to index
        %get3A_616 = arith.constant 0 : index
        %get3A_617 = tpu.vector_load %arg13[%get3A_615, %get3A_616] {strides = array<i32>} : memref<80x128xf32, #tpu.memory_space<vmem>>, vector<16xf32>,
        %get3A_618 = arith.index_cast %add3A_614 : i32 to index
        %get3A_619 = arith.constant 0 : index
        %get3A_620 = tpu.vector_load %arg14[%get3A_618, %get3A_619] {strides = array<i32>} : memref<80x128xf32, #tpu.memory_space<vmem>>, vector<16xf32>,
        %add3A_621 = arith.addf %get3A_617, %get3A_620 : vector<16xf32>
        %max3A_622 = arith.constant 0.000000e+00 : f32
        %max3A_623 = vector.broadcast %max3A_622 : f32 to vector<16xf32>
        %max3A_624 = arith.maximumf %add3A_621, %max3A_623 : vector<16xf32>
        %mul3A_625 = arith.mulf %max3A_624, %get3A_269 : vector<16xf32>
        %get3A_626 = arith.index_cast %add3A_614 : i32 to index
        %get3A_627 = arith.constant 16 : index
        %get3A_628 = tpu.vector_load %arg13[%get3A_626, %get3A_627] {strides = array<i32>} : memref<80x128xf32, #tpu.memory_space<vmem>>, vector<16xf32>,
        %get3A_629 = arith.index_cast %add3A_614 : i32 to index
        %get3A_630 = arith.constant 16 : index
        %get3A_631 = tpu.vector_load %arg14[%get3A_629, %get3A_630] {strides = array<i32>} : memref<80x128xf32, #tpu.memory_space<vmem>>, vector<16xf32>,
        %add3A_632 = arith.addf %get3A_628, %get3A_631 : vector<16xf32>
        %max3A_633 = arith.constant 0.000000e+00 : f32
        %max3A_634 = vector.broadcast %max3A_633 : f32 to vector<16xf32>
        %max3A_635 = arith.maximumf %add3A_632, %max3A_634 : vector<16xf32>
        %mul3A_636 = arith.mulf %max3A_635, %get3A_271 : vector<16xf32>
        %add3A_637 = arith.addf %mul3A_625, %mul3A_636 : vector<16xf32>
        %get3A_638 = arith.index_cast %add3A_614 : i32 to index
        %get3A_639 = arith.constant 32 : index
        %get3A_640 = tpu.vector_load %arg13[%get3A_638, %get3A_639] {strides = array<i32>} : memref<80x128xf32, #tpu.memory_space<vmem>>, vector<16xf32>,
        %get3A_641 = arith.index_cast %add3A_614 : i32 to index
        %get3A_642 = arith.constant 32 : index
        %get3A_643 = tpu.vector_load %arg14[%get3A_641, %get3A_642] {strides = array<i32>} : memref<80x128xf32, #tpu.memory_space<vmem>>, vector<16xf32>,
        %add3A_644 = arith.addf %get3A_640, %get3A_643 : vector<16xf32>
        %max3A_645 = arith.constant 0.000000e+00 : f32
        %max3A_646 = vector.broadcast %max3A_645 : f32 to vector<16xf32>
        %max3A_647 = arith.maximumf %add3A_644, %max3A_646 : vector<16xf32>
        %mul3A_648 = arith.mulf %max3A_647, %get3A_273 : vector<16xf32>
        %add3A_649 = arith.addf %add3A_637, %mul3A_648 : vector<16xf32>
        %get3A_650 = arith.index_cast %add3A_614 : i32 to index
        %get3A_651 = arith.constant 48 : index
        %get3A_652 = tpu.vector_load %arg13[%get3A_650, %get3A_651] {strides = array<i32>} : memref<80x128xf32, #tpu.memory_space<vmem>>, vector<16xf32>,
        %get3A_653 = arith.index_cast %add3A_614 : i32 to index
        %get3A_654 = arith.constant 48 : index
        %get3A_655 = tpu.vector_load %arg14[%get3A_653, %get3A_654] {strides = array<i32>} : memref<80x128xf32, #tpu.memory_space<vmem>>, vector<16xf32>,
        %add3A_656 = arith.addf %get3A_652, %get3A_655 : vector<16xf32>
        %max3A_657 = arith.constant 0.000000e+00 : f32
        %max3A_658 = vector.broadcast %max3A_657 : f32 to vector<16xf32>
        %max3A_659 = arith.maximumf %add3A_656, %max3A_658 : vector<16xf32>
        %mul3A_660 = arith.mulf %max3A_659, %get3A_275 : vector<16xf32>
        %add3A_661 = arith.addf %add3A_649, %mul3A_660 : vector<16xf32>
        %get3A_662 = arith.index_cast %add3A_614 : i32 to index
        %get3A_663 = arith.constant 64 : index
        %get3A_664 = tpu.vector_load %arg13[%get3A_662, %get3A_663] {strides = array<i32>} : memref<80x128xf32, #tpu.memory_space<vmem>>, vector<16xf32>,
        %get3A_665 = arith.index_cast %add3A_614 : i32 to index
        %get3A_666 = arith.constant 64 : index
        %get3A_667 = tpu.vector_load %arg14[%get3A_665, %get3A_666] {strides = array<i32>} : memref<80x128xf32, #tpu.memory_space<vmem>>, vector<16xf32>,
        %add3A_668 = arith.addf %get3A_664, %get3A_667 : vector<16xf32>
        %max3A_669 = arith.constant 0.000000e+00 : f32
        %max3A_670 = vector.broadcast %max3A_669 : f32 to vector<16xf32>
        %max3A_671 = arith.maximumf %add3A_668, %max3A_670 : vector<16xf32>
        %mul3A_672 = arith.mulf %max3A_671, %get3A_277 : vector<16xf32>
        %add3A_673 = arith.addf %add3A_661, %mul3A_672 : vector<16xf32>
        %get3A_674 = arith.index_cast %add3A_614 : i32 to index
        %get3A_675 = arith.constant 80 : index
        %get3A_676 = tpu.vector_load %arg13[%get3A_674, %get3A_675] {strides = array<i32>} : memref<80x128xf32, #tpu.memory_space<vmem>>, vector<16xf32>,
        %get3A_677 = arith.index_cast %add3A_614 : i32 to index
        %get3A_678 = arith.constant 80 : index
        %get3A_679 = tpu.vector_load %arg14[%get3A_677, %get3A_678] {strides = array<i32>} : memref<80x128xf32, #tpu.memory_space<vmem>>, vector<16xf32>,
        %add3A_680 = arith.addf %get3A_676, %get3A_679 : vector<16xf32>
        %max3A_681 = arith.constant 0.000000e+00 : f32
        %max3A_682 = vector.broadcast %max3A_681 : f32 to vector<16xf32>
        %max3A_683 = arith.maximumf %add3A_680, %max3A_682 : vector<16xf32>
        %mul3A_684 = arith.mulf %max3A_683, %get3A_279 : vector<16xf32>
        %add3A_685 = arith.addf %add3A_673, %mul3A_684 : vector<16xf32>
        %get3A_686 = arith.index_cast %add3A_614 : i32 to index
        %get3A_687 = arith.constant 96 : index
        %get3A_688 = tpu.vector_load %arg13[%get3A_686, %get3A_687] {strides = array<i32>} : memref<80x128xf32, #tpu.memory_space<vmem>>, vector<16xf32>,
        %get3A_689 = arith.index_cast %add3A_614 : i32 to index
        %get3A_690 = arith.constant 96 : index
        %get3A_691 = tpu.vector_load %arg14[%get3A_689, %get3A_690] {strides = array<i32>} : memref<80x128xf32, #tpu.memory_space<vmem>>, vector<16xf32>,
        %add3A_692 = arith.addf %get3A_688, %get3A_691 : vector<16xf32>
        %max3A_693 = arith.constant 0.000000e+00 : f32
        %max3A_694 = vector.broadcast %max3A_693 : f32 to vector<16xf32>
        %max3A_695 = arith.maximumf %add3A_692, %max3A_694 : vector<16xf32>
        %mul3A_696 = arith.mulf %max3A_695, %get3A_281 : vector<16xf32>
        %add3A_697 = arith.addf %add3A_685, %mul3A_696 : vector<16xf32>
        %get3A_698 = arith.index_cast %add3A_614 : i32 to index
        %get3A_699 = arith.constant 112 : index
        %get3A_700 = tpu.vector_load %arg13[%get3A_698, %get3A_699] {strides = array<i32>} : memref<80x128xf32, #tpu.memory_space<vmem>>, vector<16xf32>,
        %get3A_701 = arith.index_cast %add3A_614 : i32 to index
        %get3A_702 = arith.constant 112 : index
        %get3A_703 = tpu.vector_load %arg14[%get3A_701, %get3A_702] {strides = array<i32>} : memref<80x128xf32, #tpu.memory_space<vmem>>, vector<16xf32>,
        %add3A_704 = arith.addf %get3A_700, %get3A_703 : vector<16xf32>
        %max3A_705 = arith.constant 0.000000e+00 : f32
        %max3A_706 = vector.broadcast %max3A_705 : f32 to vector<16xf32>
        %max3A_707 = arith.maximumf %add3A_704, %max3A_706 : vector<16xf32>
        %mul3A_708 = arith.mulf %max3A_707, %get3A_283 : vector<16xf32>
        %add3A_709 = arith.addf %add3A_697, %mul3A_708 : vector<16xf32>
        %swap3A_710 = arith.constant 3 : i32
        %swap3A_711 = arith.index_cast %swap3A_710 : i32 to index
        %swap3A_712 = arith.constant 0 : index
        %swap3A_713 = tpu.vector_load %arg17[%swap3A_711, %swap3A_712] {strides = array<i32>} : memref<16x17xf32, #tpu.memory_space<vmem>>, vector<16xf32>,
        tpu.vector_store %arg17[%swap3A_711, %swap3A_712], %add3A_709 {strides = array<i32>} : memref<16x17xf32, #tpu.memory_space<vmem>>, vector<16xf32>,
        %add3A_714 = arith.constant 4 : i32
        %add3A_715 = arith.addi %mul3A_310, %add3A_714 : i32
        %get3A_716 = arith.index_cast %add3A_715 : i32 to index
        %get3A_717 = arith.constant 0 : index
        %get3A_718 = tpu.vector_load %arg13[%get3A_716, %get3A_717] {strides = array<i32>} : memref<80x128xf32, #tpu.memory_space<vmem>>, vector<16xf32>,
        %get3A_719 = arith.index_cast %add3A_715 : i32 to index
        %get3A_720 = arith.constant 0 : index
        %get3A_721 = tpu.vector_load %arg14[%get3A_719, %get3A_720] {strides = array<i32>} : memref<80x128xf32, #tpu.memory_space<vmem>>, vector<16xf32>,
        %add3A_722 = arith.addf %get3A_718, %get3A_721 : vector<16xf32>
        %max3A_723 = arith.constant 0.000000e+00 : f32
        %max3A_724 = vector.broadcast %max3A_723 : f32 to vector<16xf32>
        %max3A_725 = arith.maximumf %add3A_722, %max3A_724 : vector<16xf32>
        %mul3A_726 = arith.mulf %max3A_725, %get3A_269 : vector<16xf32>
        %get3A_727 = arith.index_cast %add3A_715 : i32 to index
        %get3A_728 = arith.constant 16 : index
        %get3A_729 = tpu.vector_load %arg13[%get3A_727, %get3A_728] {strides = array<i32>} : memref<80x128xf32, #tpu.memory_space<vmem>>, vector<16xf32>,
        %get3A_730 = arith.index_cast %add3A_715 : i32 to index
        %get3A_731 = arith.constant 16 : index
        %get3A_732 = tpu.vector_load %arg14[%get3A_730, %get3A_731] {strides = array<i32>} : memref<80x128xf32, #tpu.memory_space<vmem>>, vector<16xf32>,
        %add3A_733 = arith.addf %get3A_729, %get3A_732 : vector<16xf32>
        %max3A_734 = arith.constant 0.000000e+00 : f32
        %max3A_735 = vector.broadcast %max3A_734 : f32 to vector<16xf32>
        %max3A_736 = arith.maximumf %add3A_733, %max3A_735 : vector<16xf32>
        %mul3A_737 = arith.mulf %max3A_736, %get3A_271 : vector<16xf32>
        %add3A_738 = arith.addf %mul3A_726, %mul3A_737 : vector<16xf32>
        %get3A_739 = arith.index_cast %add3A_715 : i32 to index
        %get3A_740 = arith.constant 32 : index
        %get3A_741 = tpu.vector_load %arg13[%get3A_739, %get3A_740] {strides = array<i32>} : memref<80x128xf32, #tpu.memory_space<vmem>>, vector<16xf32>,
        %get3A_742 = arith.index_cast %add3A_715 : i32 to index
        %get3A_743 = arith.constant 32 : index
        %get3A_744 = tpu.vector_load %arg14[%get3A_742, %get3A_743] {strides = array<i32>} : memref<80x128xf32, #tpu.memory_space<vmem>>, vector<16xf32>,
        %add3A_745 = arith.addf %get3A_741, %get3A_744 : vector<16xf32>
        %max3A_746 = arith.constant 0.000000e+00 : f32
        %max3A_747 = vector.broadcast %max3A_746 : f32 to vector<16xf32>
        %max3A_748 = arith.maximumf %add3A_745, %max3A_747 : vector<16xf32>
        %mul3A_749 = arith.mulf %max3A_748, %get3A_273 : vector<16xf32>
        %add3A_750 = arith.addf %add3A_738, %mul3A_749 : vector<16xf32>
        %get3A_751 = arith.index_cast %add3A_715 : i32 to index
        %get3A_752 = arith.constant 48 : index
        %get3A_753 = tpu.vector_load %arg13[%get3A_751, %get3A_752] {strides = array<i32>} : memref<80x128xf32, #tpu.memory_space<vmem>>, vector<16xf32>,
        %get3A_754 = arith.index_cast %add3A_715 : i32 to index
        %get3A_755 = arith.constant 48 : index
        %get3A_756 = tpu.vector_load %arg14[%get3A_754, %get3A_755] {strides = array<i32>} : memref<80x128xf32, #tpu.memory_space<vmem>>, vector<16xf32>,
        %add3A_757 = arith.addf %get3A_753, %get3A_756 : vector<16xf32>
        %max3A_758 = arith.constant 0.000000e+00 : f32
        %max3A_759 = vector.broadcast %max3A_758 : f32 to vector<16xf32>
        %max3A_760 = arith.maximumf %add3A_757, %max3A_759 : vector<16xf32>
        %mul3A_761 = arith.mulf %max3A_760, %get3A_275 : vector<16xf32>
        %add3A_762 = arith.addf %add3A_750, %mul3A_761 : vector<16xf32>
        %get3A_763 = arith.index_cast %add3A_715 : i32 to index
        %get3A_764 = arith.constant 64 : index
        %get3A_765 = tpu.vector_load %arg13[%get3A_763, %get3A_764] {strides = array<i32>} : memref<80x128xf32, #tpu.memory_space<vmem>>, vector<16xf32>,
        %get3A_766 = arith.index_cast %add3A_715 : i32 to index
        %get3A_767 = arith.constant 64 : index
        %get3A_768 = tpu.vector_load %arg14[%get3A_766, %get3A_767] {strides = array<i32>} : memref<80x128xf32, #tpu.memory_space<vmem>>, vector<16xf32>,
        %add3A_769 = arith.addf %get3A_765, %get3A_768 : vector<16xf32>
        %max3A_770 = arith.constant 0.000000e+00 : f32
        %max3A_771 = vector.broadcast %max3A_770 : f32 to vector<16xf32>
        %max3A_772 = arith.maximumf %add3A_769, %max3A_771 : vector<16xf32>
        %mul3A_773 = arith.mulf %max3A_772, %get3A_277 : vector<16xf32>
        %add3A_774 = arith.addf %add3A_762, %mul3A_773 : vector<16xf32>
        %get3A_775 = arith.index_cast %add3A_715 : i32 to index
        %get3A_776 = arith.constant 80 : index
        %get3A_777 = tpu.vector_load %arg13[%get3A_775, %get3A_776] {strides = array<i32>} : memref<80x128xf32, #tpu.memory_space<vmem>>, vector<16xf32>,
        %get3A_778 = arith.index_cast %add3A_715 : i32 to index
        %get3A_779 = arith.constant 80 : index
        %get3A_780 = tpu.vector_load %arg14[%get3A_778, %get3A_779] {strides = array<i32>} : memref<80x128xf32, #tpu.memory_space<vmem>>, vector<16xf32>,
        %add3A_781 = arith.addf %get3A_777, %get3A_780 : vector<16xf32>
        %max3A_782 = arith.constant 0.000000e+00 : f32
        %max3A_783 = vector.broadcast %max3A_782 : f32 to vector<16xf32>
        %max3A_784 = arith.maximumf %add3A_781, %max3A_783 : vector<16xf32>
        %mul3A_785 = arith.mulf %max3A_784, %get3A_279 : vector<16xf32>
        %add3A_786 = arith.addf %add3A_774, %mul3A_785 : vector<16xf32>
        %get3A_787 = arith.index_cast %add3A_715 : i32 to index
        %get3A_788 = arith.constant 96 : index
        %get3A_789 = tpu.vector_load %arg13[%get3A_787, %get3A_788] {strides = array<i32>} : memref<80x128xf32, #tpu.memory_space<vmem>>, vector<16xf32>,
        %get3A_790 = arith.index_cast %add3A_715 : i32 to index
        %get3A_791 = arith.constant 96 : index
        %get3A_792 = tpu.vector_load %arg14[%get3A_790, %get3A_791] {strides = array<i32>} : memref<80x128xf32, #tpu.memory_space<vmem>>, vector<16xf32>,
        %add3A_793 = arith.addf %get3A_789, %get3A_792 : vector<16xf32>
        %max3A_794 = arith.constant 0.000000e+00 : f32
        %max3A_795 = vector.broadcast %max3A_794 : f32 to vector<16xf32>
        %max3A_796 = arith.maximumf %add3A_793, %max3A_795 : vector<16xf32>
        %mul3A_797 = arith.mulf %max3A_796, %get3A_281 : vector<16xf32>
        %add3A_798 = arith.addf %add3A_786, %mul3A_797 : vector<16xf32>
        %get3A_799 = arith.index_cast %add3A_715 : i32 to index
        %get3A_800 = arith.constant 112 : index
        %get3A_801 = tpu.vector_load %arg13[%get3A_799, %get3A_800] {strides = array<i32>} : memref<80x128xf32, #tpu.memory_space<vmem>>, vector<16xf32>,
        %get3A_802 = arith.index_cast %add3A_715 : i32 to index
        %get3A_803 = arith.constant 112 : index
        %get3A_804 = tpu.vector_load %arg14[%get3A_802, %get3A_803] {strides = array<i32>} : memref<80x128xf32, #tpu.memory_space<vmem>>, vector<16xf32>,
        %add3A_805 = arith.addf %get3A_801, %get3A_804 : vector<16xf32>
        %max3A_806 = arith.constant 0.000000e+00 : f32
        %max3A_807 = vector.broadcast %max3A_806 : f32 to vector<16xf32>
        %max3A_808 = arith.maximumf %add3A_805, %max3A_807 : vector<16xf32>
        %mul3A_809 = arith.mulf %max3A_808, %get3A_283 : vector<16xf32>
        %add3A_810 = arith.addf %add3A_798, %mul3A_809 : vector<16xf32>
        %swap3A_811 = arith.constant 4 : i32
        %swap3A_812 = arith.index_cast %swap3A_811 : i32 to index
        %swap3A_813 = arith.constant 0 : index
        %swap3A_814 = tpu.vector_load %arg17[%swap3A_812, %swap3A_813] {strides = array<i32>} : memref<16x17xf32, #tpu.memory_space<vmem>>, vector<16xf32>,
        tpu.vector_store %arg17[%swap3A_812, %swap3A_813], %add3A_810 {strides = array<i32>} : memref<16x17xf32, #tpu.memory_space<vmem>>, vector<16xf32>,
        %add3A_815 = arith.constant 5 : i32
        %add3A_816 = arith.addi %mul3A_310, %add3A_815 : i32
        %get3A_817 = arith.index_cast %add3A_816 : i32 to index
        %get3A_818 = arith.constant 0 : index
        %get3A_819 = tpu.vector_load %arg13[%get3A_817, %get3A_818] {strides = array<i32>} : memref<80x128xf32, #tpu.memory_space<vmem>>, vector<16xf32>,
        %get3A_820 = arith.index_cast %add3A_816 : i32 to index
        %get3A_821 = arith.constant 0 : index
        %get3A_822 = tpu.vector_load %arg14[%get3A_820, %get3A_821] {strides = array<i32>} : memref<80x128xf32, #tpu.memory_space<vmem>>, vector<16xf32>,
        %add3A_823 = arith.addf %get3A_819, %get3A_822 : vector<16xf32>
        %max3A_824 = arith.constant 0.000000e+00 : f32
        %max3A_825 = vector.broadcast %max3A_824 : f32 to vector<16xf32>
        %max3A_826 = arith.maximumf %add3A_823, %max3A_825 : vector<16xf32>
        %mul3A_827 = arith.mulf %max3A_826, %get3A_269 : vector<16xf32>
        %get3A_828 = arith.index_cast %add3A_816 : i32 to index
        %get3A_829 = arith.constant 16 : index
        %get3A_830 = tpu.vector_load %arg13[%get3A_828, %get3A_829] {strides = array<i32>} : memref<80x128xf32, #tpu.memory_space<vmem>>, vector<16xf32>,
        %get3A_831 = arith.index_cast %add3A_816 : i32 to index
        %get3A_832 = arith.constant 16 : index
        %get3A_833 = tpu.vector_load %arg14[%get3A_831, %get3A_832] {strides = array<i32>} : memref<80x128xf32, #tpu.memory_space<vmem>>, vector<16xf32>,
        %add3A_834 = arith.addf %get3A_830, %get3A_833 : vector<16xf32>
        %max3A_835 = arith.constant 0.000000e+00 : f32
        %max3A_836 = vector.broadcast %max3A_835 : f32 to vector<16xf32>
        %max3A_837 = arith.maximumf %add3A_834, %max3A_836 : vector<16xf32>
        %mul3A_838 = arith.mulf %max3A_837, %get3A_271 : vector<16xf32>
        %add3A_839 = arith.addf %mul3A_827, %mul3A_838 : vector<16xf32>
        %get3A_840 = arith.index_cast %add3A_816 : i32 to index
        %get3A_841 = arith.constant 32 : index
        %get3A_842 = tpu.vector_load %arg13[%get3A_840, %get3A_841] {strides = array<i32>} : memref<80x128xf32, #tpu.memory_space<vmem>>, vector<16xf32>,
        %get3A_843 = arith.index_cast %add3A_816 : i32 to index
        %get3A_844 = arith.constant 32 : index
        %get3A_845 = tpu.vector_load %arg14[%get3A_843, %get3A_844] {strides = array<i32>} : memref<80x128xf32, #tpu.memory_space<vmem>>, vector<16xf32>,
        %add3A_846 = arith.addf %get3A_842, %get3A_845 : vector<16xf32>
        %max3A_847 = arith.constant 0.000000e+00 : f32
        %max3A_848 = vector.broadcast %max3A_847 : f32 to vector<16xf32>
        %max3A_849 = arith.maximumf %add3A_846, %max3A_848 : vector<16xf32>
        %mul3A_850 = arith.mulf %max3A_849, %get3A_273 : vector<16xf32>
        %add3A_851 = arith.addf %add3A_839, %mul3A_850 : vector<16xf32>
        %get3A_852 = arith.index_cast %add3A_816 : i32 to index
        %get3A_853 = arith.constant 48 : index
        %get3A_854 = tpu.vector_load %arg13[%get3A_852, %get3A_853] {strides = array<i32>} : memref<80x128xf32, #tpu.memory_space<vmem>>, vector<16xf32>,
        %get3A_855 = arith.index_cast %add3A_816 : i32 to index
        %get3A_856 = arith.constant 48 : index
        %get3A_857 = tpu.vector_load %arg14[%get3A_855, %get3A_856] {strides = array<i32>} : memref<80x128xf32, #tpu.memory_space<vmem>>, vector<16xf32>,
        %add3A_858 = arith.addf %get3A_854, %get3A_857 : vector<16xf32>
        %max3A_859 = arith.constant 0.000000e+00 : f32
        %max3A_860 = vector.broadcast %max3A_859 : f32 to vector<16xf32>
        %max3A_861 = arith.maximumf %add3A_858, %max3A_860 : vector<16xf32>
        %mul3A_862 = arith.mulf %max3A_861, %get3A_275 : vector<16xf32>
        %add3A_863 = arith.addf %add3A_851, %mul3A_862 : vector<16xf32>
        %get3A_864 = arith.index_cast %add3A_816 : i32 to index
        %get3A_865 = arith.constant 64 : index
        %get3A_866 = tpu.vector_load %arg13[%get3A_864, %get3A_865] {strides = array<i32>} : memref<80x128xf32, #tpu.memory_space<vmem>>, vector<16xf32>,
        %get3A_867 = arith.index_cast %add3A_816 : i32 to index
        %get3A_868 = arith.constant 64 : index
        %get3A_869 = tpu.vector_load %arg14[%get3A_867, %get3A_868] {strides = array<i32>} : memref<80x128xf32, #tpu.memory_space<vmem>>, vector<16xf32>,
        %add3A_870 = arith.addf %get3A_866, %get3A_869 : vector<16xf32>
        %max3A_871 = arith.constant 0.000000e+00 : f32
        %max3A_872 = vector.broadcast %max3A_871 : f32 to vector<16xf32>
        %max3A_873 = arith.maximumf %add3A_870, %max3A_872 : vector<16xf32>
        %mul3A_874 = arith.mulf %max3A_873, %get3A_277 : vector<16xf32>
        %add3A_875 = arith.addf %add3A_863, %mul3A_874 : vector<16xf32>
        %get3A_876 = arith.index_cast %add3A_816 : i32 to index
        %get3A_877 = arith.constant 80 : index
        %get3A_878 = tpu.vector_load %arg13[%get3A_876, %get3A_877] {strides = array<i32>} : memref<80x128xf32, #tpu.memory_space<vmem>>, vector<16xf32>,
        %get3A_879 = arith.index_cast %add3A_816 : i32 to index
        %get3A_880 = arith.constant 80 : index
        %get3A_881 = tpu.vector_load %arg14[%get3A_879, %get3A_880] {strides = array<i32>} : memref<80x128xf32, #tpu.memory_space<vmem>>, vector<16xf32>,
        %add3A_882 = arith.addf %get3A_878, %get3A_881 : vector<16xf32>
        %max3A_883 = arith.constant 0.000000e+00 : f32
        %max3A_884 = vector.broadcast %max3A_883 : f32 to vector<16xf32>
        %max3A_885 = arith.maximumf %add3A_882, %max3A_884 : vector<16xf32>
        %mul3A_886 = arith.mulf %max3A_885, %get3A_279 : vector<16xf32>
        %add3A_887 = arith.addf %add3A_875, %mul3A_886 : vector<16xf32>
        %get3A_888 = arith.index_cast %add3A_816 : i32 to index
        %get3A_889 = arith.constant 96 : index
        %get3A_890 = tpu.vector_load %arg13[%get3A_888, %get3A_889] {strides = array<i32>} : memref<80x128xf32, #tpu.memory_space<vmem>>, vector<16xf32>,
        %get3A_891 = arith.index_cast %add3A_816 : i32 to index
        %get3A_892 = arith.constant 96 : index
        %get3A_893 = tpu.vector_load %arg14[%get3A_891, %get3A_892] {strides = array<i32>} : memref<80x128xf32, #tpu.memory_space<vmem>>, vector<16xf32>,
        %add3A_894 = arith.addf %get3A_890, %get3A_893 : vector<16xf32>
        %max3A_895 = arith.constant 0.000000e+00 : f32
        %max3A_896 = vector.broadcast %max3A_895 : f32 to vector<16xf32>
        %max3A_897 = arith.maximumf %add3A_894, %max3A_896 : vector<16xf32>
        %mul3A_898 = arith.mulf %max3A_897, %get3A_281 : vector<16xf32>
        %add3A_899 = arith.addf %add3A_887, %mul3A_898 : vector<16xf32>
        %get3A_900 = arith.index_cast %add3A_816 : i32 to index
        %get3A_901 = arith.constant 112 : index
        %get3A_902 = tpu.vector_load %arg13[%get3A_900, %get3A_901] {strides = array<i32>} : memref<80x128xf32, #tpu.memory_space<vmem>>, vector<16xf32>,
        %get3A_903 = arith.index_cast %add3A_816 : i32 to index
        %get3A_904 = arith.constant 112 : index
        %get3A_905 = tpu.vector_load %arg14[%get3A_903, %get3A_904] {strides = array<i32>} : memref<80x128xf32, #tpu.memory_space<vmem>>, vector<16xf32>,
        %add3A_906 = arith.addf %get3A_902, %get3A_905 : vector<16xf32>
        %max3A_907 = arith.constant 0.000000e+00 : f32
        %max3A_908 = vector.broadcast %max3A_907 : f32 to vector<16xf32>
        %max3A_909 = arith.maximumf %add3A_906, %max3A_908 : vector<16xf32>
        %mul3A_910 = arith.mulf %max3A_909, %get3A_283 : vector<16xf32>
        %add3A_911 = arith.addf %add3A_899, %mul3A_910 : vector<16xf32>
        %swap3A_912 = arith.constant 5 : i32
        %swap3A_913 = arith.index_cast %swap3A_912 : i32 to index
        %swap3A_914 = arith.constant 0 : index
        %swap3A_915 = tpu.vector_load %arg17[%swap3A_913, %swap3A_914] {strides = array<i32>} : memref<16x17xf32, #tpu.memory_space<vmem>>, vector<16xf32>,
        tpu.vector_store %arg17[%swap3A_913, %swap3A_914], %add3A_911 {strides = array<i32>} : memref<16x17xf32, #tpu.memory_space<vmem>>, vector<16xf32>,
        %add3A_916 = arith.constant 6 : i32
        %add3A_917 = arith.addi %mul3A_310, %add3A_916 : i32
        %get3A_918 = arith.index_cast %add3A_917 : i32 to index
        %get3A_919 = arith.constant 0 : index
        %get3A_920 = tpu.vector_load %arg13[%get3A_918, %get3A_919] {strides = array<i32>} : memref<80x128xf32, #tpu.memory_space<vmem>>, vector<16xf32>,
        %get3A_921 = arith.index_cast %add3A_917 : i32 to index
        %get3A_922 = arith.constant 0 : index
        %get3A_923 = tpu.vector_load %arg14[%get3A_921, %get3A_922] {strides = array<i32>} : memref<80x128xf32, #tpu.memory_space<vmem>>, vector<16xf32>,
        %add3A_924 = arith.addf %get3A_920, %get3A_923 : vector<16xf32>
        %max3A_925 = arith.constant 0.000000e+00 : f32
        %max3A_926 = vector.broadcast %max3A_925 : f32 to vector<16xf32>
        %max3A_927 = arith.maximumf %add3A_924, %max3A_926 : vector<16xf32>
        %mul3A_928 = arith.mulf %max3A_927, %get3A_269 : vector<16xf32>
        %get3A_929 = arith.index_cast %add3A_917 : i32 to index
        %get3A_930 = arith.constant 16 : index
        %get3A_931 = tpu.vector_load %arg13[%get3A_929, %get3A_930] {strides = array<i32>} : memref<80x128xf32, #tpu.memory_space<vmem>>, vector<16xf32>,
        %get3A_932 = arith.index_cast %add3A_917 : i32 to index
        %get3A_933 = arith.constant 16 : index
        %get3A_934 = tpu.vector_load %arg14[%get3A_932, %get3A_933] {strides = array<i32>} : memref<80x128xf32, #tpu.memory_space<vmem>>, vector<16xf32>,
        %add3A_935 = arith.addf %get3A_931, %get3A_934 : vector<16xf32>
        %max3A_936 = arith.constant 0.000000e+00 : f32
        %max3A_937 = vector.broadcast %max3A_936 : f32 to vector<16xf32>
        %max3A_938 = arith.maximumf %add3A_935, %max3A_937 : vector<16xf32>
        %mul3A_939 = arith.mulf %max3A_938, %get3A_271 : vector<16xf32>
        %add3A_940 = arith.addf %mul3A_928, %mul3A_939 : vector<16xf32>
        %get3A_941 = arith.index_cast %add3A_917 : i32 to index
        %get3A_942 = arith.constant 32 : index
        %get3A_943 = tpu.vector_load %arg13[%get3A_941, %get3A_942] {strides = array<i32>} : memref<80x128xf32, #tpu.memory_space<vmem>>, vector<16xf32>,
        %get3A_944 = arith.index_cast %add3A_917 : i32 to index
        %get3A_945 = arith.constant 32 : index
        %get3A_946 = tpu.vector_load %arg14[%get3A_944, %get3A_945] {strides = array<i32>} : memref<80x128xf32, #tpu.memory_space<vmem>>, vector<16xf32>,
        %add3A_947 = arith.addf %get3A_943, %get3A_946 : vector<16xf32>
        %max3A_948 = arith.constant 0.000000e+00 : f32
        %max3A_949 = vector.broadcast %max3A_948 : f32 to vector<16xf32>
        %max3A_950 = arith.maximumf %add3A_947, %max3A_949 : vector<16xf32>
        %mul3A_951 = arith.mulf %max3A_950, %get3A_273 : vector<16xf32>
        %add3A_952 = arith.addf %add3A_940, %mul3A_951 : vector<16xf32>
        %get3A_953 = arith.index_cast %add3A_917 : i32 to index
        %get3A_954 = arith.constant 48 : index
        %get3A_955 = tpu.vector_load %arg13[%get3A_953, %get3A_954] {strides = array<i32>} : memref<80x128xf32, #tpu.memory_space<vmem>>, vector<16xf32>,
        %get3A_956 = arith.index_cast %add3A_917 : i32 to index
        %get3A_957 = arith.constant 48 : index
        %get3A_958 = tpu.vector_load %arg14[%get3A_956, %get3A_957] {strides = array<i32>} : memref<80x128xf32, #tpu.memory_space<vmem>>, vector<16xf32>,
        %add3A_959 = arith.addf %get3A_955, %get3A_958 : vector<16xf32>
        %max3A_960 = arith.constant 0.000000e+00 : f32
        %max3A_961 = vector.broadcast %max3A_960 : f32 to vector<16xf32>
        %max3A_962 = arith.maximumf %add3A_959, %max3A_961 : vector<16xf32>
        %mul3A_963 = arith.mulf %max3A_962, %get3A_275 : vector<16xf32>
        %add3A_964 = arith.addf %add3A_952, %mul3A_963 : vector<16xf32>
        %get3A_965 = arith.index_cast %add3A_917 : i32 to index
        %get3A_966 = arith.constant 64 : index
        %get3A_967 = tpu.vector_load %arg13[%get3A_965, %get3A_966] {strides = array<i32>} : memref<80x128xf32, #tpu.memory_space<vmem>>, vector<16xf32>,
        %get3A_968 = arith.index_cast %add3A_917 : i32 to index
        %get3A_969 = arith.constant 64 : index
        %get3A_970 = tpu.vector_load %arg14[%get3A_968, %get3A_969] {strides = array<i32>} : memref<80x128xf32, #tpu.memory_space<vmem>>, vector<16xf32>,
        %add3A_971 = arith.addf %get3A_967, %get3A_970 : vector<16xf32>
        %max3A_972 = arith.constant 0.000000e+00 : f32
        %max3A_973 = vector.broadcast %max3A_972 : f32 to vector<16xf32>
        %max3A_974 = arith.maximumf %add3A_971, %max3A_973 : vector<16xf32>
        %mul3A_975 = arith.mulf %max3A_974, %get3A_277 : vector<16xf32>
        %add3A_976 = arith.addf %add3A_964, %mul3A_975 : vector<16xf32>
        %get3A_977 = arith.index_cast %add3A_917 : i32 to index
        %get3A_978 = arith.constant 80 : index
        %get3A_979 = tpu.vector_load %arg13[%get3A_977, %get3A_978] {strides = array<i32>} : memref<80x128xf32, #tpu.memory_space<vmem>>, vector<16xf32>,
        %get3A_980 = arith.index_cast %add3A_917 : i32 to index
        %get3A_981 = arith.constant 80 : index
        %get3A_982 = tpu.vector_load %arg14[%get3A_980, %get3A_981] {strides = array<i32>} : memref<80x128xf32, #tpu.memory_space<vmem>>, vector<16xf32>,
        %add3A_983 = arith.addf %get3A_979, %get3A_982 : vector<16xf32>
        %max3A_984 = arith.constant 0.000000e+00 : f32
        %max3A_985 = vector.broadcast %max3A_984 : f32 to vector<16xf32>
        %max3A_986 = arith.maximumf %add3A_983, %max3A_985 : vector<16xf32>
        %mul3A_987 = arith.mulf %max3A_986, %get3A_279 : vector<16xf32>
        %add3A_988 = arith.addf %add3A_976, %mul3A_987 : vector<16xf32>
        %get3A_989 = arith.index_cast %add3A_917 : i32 to index
        %get3A_990 = arith.constant 96 : index
        %get3A_991 = tpu.vector_load %arg13[%get3A_989, %get3A_990] {strides = array<i32>} : memref<80x128xf32, #tpu.memory_space<vmem>>, vector<16xf32>,
        %get3A_992 = arith.index_cast %add3A_917 : i32 to index
        %get3A_993 = arith.constant 96 : index
        %get3A_994 = tpu.vector_load %arg14[%get3A_992, %get3A_993] {strides = array<i32>} : memref<80x128xf32, #tpu.memory_space<vmem>>, vector<16xf32>,
        %add3A_995 = arith.addf %get3A_991, %get3A_994 : vector<16xf32>
        %max3A_996 = arith.constant 0.000000e+00 : f32
        %max3A_997 = vector.broadcast %max3A_996 : f32 to vector<16xf32>
        %max3A_998 = arith.maximumf %add3A_995, %max3A_997 : vector<16xf32>
        %mul3A_999 = arith.mulf %max3A_998, %get3A_281 : vector<16xf32>
        %add3A_1000 = arith.addf %add3A_988, %mul3A_999 : vector<16xf32>
        %get3A_1001 = arith.index_cast %add3A_917 : i32 to index
        %get3A_1002 = arith.constant 112 : index
        %get3A_1003 = tpu.vector_load %arg13[%get3A_1001, %get3A_1002] {strides = array<i32>} : memref<80x128xf32, #tpu.memory_space<vmem>>, vector<16xf32>,
        %get3A_1004 = arith.index_cast %add3A_917 : i32 to index
        %get3A_1005 = arith.constant 112 : index
        %get3A_1006 = tpu.vector_load %arg14[%get3A_1004, %get3A_1005] {strides = array<i32>} : memref<80x128xf32, #tpu.memory_space<vmem>>, vector<16xf32>,
        %add3A_1007 = arith.addf %get3A_1003, %get3A_1006 : vector<16xf32>
        %max3A_1008 = arith.constant 0.000000e+00 : f32
        %max3A_1009 = vector.broadcast %max3A_1008 : f32 to vector<16xf32>
        %max3A_1010 = arith.maximumf %add3A_1007, %max3A_1009 : vector<16xf32>
        %mul3A_1011 = arith.mulf %max3A_1010, %get3A_283 : vector<16xf32>
        %add3A_1012 = arith.addf %add3A_1000, %mul3A_1011 : vector<16xf32>
        %swap3A_1013 = arith.constant 6 : i32
        %swap3A_1014 = arith.index_cast %swap3A_1013 : i32 to index
        %swap3A_1015 = arith.constant 0 : index
        %swap3A_1016 = tpu.vector_load %arg17[%swap3A_1014, %swap3A_1015] {strides = array<i32>} : memref<16x17xf32, #tpu.memory_space<vmem>>, vector<16xf32>,
        tpu.vector_store %arg17[%swap3A_1014, %swap3A_1015], %add3A_1012 {strides = array<i32>} : memref<16x17xf32, #tpu.memory_space<vmem>>, vector<16xf32>,
        %add3A_1017 = arith.constant 7 : i32
        %add3A_1018 = arith.addi %mul3A_310, %add3A_1017 : i32
        %get3A_1019 = arith.index_cast %add3A_1018 : i32 to index
        %get3A_1020 = arith.constant 0 : index
        %get3A_1021 = tpu.vector_load %arg13[%get3A_1019, %get3A_1020] {strides = array<i32>} : memref<80x128xf32, #tpu.memory_space<vmem>>, vector<16xf32>,
        %get3A_1022 = arith.index_cast %add3A_1018 : i32 to index
        %get3A_1023 = arith.constant 0 : index
        %get3A_1024 = tpu.vector_load %arg14[%get3A_1022, %get3A_1023] {strides = array<i32>} : memref<80x128xf32, #tpu.memory_space<vmem>>, vector<16xf32>,
        %add3A_1025 = arith.addf %get3A_1021, %get3A_1024 : vector<16xf32>
        %max3A_1026 = arith.constant 0.000000e+00 : f32
        %max3A_1027 = vector.broadcast %max3A_1026 : f32 to vector<16xf32>
        %max3A_1028 = arith.maximumf %add3A_1025, %max3A_1027 : vector<16xf32>
        %mul3A_1029 = arith.mulf %max3A_1028, %get3A_269 : vector<16xf32>
        %get3A_1030 = arith.index_cast %add3A_1018 : i32 to index
        %get3A_1031 = arith.constant 16 : index
        %get3A_1032 = tpu.vector_load %arg13[%get3A_1030, %get3A_1031] {strides = array<i32>} : memref<80x128xf32, #tpu.memory_space<vmem>>, vector<16xf32>,
        %get3A_1033 = arith.index_cast %add3A_1018 : i32 to index
        %get3A_1034 = arith.constant 16 : index
        %get3A_1035 = tpu.vector_load %arg14[%get3A_1033, %get3A_1034] {strides = array<i32>} : memref<80x128xf32, #tpu.memory_space<vmem>>, vector<16xf32>,
        %add3A_1036 = arith.addf %get3A_1032, %get3A_1035 : vector<16xf32>
        %max3A_1037 = arith.constant 0.000000e+00 : f32
        %max3A_1038 = vector.broadcast %max3A_1037 : f32 to vector<16xf32>
        %max3A_1039 = arith.maximumf %add3A_1036, %max3A_1038 : vector<16xf32>
        %mul3A_1040 = arith.mulf %max3A_1039, %get3A_271 : vector<16xf32>
        %add3A_1041 = arith.addf %mul3A_1029, %mul3A_1040 : vector<16xf32>
        %get3A_1042 = arith.index_cast %add3A_1018 : i32 to index
        %get3A_1043 = arith.constant 32 : index
        %get3A_1044 = tpu.vector_load %arg13[%get3A_1042, %get3A_1043] {strides = array<i32>} : memref<80x128xf32, #tpu.memory_space<vmem>>, vector<16xf32>,
        %get3A_1045 = arith.index_cast %add3A_1018 : i32 to index
        %get3A_1046 = arith.constant 32 : index
        %get3A_1047 = tpu.vector_load %arg14[%get3A_1045, %get3A_1046] {strides = array<i32>} : memref<80x128xf32, #tpu.memory_space<vmem>>, vector<16xf32>,
        %add3A_1048 = arith.addf %get3A_1044, %get3A_1047 : vector<16xf32>
        %max3A_1049 = arith.constant 0.000000e+00 : f32
        %max3A_1050 = vector.broadcast %max3A_1049 : f32 to vector<16xf32>
        %max3A_1051 = arith.maximumf %add3A_1048, %max3A_1050 : vector<16xf32>
        %mul3A_1052 = arith.mulf %max3A_1051, %get3A_273 : vector<16xf32>
        %add3A_1053 = arith.addf %add3A_1041, %mul3A_1052 : vector<16xf32>
        %get3A_1054 = arith.index_cast %add3A_1018 : i32 to index
        %get3A_1055 = arith.constant 48 : index
        %get3A_1056 = tpu.vector_load %arg13[%get3A_1054, %get3A_1055] {strides = array<i32>} : memref<80x128xf32, #tpu.memory_space<vmem>>, vector<16xf32>,
        %get3A_1057 = arith.index_cast %add3A_1018 : i32 to index
        %get3A_1058 = arith.constant 48 : index
        %get3A_1059 = tpu.vector_load %arg14[%get3A_1057, %get3A_1058] {strides = array<i32>} : memref<80x128xf32, #tpu.memory_space<vmem>>, vector<16xf32>,
        %add3A_1060 = arith.addf %get3A_1056, %get3A_1059 : vector<16xf32>
        %max3A_1061 = arith.constant 0.000000e+00 : f32
        %max3A_1062 = vector.broadcast %max3A_1061 : f32 to vector<16xf32>
        %max3A_1063 = arith.maximumf %add3A_1060, %max3A_1062 : vector<16xf32>
        %mul3A_1064 = arith.mulf %max3A_1063, %get3A_275 : vector<16xf32>
        %add3A_1065 = arith.addf %add3A_1053, %mul3A_1064 : vector<16xf32>
        %get3A_1066 = arith.index_cast %add3A_1018 : i32 to index
        %get3A_1067 = arith.constant 64 : index
        %get3A_1068 = tpu.vector_load %arg13[%get3A_1066, %get3A_1067] {strides = array<i32>} : memref<80x128xf32, #tpu.memory_space<vmem>>, vector<16xf32>,
        %get3A_1069 = arith.index_cast %add3A_1018 : i32 to index
        %get3A_1070 = arith.constant 64 : index
        %get3A_1071 = tpu.vector_load %arg14[%get3A_1069, %get3A_1070] {strides = array<i32>} : memref<80x128xf32, #tpu.memory_space<vmem>>, vector<16xf32>,
        %add3A_1072 = arith.addf %get3A_1068, %get3A_1071 : vector<16xf32>
        %max3A_1073 = arith.constant 0.000000e+00 : f32
        %max3A_1074 = vector.broadcast %max3A_1073 : f32 to vector<16xf32>
        %max3A_1075 = arith.maximumf %add3A_1072, %max3A_1074 : vector<16xf32>
        %mul3A_1076 = arith.mulf %max3A_1075, %get3A_277 : vector<16xf32>
        %add3A_1077 = arith.addf %add3A_1065, %mul3A_1076 : vector<16xf32>
        %get3A_1078 = arith.index_cast %add3A_1018 : i32 to index
        %get3A_1079 = arith.constant 80 : index
        %get3A_1080 = tpu.vector_load %arg13[%get3A_1078, %get3A_1079] {strides = array<i32>} : memref<80x128xf32, #tpu.memory_space<vmem>>, vector<16xf32>,
        %get3A_1081 = arith.index_cast %add3A_1018 : i32 to index
        %get3A_1082 = arith.constant 80 : index
        %get3A_1083 = tpu.vector_load %arg14[%get3A_1081, %get3A_1082] {strides = array<i32>} : memref<80x128xf32, #tpu.memory_space<vmem>>, vector<16xf32>,
        %add3A_1084 = arith.addf %get3A_1080, %get3A_1083 : vector<16xf32>
        %max3A_1085 = arith.constant 0.000000e+00 : f32
        %max3A_1086 = vector.broadcast %max3A_1085 : f32 to vector<16xf32>
        %max3A_1087 = arith.maximumf %add3A_1084, %max3A_1086 : vector<16xf32>
        %mul3A_1088 = arith.mulf %max3A_1087, %get3A_279 : vector<16xf32>
        %add3A_1089 = arith.addf %add3A_1077, %mul3A_1088 : vector<16xf32>
        %get3A_1090 = arith.index_cast %add3A_1018 : i32 to index
        %get3A_1091 = arith.constant 96 : index
        %get3A_1092 = tpu.vector_load %arg13[%get3A_1090, %get3A_1091] {strides = array<i32>} : memref<80x128xf32, #tpu.memory_space<vmem>>, vector<16xf32>,
        %get3A_1093 = arith.index_cast %add3A_1018 : i32 to index
        %get3A_1094 = arith.constant 96 : index
        %get3A_1095 = tpu.vector_load %arg14[%get3A_1093, %get3A_1094] {strides = array<i32>} : memref<80x128xf32, #tpu.memory_space<vmem>>, vector<16xf32>,
        %add3A_1096 = arith.addf %get3A_1092, %get3A_1095 : vector<16xf32>
        %max3A_1097 = arith.constant 0.000000e+00 : f32
        %max3A_1098 = vector.broadcast %max3A_1097 : f32 to vector<16xf32>
        %max3A_1099 = arith.maximumf %add3A_1096, %max3A_1098 : vector<16xf32>
        %mul3A_1100 = arith.mulf %max3A_1099, %get3A_281 : vector<16xf32>
        %add3A_1101 = arith.addf %add3A_1089, %mul3A_1100 : vector<16xf32>
        %get3A_1102 = arith.index_cast %add3A_1018 : i32 to index
        %get3A_1103 = arith.constant 112 : index
        %get3A_1104 = tpu.vector_load %arg13[%get3A_1102, %get3A_1103] {strides = array<i32>} : memref<80x128xf32, #tpu.memory_space<vmem>>, vector<16xf32>,
        %get3A_1105 = arith.index_cast %add3A_1018 : i32 to index
        %get3A_1106 = arith.constant 112 : index
        %get3A_1107 = tpu.vector_load %arg14[%get3A_1105, %get3A_1106] {strides = array<i32>} : memref<80x128xf32, #tpu.memory_space<vmem>>, vector<16xf32>,
        %add3A_1108 = arith.addf %get3A_1104, %get3A_1107 : vector<16xf32>
        %max3A_1109 = arith.constant 0.000000e+00 : f32
        %max3A_1110 = vector.broadcast %max3A_1109 : f32 to vector<16xf32>
        %max3A_1111 = arith.maximumf %add3A_1108, %max3A_1110 : vector<16xf32>
        %mul3A_1112 = arith.mulf %max3A_1111, %get3A_283 : vector<16xf32>
        %add3A_1113 = arith.addf %add3A_1101, %mul3A_1112 : vector<16xf32>
        %swap3A_1114 = arith.constant 7 : i32
        %swap3A_1115 = arith.index_cast %swap3A_1114 : i32 to index
        %swap3A_1116 = arith.constant 0 : index
        %swap3A_1117 = tpu.vector_load %arg17[%swap3A_1115, %swap3A_1116] {strides = array<i32>} : memref<16x17xf32, #tpu.memory_space<vmem>>, vector<16xf32>,
        tpu.vector_store %arg17[%swap3A_1115, %swap3A_1116], %add3A_1113 {strides = array<i32>} : memref<16x17xf32, #tpu.memory_space<vmem>>, vector<16xf32>,
        %add3A_1118 = arith.constant 8 : i32
        %add3A_1119 = arith.addi %mul3A_310, %add3A_1118 : i32
        %get3A_1120 = arith.index_cast %add3A_1119 : i32 to index
        %get3A_1121 = arith.constant 0 : index
        %get3A_1122 = tpu.vector_load %arg13[%get3A_1120, %get3A_1121] {strides = array<i32>} : memref<80x128xf32, #tpu.memory_space<vmem>>, vector<16xf32>,
        %get3A_1123 = arith.index_cast %add3A_1119 : i32 to index
        %get3A_1124 = arith.constant 0 : index
        %get3A_1125 = tpu.vector_load %arg14[%get3A_1123, %get3A_1124] {strides = array<i32>} : memref<80x128xf32, #tpu.memory_space<vmem>>, vector<16xf32>,
        %add3A_1126 = arith.addf %get3A_1122, %get3A_1125 : vector<16xf32>
        %max3A_1127 = arith.constant 0.000000e+00 : f32
        %max3A_1128 = vector.broadcast %max3A_1127 : f32 to vector<16xf32>
        %max3A_1129 = arith.maximumf %add3A_1126, %max3A_1128 : vector<16xf32>
        %mul3A_1130 = arith.mulf %max3A_1129, %get3A_269 : vector<16xf32>
        %get3A_1131 = arith.index_cast %add3A_1119 : i32 to index
        %get3A_1132 = arith.constant 16 : index
        %get3A_1133 = tpu.vector_load %arg13[%get3A_1131, %get3A_1132] {strides = array<i32>} : memref<80x128xf32, #tpu.memory_space<vmem>>, vector<16xf32>,
        %get3A_1134 = arith.index_cast %add3A_1119 : i32 to index
        %get3A_1135 = arith.constant 16 : index
        %get3A_1136 = tpu.vector_load %arg14[%get3A_1134, %get3A_1135] {strides = array<i32>} : memref<80x128xf32, #tpu.memory_space<vmem>>, vector<16xf32>,
        %add3A_1137 = arith.addf %get3A_1133, %get3A_1136 : vector<16xf32>
        %max3A_1138 = arith.constant 0.000000e+00 : f32
        %max3A_1139 = vector.broadcast %max3A_1138 : f32 to vector<16xf32>
        %max3A_1140 = arith.maximumf %add3A_1137, %max3A_1139 : vector<16xf32>
        %mul3A_1141 = arith.mulf %max3A_1140, %get3A_271 : vector<16xf32>
        %add3A_1142 = arith.addf %mul3A_1130, %mul3A_1141 : vector<16xf32>
        %get3A_1143 = arith.index_cast %add3A_1119 : i32 to index
        %get3A_1144 = arith.constant 32 : index
        %get3A_1145 = tpu.vector_load %arg13[%get3A_1143, %get3A_1144] {strides = array<i32>} : memref<80x128xf32, #tpu.memory_space<vmem>>, vector<16xf32>,
        %get3A_1146 = arith.index_cast %add3A_1119 : i32 to index
        %get3A_1147 = arith.constant 32 : index
        %get3A_1148 = tpu.vector_load %arg14[%get3A_1146, %get3A_1147] {strides = array<i32>} : memref<80x128xf32, #tpu.memory_space<vmem>>, vector<16xf32>,
        %add3A_1149 = arith.addf %get3A_1145, %get3A_1148 : vector<16xf32>
        %max3A_1150 = arith.constant 0.000000e+00 : f32
        %max3A_1151 = vector.broadcast %max3A_1150 : f32 to vector<16xf32>
        %max3A_1152 = arith.maximumf %add3A_1149, %max3A_1151 : vector<16xf32>
        %mul3A_1153 = arith.mulf %max3A_1152, %get3A_273 : vector<16xf32>
        %add3A_1154 = arith.addf %add3A_1142, %mul3A_1153 : vector<16xf32>
        %get3A_1155 = arith.index_cast %add3A_1119 : i32 to index
        %get3A_1156 = arith.constant 48 : index
        %get3A_1157 = tpu.vector_load %arg13[%get3A_1155, %get3A_1156] {strides = array<i32>} : memref<80x128xf32, #tpu.memory_space<vmem>>, vector<16xf32>,
        %get3A_1158 = arith.index_cast %add3A_1119 : i32 to index
        %get3A_1159 = arith.constant 48 : index
        %get3A_1160 = tpu.vector_load %arg14[%get3A_1158, %get3A_1159] {strides = array<i32>} : memref<80x128xf32, #tpu.memory_space<vmem>>, vector<16xf32>,
        %add3A_1161 = arith.addf %get3A_1157, %get3A_1160 : vector<16xf32>
        %max3A_1162 = arith.constant 0.000000e+00 : f32
        %max3A_1163 = vector.broadcast %max3A_1162 : f32 to vector<16xf32>
        %max3A_1164 = arith.maximumf %add3A_1161, %max3A_1163 : vector<16xf32>
        %mul3A_1165 = arith.mulf %max3A_1164, %get3A_275 : vector<16xf32>
        %add3A_1166 = arith.addf %add3A_1154, %mul3A_1165 : vector<16xf32>
        %get3A_1167 = arith.index_cast %add3A_1119 : i32 to index
        %get3A_1168 = arith.constant 64 : index
        %get3A_1169 = tpu.vector_load %arg13[%get3A_1167, %get3A_1168] {strides = array<i32>} : memref<80x128xf32, #tpu.memory_space<vmem>>, vector<16xf32>,
        %get3A_1170 = arith.index_cast %add3A_1119 : i32 to index
        %get3A_1171 = arith.constant 64 : index
        %get3A_1172 = tpu.vector_load %arg14[%get3A_1170, %get3A_1171] {strides = array<i32>} : memref<80x128xf32, #tpu.memory_space<vmem>>, vector<16xf32>,
        %add3A_1173 = arith.addf %get3A_1169, %get3A_1172 : vector<16xf32>
        %max3A_1174 = arith.constant 0.000000e+00 : f32
        %max3A_1175 = vector.broadcast %max3A_1174 : f32 to vector<16xf32>
        %max3A_1176 = arith.maximumf %add3A_1173, %max3A_1175 : vector<16xf32>
        %mul3A_1177 = arith.mulf %max3A_1176, %get3A_277 : vector<16xf32>
        %add3A_1178 = arith.addf %add3A_1166, %mul3A_1177 : vector<16xf32>
        %get3A_1179 = arith.index_cast %add3A_1119 : i32 to index
        %get3A_1180 = arith.constant 80 : index
        %get3A_1181 = tpu.vector_load %arg13[%get3A_1179, %get3A_1180] {strides = array<i32>} : memref<80x128xf32, #tpu.memory_space<vmem>>, vector<16xf32>,
        %get3A_1182 = arith.index_cast %add3A_1119 : i32 to index
        %get3A_1183 = arith.constant 80 : index
        %get3A_1184 = tpu.vector_load %arg14[%get3A_1182, %get3A_1183] {strides = array<i32>} : memref<80x128xf32, #tpu.memory_space<vmem>>, vector<16xf32>,
        %add3A_1185 = arith.addf %get3A_1181, %get3A_1184 : vector<16xf32>
        %max3A_1186 = arith.constant 0.000000e+00 : f32
        %max3A_1187 = vector.broadcast %max3A_1186 : f32 to vector<16xf32>
        %max3A_1188 = arith.maximumf %add3A_1185, %max3A_1187 : vector<16xf32>
        %mul3A_1189 = arith.mulf %max3A_1188, %get3A_279 : vector<16xf32>
        %add3A_1190 = arith.addf %add3A_1178, %mul3A_1189 : vector<16xf32>
        %get3A_1191 = arith.index_cast %add3A_1119 : i32 to index
        %get3A_1192 = arith.constant 96 : index
        %get3A_1193 = tpu.vector_load %arg13[%get3A_1191, %get3A_1192] {strides = array<i32>} : memref<80x128xf32, #tpu.memory_space<vmem>>, vector<16xf32>,
        %get3A_1194 = arith.index_cast %add3A_1119 : i32 to index
        %get3A_1195 = arith.constant 96 : index
        %get3A_1196 = tpu.vector_load %arg14[%get3A_1194, %get3A_1195] {strides = array<i32>} : memref<80x128xf32, #tpu.memory_space<vmem>>, vector<16xf32>,
        %add3A_1197 = arith.addf %get3A_1193, %get3A_1196 : vector<16xf32>
        %max3A_1198 = arith.constant 0.000000e+00 : f32
        %max3A_1199 = vector.broadcast %max3A_1198 : f32 to vector<16xf32>
        %max3A_1200 = arith.maximumf %add3A_1197, %max3A_1199 : vector<16xf32>
        %mul3A_1201 = arith.mulf %max3A_1200, %get3A_281 : vector<16xf32>
        %add3A_1202 = arith.addf %add3A_1190, %mul3A_1201 : vector<16xf32>
        %get3A_1203 = arith.index_cast %add3A_1119 : i32 to index
        %get3A_1204 = arith.constant 112 : index
        %get3A_1205 = tpu.vector_load %arg13[%get3A_1203, %get3A_1204] {strides = array<i32>} : memref<80x128xf32, #tpu.memory_space<vmem>>, vector<16xf32>,
        %get3A_1206 = arith.index_cast %add3A_1119 : i32 to index
        %get3A_1207 = arith.constant 112 : index
        %get3A_1208 = tpu.vector_load %arg14[%get3A_1206, %get3A_1207] {strides = array<i32>} : memref<80x128xf32, #tpu.memory_space<vmem>>, vector<16xf32>,
        %add3A_1209 = arith.addf %get3A_1205, %get3A_1208 : vector<16xf32>
        %max3A_1210 = arith.constant 0.000000e+00 : f32
        %max3A_1211 = vector.broadcast %max3A_1210 : f32 to vector<16xf32>
        %max3A_1212 = arith.maximumf %add3A_1209, %max3A_1211 : vector<16xf32>
        %mul3A_1213 = arith.mulf %max3A_1212, %get3A_283 : vector<16xf32>
        %add3A_1214 = arith.addf %add3A_1202, %mul3A_1213 : vector<16xf32>
        %swap3A_1215 = arith.constant 8 : i32
        %swap3A_1216 = arith.index_cast %swap3A_1215 : i32 to index
        %swap3A_1217 = arith.constant 0 : index
        %swap3A_1218 = tpu.vector_load %arg17[%swap3A_1216, %swap3A_1217] {strides = array<i32>} : memref<16x17xf32, #tpu.memory_space<vmem>>, vector<16xf32>,
        tpu.vector_store %arg17[%swap3A_1216, %swap3A_1217], %add3A_1214 {strides = array<i32>} : memref<16x17xf32, #tpu.memory_space<vmem>>, vector<16xf32>,
        %add3A_1219 = arith.constant 9 : i32
        %add3A_1220 = arith.addi %mul3A_310, %add3A_1219 : i32
        %get3A_1221 = arith.index_cast %add3A_1220 : i32 to index
        %get3A_1222 = arith.constant 0 : index
        %get3A_1223 = tpu.vector_load %arg13[%get3A_1221, %get3A_1222] {strides = array<i32>} : memref<80x128xf32, #tpu.memory_space<vmem>>, vector<16xf32>,
        %get3A_1224 = arith.index_cast %add3A_1220 : i32 to index
        %get3A_1225 = arith.constant 0 : index
        %get3A_1226 = tpu.vector_load %arg14[%get3A_1224, %get3A_1225] {strides = array<i32>} : memref<80x128xf32, #tpu.memory_space<vmem>>, vector<16xf32>,
        %add3A_1227 = arith.addf %get3A_1223, %get3A_1226 : vector<16xf32>
        %max3A_1228 = arith.constant 0.000000e+00 : f32
        %max3A_1229 = vector.broadcast %max3A_1228 : f32 to vector<16xf32>
        %max3A_1230 = arith.maximumf %add3A_1227, %max3A_1229 : vector<16xf32>
        %mul3A_1231 = arith.mulf %max3A_1230, %get3A_269 : vector<16xf32>
        %get3A_1232 = arith.index_cast %add3A_1220 : i32 to index
        %get3A_1233 = arith.constant 16 : index
        %get3A_1234 = tpu.vector_load %arg13[%get3A_1232, %get3A_1233] {strides = array<i32>} : memref<80x128xf32, #tpu.memory_space<vmem>>, vector<16xf32>,
        %get3A_1235 = arith.index_cast %add3A_1220 : i32 to index
        %get3A_1236 = arith.constant 16 : index
        %get3A_1237 = tpu.vector_load %arg14[%get3A_1235, %get3A_1236] {strides = array<i32>} : memref<80x128xf32, #tpu.memory_space<vmem>>, vector<16xf32>,
        %add3A_1238 = arith.addf %get3A_1234, %get3A_1237 : vector<16xf32>
        %max3A_1239 = arith.constant 0.000000e+00 : f32
        %max3A_1240 = vector.broadcast %max3A_1239 : f32 to vector<16xf32>
        %max3A_1241 = arith.maximumf %add3A_1238, %max3A_1240 : vector<16xf32>
        %mul3A_1242 = arith.mulf %max3A_1241, %get3A_271 : vector<16xf32>
        %add3A_1243 = arith.addf %mul3A_1231, %mul3A_1242 : vector<16xf32>
        %get3A_1244 = arith.index_cast %add3A_1220 : i32 to index
        %get3A_1245 = arith.constant 32 : index
        %get3A_1246 = tpu.vector_load %arg13[%get3A_1244, %get3A_1245] {strides = array<i32>} : memref<80x128xf32, #tpu.memory_space<vmem>>, vector<16xf32>,
        %get3A_1247 = arith.index_cast %add3A_1220 : i32 to index
        %get3A_1248 = arith.constant 32 : index
        %get3A_1249 = tpu.vector_load %arg14[%get3A_1247, %get3A_1248] {strides = array<i32>} : memref<80x128xf32, #tpu.memory_space<vmem>>, vector<16xf32>,
        %add3A_1250 = arith.addf %get3A_1246, %get3A_1249 : vector<16xf32>
        %max3A_1251 = arith.constant 0.000000e+00 : f32
        %max3A_1252 = vector.broadcast %max3A_1251 : f32 to vector<16xf32>
        %max3A_1253 = arith.maximumf %add3A_1250, %max3A_1252 : vector<16xf32>
        %mul3A_1254 = arith.mulf %max3A_1253, %get3A_273 : vector<16xf32>
        %add3A_1255 = arith.addf %add3A_1243, %mul3A_1254 : vector<16xf32>
        %get3A_1256 = arith.index_cast %add3A_1220 : i32 to index
        %get3A_1257 = arith.constant 48 : index
        %get3A_1258 = tpu.vector_load %arg13[%get3A_1256, %get3A_1257] {strides = array<i32>} : memref<80x128xf32, #tpu.memory_space<vmem>>, vector<16xf32>,
        %get3A_1259 = arith.index_cast %add3A_1220 : i32 to index
        %get3A_1260 = arith.constant 48 : index
        %get3A_1261 = tpu.vector_load %arg14[%get3A_1259, %get3A_1260] {strides = array<i32>} : memref<80x128xf32, #tpu.memory_space<vmem>>, vector<16xf32>,
        %add3A_1262 = arith.addf %get3A_1258, %get3A_1261 : vector<16xf32>
        %max3A_1263 = arith.constant 0.000000e+00 : f32
        %max3A_1264 = vector.broadcast %max3A_1263 : f32 to vector<16xf32>
        %max3A_1265 = arith.maximumf %add3A_1262, %max3A_1264 : vector<16xf32>
        %mul3A_1266 = arith.mulf %max3A_1265, %get3A_275 : vector<16xf32>
        %add3A_1267 = arith.addf %add3A_1255, %mul3A_1266 : vector<16xf32>
        %get3A_1268 = arith.index_cast %add3A_1220 : i32 to index
        %get3A_1269 = arith.constant 64 : index
        %get3A_1270 = tpu.vector_load %arg13[%get3A_1268, %get3A_1269] {strides = array<i32>} : memref<80x128xf32, #tpu.memory_space<vmem>>, vector<16xf32>,
        %get3A_1271 = arith.index_cast %add3A_1220 : i32 to index
        %get3A_1272 = arith.constant 64 : index
        %get3A_1273 = tpu.vector_load %arg14[%get3A_1271, %get3A_1272] {strides = array<i32>} : memref<80x128xf32, #tpu.memory_space<vmem>>, vector<16xf32>,
        %add3A_1274 = arith.addf %get3A_1270, %get3A_1273 : vector<16xf32>
        %max3A_1275 = arith.constant 0.000000e+00 : f32
        %max3A_1276 = vector.broadcast %max3A_1275 : f32 to vector<16xf32>
        %max3A_1277 = arith.maximumf %add3A_1274, %max3A_1276 : vector<16xf32>
        %mul3A_1278 = arith.mulf %max3A_1277, %get3A_277 : vector<16xf32>
        %add3A_1279 = arith.addf %add3A_1267, %mul3A_1278 : vector<16xf32>
        %get3A_1280 = arith.index_cast %add3A_1220 : i32 to index
        %get3A_1281 = arith.constant 80 : index
        %get3A_1282 = tpu.vector_load %arg13[%get3A_1280, %get3A_1281] {strides = array<i32>} : memref<80x128xf32, #tpu.memory_space<vmem>>, vector<16xf32>,
        %get3A_1283 = arith.index_cast %add3A_1220 : i32 to index
        %get3A_1284 = arith.constant 80 : index
        %get3A_1285 = tpu.vector_load %arg14[%get3A_1283, %get3A_1284] {strides = array<i32>} : memref<80x128xf32, #tpu.memory_space<vmem>>, vector<16xf32>,
        %add3A_1286 = arith.addf %get3A_1282, %get3A_1285 : vector<16xf32>
        %max3A_1287 = arith.constant 0.000000e+00 : f32
        %max3A_1288 = vector.broadcast %max3A_1287 : f32 to vector<16xf32>
        %max3A_1289 = arith.maximumf %add3A_1286, %max3A_1288 : vector<16xf32>
        %mul3A_1290 = arith.mulf %max3A_1289, %get3A_279 : vector<16xf32>
        %add3A_1291 = arith.addf %add3A_1279, %mul3A_1290 : vector<16xf32>
        %get3A_1292 = arith.index_cast %add3A_1220 : i32 to index
        %get3A_1293 = arith.constant 96 : index
        %get3A_1294 = tpu.vector_load %arg13[%get3A_1292, %get3A_1293] {strides = array<i32>} : memref<80x128xf32, #tpu.memory_space<vmem>>, vector<16xf32>,
        %get3A_1295 = arith.index_cast %add3A_1220 : i32 to index
        %get3A_1296 = arith.constant 96 : index
        %get3A_1297 = tpu.vector_load %arg14[%get3A_1295, %get3A_1296] {strides = array<i32>} : memref<80x128xf32, #tpu.memory_space<vmem>>, vector<16xf32>,
        %add3A_1298 = arith.addf %get3A_1294, %get3A_1297 : vector<16xf32>
        %max3A_1299 = arith.constant 0.000000e+00 : f32
        %max3A_1300 = vector.broadcast %max3A_1299 : f32 to vector<16xf32>
        %max3A_1301 = arith.maximumf %add3A_1298, %max3A_1300 : vector<16xf32>
        %mul3A_1302 = arith.mulf %max3A_1301, %get3A_281 : vector<16xf32>
        %add3A_1303 = arith.addf %add3A_1291, %mul3A_1302 : vector<16xf32>
        %get3A_1304 = arith.index_cast %add3A_1220 : i32 to index
        %get3A_1305 = arith.constant 112 : index
        %get3A_1306 = tpu.vector_load %arg13[%get3A_1304, %get3A_1305] {strides = array<i32>} : memref<80x128xf32, #tpu.memory_space<vmem>>, vector<16xf32>,
        %get3A_1307 = arith.index_cast %add3A_1220 : i32 to index
        %get3A_1308 = arith.constant 112 : index
        %get3A_1309 = tpu.vector_load %arg14[%get3A_1307, %get3A_1308] {strides = array<i32>} : memref<80x128xf32, #tpu.memory_space<vmem>>, vector<16xf32>,
        %add3A_1310 = arith.addf %get3A_1306, %get3A_1309 : vector<16xf32>
        %max3A_1311 = arith.constant 0.000000e+00 : f32
        %max3A_1312 = vector.broadcast %max3A_1311 : f32 to vector<16xf32>
        %max3A_1313 = arith.maximumf %add3A_1310, %max3A_1312 : vector<16xf32>
        %mul3A_1314 = arith.mulf %max3A_1313, %get3A_283 : vector<16xf32>
        %add3A_1315 = arith.addf %add3A_1303, %mul3A_1314 : vector<16xf32>
        %swap3A_1316 = arith.constant 9 : i32
        %swap3A_1317 = arith.index_cast %swap3A_1316 : i32 to index
        %swap3A_1318 = arith.constant 0 : index
        %swap3A_1319 = tpu.vector_load %arg17[%swap3A_1317, %swap3A_1318] {strides = array<i32>} : memref<16x17xf32, #tpu.memory_space<vmem>>, vector<16xf32>,
        tpu.vector_store %arg17[%swap3A_1317, %swap3A_1318], %add3A_1315 {strides = array<i32>} : memref<16x17xf32, #tpu.memory_space<vmem>>, vector<16xf32>,
        %add3A_1320 = arith.constant 10 : i32
        %add3A_1321 = arith.addi %mul3A_310, %add3A_1320 : i32
        %get3A_1322 = arith.index_cast %add3A_1321 : i32 to index
        %get3A_1323 = arith.constant 0 : index
        %get3A_1324 = tpu.vector_load %arg13[%get3A_1322, %get3A_1323] {strides = array<i32>} : memref<80x128xf32, #tpu.memory_space<vmem>>, vector<16xf32>,
        %get3A_1325 = arith.index_cast %add3A_1321 : i32 to index
        %get3A_1326 = arith.constant 0 : index
        %get3A_1327 = tpu.vector_load %arg14[%get3A_1325, %get3A_1326] {strides = array<i32>} : memref<80x128xf32, #tpu.memory_space<vmem>>, vector<16xf32>,
        %add3A_1328 = arith.addf %get3A_1324, %get3A_1327 : vector<16xf32>
        %max3A_1329 = arith.constant 0.000000e+00 : f32
        %max3A_1330 = vector.broadcast %max3A_1329 : f32 to vector<16xf32>
        %max3A_1331 = arith.maximumf %add3A_1328, %max3A_1330 : vector<16xf32>
        %mul3A_1332 = arith.mulf %max3A_1331, %get3A_269 : vector<16xf32>
        %get3A_1333 = arith.index_cast %add3A_1321 : i32 to index
        %get3A_1334 = arith.constant 16 : index
        %get3A_1335 = tpu.vector_load %arg13[%get3A_1333, %get3A_1334] {strides = array<i32>} : memref<80x128xf32, #tpu.memory_space<vmem>>, vector<16xf32>,
        %get3A_1336 = arith.index_cast %add3A_1321 : i32 to index
        %get3A_1337 = arith.constant 16 : index
        %get3A_1338 = tpu.vector_load %arg14[%get3A_1336, %get3A_1337] {strides = array<i32>} : memref<80x128xf32, #tpu.memory_space<vmem>>, vector<16xf32>,
        %add3A_1339 = arith.addf %get3A_1335, %get3A_1338 : vector<16xf32>
        %max3A_1340 = arith.constant 0.000000e+00 : f32
        %max3A_1341 = vector.broadcast %max3A_1340 : f32 to vector<16xf32>
        %max3A_1342 = arith.maximumf %add3A_1339, %max3A_1341 : vector<16xf32>
        %mul3A_1343 = arith.mulf %max3A_1342, %get3A_271 : vector<16xf32>
        %add3A_1344 = arith.addf %mul3A_1332, %mul3A_1343 : vector<16xf32>
        %get3A_1345 = arith.index_cast %add3A_1321 : i32 to index
        %get3A_1346 = arith.constant 32 : index
        %get3A_1347 = tpu.vector_load %arg13[%get3A_1345, %get3A_1346] {strides = array<i32>} : memref<80x128xf32, #tpu.memory_space<vmem>>, vector<16xf32>,
        %get3A_1348 = arith.index_cast %add3A_1321 : i32 to index
        %get3A_1349 = arith.constant 32 : index
        %get3A_1350 = tpu.vector_load %arg14[%get3A_1348, %get3A_1349] {strides = array<i32>} : memref<80x128xf32, #tpu.memory_space<vmem>>, vector<16xf32>,
        %add3A_1351 = arith.addf %get3A_1347, %get3A_1350 : vector<16xf32>
        %max3A_1352 = arith.constant 0.000000e+00 : f32
        %max3A_1353 = vector.broadcast %max3A_1352 : f32 to vector<16xf32>
        %max3A_1354 = arith.maximumf %add3A_1351, %max3A_1353 : vector<16xf32>
        %mul3A_1355 = arith.mulf %max3A_1354, %get3A_273 : vector<16xf32>
        %add3A_1356 = arith.addf %add3A_1344, %mul3A_1355 : vector<16xf32>
        %get3A_1357 = arith.index_cast %add3A_1321 : i32 to index
        %get3A_1358 = arith.constant 48 : index
        %get3A_1359 = tpu.vector_load %arg13[%get3A_1357, %get3A_1358] {strides = array<i32>} : memref<80x128xf32, #tpu.memory_space<vmem>>, vector<16xf32>,
        %get3A_1360 = arith.index_cast %add3A_1321 : i32 to index
        %get3A_1361 = arith.constant 48 : index
        %get3A_1362 = tpu.vector_load %arg14[%get3A_1360, %get3A_1361] {strides = array<i32>} : memref<80x128xf32, #tpu.memory_space<vmem>>, vector<16xf32>,
        %add3A_1363 = arith.addf %get3A_1359, %get3A_1362 : vector<16xf32>
        %max3A_1364 = arith.constant 0.000000e+00 : f32
        %max3A_1365 = vector.broadcast %max3A_1364 : f32 to vector<16xf32>
        %max3A_1366 = arith.maximumf %add3A_1363, %max3A_1365 : vector<16xf32>
        %mul3A_1367 = arith.mulf %max3A_1366, %get3A_275 : vector<16xf32>
        %add3A_1368 = arith.addf %add3A_1356, %mul3A_1367 : vector<16xf32>
        %get3A_1369 = arith.index_cast %add3A_1321 : i32 to index
        %get3A_1370 = arith.constant 64 : index
        %get3A_1371 = tpu.vector_load %arg13[%get3A_1369, %get3A_1370] {strides = array<i32>} : memref<80x128xf32, #tpu.memory_space<vmem>>, vector<16xf32>,
        %get3A_1372 = arith.index_cast %add3A_1321 : i32 to index
        %get3A_1373 = arith.constant 64 : index
        %get3A_1374 = tpu.vector_load %arg14[%get3A_1372, %get3A_1373] {strides = array<i32>} : memref<80x128xf32, #tpu.memory_space<vmem>>, vector<16xf32>,
        %add3A_1375 = arith.addf %get3A_1371, %get3A_1374 : vector<16xf32>
        %max3A_1376 = arith.constant 0.000000e+00 : f32
        %max3A_1377 = vector.broadcast %max3A_1376 : f32 to vector<16xf32>
        %max3A_1378 = arith.maximumf %add3A_1375, %max3A_1377 : vector<16xf32>
        %mul3A_1379 = arith.mulf %max3A_1378, %get3A_277 : vector<16xf32>
        %add3A_1380 = arith.addf %add3A_1368, %mul3A_1379 : vector<16xf32>
        %get3A_1381 = arith.index_cast %add3A_1321 : i32 to index
        %get3A_1382 = arith.constant 80 : index
        %get3A_1383 = tpu.vector_load %arg13[%get3A_1381, %get3A_1382] {strides = array<i32>} : memref<80x128xf32, #tpu.memory_space<vmem>>, vector<16xf32>,
        %get3A_1384 = arith.index_cast %add3A_1321 : i32 to index
        %get3A_1385 = arith.constant 80 : index
        %get3A_1386 = tpu.vector_load %arg14[%get3A_1384, %get3A_1385] {strides = array<i32>} : memref<80x128xf32, #tpu.memory_space<vmem>>, vector<16xf32>,
        %add3A_1387 = arith.addf %get3A_1383, %get3A_1386 : vector<16xf32>
        %max3A_1388 = arith.constant 0.000000e+00 : f32
        %max3A_1389 = vector.broadcast %max3A_1388 : f32 to vector<16xf32>
        %max3A_1390 = arith.maximumf %add3A_1387, %max3A_1389 : vector<16xf32>
        %mul3A_1391 = arith.mulf %max3A_1390, %get3A_279 : vector<16xf32>
        %add3A_1392 = arith.addf %add3A_1380, %mul3A_1391 : vector<16xf32>
        %get3A_1393 = arith.index_cast %add3A_1321 : i32 to index
        %get3A_1394 = arith.constant 96 : index
        %get3A_1395 = tpu.vector_load %arg13[%get3A_1393, %get3A_1394] {strides = array<i32>} : memref<80x128xf32, #tpu.memory_space<vmem>>, vector<16xf32>,
        %get3A_1396 = arith.index_cast %add3A_1321 : i32 to index
        %get3A_1397 = arith.constant 96 : index
        %get3A_1398 = tpu.vector_load %arg14[%get3A_1396, %get3A_1397] {strides = array<i32>} : memref<80x128xf32, #tpu.memory_space<vmem>>, vector<16xf32>,
        %add3A_1399 = arith.addf %get3A_1395, %get3A_1398 : vector<16xf32>
        %max3A_1400 = arith.constant 0.000000e+00 : f32
        %max3A_1401 = vector.broadcast %max3A_1400 : f32 to vector<16xf32>
        %max3A_1402 = arith.maximumf %add3A_1399, %max3A_1401 : vector<16xf32>
        %mul3A_1403 = arith.mulf %max3A_1402, %get3A_281 : vector<16xf32>
        %add3A_1404 = arith.addf %add3A_1392, %mul3A_1403 : vector<16xf32>
        %get3A_1405 = arith.index_cast %add3A_1321 : i32 to index
        %get3A_1406 = arith.constant 112 : index
        %get3A_1407 = tpu.vector_load %arg13[%get3A_1405, %get3A_1406] {strides = array<i32>} : memref<80x128xf32, #tpu.memory_space<vmem>>, vector<16xf32>,
        %get3A_1408 = arith.index_cast %add3A_1321 : i32 to index
        %get3A_1409 = arith.constant 112 : index
        %get3A_1410 = tpu.vector_load %arg14[%get3A_1408, %get3A_1409] {strides = array<i32>} : memref<80x128xf32, #tpu.memory_space<vmem>>, vector<16xf32>,
        %add3A_1411 = arith.addf %get3A_1407, %get3A_1410 : vector<16xf32>
        %max3A_1412 = arith.constant 0.000000e+00 : f32
        %max3A_1413 = vector.broadcast %max3A_1412 : f32 to vector<16xf32>
        %max3A_1414 = arith.maximumf %add3A_1411, %max3A_1413 : vector<16xf32>
        %mul3A_1415 = arith.mulf %max3A_1414, %get3A_283 : vector<16xf32>
        %add3A_1416 = arith.addf %add3A_1404, %mul3A_1415 : vector<16xf32>
        %swap3A_1417 = arith.constant 10 : i32
        %swap3A_1418 = arith.index_cast %swap3A_1417 : i32 to index
        %swap3A_1419 = arith.constant 0 : index
        %swap3A_1420 = tpu.vector_load %arg17[%swap3A_1418, %swap3A_1419] {strides = array<i32>} : memref<16x17xf32, #tpu.memory_space<vmem>>, vector<16xf32>,
        tpu.vector_store %arg17[%swap3A_1418, %swap3A_1419], %add3A_1416 {strides = array<i32>} : memref<16x17xf32, #tpu.memory_space<vmem>>, vector<16xf32>,
        %add3A_1421 = arith.constant 11 : i32
        %add3A_1422 = arith.addi %mul3A_310, %add3A_1421 : i32
        %get3A_1423 = arith.index_cast %add3A_1422 : i32 to index
        %get3A_1424 = arith.constant 0 : index
        %get3A_1425 = tpu.vector_load %arg13[%get3A_1423, %get3A_1424] {strides = array<i32>} : memref<80x128xf32, #tpu.memory_space<vmem>>, vector<16xf32>,
        %get3A_1426 = arith.index_cast %add3A_1422 : i32 to index
        %get3A_1427 = arith.constant 0 : index
        %get3A_1428 = tpu.vector_load %arg14[%get3A_1426, %get3A_1427] {strides = array<i32>} : memref<80x128xf32, #tpu.memory_space<vmem>>, vector<16xf32>,
        %add3A_1429 = arith.addf %get3A_1425, %get3A_1428 : vector<16xf32>
        %max3A_1430 = arith.constant 0.000000e+00 : f32
        %max3A_1431 = vector.broadcast %max3A_1430 : f32 to vector<16xf32>
        %max3A_1432 = arith.maximumf %add3A_1429, %max3A_1431 : vector<16xf32>
        %mul3A_1433 = arith.mulf %max3A_1432, %get3A_269 : vector<16xf32>
        %get3A_1434 = arith.index_cast %add3A_1422 : i32 to index
        %get3A_1435 = arith.constant 16 : index
        %get3A_1436 = tpu.vector_load %arg13[%get3A_1434, %get3A_1435] {strides = array<i32>} : memref<80x128xf32, #tpu.memory_space<vmem>>, vector<16xf32>,
        %get3A_1437 = arith.index_cast %add3A_1422 : i32 to index
        %get3A_1438 = arith.constant 16 : index
        %get3A_1439 = tpu.vector_load %arg14[%get3A_1437, %get3A_1438] {strides = array<i32>} : memref<80x128xf32, #tpu.memory_space<vmem>>, vector<16xf32>,
        %add3A_1440 = arith.addf %get3A_1436, %get3A_1439 : vector<16xf32>
        %max3A_1441 = arith.constant 0.000000e+00 : f32
        %max3A_1442 = vector.broadcast %max3A_1441 : f32 to vector<16xf32>
        %max3A_1443 = arith.maximumf %add3A_1440, %max3A_1442 : vector<16xf32>
        %mul3A_1444 = arith.mulf %max3A_1443, %get3A_271 : vector<16xf32>
        %add3A_1445 = arith.addf %mul3A_1433, %mul3A_1444 : vector<16xf32>
        %get3A_1446 = arith.index_cast %add3A_1422 : i32 to index
        %get3A_1447 = arith.constant 32 : index
        %get3A_1448 = tpu.vector_load %arg13[%get3A_1446, %get3A_1447] {strides = array<i32>} : memref<80x128xf32, #tpu.memory_space<vmem>>, vector<16xf32>,
        %get3A_1449 = arith.index_cast %add3A_1422 : i32 to index
        %get3A_1450 = arith.constant 32 : index
        %get3A_1451 = tpu.vector_load %arg14[%get3A_1449, %get3A_1450] {strides = array<i32>} : memref<80x128xf32, #tpu.memory_space<vmem>>, vector<16xf32>,
        %add3A_1452 = arith.addf %get3A_1448, %get3A_1451 : vector<16xf32>
        %max3A_1453 = arith.constant 0.000000e+00 : f32
        %max3A_1454 = vector.broadcast %max3A_1453 : f32 to vector<16xf32>
        %max3A_1455 = arith.maximumf %add3A_1452, %max3A_1454 : vector<16xf32>
        %mul3A_1456 = arith.mulf %max3A_1455, %get3A_273 : vector<16xf32>
        %add3A_1457 = arith.addf %add3A_1445, %mul3A_1456 : vector<16xf32>
        %get3A_1458 = arith.index_cast %add3A_1422 : i32 to index
        %get3A_1459 = arith.constant 48 : index
        %get3A_1460 = tpu.vector_load %arg13[%get3A_1458, %get3A_1459] {strides = array<i32>} : memref<80x128xf32, #tpu.memory_space<vmem>>, vector<16xf32>,
        %get3A_1461 = arith.index_cast %add3A_1422 : i32 to index
        %get3A_1462 = arith.constant 48 : index
        %get3A_1463 = tpu.vector_load %arg14[%get3A_1461, %get3A_1462] {strides = array<i32>} : memref<80x128xf32, #tpu.memory_space<vmem>>, vector<16xf32>,
        %add3A_1464 = arith.addf %get3A_1460, %get3A_1463 : vector<16xf32>
        %max3A_1465 = arith.constant 0.000000e+00 : f32
        %max3A_1466 = vector.broadcast %max3A_1465 : f32 to vector<16xf32>
        %max3A_1467 = arith.maximumf %add3A_1464, %max3A_1466 : vector<16xf32>
        %mul3A_1468 = arith.mulf %max3A_1467, %get3A_275 : vector<16xf32>
        %add3A_1469 = arith.addf %add3A_1457, %mul3A_1468 : vector<16xf32>
        %get3A_1470 = arith.index_cast %add3A_1422 : i32 to index
        %get3A_1471 = arith.constant 64 : index
        %get3A_1472 = tpu.vector_load %arg13[%get3A_1470, %get3A_1471] {strides = array<i32>} : memref<80x128xf32, #tpu.memory_space<vmem>>, vector<16xf32>,
        %get3A_1473 = arith.index_cast %add3A_1422 : i32 to index
        %get3A_1474 = arith.constant 64 : index
        %get3A_1475 = tpu.vector_load %arg14[%get3A_1473, %get3A_1474] {strides = array<i32>} : memref<80x128xf32, #tpu.memory_space<vmem>>, vector<16xf32>,
        %add3A_1476 = arith.addf %get3A_1472, %get3A_1475 : vector<16xf32>
        %max3A_1477 = arith.constant 0.000000e+00 : f32
        %max3A_1478 = vector.broadcast %max3A_1477 : f32 to vector<16xf32>
        %max3A_1479 = arith.maximumf %add3A_1476, %max3A_1478 : vector<16xf32>
        %mul3A_1480 = arith.mulf %max3A_1479, %get3A_277 : vector<16xf32>
        %add3A_1481 = arith.addf %add3A_1469, %mul3A_1480 : vector<16xf32>
        %get3A_1482 = arith.index_cast %add3A_1422 : i32 to index
        %get3A_1483 = arith.constant 80 : index
        %get3A_1484 = tpu.vector_load %arg13[%get3A_1482, %get3A_1483] {strides = array<i32>} : memref<80x128xf32, #tpu.memory_space<vmem>>, vector<16xf32>,
        %get3A_1485 = arith.index_cast %add3A_1422 : i32 to index
        %get3A_1486 = arith.constant 80 : index
        %get3A_1487 = tpu.vector_load %arg14[%get3A_1485, %get3A_1486] {strides = array<i32>} : memref<80x128xf32, #tpu.memory_space<vmem>>, vector<16xf32>,
        %add3A_1488 = arith.addf %get3A_1484, %get3A_1487 : vector<16xf32>
        %max3A_1489 = arith.constant 0.000000e+00 : f32
        %max3A_1490 = vector.broadcast %max3A_1489 : f32 to vector<16xf32>
        %max3A_1491 = arith.maximumf %add3A_1488, %max3A_1490 : vector<16xf32>
        %mul3A_1492 = arith.mulf %max3A_1491, %get3A_279 : vector<16xf32>
        %add3A_1493 = arith.addf %add3A_1481, %mul3A_1492 : vector<16xf32>
        %get3A_1494 = arith.index_cast %add3A_1422 : i32 to index
        %get3A_1495 = arith.constant 96 : index
        %get3A_1496 = tpu.vector_load %arg13[%get3A_1494, %get3A_1495] {strides = array<i32>} : memref<80x128xf32, #tpu.memory_space<vmem>>, vector<16xf32>,
        %get3A_1497 = arith.index_cast %add3A_1422 : i32 to index
        %get3A_1498 = arith.constant 96 : index
        %get3A_1499 = tpu.vector_load %arg14[%get3A_1497, %get3A_1498] {strides = array<i32>} : memref<80x128xf32, #tpu.memory_space<vmem>>, vector<16xf32>,
        %add3A_1500 = arith.addf %get3A_1496, %get3A_1499 : vector<16xf32>
        %max3A_1501 = arith.constant 0.000000e+00 : f32
        %max3A_1502 = vector.broadcast %max3A_1501 : f32 to vector<16xf32>
        %max3A_1503 = arith.maximumf %add3A_1500, %max3A_1502 : vector<16xf32>
        %mul3A_1504 = arith.mulf %max3A_1503, %get3A_281 : vector<16xf32>
        %add3A_1505 = arith.addf %add3A_1493, %mul3A_1504 : vector<16xf32>
        %get3A_1506 = arith.index_cast %add3A_1422 : i32 to index
        %get3A_1507 = arith.constant 112 : index
        %get3A_1508 = tpu.vector_load %arg13[%get3A_1506, %get3A_1507] {strides = array<i32>} : memref<80x128xf32, #tpu.memory_space<vmem>>, vector<16xf32>,
        %get3A_1509 = arith.index_cast %add3A_1422 : i32 to index
        %get3A_1510 = arith.constant 112 : index
        %get3A_1511 = tpu.vector_load %arg14[%get3A_1509, %get3A_1510] {strides = array<i32>} : memref<80x128xf32, #tpu.memory_space<vmem>>, vector<16xf32>,
        %add3A_1512 = arith.addf %get3A_1508, %get3A_1511 : vector<16xf32>
        %max3A_1513 = arith.constant 0.000000e+00 : f32
        %max3A_1514 = vector.broadcast %max3A_1513 : f32 to vector<16xf32>
        %max3A_1515 = arith.maximumf %add3A_1512, %max3A_1514 : vector<16xf32>
        %mul3A_1516 = arith.mulf %max3A_1515, %get3A_283 : vector<16xf32>
        %add3A_1517 = arith.addf %add3A_1505, %mul3A_1516 : vector<16xf32>
        %swap3A_1518 = arith.constant 11 : i32
        %swap3A_1519 = arith.index_cast %swap3A_1518 : i32 to index
        %swap3A_1520 = arith.constant 0 : index
        %swap3A_1521 = tpu.vector_load %arg17[%swap3A_1519, %swap3A_1520] {strides = array<i32>} : memref<16x17xf32, #tpu.memory_space<vmem>>, vector<16xf32>,
        tpu.vector_store %arg17[%swap3A_1519, %swap3A_1520], %add3A_1517 {strides = array<i32>} : memref<16x17xf32, #tpu.memory_space<vmem>>, vector<16xf32>,
        %add3A_1522 = arith.constant 12 : i32
        %add3A_1523 = arith.addi %mul3A_310, %add3A_1522 : i32
        %get3A_1524 = arith.index_cast %add3A_1523 : i32 to index
        %get3A_1525 = arith.constant 0 : index
        %get3A_1526 = tpu.vector_load %arg13[%get3A_1524, %get3A_1525] {strides = array<i32>} : memref<80x128xf32, #tpu.memory_space<vmem>>, vector<16xf32>,
        %get3A_1527 = arith.index_cast %add3A_1523 : i32 to index
        %get3A_1528 = arith.constant 0 : index
        %get3A_1529 = tpu.vector_load %arg14[%get3A_1527, %get3A_1528] {strides = array<i32>} : memref<80x128xf32, #tpu.memory_space<vmem>>, vector<16xf32>,
        %add3A_1530 = arith.addf %get3A_1526, %get3A_1529 : vector<16xf32>
        %max3A_1531 = arith.constant 0.000000e+00 : f32
        %max3A_1532 = vector.broadcast %max3A_1531 : f32 to vector<16xf32>
        %max3A_1533 = arith.maximumf %add3A_1530, %max3A_1532 : vector<16xf32>
        %mul3A_1534 = arith.mulf %max3A_1533, %get3A_269 : vector<16xf32>
        %get3A_1535 = arith.index_cast %add3A_1523 : i32 to index
        %get3A_1536 = arith.constant 16 : index
        %get3A_1537 = tpu.vector_load %arg13[%get3A_1535, %get3A_1536] {strides = array<i32>} : memref<80x128xf32, #tpu.memory_space<vmem>>, vector<16xf32>,
        %get3A_1538 = arith.index_cast %add3A_1523 : i32 to index
        %get3A_1539 = arith.constant 16 : index
        %get3A_1540 = tpu.vector_load %arg14[%get3A_1538, %get3A_1539] {strides = array<i32>} : memref<80x128xf32, #tpu.memory_space<vmem>>, vector<16xf32>,
        %add3A_1541 = arith.addf %get3A_1537, %get3A_1540 : vector<16xf32>
        %max3A_1542 = arith.constant 0.000000e+00 : f32
        %max3A_1543 = vector.broadcast %max3A_1542 : f32 to vector<16xf32>
        %max3A_1544 = arith.maximumf %add3A_1541, %max3A_1543 : vector<16xf32>
        %mul3A_1545 = arith.mulf %max3A_1544, %get3A_271 : vector<16xf32>
        %add3A_1546 = arith.addf %mul3A_1534, %mul3A_1545 : vector<16xf32>
        %get3A_1547 = arith.index_cast %add3A_1523 : i32 to index
        %get3A_1548 = arith.constant 32 : index
        %get3A_1549 = tpu.vector_load %arg13[%get3A_1547, %get3A_1548] {strides = array<i32>} : memref<80x128xf32, #tpu.memory_space<vmem>>, vector<16xf32>,
        %get3A_1550 = arith.index_cast %add3A_1523 : i32 to index
        %get3A_1551 = arith.constant 32 : index
        %get3A_1552 = tpu.vector_load %arg14[%get3A_1550, %get3A_1551] {strides = array<i32>} : memref<80x128xf32, #tpu.memory_space<vmem>>, vector<16xf32>,
        %add3A_1553 = arith.addf %get3A_1549, %get3A_1552 : vector<16xf32>
        %max3A_1554 = arith.constant 0.000000e+00 : f32
        %max3A_1555 = vector.broadcast %max3A_1554 : f32 to vector<16xf32>
        %max3A_1556 = arith.maximumf %add3A_1553, %max3A_1555 : vector<16xf32>
        %mul3A_1557 = arith.mulf %max3A_1556, %get3A_273 : vector<16xf32>
        %add3A_1558 = arith.addf %add3A_1546, %mul3A_1557 : vector<16xf32>
        %get3A_1559 = arith.index_cast %add3A_1523 : i32 to index
        %get3A_1560 = arith.constant 48 : index
        %get3A_1561 = tpu.vector_load %arg13[%get3A_1559, %get3A_1560] {strides = array<i32>} : memref<80x128xf32, #tpu.memory_space<vmem>>, vector<16xf32>,
        %get3A_1562 = arith.index_cast %add3A_1523 : i32 to index
        %get3A_1563 = arith.constant 48 : index
        %get3A_1564 = tpu.vector_load %arg14[%get3A_1562, %get3A_1563] {strides = array<i32>} : memref<80x128xf32, #tpu.memory_space<vmem>>, vector<16xf32>,
        %add3A_1565 = arith.addf %get3A_1561, %get3A_1564 : vector<16xf32>
        %max3A_1566 = arith.constant 0.000000e+00 : f32
        %max3A_1567 = vector.broadcast %max3A_1566 : f32 to vector<16xf32>
        %max3A_1568 = arith.maximumf %add3A_1565, %max3A_1567 : vector<16xf32>
        %mul3A_1569 = arith.mulf %max3A_1568, %get3A_275 : vector<16xf32>
        %add3A_1570 = arith.addf %add3A_1558, %mul3A_1569 : vector<16xf32>
        %get3A_1571 = arith.index_cast %add3A_1523 : i32 to index
        %get3A_1572 = arith.constant 64 : index
        %get3A_1573 = tpu.vector_load %arg13[%get3A_1571, %get3A_1572] {strides = array<i32>} : memref<80x128xf32, #tpu.memory_space<vmem>>, vector<16xf32>,
        %get3A_1574 = arith.index_cast %add3A_1523 : i32 to index
        %get3A_1575 = arith.constant 64 : index
        %get3A_1576 = tpu.vector_load %arg14[%get3A_1574, %get3A_1575] {strides = array<i32>} : memref<80x128xf32, #tpu.memory_space<vmem>>, vector<16xf32>,
        %add3A_1577 = arith.addf %get3A_1573, %get3A_1576 : vector<16xf32>
        %max3A_1578 = arith.constant 0.000000e+00 : f32
        %max3A_1579 = vector.broadcast %max3A_1578 : f32 to vector<16xf32>
        %max3A_1580 = arith.maximumf %add3A_1577, %max3A_1579 : vector<16xf32>
        %mul3A_1581 = arith.mulf %max3A_1580, %get3A_277 : vector<16xf32>
        %add3A_1582 = arith.addf %add3A_1570, %mul3A_1581 : vector<16xf32>
        %get3A_1583 = arith.index_cast %add3A_1523 : i32 to index
        %get3A_1584 = arith.constant 80 : index
        %get3A_1585 = tpu.vector_load %arg13[%get3A_1583, %get3A_1584] {strides = array<i32>} : memref<80x128xf32, #tpu.memory_space<vmem>>, vector<16xf32>,
        %get3A_1586 = arith.index_cast %add3A_1523 : i32 to index
        %get3A_1587 = arith.constant 80 : index
        %get3A_1588 = tpu.vector_load %arg14[%get3A_1586, %get3A_1587] {strides = array<i32>} : memref<80x128xf32, #tpu.memory_space<vmem>>, vector<16xf32>,
        %add3A_1589 = arith.addf %get3A_1585, %get3A_1588 : vector<16xf32>
        %max3A_1590 = arith.constant 0.000000e+00 : f32
        %max3A_1591 = vector.broadcast %max3A_1590 : f32 to vector<16xf32>
        %max3A_1592 = arith.maximumf %add3A_1589, %max3A_1591 : vector<16xf32>
        %mul3A_1593 = arith.mulf %max3A_1592, %get3A_279 : vector<16xf32>
        %add3A_1594 = arith.addf %add3A_1582, %mul3A_1593 : vector<16xf32>
        %get3A_1595 = arith.index_cast %add3A_1523 : i32 to index
        %get3A_1596 = arith.constant 96 : index
        %get3A_1597 = tpu.vector_load %arg13[%get3A_1595, %get3A_1596] {strides = array<i32>} : memref<80x128xf32, #tpu.memory_space<vmem>>, vector<16xf32>,
        %get3A_1598 = arith.index_cast %add3A_1523 : i32 to index
        %get3A_1599 = arith.constant 96 : index
        %get3A_1600 = tpu.vector_load %arg14[%get3A_1598, %get3A_1599] {strides = array<i32>} : memref<80x128xf32, #tpu.memory_space<vmem>>, vector<16xf32>,
        %add3A_1601 = arith.addf %get3A_1597, %get3A_1600 : vector<16xf32>
        %max3A_1602 = arith.constant 0.000000e+00 : f32
        %max3A_1603 = vector.broadcast %max3A_1602 : f32 to vector<16xf32>
        %max3A_1604 = arith.maximumf %add3A_1601, %max3A_1603 : vector<16xf32>
        %mul3A_1605 = arith.mulf %max3A_1604, %get3A_281 : vector<16xf32>
        %add3A_1606 = arith.addf %add3A_1594, %mul3A_1605 : vector<16xf32>
        %get3A_1607 = arith.index_cast %add3A_1523 : i32 to index
        %get3A_1608 = arith.constant 112 : index
        %get3A_1609 = tpu.vector_load %arg13[%get3A_1607, %get3A_1608] {strides = array<i32>} : memref<80x128xf32, #tpu.memory_space<vmem>>, vector<16xf32>,
        %get3A_1610 = arith.index_cast %add3A_1523 : i32 to index
        %get3A_1611 = arith.constant 112 : index
        %get3A_1612 = tpu.vector_load %arg14[%get3A_1610, %get3A_1611] {strides = array<i32>} : memref<80x128xf32, #tpu.memory_space<vmem>>, vector<16xf32>,
        %add3A_1613 = arith.addf %get3A_1609, %get3A_1612 : vector<16xf32>
        %max3A_1614 = arith.constant 0.000000e+00 : f32
        %max3A_1615 = vector.broadcast %max3A_1614 : f32 to vector<16xf32>
        %max3A_1616 = arith.maximumf %add3A_1613, %max3A_1615 : vector<16xf32>
        %mul3A_1617 = arith.mulf %max3A_1616, %get3A_283 : vector<16xf32>
        %add3A_1618 = arith.addf %add3A_1606, %mul3A_1617 : vector<16xf32>
        %swap3A_1619 = arith.constant 12 : i32
        %swap3A_1620 = arith.index_cast %swap3A_1619 : i32 to index
        %swap3A_1621 = arith.constant 0 : index
        %swap3A_1622 = tpu.vector_load %arg17[%swap3A_1620, %swap3A_1621] {strides = array<i32>} : memref<16x17xf32, #tpu.memory_space<vmem>>, vector<16xf32>,
        tpu.vector_store %arg17[%swap3A_1620, %swap3A_1621], %add3A_1618 {strides = array<i32>} : memref<16x17xf32, #tpu.memory_space<vmem>>, vector<16xf32>,
        %add3A_1623 = arith.constant 13 : i32
        %add3A_1624 = arith.addi %mul3A_310, %add3A_1623 : i32
        %get3A_1625 = arith.index_cast %add3A_1624 : i32 to index
        %get3A_1626 = arith.constant 0 : index
        %get3A_1627 = tpu.vector_load %arg13[%get3A_1625, %get3A_1626] {strides = array<i32>} : memref<80x128xf32, #tpu.memory_space<vmem>>, vector<16xf32>,
        %get3A_1628 = arith.index_cast %add3A_1624 : i32 to index
        %get3A_1629 = arith.constant 0 : index
        %get3A_1630 = tpu.vector_load %arg14[%get3A_1628, %get3A_1629] {strides = array<i32>} : memref<80x128xf32, #tpu.memory_space<vmem>>, vector<16xf32>,
        %add3A_1631 = arith.addf %get3A_1627, %get3A_1630 : vector<16xf32>
        %max3A_1632 = arith.constant 0.000000e+00 : f32
        %max3A_1633 = vector.broadcast %max3A_1632 : f32 to vector<16xf32>
        %max3A_1634 = arith.maximumf %add3A_1631, %max3A_1633 : vector<16xf32>
        %mul3A_1635 = arith.mulf %max3A_1634, %get3A_269 : vector<16xf32>
        %get3A_1636 = arith.index_cast %add3A_1624 : i32 to index
        %get3A_1637 = arith.constant 16 : index
        %get3A_1638 = tpu.vector_load %arg13[%get3A_1636, %get3A_1637] {strides = array<i32>} : memref<80x128xf32, #tpu.memory_space<vmem>>, vector<16xf32>,
        %get3A_1639 = arith.index_cast %add3A_1624 : i32 to index
        %get3A_1640 = arith.constant 16 : index
        %get3A_1641 = tpu.vector_load %arg14[%get3A_1639, %get3A_1640] {strides = array<i32>} : memref<80x128xf32, #tpu.memory_space<vmem>>, vector<16xf32>,
        %add3A_1642 = arith.addf %get3A_1638, %get3A_1641 : vector<16xf32>
        %max3A_1643 = arith.constant 0.000000e+00 : f32
        %max3A_1644 = vector.broadcast %max3A_1643 : f32 to vector<16xf32>
        %max3A_1645 = arith.maximumf %add3A_1642, %max3A_1644 : vector<16xf32>
        %mul3A_1646 = arith.mulf %max3A_1645, %get3A_271 : vector<16xf32>
        %add3A_1647 = arith.addf %mul3A_1635, %mul3A_1646 : vector<16xf32>
        %get3A_1648 = arith.index_cast %add3A_1624 : i32 to index
        %get3A_1649 = arith.constant 32 : index
        %get3A_1650 = tpu.vector_load %arg13[%get3A_1648, %get3A_1649] {strides = array<i32>} : memref<80x128xf32, #tpu.memory_space<vmem>>, vector<16xf32>,
        %get3A_1651 = arith.index_cast %add3A_1624 : i32 to index
        %get3A_1652 = arith.constant 32 : index
        %get3A_1653 = tpu.vector_load %arg14[%get3A_1651, %get3A_1652] {strides = array<i32>} : memref<80x128xf32, #tpu.memory_space<vmem>>, vector<16xf32>,
        %add3A_1654 = arith.addf %get3A_1650, %get3A_1653 : vector<16xf32>
        %max3A_1655 = arith.constant 0.000000e+00 : f32
        %max3A_1656 = vector.broadcast %max3A_1655 : f32 to vector<16xf32>
        %max3A_1657 = arith.maximumf %add3A_1654, %max3A_1656 : vector<16xf32>
        %mul3A_1658 = arith.mulf %max3A_1657, %get3A_273 : vector<16xf32>
        %add3A_1659 = arith.addf %add3A_1647, %mul3A_1658 : vector<16xf32>
        %get3A_1660 = arith.index_cast %add3A_1624 : i32 to index
        %get3A_1661 = arith.constant 48 : index
        %get3A_1662 = tpu.vector_load %arg13[%get3A_1660, %get3A_1661] {strides = array<i32>} : memref<80x128xf32, #tpu.memory_space<vmem>>, vector<16xf32>,
        %get3A_1663 = arith.index_cast %add3A_1624 : i32 to index
        %get3A_1664 = arith.constant 48 : index
        %get3A_1665 = tpu.vector_load %arg14[%get3A_1663, %get3A_1664] {strides = array<i32>} : memref<80x128xf32, #tpu.memory_space<vmem>>, vector<16xf32>,
        %add3A_1666 = arith.addf %get3A_1662, %get3A_1665 : vector<16xf32>
        %max3A_1667 = arith.constant 0.000000e+00 : f32
        %max3A_1668 = vector.broadcast %max3A_1667 : f32 to vector<16xf32>
        %max3A_1669 = arith.maximumf %add3A_1666, %max3A_1668 : vector<16xf32>
        %mul3A_1670 = arith.mulf %max3A_1669, %get3A_275 : vector<16xf32>
        %add3A_1671 = arith.addf %add3A_1659, %mul3A_1670 : vector<16xf32>
        %get3A_1672 = arith.index_cast %add3A_1624 : i32 to index
        %get3A_1673 = arith.constant 64 : index
        %get3A_1674 = tpu.vector_load %arg13[%get3A_1672, %get3A_1673] {strides = array<i32>} : memref<80x128xf32, #tpu.memory_space<vmem>>, vector<16xf32>,
        %get3A_1675 = arith.index_cast %add3A_1624 : i32 to index
        %get3A_1676 = arith.constant 64 : index
        %get3A_1677 = tpu.vector_load %arg14[%get3A_1675, %get3A_1676] {strides = array<i32>} : memref<80x128xf32, #tpu.memory_space<vmem>>, vector<16xf32>,
        %add3A_1678 = arith.addf %get3A_1674, %get3A_1677 : vector<16xf32>
        %max3A_1679 = arith.constant 0.000000e+00 : f32
        %max3A_1680 = vector.broadcast %max3A_1679 : f32 to vector<16xf32>
        %max3A_1681 = arith.maximumf %add3A_1678, %max3A_1680 : vector<16xf32>
        %mul3A_1682 = arith.mulf %max3A_1681, %get3A_277 : vector<16xf32>
        %add3A_1683 = arith.addf %add3A_1671, %mul3A_1682 : vector<16xf32>
        %get3A_1684 = arith.index_cast %add3A_1624 : i32 to index
        %get3A_1685 = arith.constant 80 : index
        %get3A_1686 = tpu.vector_load %arg13[%get3A_1684, %get3A_1685] {strides = array<i32>} : memref<80x128xf32, #tpu.memory_space<vmem>>, vector<16xf32>,
        %get3A_1687 = arith.index_cast %add3A_1624 : i32 to index
        %get3A_1688 = arith.constant 80 : index
        %get3A_1689 = tpu.vector_load %arg14[%get3A_1687, %get3A_1688] {strides = array<i32>} : memref<80x128xf32, #tpu.memory_space<vmem>>, vector<16xf32>,
        %add3A_1690 = arith.addf %get3A_1686, %get3A_1689 : vector<16xf32>
        %max3A_1691 = arith.constant 0.000000e+00 : f32
        %max3A_1692 = vector.broadcast %max3A_1691 : f32 to vector<16xf32>
        %max3A_1693 = arith.maximumf %add3A_1690, %max3A_1692 : vector<16xf32>
        %mul3A_1694 = arith.mulf %max3A_1693, %get3A_279 : vector<16xf32>
        %add3A_1695 = arith.addf %add3A_1683, %mul3A_1694 : vector<16xf32>
        %get3A_1696 = arith.index_cast %add3A_1624 : i32 to index
        %get3A_1697 = arith.constant 96 : index
        %get3A_1698 = tpu.vector_load %arg13[%get3A_1696, %get3A_1697] {strides = array<i32>} : memref<80x128xf32, #tpu.memory_space<vmem>>, vector<16xf32>,
        %get3A_1699 = arith.index_cast %add3A_1624 : i32 to index
        %get3A_1700 = arith.constant 96 : index
        %get3A_1701 = tpu.vector_load %arg14[%get3A_1699, %get3A_1700] {strides = array<i32>} : memref<80x128xf32, #tpu.memory_space<vmem>>, vector<16xf32>,
        %add3A_1702 = arith.addf %get3A_1698, %get3A_1701 : vector<16xf32>
        %max3A_1703 = arith.constant 0.000000e+00 : f32
        %max3A_1704 = vector.broadcast %max3A_1703 : f32 to vector<16xf32>
        %max3A_1705 = arith.maximumf %add3A_1702, %max3A_1704 : vector<16xf32>
        %mul3A_1706 = arith.mulf %max3A_1705, %get3A_281 : vector<16xf32>
        %add3A_1707 = arith.addf %add3A_1695, %mul3A_1706 : vector<16xf32>
        %get3A_1708 = arith.index_cast %add3A_1624 : i32 to index
        %get3A_1709 = arith.constant 112 : index
        %get3A_1710 = tpu.vector_load %arg13[%get3A_1708, %get3A_1709] {strides = array<i32>} : memref<80x128xf32, #tpu.memory_space<vmem>>, vector<16xf32>,
        %get3A_1711 = arith.index_cast %add3A_1624 : i32 to index
        %get3A_1712 = arith.constant 112 : index
        %get3A_1713 = tpu.vector_load %arg14[%get3A_1711, %get3A_1712] {strides = array<i32>} : memref<80x128xf32, #tpu.memory_space<vmem>>, vector<16xf32>,
        %add3A_1714 = arith.addf %get3A_1710, %get3A_1713 : vector<16xf32>
        %max3A_1715 = arith.constant 0.000000e+00 : f32
        %max3A_1716 = vector.broadcast %max3A_1715 : f32 to vector<16xf32>
        %max3A_1717 = arith.maximumf %add3A_1714, %max3A_1716 : vector<16xf32>
        %mul3A_1718 = arith.mulf %max3A_1717, %get3A_283 : vector<16xf32>
        %add3A_1719 = arith.addf %add3A_1707, %mul3A_1718 : vector<16xf32>
        %swap3A_1720 = arith.constant 13 : i32
        %swap3A_1721 = arith.index_cast %swap3A_1720 : i32 to index
        %swap3A_1722 = arith.constant 0 : index
        %swap3A_1723 = tpu.vector_load %arg17[%swap3A_1721, %swap3A_1722] {strides = array<i32>} : memref<16x17xf32, #tpu.memory_space<vmem>>, vector<16xf32>,
        tpu.vector_store %arg17[%swap3A_1721, %swap3A_1722], %add3A_1719 {strides = array<i32>} : memref<16x17xf32, #tpu.memory_space<vmem>>, vector<16xf32>,
        %add3A_1724 = arith.constant 14 : i32
        %add3A_1725 = arith.addi %mul3A_310, %add3A_1724 : i32
        %get3A_1726 = arith.index_cast %add3A_1725 : i32 to index
        %get3A_1727 = arith.constant 0 : index
        %get3A_1728 = tpu.vector_load %arg13[%get3A_1726, %get3A_1727] {strides = array<i32>} : memref<80x128xf32, #tpu.memory_space<vmem>>, vector<16xf32>,
        %get3A_1729 = arith.index_cast %add3A_1725 : i32 to index
        %get3A_1730 = arith.constant 0 : index
        %get3A_1731 = tpu.vector_load %arg14[%get3A_1729, %get3A_1730] {strides = array<i32>} : memref<80x128xf32, #tpu.memory_space<vmem>>, vector<16xf32>,
        %add3A_1732 = arith.addf %get3A_1728, %get3A_1731 : vector<16xf32>
        %max3A_1733 = arith.constant 0.000000e+00 : f32
        %max3A_1734 = vector.broadcast %max3A_1733 : f32 to vector<16xf32>
        %max3A_1735 = arith.maximumf %add3A_1732, %max3A_1734 : vector<16xf32>
        %mul3A_1736 = arith.mulf %max3A_1735, %get3A_269 : vector<16xf32>
        %get3A_1737 = arith.index_cast %add3A_1725 : i32 to index
        %get3A_1738 = arith.constant 16 : index
        %get3A_1739 = tpu.vector_load %arg13[%get3A_1737, %get3A_1738] {strides = array<i32>} : memref<80x128xf32, #tpu.memory_space<vmem>>, vector<16xf32>,
        %get3A_1740 = arith.index_cast %add3A_1725 : i32 to index
        %get3A_1741 = arith.constant 16 : index
        %get3A_1742 = tpu.vector_load %arg14[%get3A_1740, %get3A_1741] {strides = array<i32>} : memref<80x128xf32, #tpu.memory_space<vmem>>, vector<16xf32>,
        %add3A_1743 = arith.addf %get3A_1739, %get3A_1742 : vector<16xf32>
        %max3A_1744 = arith.constant 0.000000e+00 : f32
        %max3A_1745 = vector.broadcast %max3A_1744 : f32 to vector<16xf32>
        %max3A_1746 = arith.maximumf %add3A_1743, %max3A_1745 : vector<16xf32>
        %mul3A_1747 = arith.mulf %max3A_1746, %get3A_271 : vector<16xf32>
        %add3A_1748 = arith.addf %mul3A_1736, %mul3A_1747 : vector<16xf32>
        %get3A_1749 = arith.index_cast %add3A_1725 : i32 to index
        %get3A_1750 = arith.constant 32 : index
        %get3A_1751 = tpu.vector_load %arg13[%get3A_1749, %get3A_1750] {strides = array<i32>} : memref<80x128xf32, #tpu.memory_space<vmem>>, vector<16xf32>,
        %get3A_1752 = arith.index_cast %add3A_1725 : i32 to index
        %get3A_1753 = arith.constant 32 : index
        %get3A_1754 = tpu.vector_load %arg14[%get3A_1752, %get3A_1753] {strides = array<i32>} : memref<80x128xf32, #tpu.memory_space<vmem>>, vector<16xf32>,
        %add3A_1755 = arith.addf %get3A_1751, %get3A_1754 : vector<16xf32>
        %max3A_1756 = arith.constant 0.000000e+00 : f32
        %max3A_1757 = vector.broadcast %max3A_1756 : f32 to vector<16xf32>
        %max3A_1758 = arith.maximumf %add3A_1755, %max3A_1757 : vector<16xf32>
        %mul3A_1759 = arith.mulf %max3A_1758, %get3A_273 : vector<16xf32>
        %add3A_1760 = arith.addf %add3A_1748, %mul3A_1759 : vector<16xf32>
        %get3A_1761 = arith.index_cast %add3A_1725 : i32 to index
        %get3A_1762 = arith.constant 48 : index
        %get3A_1763 = tpu.vector_load %arg13[%get3A_1761, %get3A_1762] {strides = array<i32>} : memref<80x128xf32, #tpu.memory_space<vmem>>, vector<16xf32>,
        %get3A_1764 = arith.index_cast %add3A_1725 : i32 to index
        %get3A_1765 = arith.constant 48 : index
        %get3A_1766 = tpu.vector_load %arg14[%get3A_1764, %get3A_1765] {strides = array<i32>} : memref<80x128xf32, #tpu.memory_space<vmem>>, vector<16xf32>,
        %add3A_1767 = arith.addf %get3A_1763, %get3A_1766 : vector<16xf32>
        %max3A_1768 = arith.constant 0.000000e+00 : f32
        %max3A_1769 = vector.broadcast %max3A_1768 : f32 to vector<16xf32>
        %max3A_1770 = arith.maximumf %add3A_1767, %max3A_1769 : vector<16xf32>
        %mul3A_1771 = arith.mulf %max3A_1770, %get3A_275 : vector<16xf32>
        %add3A_1772 = arith.addf %add3A_1760, %mul3A_1771 : vector<16xf32>
        %get3A_1773 = arith.index_cast %add3A_1725 : i32 to index
        %get3A_1774 = arith.constant 64 : index
        %get3A_1775 = tpu.vector_load %arg13[%get3A_1773, %get3A_1774] {strides = array<i32>} : memref<80x128xf32, #tpu.memory_space<vmem>>, vector<16xf32>,
        %get3A_1776 = arith.index_cast %add3A_1725 : i32 to index
        %get3A_1777 = arith.constant 64 : index
        %get3A_1778 = tpu.vector_load %arg14[%get3A_1776, %get3A_1777] {strides = array<i32>} : memref<80x128xf32, #tpu.memory_space<vmem>>, vector<16xf32>,
        %add3A_1779 = arith.addf %get3A_1775, %get3A_1778 : vector<16xf32>
        %max3A_1780 = arith.constant 0.000000e+00 : f32
        %max3A_1781 = vector.broadcast %max3A_1780 : f32 to vector<16xf32>
        %max3A_1782 = arith.maximumf %add3A_1779, %max3A_1781 : vector<16xf32>
        %mul3A_1783 = arith.mulf %max3A_1782, %get3A_277 : vector<16xf32>
        %add3A_1784 = arith.addf %add3A_1772, %mul3A_1783 : vector<16xf32>
        %get3A_1785 = arith.index_cast %add3A_1725 : i32 to index
        %get3A_1786 = arith.constant 80 : index
        %get3A_1787 = tpu.vector_load %arg13[%get3A_1785, %get3A_1786] {strides = array<i32>} : memref<80x128xf32, #tpu.memory_space<vmem>>, vector<16xf32>,
        %get3A_1788 = arith.index_cast %add3A_1725 : i32 to index
        %get3A_1789 = arith.constant 80 : index
        %get3A_1790 = tpu.vector_load %arg14[%get3A_1788, %get3A_1789] {strides = array<i32>} : memref<80x128xf32, #tpu.memory_space<vmem>>, vector<16xf32>,
        %add3A_1791 = arith.addf %get3A_1787, %get3A_1790 : vector<16xf32>
        %max3A_1792 = arith.constant 0.000000e+00 : f32
        %max3A_1793 = vector.broadcast %max3A_1792 : f32 to vector<16xf32>
        %max3A_1794 = arith.maximumf %add3A_1791, %max3A_1793 : vector<16xf32>
        %mul3A_1795 = arith.mulf %max3A_1794, %get3A_279 : vector<16xf32>
        %add3A_1796 = arith.addf %add3A_1784, %mul3A_1795 : vector<16xf32>
        %get3A_1797 = arith.index_cast %add3A_1725 : i32 to index
        %get3A_1798 = arith.constant 96 : index
        %get3A_1799 = tpu.vector_load %arg13[%get3A_1797, %get3A_1798] {strides = array<i32>} : memref<80x128xf32, #tpu.memory_space<vmem>>, vector<16xf32>,
        %get3A_1800 = arith.index_cast %add3A_1725 : i32 to index
        %get3A_1801 = arith.constant 96 : index
        %get3A_1802 = tpu.vector_load %arg14[%get3A_1800, %get3A_1801] {strides = array<i32>} : memref<80x128xf32, #tpu.memory_space<vmem>>, vector<16xf32>,
        %add3A_1803 = arith.addf %get3A_1799, %get3A_1802 : vector<16xf32>
        %max3A_1804 = arith.constant 0.000000e+00 : f32
        %max3A_1805 = vector.broadcast %max3A_1804 : f32 to vector<16xf32>
        %max3A_1806 = arith.maximumf %add3A_1803, %max3A_1805 : vector<16xf32>
        %mul3A_1807 = arith.mulf %max3A_1806, %get3A_281 : vector<16xf32>
        %add3A_1808 = arith.addf %add3A_1796, %mul3A_1807 : vector<16xf32>
        %get3A_1809 = arith.index_cast %add3A_1725 : i32 to index
        %get3A_1810 = arith.constant 112 : index
        %get3A_1811 = tpu.vector_load %arg13[%get3A_1809, %get3A_1810] {strides = array<i32>} : memref<80x128xf32, #tpu.memory_space<vmem>>, vector<16xf32>,
        %get3A_1812 = arith.index_cast %add3A_1725 : i32 to index
        %get3A_1813 = arith.constant 112 : index
        %get3A_1814 = tpu.vector_load %arg14[%get3A_1812, %get3A_1813] {strides = array<i32>} : memref<80x128xf32, #tpu.memory_space<vmem>>, vector<16xf32>,
        %add3A_1815 = arith.addf %get3A_1811, %get3A_1814 : vector<16xf32>
        %max3A_1816 = arith.constant 0.000000e+00 : f32
        %max3A_1817 = vector.broadcast %max3A_1816 : f32 to vector<16xf32>
        %max3A_1818 = arith.maximumf %add3A_1815, %max3A_1817 : vector<16xf32>
        %mul3A_1819 = arith.mulf %max3A_1818, %get3A_283 : vector<16xf32>
        %add3A_1820 = arith.addf %add3A_1808, %mul3A_1819 : vector<16xf32>
        %swap3A_1821 = arith.constant 14 : i32
        %swap3A_1822 = arith.index_cast %swap3A_1821 : i32 to index
        %swap3A_1823 = arith.constant 0 : index
        %swap3A_1824 = tpu.vector_load %arg17[%swap3A_1822, %swap3A_1823] {strides = array<i32>} : memref<16x17xf32, #tpu.memory_space<vmem>>, vector<16xf32>,
        tpu.vector_store %arg17[%swap3A_1822, %swap3A_1823], %add3A_1820 {strides = array<i32>} : memref<16x17xf32, #tpu.memory_space<vmem>>, vector<16xf32>,
        %add3A_1825 = arith.constant 15 : i32
        %add3A_1826 = arith.addi %mul3A_310, %add3A_1825 : i32
        %get3A_1827 = arith.index_cast %add3A_1826 : i32 to index
        %get3A_1828 = arith.constant 0 : index
        %get3A_1829 = tpu.vector_load %arg13[%get3A_1827, %get3A_1828] {strides = array<i32>} : memref<80x128xf32, #tpu.memory_space<vmem>>, vector<16xf32>,
        %get3A_1830 = arith.index_cast %add3A_1826 : i32 to index
        %get3A_1831 = arith.constant 0 : index
        %get3A_1832 = tpu.vector_load %arg14[%get3A_1830, %get3A_1831] {strides = array<i32>} : memref<80x128xf32, #tpu.memory_space<vmem>>, vector<16xf32>,
        %add3A_1833 = arith.addf %get3A_1829, %get3A_1832 : vector<16xf32>
        %max3A_1834 = arith.constant 0.000000e+00 : f32
        %max3A_1835 = vector.broadcast %max3A_1834 : f32 to vector<16xf32>
        %max3A_1836 = arith.maximumf %add3A_1833, %max3A_1835 : vector<16xf32>
        %mul3A_1837 = arith.mulf %max3A_1836, %get3A_269 : vector<16xf32>
        %get3A_1838 = arith.index_cast %add3A_1826 : i32 to index
        %get3A_1839 = arith.constant 16 : index
        %get3A_1840 = tpu.vector_load %arg13[%get3A_1838, %get3A_1839] {strides = array<i32>} : memref<80x128xf32, #tpu.memory_space<vmem>>, vector<16xf32>,
        %get3A_1841 = arith.index_cast %add3A_1826 : i32 to index
        %get3A_1842 = arith.constant 16 : index
        %get3A_1843 = tpu.vector_load %arg14[%get3A_1841, %get3A_1842] {strides = array<i32>} : memref<80x128xf32, #tpu.memory_space<vmem>>, vector<16xf32>,
        %add3A_1844 = arith.addf %get3A_1840, %get3A_1843 : vector<16xf32>
        %max3A_1845 = arith.constant 0.000000e+00 : f32
        %max3A_1846 = vector.broadcast %max3A_1845 : f32 to vector<16xf32>
        %max3A_1847 = arith.maximumf %add3A_1844, %max3A_1846 : vector<16xf32>
        %mul3A_1848 = arith.mulf %max3A_1847, %get3A_271 : vector<16xf32>
        %add3A_1849 = arith.addf %mul3A_1837, %mul3A_1848 : vector<16xf32>
        %get3A_1850 = arith.index_cast %add3A_1826 : i32 to index
        %get3A_1851 = arith.constant 32 : index
        %get3A_1852 = tpu.vector_load %arg13[%get3A_1850, %get3A_1851] {strides = array<i32>} : memref<80x128xf32, #tpu.memory_space<vmem>>, vector<16xf32>,
        %get3A_1853 = arith.index_cast %add3A_1826 : i32 to index
        %get3A_1854 = arith.constant 32 : index
        %get3A_1855 = tpu.vector_load %arg14[%get3A_1853, %get3A_1854] {strides = array<i32>} : memref<80x128xf32, #tpu.memory_space<vmem>>, vector<16xf32>,
        %add3A_1856 = arith.addf %get3A_1852, %get3A_1855 : vector<16xf32>
        %max3A_1857 = arith.constant 0.000000e+00 : f32
        %max3A_1858 = vector.broadcast %max3A_1857 : f32 to vector<16xf32>
        %max3A_1859 = arith.maximumf %add3A_1856, %max3A_1858 : vector<16xf32>
        %mul3A_1860 = arith.mulf %max3A_1859, %get3A_273 : vector<16xf32>
        %add3A_1861 = arith.addf %add3A_1849, %mul3A_1860 : vector<16xf32>
        %get3A_1862 = arith.index_cast %add3A_1826 : i32 to index
        %get3A_1863 = arith.constant 48 : index
        %get3A_1864 = tpu.vector_load %arg13[%get3A_1862, %get3A_1863] {strides = array<i32>} : memref<80x128xf32, #tpu.memory_space<vmem>>, vector<16xf32>,
        %get3A_1865 = arith.index_cast %add3A_1826 : i32 to index
        %get3A_1866 = arith.constant 48 : index
        %get3A_1867 = tpu.vector_load %arg14[%get3A_1865, %get3A_1866] {strides = array<i32>} : memref<80x128xf32, #tpu.memory_space<vmem>>, vector<16xf32>,
        %add3A_1868 = arith.addf %get3A_1864, %get3A_1867 : vector<16xf32>
        %max3A_1869 = arith.constant 0.000000e+00 : f32
        %max3A_1870 = vector.broadcast %max3A_1869 : f32 to vector<16xf32>
        %max3A_1871 = arith.maximumf %add3A_1868, %max3A_1870 : vector<16xf32>
        %mul3A_1872 = arith.mulf %max3A_1871, %get3A_275 : vector<16xf32>
        %add3A_1873 = arith.addf %add3A_1861, %mul3A_1872 : vector<16xf32>
        %get3A_1874 = arith.index_cast %add3A_1826 : i32 to index
        %get3A_1875 = arith.constant 64 : index
        %get3A_1876 = tpu.vector_load %arg13[%get3A_1874, %get3A_1875] {strides = array<i32>} : memref<80x128xf32, #tpu.memory_space<vmem>>, vector<16xf32>,
        %get3A_1877 = arith.index_cast %add3A_1826 : i32 to index
        %get3A_1878 = arith.constant 64 : index
        %get3A_1879 = tpu.vector_load %arg14[%get3A_1877, %get3A_1878] {strides = array<i32>} : memref<80x128xf32, #tpu.memory_space<vmem>>, vector<16xf32>,
        %add3A_1880 = arith.addf %get3A_1876, %get3A_1879 : vector<16xf32>
        %max3A_1881 = arith.constant 0.000000e+00 : f32
        %max3A_1882 = vector.broadcast %max3A_1881 : f32 to vector<16xf32>
        %max3A_1883 = arith.maximumf %add3A_1880, %max3A_1882 : vector<16xf32>
        %mul3A_1884 = arith.mulf %max3A_1883, %get3A_277 : vector<16xf32>
        %add3A_1885 = arith.addf %add3A_1873, %mul3A_1884 : vector<16xf32>
        %get3A_1886 = arith.index_cast %add3A_1826 : i32 to index
        %get3A_1887 = arith.constant 80 : index
        %get3A_1888 = tpu.vector_load %arg13[%get3A_1886, %get3A_1887] {strides = array<i32>} : memref<80x128xf32, #tpu.memory_space<vmem>>, vector<16xf32>,
        %get3A_1889 = arith.index_cast %add3A_1826 : i32 to index
        %get3A_1890 = arith.constant 80 : index
        %get3A_1891 = tpu.vector_load %arg14[%get3A_1889, %get3A_1890] {strides = array<i32>} : memref<80x128xf32, #tpu.memory_space<vmem>>, vector<16xf32>,
        %add3A_1892 = arith.addf %get3A_1888, %get3A_1891 : vector<16xf32>
        %max3A_1893 = arith.constant 0.000000e+00 : f32
        %max3A_1894 = vector.broadcast %max3A_1893 : f32 to vector<16xf32>
        %max3A_1895 = arith.maximumf %add3A_1892, %max3A_1894 : vector<16xf32>
        %mul3A_1896 = arith.mulf %max3A_1895, %get3A_279 : vector<16xf32>
        %add3A_1897 = arith.addf %add3A_1885, %mul3A_1896 : vector<16xf32>
        %get3A_1898 = arith.index_cast %add3A_1826 : i32 to index
        %get3A_1899 = arith.constant 96 : index
        %get3A_1900 = tpu.vector_load %arg13[%get3A_1898, %get3A_1899] {strides = array<i32>} : memref<80x128xf32, #tpu.memory_space<vmem>>, vector<16xf32>,
        %get3A_1901 = arith.index_cast %add3A_1826 : i32 to index
        %get3A_1902 = arith.constant 96 : index
        %get3A_1903 = tpu.vector_load %arg14[%get3A_1901, %get3A_1902] {strides = array<i32>} : memref<80x128xf32, #tpu.memory_space<vmem>>, vector<16xf32>,
        %add3A_1904 = arith.addf %get3A_1900, %get3A_1903 : vector<16xf32>
        %max3A_1905 = arith.constant 0.000000e+00 : f32
        %max3A_1906 = vector.broadcast %max3A_1905 : f32 to vector<16xf32>
        %max3A_1907 = arith.maximumf %add3A_1904, %max3A_1906 : vector<16xf32>
        %mul3A_1908 = arith.mulf %max3A_1907, %get3A_281 : vector<16xf32>
        %add3A_1909 = arith.addf %add3A_1897, %mul3A_1908 : vector<16xf32>
        %get3A_1910 = arith.index_cast %add3A_1826 : i32 to index
        %get3A_1911 = arith.constant 112 : index
        %get3A_1912 = tpu.vector_load %arg13[%get3A_1910, %get3A_1911] {strides = array<i32>} : memref<80x128xf32, #tpu.memory_space<vmem>>, vector<16xf32>,
        %get3A_1913 = arith.index_cast %add3A_1826 : i32 to index
        %get3A_1914 = arith.constant 112 : index
        %get3A_1915 = tpu.vector_load %arg14[%get3A_1913, %get3A_1914] {strides = array<i32>} : memref<80x128xf32, #tpu.memory_space<vmem>>, vector<16xf32>,
        %add3A_1916 = arith.addf %get3A_1912, %get3A_1915 : vector<16xf32>
        %max3A_1917 = arith.constant 0.000000e+00 : f32
        %max3A_1918 = vector.broadcast %max3A_1917 : f32 to vector<16xf32>
        %max3A_1919 = arith.maximumf %add3A_1916, %max3A_1918 : vector<16xf32>
        %mul3A_1920 = arith.mulf %max3A_1919, %get3A_283 : vector<16xf32>
        %add3A_1921 = arith.addf %add3A_1909, %mul3A_1920 : vector<16xf32>
        %swap3A_1922 = arith.constant 15 : i32
        %swap3A_1923 = arith.index_cast %swap3A_1922 : i32 to index
        %swap3A_1924 = arith.constant 0 : index
        %swap3A_1925 = tpu.vector_load %arg17[%swap3A_1923, %swap3A_1924] {strides = array<i32>} : memref<16x17xf32, #tpu.memory_space<vmem>>, vector<16xf32>,
        tpu.vector_store %arg17[%swap3A_1923, %swap3A_1924], %add3A_1921 {strides = array<i32>} : memref<16x17xf32, #tpu.memory_space<vmem>>, vector<16xf32>,
        %broadcast_in_dim3A_1926 = arith.constant 0 : i32
        %broadcast_in_dim3A_1927 = vector.broadcast %broadcast_in_dim3A_1926 : i32 to vector<16xi32>
        %gather3A = tpu.vector_load_idx %arg17[%iota3A, %broadcast_in_dim3A_1927] : memref<16x17xf32, #tpu.memory_space<vmem>>[vector<16xi32>, vector<16xi32>], vector<16xf32>,
        %broadcast_in_dim3A_1928 = arith.constant 1 : i32
        %broadcast_in_dim3A_1929 = vector.broadcast %broadcast_in_dim3A_1928 : i32 to vector<16xi32>
        %gather3A_1930 = tpu.vector_load_idx %arg17[%iota3A, %broadcast_in_dim3A_1929] : memref<16x17xf32, #tpu.memory_space<vmem>>[vector<16xi32>, vector<16xi32>], vector<16xf32>,
        %add3A_1931 = arith.addf %gather3A, %gather3A_1930 : vector<16xf32>
        %broadcast_in_dim3A_1932 = arith.constant 2 : i32
        %broadcast_in_dim3A_1933 = vector.broadcast %broadcast_in_dim3A_1932 : i32 to vector<16xi32>
        %gather3A_1934 = tpu.vector_load_idx %arg17[%iota3A, %broadcast_in_dim3A_1933] : memref<16x17xf32, #tpu.memory_space<vmem>>[vector<16xi32>, vector<16xi32>], vector<16xf32>,
        %add3A_1935 = arith.addf %add3A_1931, %gather3A_1934 : vector<16xf32>
        %broadcast_in_dim3A_1936 = arith.constant 3 : i32
        %broadcast_in_dim3A_1937 = vector.broadcast %broadcast_in_dim3A_1936 : i32 to vector<16xi32>
        %gather3A_1938 = tpu.vector_load_idx %arg17[%iota3A, %broadcast_in_dim3A_1937] : memref<16x17xf32, #tpu.memory_space<vmem>>[vector<16xi32>, vector<16xi32>], vector<16xf32>,
        %add3A_1939 = arith.addf %add3A_1935, %gather3A_1938 : vector<16xf32>
        %broadcast_in_dim3A_1940 = arith.constant 4 : i32
        %broadcast_in_dim3A_1941 = vector.broadcast %broadcast_in_dim3A_1940 : i32 to vector<16xi32>
        %gather3A_1942 = tpu.vector_load_idx %arg17[%iota3A, %broadcast_in_dim3A_1941] : memref<16x17xf32, #tpu.memory_space<vmem>>[vector<16xi32>, vector<16xi32>], vector<16xf32>,
        %add3A_1943 = arith.addf %add3A_1939, %gather3A_1942 : vector<16xf32>
        %broadcast_in_dim3A_1944 = arith.constant 5 : i32
        %broadcast_in_dim3A_1945 = vector.broadcast %broadcast_in_dim3A_1944 : i32 to vector<16xi32>
        %gather3A_1946 = tpu.vector_load_idx %arg17[%iota3A, %broadcast_in_dim3A_1945] : memref<16x17xf32, #tpu.memory_space<vmem>>[vector<16xi32>, vector<16xi32>], vector<16xf32>,
        %add3A_1947 = arith.addf %add3A_1943, %gather3A_1946 : vector<16xf32>
        %broadcast_in_dim3A_1948 = arith.constant 6 : i32
        %broadcast_in_dim3A_1949 = vector.broadcast %broadcast_in_dim3A_1948 : i32 to vector<16xi32>
        %gather3A_1950 = tpu.vector_load_idx %arg17[%iota3A, %broadcast_in_dim3A_1949] : memref<16x17xf32, #tpu.memory_space<vmem>>[vector<16xi32>, vector<16xi32>], vector<16xf32>,
        %add3A_1951 = arith.addf %add3A_1947, %gather3A_1950 : vector<16xf32>
        %broadcast_in_dim3A_1952 = arith.constant 7 : i32
        %broadcast_in_dim3A_1953 = vector.broadcast %broadcast_in_dim3A_1952 : i32 to vector<16xi32>
        %gather3A_1954 = tpu.vector_load_idx %arg17[%iota3A, %broadcast_in_dim3A_1953] : memref<16x17xf32, #tpu.memory_space<vmem>>[vector<16xi32>, vector<16xi32>], vector<16xf32>,
        %add3A_1955 = arith.addf %add3A_1951, %gather3A_1954 : vector<16xf32>
        %broadcast_in_dim3A_1956 = arith.constant 8 : i32
        %broadcast_in_dim3A_1957 = vector.broadcast %broadcast_in_dim3A_1956 : i32 to vector<16xi32>
        %gather3A_1958 = tpu.vector_load_idx %arg17[%iota3A, %broadcast_in_dim3A_1957] : memref<16x17xf32, #tpu.memory_space<vmem>>[vector<16xi32>, vector<16xi32>], vector<16xf32>,
        %add3A_1959 = arith.addf %add3A_1955, %gather3A_1958 : vector<16xf32>
        %broadcast_in_dim3A_1960 = arith.constant 9 : i32
        %broadcast_in_dim3A_1961 = vector.broadcast %broadcast_in_dim3A_1960 : i32 to vector<16xi32>
        %gather3A_1962 = tpu.vector_load_idx %arg17[%iota3A, %broadcast_in_dim3A_1961] : memref<16x17xf32, #tpu.memory_space<vmem>>[vector<16xi32>, vector<16xi32>], vector<16xf32>,
        %add3A_1963 = arith.addf %add3A_1959, %gather3A_1962 : vector<16xf32>
        %broadcast_in_dim3A_1964 = arith.constant 10 : i32
        %broadcast_in_dim3A_1965 = vector.broadcast %broadcast_in_dim3A_1964 : i32 to vector<16xi32>
        %gather3A_1966 = tpu.vector_load_idx %arg17[%iota3A, %broadcast_in_dim3A_1965] : memref<16x17xf32, #tpu.memory_space<vmem>>[vector<16xi32>, vector<16xi32>], vector<16xf32>,
        %add3A_1967 = arith.addf %add3A_1963, %gather3A_1966 : vector<16xf32>
        %broadcast_in_dim3A_1968 = arith.constant 11 : i32
        %broadcast_in_dim3A_1969 = vector.broadcast %broadcast_in_dim3A_1968 : i32 to vector<16xi32>
        %gather3A_1970 = tpu.vector_load_idx %arg17[%iota3A, %broadcast_in_dim3A_1969] : memref<16x17xf32, #tpu.memory_space<vmem>>[vector<16xi32>, vector<16xi32>], vector<16xf32>,
        %add3A_1971 = arith.addf %add3A_1967, %gather3A_1970 : vector<16xf32>
        %broadcast_in_dim3A_1972 = arith.constant 12 : i32
        %broadcast_in_dim3A_1973 = vector.broadcast %broadcast_in_dim3A_1972 : i32 to vector<16xi32>
        %gather3A_1974 = tpu.vector_load_idx %arg17[%iota3A, %broadcast_in_dim3A_1973] : memref<16x17xf32, #tpu.memory_space<vmem>>[vector<16xi32>, vector<16xi32>], vector<16xf32>,
        %add3A_1975 = arith.addf %add3A_1971, %gather3A_1974 : vector<16xf32>
        %broadcast_in_dim3A_1976 = arith.constant 13 : i32
        %broadcast_in_dim3A_1977 = vector.broadcast %broadcast_in_dim3A_1976 : i32 to vector<16xi32>
        %gather3A_1978 = tpu.vector_load_idx %arg17[%iota3A, %broadcast_in_dim3A_1977] : memref<16x17xf32, #tpu.memory_space<vmem>>[vector<16xi32>, vector<16xi32>], vector<16xf32>,
        %add3A_1979 = arith.addf %add3A_1975, %gather3A_1978 : vector<16xf32>
        %broadcast_in_dim3A_1980 = arith.constant 14 : i32
        %broadcast_in_dim3A_1981 = vector.broadcast %broadcast_in_dim3A_1980 : i32 to vector<16xi32>
        %gather3A_1982 = tpu.vector_load_idx %arg17[%iota3A, %broadcast_in_dim3A_1981] : memref<16x17xf32, #tpu.memory_space<vmem>>[vector<16xi32>, vector<16xi32>], vector<16xf32>,
        %add3A_1983 = arith.addf %add3A_1979, %gather3A_1982 : vector<16xf32>
        %broadcast_in_dim3A_1984 = arith.constant 15 : i32
        %broadcast_in_dim3A_1985 = vector.broadcast %broadcast_in_dim3A_1984 : i32 to vector<16xi32>
        %gather3A_1986 = tpu.vector_load_idx %arg17[%iota3A, %broadcast_in_dim3A_1985] : memref<16x17xf32, #tpu.memory_space<vmem>>[vector<16xi32>, vector<16xi32>], vector<16xf32>,
        %add3A_1987 = arith.addf %add3A_1983, %gather3A_1986 : vector<16xf32>
        %add3A_1988 = arith.addf %add3A_1987, %get3A_285 : vector<16xf32>
        %exp3A = math.exp %add3A_1988 : vector<16xf32>
        %multiple_of3A_1989 = tpu.assume_multiple %mul3A_310, 16 : i32
        %swap3A_1990 = arith.index_cast %multiple_of3A_1989 : i32 to index
        %swap3A_1991 = tpu.vector_load %arg16[%swap3A_1990] {strides = array<i32>} : memref<80xf32, #tpu.memory_space<vmem>>, vector<16xf32>,
        tpu.vector_store %arg16[%swap3A_1990], %exp3A {strides = array<i32>} : memref<80xf32, #tpu.memory_space<vmem>>, vector<16xf32>,
      }
      %scan3A_291 = arith.constant 5 : i32
      %scan3A_292 = arith.constant 0 : i32
      %scan3A_293 = arith.constant 0 : i32
      %scan3A_294 = arith.constant 5 : i32
      %scan3A_295 = arith.addi %scan3A_293, %scan3A_294 : i32
      %scan3A_296 = arith.constant 1 : i32
      scf.for %scan3A_308 = %scan3A_293 to %scan3A_295 step %scan3A_296  : i32 {
        %mul3A_309 = arith.constant 16 : i32
        %mul3A_310 = arith.muli %scan3A_308, %mul3A_309 : i32
        %multiple_of3A_311 = tpu.assume_multiple %mul3A_310, 16 : i32
        %get3A_312 = arith.index_cast %multiple_of3A_311 : i32 to index
        %get3A_313 = tpu.vector_load %arg16[%get3A_312] {strides = array<i32>} : memref<80xf32, #tpu.memory_space<vmem>>, vector<16xf32>,
        %mul3A_314 = arith.constant 16 : i32
        %mul3A_315 = arith.muli %scan3A_308, %mul3A_314 : i32
        %add3A_316 = arith.constant 0 : i32
        %add3A_317 = arith.addi %mul3A_315, %add3A_316 : i32
        %slice3A = vector.extract_strided_slice %get3A_313 {offsets = [0], sizes = [1], strides = [1]} : vector<16xf32> to vector<1xf32>
        %squeeze3A = vector.extract %slice3A[0] : f32 from vector<1xf32>
        %get3A_318 = arith.index_cast %add3A_317 : i32 to index
        %get3A_319 = arith.constant 0 : index
        %get3A_320 = tpu.vector_load %arg15[%get3A_318, %get3A_319] {strides = array<i32>} : memref<80x128xf32, #tpu.memory_space<vmem>>, vector<16xf32>,
        %mul3A_321 = vector.broadcast %squeeze3A : f32 to vector<16xf32>
        %mul3A_322 = arith.mulf %get3A_320, %mul3A_321 : vector<16xf32>
        %swap3A_323 = arith.index_cast %add3A_317 : i32 to index
        %swap3A_324 = arith.constant 0 : index
        %swap3A_325 = tpu.vector_load %arg15[%swap3A_323, %swap3A_324] {strides = array<i32>} : memref<80x128xf32, #tpu.memory_space<vmem>>, vector<16xf32>,
        tpu.vector_store %arg15[%swap3A_323, %swap3A_324], %mul3A_322 {strides = array<i32>} : memref<80x128xf32, #tpu.memory_space<vmem>>, vector<16xf32>,
        %get3A_326 = arith.index_cast %add3A_317 : i32 to index
        %get3A_327 = arith.constant 16 : index
        %get3A_328 = tpu.vector_load %arg15[%get3A_326, %get3A_327] {strides = array<i32>} : memref<80x128xf32, #tpu.memory_space<vmem>>, vector<16xf32>,
        %mul3A_329 = vector.broadcast %squeeze3A : f32 to vector<16xf32>
        %mul3A_330 = arith.mulf %get3A_328, %mul3A_329 : vector<16xf32>
        %swap3A_331 = arith.index_cast %add3A_317 : i32 to index
        %swap3A_332 = arith.constant 16 : index
        %swap3A_333 = tpu.vector_load %arg15[%swap3A_331, %swap3A_332] {strides = array<i32>} : memref<80x128xf32, #tpu.memory_space<vmem>>, vector<16xf32>,
        tpu.vector_store %arg15[%swap3A_331, %swap3A_332], %mul3A_330 {strides = array<i32>} : memref<80x128xf32, #tpu.memory_space<vmem>>, vector<16xf32>,
        %get3A_334 = arith.index_cast %add3A_317 : i32 to index
        %get3A_335 = arith.constant 32 : index
        %get3A_336 = tpu.vector_load %arg15[%get3A_334, %get3A_335] {strides = array<i32>} : memref<80x128xf32, #tpu.memory_space<vmem>>, vector<16xf32>,
        %mul3A_337 = vector.broadcast %squeeze3A : f32 to vector<16xf32>
        %mul3A_338 = arith.mulf %get3A_336, %mul3A_337 : vector<16xf32>
        %swap3A_339 = arith.index_cast %add3A_317 : i32 to index
        %swap3A_340 = arith.constant 32 : index
        %swap3A_341 = tpu.vector_load %arg15[%swap3A_339, %swap3A_340] {strides = array<i32>} : memref<80x128xf32, #tpu.memory_space<vmem>>, vector<16xf32>,
        tpu.vector_store %arg15[%swap3A_339, %swap3A_340], %mul3A_338 {strides = array<i32>} : memref<80x128xf32, #tpu.memory_space<vmem>>, vector<16xf32>,
        %get3A_342 = arith.index_cast %add3A_317 : i32 to index
        %get3A_343 = arith.constant 48 : index
        %get3A_344 = tpu.vector_load %arg15[%get3A_342, %get3A_343] {strides = array<i32>} : memref<80x128xf32, #tpu.memory_space<vmem>>, vector<16xf32>,
        %mul3A_345 = vector.broadcast %squeeze3A : f32 to vector<16xf32>
        %mul3A_346 = arith.mulf %get3A_344, %mul3A_345 : vector<16xf32>
        %swap3A_347 = arith.index_cast %add3A_317 : i32 to index
        %swap3A_348 = arith.constant 48 : index
        %swap3A_349 = tpu.vector_load %arg15[%swap3A_347, %swap3A_348] {strides = array<i32>} : memref<80x128xf32, #tpu.memory_space<vmem>>, vector<16xf32>,
        tpu.vector_store %arg15[%swap3A_347, %swap3A_348], %mul3A_346 {strides = array<i32>} : memref<80x128xf32, #tpu.memory_space<vmem>>, vector<16xf32>,
        %get3A_350 = arith.index_cast %add3A_317 : i32 to index
        %get3A_351 = arith.constant 64 : index
        %get3A_352 = tpu.vector_load %arg15[%get3A_350, %get3A_351] {strides = array<i32>} : memref<80x128xf32, #tpu.memory_space<vmem>>, vector<16xf32>,
        %mul3A_353 = vector.broadcast %squeeze3A : f32 to vector<16xf32>
        %mul3A_354 = arith.mulf %get3A_352, %mul3A_353 : vector<16xf32>
        %swap3A_355 = arith.index_cast %add3A_317 : i32 to index
        %swap3A_356 = arith.constant 64 : index
        %swap3A_357 = tpu.vector_load %arg15[%swap3A_355, %swap3A_356] {strides = array<i32>} : memref<80x128xf32, #tpu.memory_space<vmem>>, vector<16xf32>,
        tpu.vector_store %arg15[%swap3A_355, %swap3A_356], %mul3A_354 {strides = array<i32>} : memref<80x128xf32, #tpu.memory_space<vmem>>, vector<16xf32>,
        %get3A_358 = arith.index_cast %add3A_317 : i32 to index
        %get3A_359 = arith.constant 80 : index
        %get3A_360 = tpu.vector_load %arg15[%get3A_358, %get3A_359] {strides = array<i32>} : memref<80x128xf32, #tpu.memory_space<vmem>>, vector<16xf32>,
        %mul3A_361 = vector.broadcast %squeeze3A : f32 to vector<16xf32>
        %mul3A_362 = arith.mulf %get3A_360, %mul3A_361 : vector<16xf32>
        %swap3A_363 = arith.index_cast %add3A_317 : i32 to index
        %swap3A_364 = arith.constant 80 : index
        %swap3A_365 = tpu.vector_load %arg15[%swap3A_363, %swap3A_364] {strides = array<i32>} : memref<80x128xf32, #tpu.memory_space<vmem>>, vector<16xf32>,
        tpu.vector_store %arg15[%swap3A_363, %swap3A_364], %mul3A_362 {strides = array<i32>} : memref<80x128xf32, #tpu.memory_space<vmem>>, vector<16xf32>,
        %get3A_366 = arith.index_cast %add3A_317 : i32 to index
        %get3A_367 = arith.constant 96 : index
        %get3A_368 = tpu.vector_load %arg15[%get3A_366, %get3A_367] {strides = array<i32>} : memref<80x128xf32, #tpu.memory_space<vmem>>, vector<16xf32>,
        %mul3A_369 = vector.broadcast %squeeze3A : f32 to vector<16xf32>
        %mul3A_370 = arith.mulf %get3A_368, %mul3A_369 : vector<16xf32>
        %swap3A_371 = arith.index_cast %add3A_317 : i32 to index
        %swap3A_372 = arith.constant 96 : index
        %swap3A_373 = tpu.vector_load %arg15[%swap3A_371, %swap3A_372] {strides = array<i32>} : memref<80x128xf32, #tpu.memory_space<vmem>>, vector<16xf32>,
        tpu.vector_store %arg15[%swap3A_371, %swap3A_372], %mul3A_370 {strides = array<i32>} : memref<80x128xf32, #tpu.memory_space<vmem>>, vector<16xf32>,
        %get3A_374 = arith.index_cast %add3A_317 : i32 to index
        %get3A_375 = arith.constant 112 : index
        %get3A_376 = tpu.vector_load %arg15[%get3A_374, %get3A_375] {strides = array<i32>} : memref<80x128xf32, #tpu.memory_space<vmem>>, vector<16xf32>,
        %mul3A_377 = vector.broadcast %squeeze3A : f32 to vector<16xf32>
        %mul3A_378 = arith.mulf %get3A_376, %mul3A_377 : vector<16xf32>
        %swap3A_379 = arith.index_cast %add3A_317 : i32 to index
        %swap3A_380 = arith.constant 112 : index
        %swap3A_381 = tpu.vector_load %arg15[%swap3A_379, %swap3A_380] {strides = array<i32>} : memref<80x128xf32, #tpu.memory_space<vmem>>, vector<16xf32>,
        tpu.vector_store %arg15[%swap3A_379, %swap3A_380], %mul3A_378 {strides = array<i32>} : memref<80x128xf32, #tpu.memory_space<vmem>>, vector<16xf32>,
        %mul3A_382 = arith.constant 16 : i32
        %mul3A_383 = arith.muli %scan3A_308, %mul3A_382 : i32
        %add3A_384 = arith.constant 1 : i32
        %add3A_385 = arith.addi %mul3A_383, %add3A_384 : i32
        %slice3A_386 = vector.extract_strided_slice %get3A_313 {offsets = [1], sizes = [1], strides = [1]} : vector<16xf32> to vector<1xf32>
        %squeeze3A_387 = vector.extract %slice3A_386[0] : f32 from vector<1xf32>
        %get3A_388 = arith.index_cast %add3A_385 : i32 to index
        %get3A_389 = arith.constant 0 : index
        %get3A_390 = tpu.vector_load %arg15[%get3A_388, %get3A_389] {strides = array<i32>} : memref<80x128xf32, #tpu.memory_space<vmem>>, vector<16xf32>,
        %mul3A_391 = vector.broadcast %squeeze3A_387 : f32 to vector<16xf32>
        %mul3A_392 = arith.mulf %get3A_390, %mul3A_391 : vector<16xf32>
        %swap3A_393 = arith.index_cast %add3A_385 : i32 to index
        %swap3A_394 = arith.constant 0 : index
        %swap3A_395 = tpu.vector_load %arg15[%swap3A_393, %swap3A_394] {strides = array<i32>} : memref<80x128xf32, #tpu.memory_space<vmem>>, vector<16xf32>,
        tpu.vector_store %arg15[%swap3A_393, %swap3A_394], %mul3A_392 {strides = array<i32>} : memref<80x128xf32, #tpu.memory_space<vmem>>, vector<16xf32>,
        %get3A_396 = arith.index_cast %add3A_385 : i32 to index
        %get3A_397 = arith.constant 16 : index
        %get3A_398 = tpu.vector_load %arg15[%get3A_396, %get3A_397] {strides = array<i32>} : memref<80x128xf32, #tpu.memory_space<vmem>>, vector<16xf32>,
        %mul3A_399 = vector.broadcast %squeeze3A_387 : f32 to vector<16xf32>
        %mul3A_400 = arith.mulf %get3A_398, %mul3A_399 : vector<16xf32>
        %swap3A_401 = arith.index_cast %add3A_385 : i32 to index
        %swap3A_402 = arith.constant 16 : index
        %swap3A_403 = tpu.vector_load %arg15[%swap3A_401, %swap3A_402] {strides = array<i32>} : memref<80x128xf32, #tpu.memory_space<vmem>>, vector<16xf32>,
        tpu.vector_store %arg15[%swap3A_401, %swap3A_402], %mul3A_400 {strides = array<i32>} : memref<80x128xf32, #tpu.memory_space<vmem>>, vector<16xf32>,
        %get3A_404 = arith.index_cast %add3A_385 : i32 to index
        %get3A_405 = arith.constant 32 : index
        %get3A_406 = tpu.vector_load %arg15[%get3A_404, %get3A_405] {strides = array<i32>} : memref<80x128xf32, #tpu.memory_space<vmem>>, vector<16xf32>,
        %mul3A_407 = vector.broadcast %squeeze3A_387 : f32 to vector<16xf32>
        %mul3A_408 = arith.mulf %get3A_406, %mul3A_407 : vector<16xf32>
        %swap3A_409 = arith.index_cast %add3A_385 : i32 to index
        %swap3A_410 = arith.constant 32 : index
        %swap3A_411 = tpu.vector_load %arg15[%swap3A_409, %swap3A_410] {strides = array<i32>} : memref<80x128xf32, #tpu.memory_space<vmem>>, vector<16xf32>,
        tpu.vector_store %arg15[%swap3A_409, %swap3A_410], %mul3A_408 {strides = array<i32>} : memref<80x128xf32, #tpu.memory_space<vmem>>, vector<16xf32>,
        %get3A_412 = arith.index_cast %add3A_385 : i32 to index
        %get3A_413 = arith.constant 48 : index
        %get3A_414 = tpu.vector_load %arg15[%get3A_412, %get3A_413] {strides = array<i32>} : memref<80x128xf32, #tpu.memory_space<vmem>>, vector<16xf32>,
        %mul3A_415 = vector.broadcast %squeeze3A_387 : f32 to vector<16xf32>
        %mul3A_416 = arith.mulf %get3A_414, %mul3A_415 : vector<16xf32>
        %swap3A_417 = arith.index_cast %add3A_385 : i32 to index
        %swap3A_418 = arith.constant 48 : index
        %swap3A_419 = tpu.vector_load %arg15[%swap3A_417, %swap3A_418] {strides = array<i32>} : memref<80x128xf32, #tpu.memory_space<vmem>>, vector<16xf32>,
        tpu.vector_store %arg15[%swap3A_417, %swap3A_418], %mul3A_416 {strides = array<i32>} : memref<80x128xf32, #tpu.memory_space<vmem>>, vector<16xf32>,
        %get3A_420 = arith.index_cast %add3A_385 : i32 to index
        %get3A_421 = arith.constant 64 : index
        %get3A_422 = tpu.vector_load %arg15[%get3A_420, %get3A_421] {strides = array<i32>} : memref<80x128xf32, #tpu.memory_space<vmem>>, vector<16xf32>,
        %mul3A_423 = vector.broadcast %squeeze3A_387 : f32 to vector<16xf32>
        %mul3A_424 = arith.mulf %get3A_422, %mul3A_423 : vector<16xf32>
        %swap3A_425 = arith.index_cast %add3A_385 : i32 to index
        %swap3A_426 = arith.constant 64 : index
        %swap3A_427 = tpu.vector_load %arg15[%swap3A_425, %swap3A_426] {strides = array<i32>} : memref<80x128xf32, #tpu.memory_space<vmem>>, vector<16xf32>,
        tpu.vector_store %arg15[%swap3A_425, %swap3A_426], %mul3A_424 {strides = array<i32>} : memref<80x128xf32, #tpu.memory_space<vmem>>, vector<16xf32>,
        %get3A_428 = arith.index_cast %add3A_385 : i32 to index
        %get3A_429 = arith.constant 80 : index
        %get3A_430 = tpu.vector_load %arg15[%get3A_428, %get3A_429] {strides = array<i32>} : memref<80x128xf32, #tpu.memory_space<vmem>>, vector<16xf32>,
        %mul3A_431 = vector.broadcast %squeeze3A_387 : f32 to vector<16xf32>
        %mul3A_432 = arith.mulf %get3A_430, %mul3A_431 : vector<16xf32>
        %swap3A_433 = arith.index_cast %add3A_385 : i32 to index
        %swap3A_434 = arith.constant 80 : index
        %swap3A_435 = tpu.vector_load %arg15[%swap3A_433, %swap3A_434] {strides = array<i32>} : memref<80x128xf32, #tpu.memory_space<vmem>>, vector<16xf32>,
        tpu.vector_store %arg15[%swap3A_433, %swap3A_434], %mul3A_432 {strides = array<i32>} : memref<80x128xf32, #tpu.memory_space<vmem>>, vector<16xf32>,
        %get3A_436 = arith.index_cast %add3A_385 : i32 to index
        %get3A_437 = arith.constant 96 : index
        %get3A_438 = tpu.vector_load %arg15[%get3A_436, %get3A_437] {strides = array<i32>} : memref<80x128xf32, #tpu.memory_space<vmem>>, vector<16xf32>,
        %mul3A_439 = vector.broadcast %squeeze3A_387 : f32 to vector<16xf32>
        %mul3A_440 = arith.mulf %get3A_438, %mul3A_439 : vector<16xf32>
        %swap3A_441 = arith.index_cast %add3A_385 : i32 to index
        %swap3A_442 = arith.constant 96 : index
        %swap3A_443 = tpu.vector_load %arg15[%swap3A_441, %swap3A_442] {strides = array<i32>} : memref<80x128xf32, #tpu.memory_space<vmem>>, vector<16xf32>,
        tpu.vector_store %arg15[%swap3A_441, %swap3A_442], %mul3A_440 {strides = array<i32>} : memref<80x128xf32, #tpu.memory_space<vmem>>, vector<16xf32>,
        %get3A_444 = arith.index_cast %add3A_385 : i32 to index
        %get3A_445 = arith.constant 112 : index
        %get3A_446 = tpu.vector_load %arg15[%get3A_444, %get3A_445] {strides = array<i32>} : memref<80x128xf32, #tpu.memory_space<vmem>>, vector<16xf32>,
        %mul3A_447 = vector.broadcast %squeeze3A_387 : f32 to vector<16xf32>
        %mul3A_448 = arith.mulf %get3A_446, %mul3A_447 : vector<16xf32>
        %swap3A_449 = arith.index_cast %add3A_385 : i32 to index
        %swap3A_450 = arith.constant 112 : index
        %swap3A_451 = tpu.vector_load %arg15[%swap3A_449, %swap3A_450] {strides = array<i32>} : memref<80x128xf32, #tpu.memory_space<vmem>>, vector<16xf32>,
        tpu.vector_store %arg15[%swap3A_449, %swap3A_450], %mul3A_448 {strides = array<i32>} : memref<80x128xf32, #tpu.memory_space<vmem>>, vector<16xf32>,
        %mul3A_452 = arith.constant 16 : i32
        %mul3A_453 = arith.muli %scan3A_308, %mul3A_452 : i32
        %add3A_454 = arith.constant 2 : i32
        %add3A_455 = arith.addi %mul3A_453, %add3A_454 : i32
        %slice3A_456 = vector.extract_strided_slice %get3A_313 {offsets = [2], sizes = [1], strides = [1]} : vector<16xf32> to vector<1xf32>
        %squeeze3A_457 = vector.extract %slice3A_456[0] : f32 from vector<1xf32>
        %get3A_458 = arith.index_cast %add3A_455 : i32 to index
        %get3A_459 = arith.constant 0 : index
        %get3A_460 = tpu.vector_load %arg15[%get3A_458, %get3A_459] {strides = array<i32>} : memref<80x128xf32, #tpu.memory_space<vmem>>, vector<16xf32>,
        %mul3A_461 = vector.broadcast %squeeze3A_457 : f32 to vector<16xf32>
        %mul3A_462 = arith.mulf %get3A_460, %mul3A_461 : vector<16xf32>
        %swap3A_463 = arith.index_cast %add3A_455 : i32 to index
        %swap3A_464 = arith.constant 0 : index
        %swap3A_465 = tpu.vector_load %arg15[%swap3A_463, %swap3A_464] {strides = array<i32>} : memref<80x128xf32, #tpu.memory_space<vmem>>, vector<16xf32>,
        tpu.vector_store %arg15[%swap3A_463, %swap3A_464], %mul3A_462 {strides = array<i32>} : memref<80x128xf32, #tpu.memory_space<vmem>>, vector<16xf32>,
        %get3A_466 = arith.index_cast %add3A_455 : i32 to index
        %get3A_467 = arith.constant 16 : index
        %get3A_468 = tpu.vector_load %arg15[%get3A_466, %get3A_467] {strides = array<i32>} : memref<80x128xf32, #tpu.memory_space<vmem>>, vector<16xf32>,
        %mul3A_469 = vector.broadcast %squeeze3A_457 : f32 to vector<16xf32>
        %mul3A_470 = arith.mulf %get3A_468, %mul3A_469 : vector<16xf32>
        %swap3A_471 = arith.index_cast %add3A_455 : i32 to index
        %swap3A_472 = arith.constant 16 : index
        %swap3A_473 = tpu.vector_load %arg15[%swap3A_471, %swap3A_472] {strides = array<i32>} : memref<80x128xf32, #tpu.memory_space<vmem>>, vector<16xf32>,
        tpu.vector_store %arg15[%swap3A_471, %swap3A_472], %mul3A_470 {strides = array<i32>} : memref<80x128xf32, #tpu.memory_space<vmem>>, vector<16xf32>,
        %get3A_474 = arith.index_cast %add3A_455 : i32 to index
        %get3A_475 = arith.constant 32 : index
        %get3A_476 = tpu.vector_load %arg15[%get3A_474, %get3A_475] {strides = array<i32>} : memref<80x128xf32, #tpu.memory_space<vmem>>, vector<16xf32>,
        %mul3A_477 = vector.broadcast %squeeze3A_457 : f32 to vector<16xf32>
        %mul3A_478 = arith.mulf %get3A_476, %mul3A_477 : vector<16xf32>
        %swap3A_479 = arith.index_cast %add3A_455 : i32 to index
        %swap3A_480 = arith.constant 32 : index
        %swap3A_481 = tpu.vector_load %arg15[%swap3A_479, %swap3A_480] {strides = array<i32>} : memref<80x128xf32, #tpu.memory_space<vmem>>, vector<16xf32>,
        tpu.vector_store %arg15[%swap3A_479, %swap3A_480], %mul3A_478 {strides = array<i32>} : memref<80x128xf32, #tpu.memory_space<vmem>>, vector<16xf32>,
        %get3A_482 = arith.index_cast %add3A_455 : i32 to index
        %get3A_483 = arith.constant 48 : index
        %get3A_484 = tpu.vector_load %arg15[%get3A_482, %get3A_483] {strides = array<i32>} : memref<80x128xf32, #tpu.memory_space<vmem>>, vector<16xf32>,
        %mul3A_485 = vector.broadcast %squeeze3A_457 : f32 to vector<16xf32>
        %mul3A_486 = arith.mulf %get3A_484, %mul3A_485 : vector<16xf32>
        %swap3A_487 = arith.index_cast %add3A_455 : i32 to index
        %swap3A_488 = arith.constant 48 : index
        %swap3A_489 = tpu.vector_load %arg15[%swap3A_487, %swap3A_488] {strides = array<i32>} : memref<80x128xf32, #tpu.memory_space<vmem>>, vector<16xf32>,
        tpu.vector_store %arg15[%swap3A_487, %swap3A_488], %mul3A_486 {strides = array<i32>} : memref<80x128xf32, #tpu.memory_space<vmem>>, vector<16xf32>,
        %get3A_490 = arith.index_cast %add3A_455 : i32 to index
        %get3A_491 = arith.constant 64 : index
        %get3A_492 = tpu.vector_load %arg15[%get3A_490, %get3A_491] {strides = array<i32>} : memref<80x128xf32, #tpu.memory_space<vmem>>, vector<16xf32>,
        %mul3A_493 = vector.broadcast %squeeze3A_457 : f32 to vector<16xf32>
        %mul3A_494 = arith.mulf %get3A_492, %mul3A_493 : vector<16xf32>
        %swap3A_495 = arith.index_cast %add3A_455 : i32 to index
        %swap3A_496 = arith.constant 64 : index
        %swap3A_497 = tpu.vector_load %arg15[%swap3A_495, %swap3A_496] {strides = array<i32>} : memref<80x128xf32, #tpu.memory_space<vmem>>, vector<16xf32>,
        tpu.vector_store %arg15[%swap3A_495, %swap3A_496], %mul3A_494 {strides = array<i32>} : memref<80x128xf32, #tpu.memory_space<vmem>>, vector<16xf32>,
        %get3A_498 = arith.index_cast %add3A_455 : i32 to index
        %get3A_499 = arith.constant 80 : index
        %get3A_500 = tpu.vector_load %arg15[%get3A_498, %get3A_499] {strides = array<i32>} : memref<80x128xf32, #tpu.memory_space<vmem>>, vector<16xf32>,
        %mul3A_501 = vector.broadcast %squeeze3A_457 : f32 to vector<16xf32>
        %mul3A_502 = arith.mulf %get3A_500, %mul3A_501 : vector<16xf32>
        %swap3A_503 = arith.index_cast %add3A_455 : i32 to index
        %swap3A_504 = arith.constant 80 : index
        %swap3A_505 = tpu.vector_load %arg15[%swap3A_503, %swap3A_504] {strides = array<i32>} : memref<80x128xf32, #tpu.memory_space<vmem>>, vector<16xf32>,
        tpu.vector_store %arg15[%swap3A_503, %swap3A_504], %mul3A_502 {strides = array<i32>} : memref<80x128xf32, #tpu.memory_space<vmem>>, vector<16xf32>,
        %get3A_506 = arith.index_cast %add3A_455 : i32 to index
        %get3A_507 = arith.constant 96 : index
        %get3A_508 = tpu.vector_load %arg15[%get3A_506, %get3A_507] {strides = array<i32>} : memref<80x128xf32, #tpu.memory_space<vmem>>, vector<16xf32>,
        %mul3A_509 = vector.broadcast %squeeze3A_457 : f32 to vector<16xf32>
        %mul3A_510 = arith.mulf %get3A_508, %mul3A_509 : vector<16xf32>
        %swap3A_511 = arith.index_cast %add3A_455 : i32 to index
        %swap3A_512 = arith.constant 96 : index
        %swap3A_513 = tpu.vector_load %arg15[%swap3A_511, %swap3A_512] {strides = array<i32>} : memref<80x128xf32, #tpu.memory_space<vmem>>, vector<16xf32>,
        tpu.vector_store %arg15[%swap3A_511, %swap3A_512], %mul3A_510 {strides = array<i32>} : memref<80x128xf32, #tpu.memory_space<vmem>>, vector<16xf32>,
        %get3A_514 = arith.index_cast %add3A_455 : i32 to index
        %get3A_515 = arith.constant 112 : index
        %get3A_516 = tpu.vector_load %arg15[%get3A_514, %get3A_515] {strides = array<i32>} : memref<80x128xf32, #tpu.memory_space<vmem>>, vector<16xf32>,
        %mul3A_517 = vector.broadcast %squeeze3A_457 : f32 to vector<16xf32>
        %mul3A_518 = arith.mulf %get3A_516, %mul3A_517 : vector<16xf32>
        %swap3A_519 = arith.index_cast %add3A_455 : i32 to index
        %swap3A_520 = arith.constant 112 : index
        %swap3A_521 = tpu.vector_load %arg15[%swap3A_519, %swap3A_520] {strides = array<i32>} : memref<80x128xf32, #tpu.memory_space<vmem>>, vector<16xf32>,
        tpu.vector_store %arg15[%swap3A_519, %swap3A_520], %mul3A_518 {strides = array<i32>} : memref<80x128xf32, #tpu.memory_space<vmem>>, vector<16xf32>,
        %mul3A_522 = arith.constant 16 : i32
        %mul3A_523 = arith.muli %scan3A_308, %mul3A_522 : i32
        %add3A_524 = arith.constant 3 : i32
        %add3A_525 = arith.addi %mul3A_523, %add3A_524 : i32
        %slice3A_526 = vector.extract_strided_slice %get3A_313 {offsets = [3], sizes = [1], strides = [1]} : vector<16xf32> to vector<1xf32>
        %squeeze3A_527 = vector.extract %slice3A_526[0] : f32 from vector<1xf32>
        %get3A_528 = arith.index_cast %add3A_525 : i32 to index
        %get3A_529 = arith.constant 0 : index
        %get3A_530 = tpu.vector_load %arg15[%get3A_528, %get3A_529] {strides = array<i32>} : memref<80x128xf32, #tpu.memory_space<vmem>>, vector<16xf32>,
        %mul3A_531 = vector.broadcast %squeeze3A_527 : f32 to vector<16xf32>
        %mul3A_532 = arith.mulf %get3A_530, %mul3A_531 : vector<16xf32>
        %swap3A_533 = arith.index_cast %add3A_525 : i32 to index
        %swap3A_534 = arith.constant 0 : index
        %swap3A_535 = tpu.vector_load %arg15[%swap3A_533, %swap3A_534] {strides = array<i32>} : memref<80x128xf32, #tpu.memory_space<vmem>>, vector<16xf32>,
        tpu.vector_store %arg15[%swap3A_533, %swap3A_534], %mul3A_532 {strides = array<i32>} : memref<80x128xf32, #tpu.memory_space<vmem>>, vector<16xf32>,
        %get3A_536 = arith.index_cast %add3A_525 : i32 to index
        %get3A_537 = arith.constant 16 : index
        %get3A_538 = tpu.vector_load %arg15[%get3A_536, %get3A_537] {strides = array<i32>} : memref<80x128xf32, #tpu.memory_space<vmem>>, vector<16xf32>,
        %mul3A_539 = vector.broadcast %squeeze3A_527 : f32 to vector<16xf32>
        %mul3A_540 = arith.mulf %get3A_538, %mul3A_539 : vector<16xf32>
        %swap3A_541 = arith.index_cast %add3A_525 : i32 to index
        %swap3A_542 = arith.constant 16 : index
        %swap3A_543 = tpu.vector_load %arg15[%swap3A_541, %swap3A_542] {strides = array<i32>} : memref<80x128xf32, #tpu.memory_space<vmem>>, vector<16xf32>,
        tpu.vector_store %arg15[%swap3A_541, %swap3A_542], %mul3A_540 {strides = array<i32>} : memref<80x128xf32, #tpu.memory_space<vmem>>, vector<16xf32>,
        %get3A_544 = arith.index_cast %add3A_525 : i32 to index
        %get3A_545 = arith.constant 32 : index
        %get3A_546 = tpu.vector_load %arg15[%get3A_544, %get3A_545] {strides = array<i32>} : memref<80x128xf32, #tpu.memory_space<vmem>>, vector<16xf32>,
        %mul3A_547 = vector.broadcast %squeeze3A_527 : f32 to vector<16xf32>
        %mul3A_548 = arith.mulf %get3A_546, %mul3A_547 : vector<16xf32>
        %swap3A_549 = arith.index_cast %add3A_525 : i32 to index
        %swap3A_550 = arith.constant 32 : index
        %swap3A_551 = tpu.vector_load %arg15[%swap3A_549, %swap3A_550] {strides = array<i32>} : memref<80x128xf32, #tpu.memory_space<vmem>>, vector<16xf32>,
        tpu.vector_store %arg15[%swap3A_549, %swap3A_550], %mul3A_548 {strides = array<i32>} : memref<80x128xf32, #tpu.memory_space<vmem>>, vector<16xf32>,
        %get3A_552 = arith.index_cast %add3A_525 : i32 to index
        %get3A_553 = arith.constant 48 : index
        %get3A_554 = tpu.vector_load %arg15[%get3A_552, %get3A_553] {strides = array<i32>} : memref<80x128xf32, #tpu.memory_space<vmem>>, vector<16xf32>,
        %mul3A_555 = vector.broadcast %squeeze3A_527 : f32 to vector<16xf32>
        %mul3A_556 = arith.mulf %get3A_554, %mul3A_555 : vector<16xf32>
        %swap3A_557 = arith.index_cast %add3A_525 : i32 to index
        %swap3A_558 = arith.constant 48 : index
        %swap3A_559 = tpu.vector_load %arg15[%swap3A_557, %swap3A_558] {strides = array<i32>} : memref<80x128xf32, #tpu.memory_space<vmem>>, vector<16xf32>,
        tpu.vector_store %arg15[%swap3A_557, %swap3A_558], %mul3A_556 {strides = array<i32>} : memref<80x128xf32, #tpu.memory_space<vmem>>, vector<16xf32>,
        %get3A_560 = arith.index_cast %add3A_525 : i32 to index
        %get3A_561 = arith.constant 64 : index
        %get3A_562 = tpu.vector_load %arg15[%get3A_560, %get3A_561] {strides = array<i32>} : memref<80x128xf32, #tpu.memory_space<vmem>>, vector<16xf32>,
        %mul3A_563 = vector.broadcast %squeeze3A_527 : f32 to vector<16xf32>
        %mul3A_564 = arith.mulf %get3A_562, %mul3A_563 : vector<16xf32>
        %swap3A_565 = arith.index_cast %add3A_525 : i32 to index
        %swap3A_566 = arith.constant 64 : index
        %swap3A_567 = tpu.vector_load %arg15[%swap3A_565, %swap3A_566] {strides = array<i32>} : memref<80x128xf32, #tpu.memory_space<vmem>>, vector<16xf32>,
        tpu.vector_store %arg15[%swap3A_565, %swap3A_566], %mul3A_564 {strides = array<i32>} : memref<80x128xf32, #tpu.memory_space<vmem>>, vector<16xf32>,
        %get3A_568 = arith.index_cast %add3A_525 : i32 to index
        %get3A_569 = arith.constant 80 : index
        %get3A_570 = tpu.vector_load %arg15[%get3A_568, %get3A_569] {strides = array<i32>} : memref<80x128xf32, #tpu.memory_space<vmem>>, vector<16xf32>,
        %mul3A_571 = vector.broadcast %squeeze3A_527 : f32 to vector<16xf32>
        %mul3A_572 = arith.mulf %get3A_570, %mul3A_571 : vector<16xf32>
        %swap3A_573 = arith.index_cast %add3A_525 : i32 to index
        %swap3A_574 = arith.constant 80 : index
        %swap3A_575 = tpu.vector_load %arg15[%swap3A_573, %swap3A_574] {strides = array<i32>} : memref<80x128xf32, #tpu.memory_space<vmem>>, vector<16xf32>,
        tpu.vector_store %arg15[%swap3A_573, %swap3A_574], %mul3A_572 {strides = array<i32>} : memref<80x128xf32, #tpu.memory_space<vmem>>, vector<16xf32>,
        %get3A_576 = arith.index_cast %add3A_525 : i32 to index
        %get3A_577 = arith.constant 96 : index
        %get3A_578 = tpu.vector_load %arg15[%get3A_576, %get3A_577] {strides = array<i32>} : memref<80x128xf32, #tpu.memory_space<vmem>>, vector<16xf32>,
        %mul3A_579 = vector.broadcast %squeeze3A_527 : f32 to vector<16xf32>
        %mul3A_580 = arith.mulf %get3A_578, %mul3A_579 : vector<16xf32>
        %swap3A_581 = arith.index_cast %add3A_525 : i32 to index
        %swap3A_582 = arith.constant 96 : index
        %swap3A_583 = tpu.vector_load %arg15[%swap3A_581, %swap3A_582] {strides = array<i32>} : memref<80x128xf32, #tpu.memory_space<vmem>>, vector<16xf32>,
        tpu.vector_store %arg15[%swap3A_581, %swap3A_582], %mul3A_580 {strides = array<i32>} : memref<80x128xf32, #tpu.memory_space<vmem>>, vector<16xf32>,
        %get3A_584 = arith.index_cast %add3A_525 : i32 to index
        %get3A_585 = arith.constant 112 : index
        %get3A_586 = tpu.vector_load %arg15[%get3A_584, %get3A_585] {strides = array<i32>} : memref<80x128xf32, #tpu.memory_space<vmem>>, vector<16xf32>,
        %mul3A_587 = vector.broadcast %squeeze3A_527 : f32 to vector<16xf32>
        %mul3A_588 = arith.mulf %get3A_586, %mul3A_587 : vector<16xf32>
        %swap3A_589 = arith.index_cast %add3A_525 : i32 to index
        %swap3A_590 = arith.constant 112 : index
        %swap3A_591 = tpu.vector_load %arg15[%swap3A_589, %swap3A_590] {strides = array<i32>} : memref<80x128xf32, #tpu.memory_space<vmem>>, vector<16xf32>,
        tpu.vector_store %arg15[%swap3A_589, %swap3A_590], %mul3A_588 {strides = array<i32>} : memref<80x128xf32, #tpu.memory_space<vmem>>, vector<16xf32>,
        %mul3A_592 = arith.constant 16 : i32
        %mul3A_593 = arith.muli %scan3A_308, %mul3A_592 : i32
        %add3A_594 = arith.constant 4 : i32
        %add3A_595 = arith.addi %mul3A_593, %add3A_594 : i32
        %slice3A_596 = vector.extract_strided_slice %get3A_313 {offsets = [4], sizes = [1], strides = [1]} : vector<16xf32> to vector<1xf32>
        %squeeze3A_597 = vector.extract %slice3A_596[0] : f32 from vector<1xf32>
        %get3A_598 = arith.index_cast %add3A_595 : i32 to index
        %get3A_599 = arith.constant 0 : index
        %get3A_600 = tpu.vector_load %arg15[%get3A_598, %get3A_599] {strides = array<i32>} : memref<80x128xf32, #tpu.memory_space<vmem>>, vector<16xf32>,
        %mul3A_601 = vector.broadcast %squeeze3A_597 : f32 to vector<16xf32>
        %mul3A_602 = arith.mulf %get3A_600, %mul3A_601 : vector<16xf32>
        %swap3A_603 = arith.index_cast %add3A_595 : i32 to index
        %swap3A_604 = arith.constant 0 : index
        %swap3A_605 = tpu.vector_load %arg15[%swap3A_603, %swap3A_604] {strides = array<i32>} : memref<80x128xf32, #tpu.memory_space<vmem>>, vector<16xf32>,
        tpu.vector_store %arg15[%swap3A_603, %swap3A_604], %mul3A_602 {strides = array<i32>} : memref<80x128xf32, #tpu.memory_space<vmem>>, vector<16xf32>,
        %get3A_606 = arith.index_cast %add3A_595 : i32 to index
        %get3A_607 = arith.constant 16 : index
        %get3A_608 = tpu.vector_load %arg15[%get3A_606, %get3A_607] {strides = array<i32>} : memref<80x128xf32, #tpu.memory_space<vmem>>, vector<16xf32>,
        %mul3A_609 = vector.broadcast %squeeze3A_597 : f32 to vector<16xf32>
        %mul3A_610 = arith.mulf %get3A_608, %mul3A_609 : vector<16xf32>
        %swap3A_611 = arith.index_cast %add3A_595 : i32 to index
        %swap3A_612 = arith.constant 16 : index
        %swap3A_613 = tpu.vector_load %arg15[%swap3A_611, %swap3A_612] {strides = array<i32>} : memref<80x128xf32, #tpu.memory_space<vmem>>, vector<16xf32>,
        tpu.vector_store %arg15[%swap3A_611, %swap3A_612], %mul3A_610 {strides = array<i32>} : memref<80x128xf32, #tpu.memory_space<vmem>>, vector<16xf32>,
        %get3A_614 = arith.index_cast %add3A_595 : i32 to index
        %get3A_615 = arith.constant 32 : index
        %get3A_616 = tpu.vector_load %arg15[%get3A_614, %get3A_615] {strides = array<i32>} : memref<80x128xf32, #tpu.memory_space<vmem>>, vector<16xf32>,
        %mul3A_617 = vector.broadcast %squeeze3A_597 : f32 to vector<16xf32>
        %mul3A_618 = arith.mulf %get3A_616, %mul3A_617 : vector<16xf32>
        %swap3A_619 = arith.index_cast %add3A_595 : i32 to index
        %swap3A_620 = arith.constant 32 : index
        %swap3A_621 = tpu.vector_load %arg15[%swap3A_619, %swap3A_620] {strides = array<i32>} : memref<80x128xf32, #tpu.memory_space<vmem>>, vector<16xf32>,
        tpu.vector_store %arg15[%swap3A_619, %swap3A_620], %mul3A_618 {strides = array<i32>} : memref<80x128xf32, #tpu.memory_space<vmem>>, vector<16xf32>,
        %get3A_622 = arith.index_cast %add3A_595 : i32 to index
        %get3A_623 = arith.constant 48 : index
        %get3A_624 = tpu.vector_load %arg15[%get3A_622, %get3A_623] {strides = array<i32>} : memref<80x128xf32, #tpu.memory_space<vmem>>, vector<16xf32>,
        %mul3A_625 = vector.broadcast %squeeze3A_597 : f32 to vector<16xf32>
        %mul3A_626 = arith.mulf %get3A_624, %mul3A_625 : vector<16xf32>
        %swap3A_627 = arith.index_cast %add3A_595 : i32 to index
        %swap3A_628 = arith.constant 48 : index
        %swap3A_629 = tpu.vector_load %arg15[%swap3A_627, %swap3A_628] {strides = array<i32>} : memref<80x128xf32, #tpu.memory_space<vmem>>, vector<16xf32>,
        tpu.vector_store %arg15[%swap3A_627, %swap3A_628], %mul3A_626 {strides = array<i32>} : memref<80x128xf32, #tpu.memory_space<vmem>>, vector<16xf32>,
        %get3A_630 = arith.index_cast %add3A_595 : i32 to index
        %get3A_631 = arith.constant 64 : index
        %get3A_632 = tpu.vector_load %arg15[%get3A_630, %get3A_631] {strides = array<i32>} : memref<80x128xf32, #tpu.memory_space<vmem>>, vector<16xf32>,
        %mul3A_633 = vector.broadcast %squeeze3A_597 : f32 to vector<16xf32>
        %mul3A_634 = arith.mulf %get3A_632, %mul3A_633 : vector<16xf32>
        %swap3A_635 = arith.index_cast %add3A_595 : i32 to index
        %swap3A_636 = arith.constant 64 : index
        %swap3A_637 = tpu.vector_load %arg15[%swap3A_635, %swap3A_636] {strides = array<i32>} : memref<80x128xf32, #tpu.memory_space<vmem>>, vector<16xf32>,
        tpu.vector_store %arg15[%swap3A_635, %swap3A_636], %mul3A_634 {strides = array<i32>} : memref<80x128xf32, #tpu.memory_space<vmem>>, vector<16xf32>,
        %get3A_638 = arith.index_cast %add3A_595 : i32 to index
        %get3A_639 = arith.constant 80 : index
        %get3A_640 = tpu.vector_load %arg15[%get3A_638, %get3A_639] {strides = array<i32>} : memref<80x128xf32, #tpu.memory_space<vmem>>, vector<16xf32>,
        %mul3A_641 = vector.broadcast %squeeze3A_597 : f32 to vector<16xf32>
        %mul3A_642 = arith.mulf %get3A_640, %mul3A_641 : vector<16xf32>
        %swap3A_643 = arith.index_cast %add3A_595 : i32 to index
        %swap3A_644 = arith.constant 80 : index
        %swap3A_645 = tpu.vector_load %arg15[%swap3A_643, %swap3A_644] {strides = array<i32>} : memref<80x128xf32, #tpu.memory_space<vmem>>, vector<16xf32>,
        tpu.vector_store %arg15[%swap3A_643, %swap3A_644], %mul3A_642 {strides = array<i32>} : memref<80x128xf32, #tpu.memory_space<vmem>>, vector<16xf32>,
        %get3A_646 = arith.index_cast %add3A_595 : i32 to index
        %get3A_647 = arith.constant 96 : index
        %get3A_648 = tpu.vector_load %arg15[%get3A_646, %get3A_647] {strides = array<i32>} : memref<80x128xf32, #tpu.memory_space<vmem>>, vector<16xf32>,
        %mul3A_649 = vector.broadcast %squeeze3A_597 : f32 to vector<16xf32>
        %mul3A_650 = arith.mulf %get3A_648, %mul3A_649 : vector<16xf32>
        %swap3A_651 = arith.index_cast %add3A_595 : i32 to index
        %swap3A_652 = arith.constant 96 : index
        %swap3A_653 = tpu.vector_load %arg15[%swap3A_651, %swap3A_652] {strides = array<i32>} : memref<80x128xf32, #tpu.memory_space<vmem>>, vector<16xf32>,
        tpu.vector_store %arg15[%swap3A_651, %swap3A_652], %mul3A_650 {strides = array<i32>} : memref<80x128xf32, #tpu.memory_space<vmem>>, vector<16xf32>,
        %get3A_654 = arith.index_cast %add3A_595 : i32 to index
        %get3A_655 = arith.constant 112 : index
        %get3A_656 = tpu.vector_load %arg15[%get3A_654, %get3A_655] {strides = array<i32>} : memref<80x128xf32, #tpu.memory_space<vmem>>, vector<16xf32>,
        %mul3A_657 = vector.broadcast %squeeze3A_597 : f32 to vector<16xf32>
        %mul3A_658 = arith.mulf %get3A_656, %mul3A_657 : vector<16xf32>
        %swap3A_659 = arith.index_cast %add3A_595 : i32 to index
        %swap3A_660 = arith.constant 112 : index
        %swap3A_661 = tpu.vector_load %arg15[%swap3A_659, %swap3A_660] {strides = array<i32>} : memref<80x128xf32, #tpu.memory_space<vmem>>, vector<16xf32>,
        tpu.vector_store %arg15[%swap3A_659, %swap3A_660], %mul3A_658 {strides = array<i32>} : memref<80x128xf32, #tpu.memory_space<vmem>>, vector<16xf32>,
        %mul3A_662 = arith.constant 16 : i32
        %mul3A_663 = arith.muli %scan3A_308, %mul3A_662 : i32
        %add3A_664 = arith.constant 5 : i32
        %add3A_665 = arith.addi %mul3A_663, %add3A_664 : i32
        %slice3A_666 = vector.extract_strided_slice %get3A_313 {offsets = [5], sizes = [1], strides = [1]} : vector<16xf32> to vector<1xf32>
        %squeeze3A_667 = vector.extract %slice3A_666[0] : f32 from vector<1xf32>
        %get3A_668 = arith.index_cast %add3A_665 : i32 to index
        %get3A_669 = arith.constant 0 : index
        %get3A_670 = tpu.vector_load %arg15[%get3A_668, %get3A_669] {strides = array<i32>} : memref<80x128xf32, #tpu.memory_space<vmem>>, vector<16xf32>,
        %mul3A_671 = vector.broadcast %squeeze3A_667 : f32 to vector<16xf32>
        %mul3A_672 = arith.mulf %get3A_670, %mul3A_671 : vector<16xf32>
        %swap3A_673 = arith.index_cast %add3A_665 : i32 to index
        %swap3A_674 = arith.constant 0 : index
        %swap3A_675 = tpu.vector_load %arg15[%swap3A_673, %swap3A_674] {strides = array<i32>} : memref<80x128xf32, #tpu.memory_space<vmem>>, vector<16xf32>,
        tpu.vector_store %arg15[%swap3A_673, %swap3A_674], %mul3A_672 {strides = array<i32>} : memref<80x128xf32, #tpu.memory_space<vmem>>, vector<16xf32>,
        %get3A_676 = arith.index_cast %add3A_665 : i32 to index
        %get3A_677 = arith.constant 16 : index
        %get3A_678 = tpu.vector_load %arg15[%get3A_676, %get3A_677] {strides = array<i32>} : memref<80x128xf32, #tpu.memory_space<vmem>>, vector<16xf32>,
        %mul3A_679 = vector.broadcast %squeeze3A_667 : f32 to vector<16xf32>
        %mul3A_680 = arith.mulf %get3A_678, %mul3A_679 : vector<16xf32>
        %swap3A_681 = arith.index_cast %add3A_665 : i32 to index
        %swap3A_682 = arith.constant 16 : index
        %swap3A_683 = tpu.vector_load %arg15[%swap3A_681, %swap3A_682] {strides = array<i32>} : memref<80x128xf32, #tpu.memory_space<vmem>>, vector<16xf32>,
        tpu.vector_store %arg15[%swap3A_681, %swap3A_682], %mul3A_680 {strides = array<i32>} : memref<80x128xf32, #tpu.memory_space<vmem>>, vector<16xf32>,
        %get3A_684 = arith.index_cast %add3A_665 : i32 to index
        %get3A_685 = arith.constant 32 : index
        %get3A_686 = tpu.vector_load %arg15[%get3A_684, %get3A_685] {strides = array<i32>} : memref<80x128xf32, #tpu.memory_space<vmem>>, vector<16xf32>,
        %mul3A_687 = vector.broadcast %squeeze3A_667 : f32 to vector<16xf32>
        %mul3A_688 = arith.mulf %get3A_686, %mul3A_687 : vector<16xf32>
        %swap3A_689 = arith.index_cast %add3A_665 : i32 to index
        %swap3A_690 = arith.constant 32 : index
        %swap3A_691 = tpu.vector_load %arg15[%swap3A_689, %swap3A_690] {strides = array<i32>} : memref<80x128xf32, #tpu.memory_space<vmem>>, vector<16xf32>,
        tpu.vector_store %arg15[%swap3A_689, %swap3A_690], %mul3A_688 {strides = array<i32>} : memref<80x128xf32, #tpu.memory_space<vmem>>, vector<16xf32>,
        %get3A_692 = arith.index_cast %add3A_665 : i32 to index
        %get3A_693 = arith.constant 48 : index
        %get3A_694 = tpu.vector_load %arg15[%get3A_692, %get3A_693] {strides = array<i32>} : memref<80x128xf32, #tpu.memory_space<vmem>>, vector<16xf32>,
        %mul3A_695 = vector.broadcast %squeeze3A_667 : f32 to vector<16xf32>
        %mul3A_696 = arith.mulf %get3A_694, %mul3A_695 : vector<16xf32>
        %swap3A_697 = arith.index_cast %add3A_665 : i32 to index
        %swap3A_698 = arith.constant 48 : index
        %swap3A_699 = tpu.vector_load %arg15[%swap3A_697, %swap3A_698] {strides = array<i32>} : memref<80x128xf32, #tpu.memory_space<vmem>>, vector<16xf32>,
        tpu.vector_store %arg15[%swap3A_697, %swap3A_698], %mul3A_696 {strides = array<i32>} : memref<80x128xf32, #tpu.memory_space<vmem>>, vector<16xf32>,
        %get3A_700 = arith.index_cast %add3A_665 : i32 to index
        %get3A_701 = arith.constant 64 : index
        %get3A_702 = tpu.vector_load %arg15[%get3A_700, %get3A_701] {strides = array<i32>} : memref<80x128xf32, #tpu.memory_space<vmem>>, vector<16xf32>,
        %mul3A_703 = vector.broadcast %squeeze3A_667 : f32 to vector<16xf32>
        %mul3A_704 = arith.mulf %get3A_702, %mul3A_703 : vector<16xf32>
        %swap3A_705 = arith.index_cast %add3A_665 : i32 to index
        %swap3A_706 = arith.constant 64 : index
        %swap3A_707 = tpu.vector_load %arg15[%swap3A_705, %swap3A_706] {strides = array<i32>} : memref<80x128xf32, #tpu.memory_space<vmem>>, vector<16xf32>,
        tpu.vector_store %arg15[%swap3A_705, %swap3A_706], %mul3A_704 {strides = array<i32>} : memref<80x128xf32, #tpu.memory_space<vmem>>, vector<16xf32>,
        %get3A_708 = arith.index_cast %add3A_665 : i32 to index
        %get3A_709 = arith.constant 80 : index
        %get3A_710 = tpu.vector_load %arg15[%get3A_708, %get3A_709] {strides = array<i32>} : memref<80x128xf32, #tpu.memory_space<vmem>>, vector<16xf32>,
        %mul3A_711 = vector.broadcast %squeeze3A_667 : f32 to vector<16xf32>
        %mul3A_712 = arith.mulf %get3A_710, %mul3A_711 : vector<16xf32>
        %swap3A_713 = arith.index_cast %add3A_665 : i32 to index
        %swap3A_714 = arith.constant 80 : index
        %swap3A_715 = tpu.vector_load %arg15[%swap3A_713, %swap3A_714] {strides = array<i32>} : memref<80x128xf32, #tpu.memory_space<vmem>>, vector<16xf32>,
        tpu.vector_store %arg15[%swap3A_713, %swap3A_714], %mul3A_712 {strides = array<i32>} : memref<80x128xf32, #tpu.memory_space<vmem>>, vector<16xf32>,
        %get3A_716 = arith.index_cast %add3A_665 : i32 to index
        %get3A_717 = arith.constant 96 : index
        %get3A_718 = tpu.vector_load %arg15[%get3A_716, %get3A_717] {strides = array<i32>} : memref<80x128xf32, #tpu.memory_space<vmem>>, vector<16xf32>,
        %mul3A_719 = vector.broadcast %squeeze3A_667 : f32 to vector<16xf32>
        %mul3A_720 = arith.mulf %get3A_718, %mul3A_719 : vector<16xf32>
        %swap3A_721 = arith.index_cast %add3A_665 : i32 to index
        %swap3A_722 = arith.constant 96 : index
        %swap3A_723 = tpu.vector_load %arg15[%swap3A_721, %swap3A_722] {strides = array<i32>} : memref<80x128xf32, #tpu.memory_space<vmem>>, vector<16xf32>,
        tpu.vector_store %arg15[%swap3A_721, %swap3A_722], %mul3A_720 {strides = array<i32>} : memref<80x128xf32, #tpu.memory_space<vmem>>, vector<16xf32>,
        %get3A_724 = arith.index_cast %add3A_665 : i32 to index
        %get3A_725 = arith.constant 112 : index
        %get3A_726 = tpu.vector_load %arg15[%get3A_724, %get3A_725] {strides = array<i32>} : memref<80x128xf32, #tpu.memory_space<vmem>>, vector<16xf32>,
        %mul3A_727 = vector.broadcast %squeeze3A_667 : f32 to vector<16xf32>
        %mul3A_728 = arith.mulf %get3A_726, %mul3A_727 : vector<16xf32>
        %swap3A_729 = arith.index_cast %add3A_665 : i32 to index
        %swap3A_730 = arith.constant 112 : index
        %swap3A_731 = tpu.vector_load %arg15[%swap3A_729, %swap3A_730] {strides = array<i32>} : memref<80x128xf32, #tpu.memory_space<vmem>>, vector<16xf32>,
        tpu.vector_store %arg15[%swap3A_729, %swap3A_730], %mul3A_728 {strides = array<i32>} : memref<80x128xf32, #tpu.memory_space<vmem>>, vector<16xf32>,
        %mul3A_732 = arith.constant 16 : i32
        %mul3A_733 = arith.muli %scan3A_308, %mul3A_732 : i32
        %add3A_734 = arith.constant 6 : i32
        %add3A_735 = arith.addi %mul3A_733, %add3A_734 : i32
        %slice3A_736 = vector.extract_strided_slice %get3A_313 {offsets = [6], sizes = [1], strides = [1]} : vector<16xf32> to vector<1xf32>
        %squeeze3A_737 = vector.extract %slice3A_736[0] : f32 from vector<1xf32>
        %get3A_738 = arith.index_cast %add3A_735 : i32 to index
        %get3A_739 = arith.constant 0 : index
        %get3A_740 = tpu.vector_load %arg15[%get3A_738, %get3A_739] {strides = array<i32>} : memref<80x128xf32, #tpu.memory_space<vmem>>, vector<16xf32>,
        %mul3A_741 = vector.broadcast %squeeze3A_737 : f32 to vector<16xf32>
        %mul3A_742 = arith.mulf %get3A_740, %mul3A_741 : vector<16xf32>
        %swap3A_743 = arith.index_cast %add3A_735 : i32 to index
        %swap3A_744 = arith.constant 0 : index
        %swap3A_745 = tpu.vector_load %arg15[%swap3A_743, %swap3A_744] {strides = array<i32>} : memref<80x128xf32, #tpu.memory_space<vmem>>, vector<16xf32>,
        tpu.vector_store %arg15[%swap3A_743, %swap3A_744], %mul3A_742 {strides = array<i32>} : memref<80x128xf32, #tpu.memory_space<vmem>>, vector<16xf32>,
        %get3A_746 = arith.index_cast %add3A_735 : i32 to index
        %get3A_747 = arith.constant 16 : index
        %get3A_748 = tpu.vector_load %arg15[%get3A_746, %get3A_747] {strides = array<i32>} : memref<80x128xf32, #tpu.memory_space<vmem>>, vector<16xf32>,
        %mul3A_749 = vector.broadcast %squeeze3A_737 : f32 to vector<16xf32>
        %mul3A_750 = arith.mulf %get3A_748, %mul3A_749 : vector<16xf32>
        %swap3A_751 = arith.index_cast %add3A_735 : i32 to index
        %swap3A_752 = arith.constant 16 : index
        %swap3A_753 = tpu.vector_load %arg15[%swap3A_751, %swap3A_752] {strides = array<i32>} : memref<80x128xf32, #tpu.memory_space<vmem>>, vector<16xf32>,
        tpu.vector_store %arg15[%swap3A_751, %swap3A_752], %mul3A_750 {strides = array<i32>} : memref<80x128xf32, #tpu.memory_space<vmem>>, vector<16xf32>,
        %get3A_754 = arith.index_cast %add3A_735 : i32 to index
        %get3A_755 = arith.constant 32 : index
        %get3A_756 = tpu.vector_load %arg15[%get3A_754, %get3A_755] {strides = array<i32>} : memref<80x128xf32, #tpu.memory_space<vmem>>, vector<16xf32>,
        %mul3A_757 = vector.broadcast %squeeze3A_737 : f32 to vector<16xf32>
        %mul3A_758 = arith.mulf %get3A_756, %mul3A_757 : vector<16xf32>
        %swap3A_759 = arith.index_cast %add3A_735 : i32 to index
        %swap3A_760 = arith.constant 32 : index
        %swap3A_761 = tpu.vector_load %arg15[%swap3A_759, %swap3A_760] {strides = array<i32>} : memref<80x128xf32, #tpu.memory_space<vmem>>, vector<16xf32>,
        tpu.vector_store %arg15[%swap3A_759, %swap3A_760], %mul3A_758 {strides = array<i32>} : memref<80x128xf32, #tpu.memory_space<vmem>>, vector<16xf32>,
        %get3A_762 = arith.index_cast %add3A_735 : i32 to index
        %get3A_763 = arith.constant 48 : index
        %get3A_764 = tpu.vector_load %arg15[%get3A_762, %get3A_763] {strides = array<i32>} : memref<80x128xf32, #tpu.memory_space<vmem>>, vector<16xf32>,
        %mul3A_765 = vector.broadcast %squeeze3A_737 : f32 to vector<16xf32>
        %mul3A_766 = arith.mulf %get3A_764, %mul3A_765 : vector<16xf32>
        %swap3A_767 = arith.index_cast %add3A_735 : i32 to index
        %swap3A_768 = arith.constant 48 : index
        %swap3A_769 = tpu.vector_load %arg15[%swap3A_767, %swap3A_768] {strides = array<i32>} : memref<80x128xf32, #tpu.memory_space<vmem>>, vector<16xf32>,
        tpu.vector_store %arg15[%swap3A_767, %swap3A_768], %mul3A_766 {strides = array<i32>} : memref<80x128xf32, #tpu.memory_space<vmem>>, vector<16xf32>,
        %get3A_770 = arith.index_cast %add3A_735 : i32 to index
        %get3A_771 = arith.constant 64 : index
        %get3A_772 = tpu.vector_load %arg15[%get3A_770, %get3A_771] {strides = array<i32>} : memref<80x128xf32, #tpu.memory_space<vmem>>, vector<16xf32>,
        %mul3A_773 = vector.broadcast %squeeze3A_737 : f32 to vector<16xf32>
        %mul3A_774 = arith.mulf %get3A_772, %mul3A_773 : vector<16xf32>
        %swap3A_775 = arith.index_cast %add3A_735 : i32 to index
        %swap3A_776 = arith.constant 64 : index
        %swap3A_777 = tpu.vector_load %arg15[%swap3A_775, %swap3A_776] {strides = array<i32>} : memref<80x128xf32, #tpu.memory_space<vmem>>, vector<16xf32>,
        tpu.vector_store %arg15[%swap3A_775, %swap3A_776], %mul3A_774 {strides = array<i32>} : memref<80x128xf32, #tpu.memory_space<vmem>>, vector<16xf32>,
        %get3A_778 = arith.index_cast %add3A_735 : i32 to index
        %get3A_779 = arith.constant 80 : index
        %get3A_780 = tpu.vector_load %arg15[%get3A_778, %get3A_779] {strides = array<i32>} : memref<80x128xf32, #tpu.memory_space<vmem>>, vector<16xf32>,
        %mul3A_781 = vector.broadcast %squeeze3A_737 : f32 to vector<16xf32>
        %mul3A_782 = arith.mulf %get3A_780, %mul3A_781 : vector<16xf32>
        %swap3A_783 = arith.index_cast %add3A_735 : i32 to index
        %swap3A_784 = arith.constant 80 : index
        %swap3A_785 = tpu.vector_load %arg15[%swap3A_783, %swap3A_784] {strides = array<i32>} : memref<80x128xf32, #tpu.memory_space<vmem>>, vector<16xf32>,
        tpu.vector_store %arg15[%swap3A_783, %swap3A_784], %mul3A_782 {strides = array<i32>} : memref<80x128xf32, #tpu.memory_space<vmem>>, vector<16xf32>,
        %get3A_786 = arith.index_cast %add3A_735 : i32 to index
        %get3A_787 = arith.constant 96 : index
        %get3A_788 = tpu.vector_load %arg15[%get3A_786, %get3A_787] {strides = array<i32>} : memref<80x128xf32, #tpu.memory_space<vmem>>, vector<16xf32>,
        %mul3A_789 = vector.broadcast %squeeze3A_737 : f32 to vector<16xf32>
        %mul3A_790 = arith.mulf %get3A_788, %mul3A_789 : vector<16xf32>
        %swap3A_791 = arith.index_cast %add3A_735 : i32 to index
        %swap3A_792 = arith.constant 96 : index
        %swap3A_793 = tpu.vector_load %arg15[%swap3A_791, %swap3A_792] {strides = array<i32>} : memref<80x128xf32, #tpu.memory_space<vmem>>, vector<16xf32>,
        tpu.vector_store %arg15[%swap3A_791, %swap3A_792], %mul3A_790 {strides = array<i32>} : memref<80x128xf32, #tpu.memory_space<vmem>>, vector<16xf32>,
        %get3A_794 = arith.index_cast %add3A_735 : i32 to index
        %get3A_795 = arith.constant 112 : index
        %get3A_796 = tpu.vector_load %arg15[%get3A_794, %get3A_795] {strides = array<i32>} : memref<80x128xf32, #tpu.memory_space<vmem>>, vector<16xf32>,
        %mul3A_797 = vector.broadcast %squeeze3A_737 : f32 to vector<16xf32>
        %mul3A_798 = arith.mulf %get3A_796, %mul3A_797 : vector<16xf32>
        %swap3A_799 = arith.index_cast %add3A_735 : i32 to index
        %swap3A_800 = arith.constant 112 : index
        %swap3A_801 = tpu.vector_load %arg15[%swap3A_799, %swap3A_800] {strides = array<i32>} : memref<80x128xf32, #tpu.memory_space<vmem>>, vector<16xf32>,
        tpu.vector_store %arg15[%swap3A_799, %swap3A_800], %mul3A_798 {strides = array<i32>} : memref<80x128xf32, #tpu.memory_space<vmem>>, vector<16xf32>,
        %mul3A_802 = arith.constant 16 : i32
        %mul3A_803 = arith.muli %scan3A_308, %mul3A_802 : i32
        %add3A_804 = arith.constant 7 : i32
        %add3A_805 = arith.addi %mul3A_803, %add3A_804 : i32
        %slice3A_806 = vector.extract_strided_slice %get3A_313 {offsets = [7], sizes = [1], strides = [1]} : vector<16xf32> to vector<1xf32>
        %squeeze3A_807 = vector.extract %slice3A_806[0] : f32 from vector<1xf32>
        %get3A_808 = arith.index_cast %add3A_805 : i32 to index
        %get3A_809 = arith.constant 0 : index
        %get3A_810 = tpu.vector_load %arg15[%get3A_808, %get3A_809] {strides = array<i32>} : memref<80x128xf32, #tpu.memory_space<vmem>>, vector<16xf32>,
        %mul3A_811 = vector.broadcast %squeeze3A_807 : f32 to vector<16xf32>
        %mul3A_812 = arith.mulf %get3A_810, %mul3A_811 : vector<16xf32>
        %swap3A_813 = arith.index_cast %add3A_805 : i32 to index
        %swap3A_814 = arith.constant 0 : index
        %swap3A_815 = tpu.vector_load %arg15[%swap3A_813, %swap3A_814] {strides = array<i32>} : memref<80x128xf32, #tpu.memory_space<vmem>>, vector<16xf32>,
        tpu.vector_store %arg15[%swap3A_813, %swap3A_814], %mul3A_812 {strides = array<i32>} : memref<80x128xf32, #tpu.memory_space<vmem>>, vector<16xf32>,
        %get3A_816 = arith.index_cast %add3A_805 : i32 to index
        %get3A_817 = arith.constant 16 : index
        %get3A_818 = tpu.vector_load %arg15[%get3A_816, %get3A_817] {strides = array<i32>} : memref<80x128xf32, #tpu.memory_space<vmem>>, vector<16xf32>,
        %mul3A_819 = vector.broadcast %squeeze3A_807 : f32 to vector<16xf32>
        %mul3A_820 = arith.mulf %get3A_818, %mul3A_819 : vector<16xf32>
        %swap3A_821 = arith.index_cast %add3A_805 : i32 to index
        %swap3A_822 = arith.constant 16 : index
        %swap3A_823 = tpu.vector_load %arg15[%swap3A_821, %swap3A_822] {strides = array<i32>} : memref<80x128xf32, #tpu.memory_space<vmem>>, vector<16xf32>,
        tpu.vector_store %arg15[%swap3A_821, %swap3A_822], %mul3A_820 {strides = array<i32>} : memref<80x128xf32, #tpu.memory_space<vmem>>, vector<16xf32>,
        %get3A_824 = arith.index_cast %add3A_805 : i32 to index
        %get3A_825 = arith.constant 32 : index
        %get3A_826 = tpu.vector_load %arg15[%get3A_824, %get3A_825] {strides = array<i32>} : memref<80x128xf32, #tpu.memory_space<vmem>>, vector<16xf32>,
        %mul3A_827 = vector.broadcast %squeeze3A_807 : f32 to vector<16xf32>
        %mul3A_828 = arith.mulf %get3A_826, %mul3A_827 : vector<16xf32>
        %swap3A_829 = arith.index_cast %add3A_805 : i32 to index
        %swap3A_830 = arith.constant 32 : index
        %swap3A_831 = tpu.vector_load %arg15[%swap3A_829, %swap3A_830] {strides = array<i32>} : memref<80x128xf32, #tpu.memory_space<vmem>>, vector<16xf32>,
        tpu.vector_store %arg15[%swap3A_829, %swap3A_830], %mul3A_828 {strides = array<i32>} : memref<80x128xf32, #tpu.memory_space<vmem>>, vector<16xf32>,
        %get3A_832 = arith.index_cast %add3A_805 : i32 to index
        %get3A_833 = arith.constant 48 : index
        %get3A_834 = tpu.vector_load %arg15[%get3A_832, %get3A_833] {strides = array<i32>} : memref<80x128xf32, #tpu.memory_space<vmem>>, vector<16xf32>,
        %mul3A_835 = vector.broadcast %squeeze3A_807 : f32 to vector<16xf32>
        %mul3A_836 = arith.mulf %get3A_834, %mul3A_835 : vector<16xf32>
        %swap3A_837 = arith.index_cast %add3A_805 : i32 to index
        %swap3A_838 = arith.constant 48 : index
        %swap3A_839 = tpu.vector_load %arg15[%swap3A_837, %swap3A_838] {strides = array<i32>} : memref<80x128xf32, #tpu.memory_space<vmem>>, vector<16xf32>,
        tpu.vector_store %arg15[%swap3A_837, %swap3A_838], %mul3A_836 {strides = array<i32>} : memref<80x128xf32, #tpu.memory_space<vmem>>, vector<16xf32>,
        %get3A_840 = arith.index_cast %add3A_805 : i32 to index
        %get3A_841 = arith.constant 64 : index
        %get3A_842 = tpu.vector_load %arg15[%get3A_840, %get3A_841] {strides = array<i32>} : memref<80x128xf32, #tpu.memory_space<vmem>>, vector<16xf32>,
        %mul3A_843 = vector.broadcast %squeeze3A_807 : f32 to vector<16xf32>
        %mul3A_844 = arith.mulf %get3A_842, %mul3A_843 : vector<16xf32>
        %swap3A_845 = arith.index_cast %add3A_805 : i32 to index
        %swap3A_846 = arith.constant 64 : index
        %swap3A_847 = tpu.vector_load %arg15[%swap3A_845, %swap3A_846] {strides = array<i32>} : memref<80x128xf32, #tpu.memory_space<vmem>>, vector<16xf32>,
        tpu.vector_store %arg15[%swap3A_845, %swap3A_846], %mul3A_844 {strides = array<i32>} : memref<80x128xf32, #tpu.memory_space<vmem>>, vector<16xf32>,
        %get3A_848 = arith.index_cast %add3A_805 : i32 to index
        %get3A_849 = arith.constant 80 : index
        %get3A_850 = tpu.vector_load %arg15[%get3A_848, %get3A_849] {strides = array<i32>} : memref<80x128xf32, #tpu.memory_space<vmem>>, vector<16xf32>,
        %mul3A_851 = vector.broadcast %squeeze3A_807 : f32 to vector<16xf32>
        %mul3A_852 = arith.mulf %get3A_850, %mul3A_851 : vector<16xf32>
        %swap3A_853 = arith.index_cast %add3A_805 : i32 to index
        %swap3A_854 = arith.constant 80 : index
        %swap3A_855 = tpu.vector_load %arg15[%swap3A_853, %swap3A_854] {strides = array<i32>} : memref<80x128xf32, #tpu.memory_space<vmem>>, vector<16xf32>,
        tpu.vector_store %arg15[%swap3A_853, %swap3A_854], %mul3A_852 {strides = array<i32>} : memref<80x128xf32, #tpu.memory_space<vmem>>, vector<16xf32>,
        %get3A_856 = arith.index_cast %add3A_805 : i32 to index
        %get3A_857 = arith.constant 96 : index
        %get3A_858 = tpu.vector_load %arg15[%get3A_856, %get3A_857] {strides = array<i32>} : memref<80x128xf32, #tpu.memory_space<vmem>>, vector<16xf32>,
        %mul3A_859 = vector.broadcast %squeeze3A_807 : f32 to vector<16xf32>
        %mul3A_860 = arith.mulf %get3A_858, %mul3A_859 : vector<16xf32>
        %swap3A_861 = arith.index_cast %add3A_805 : i32 to index
        %swap3A_862 = arith.constant 96 : index
        %swap3A_863 = tpu.vector_load %arg15[%swap3A_861, %swap3A_862] {strides = array<i32>} : memref<80x128xf32, #tpu.memory_space<vmem>>, vector<16xf32>,
        tpu.vector_store %arg15[%swap3A_861, %swap3A_862], %mul3A_860 {strides = array<i32>} : memref<80x128xf32, #tpu.memory_space<vmem>>, vector<16xf32>,
        %get3A_864 = arith.index_cast %add3A_805 : i32 to index
        %get3A_865 = arith.constant 112 : index
        %get3A_866 = tpu.vector_load %arg15[%get3A_864, %get3A_865] {strides = array<i32>} : memref<80x128xf32, #tpu.memory_space<vmem>>, vector<16xf32>,
        %mul3A_867 = vector.broadcast %squeeze3A_807 : f32 to vector<16xf32>
        %mul3A_868 = arith.mulf %get3A_866, %mul3A_867 : vector<16xf32>
        %swap3A_869 = arith.index_cast %add3A_805 : i32 to index
        %swap3A_870 = arith.constant 112 : index
        %swap3A_871 = tpu.vector_load %arg15[%swap3A_869, %swap3A_870] {strides = array<i32>} : memref<80x128xf32, #tpu.memory_space<vmem>>, vector<16xf32>,
        tpu.vector_store %arg15[%swap3A_869, %swap3A_870], %mul3A_868 {strides = array<i32>} : memref<80x128xf32, #tpu.memory_space<vmem>>, vector<16xf32>,
        %mul3A_872 = arith.constant 16 : i32
        %mul3A_873 = arith.muli %scan3A_308, %mul3A_872 : i32
        %add3A_874 = arith.constant 8 : i32
        %add3A_875 = arith.addi %mul3A_873, %add3A_874 : i32
        %slice3A_876 = vector.extract_strided_slice %get3A_313 {offsets = [8], sizes = [1], strides = [1]} : vector<16xf32> to vector<1xf32>
        %squeeze3A_877 = vector.extract %slice3A_876[0] : f32 from vector<1xf32>
        %get3A_878 = arith.index_cast %add3A_875 : i32 to index
        %get3A_879 = arith.constant 0 : index
        %get3A_880 = tpu.vector_load %arg15[%get3A_878, %get3A_879] {strides = array<i32>} : memref<80x128xf32, #tpu.memory_space<vmem>>, vector<16xf32>,
        %mul3A_881 = vector.broadcast %squeeze3A_877 : f32 to vector<16xf32>
        %mul3A_882 = arith.mulf %get3A_880, %mul3A_881 : vector<16xf32>
        %swap3A_883 = arith.index_cast %add3A_875 : i32 to index
        %swap3A_884 = arith.constant 0 : index
        %swap3A_885 = tpu.vector_load %arg15[%swap3A_883, %swap3A_884] {strides = array<i32>} : memref<80x128xf32, #tpu.memory_space<vmem>>, vector<16xf32>,
        tpu.vector_store %arg15[%swap3A_883, %swap3A_884], %mul3A_882 {strides = array<i32>} : memref<80x128xf32, #tpu.memory_space<vmem>>, vector<16xf32>,
        %get3A_886 = arith.index_cast %add3A_875 : i32 to index
        %get3A_887 = arith.constant 16 : index
        %get3A_888 = tpu.vector_load %arg15[%get3A_886, %get3A_887] {strides = array<i32>} : memref<80x128xf32, #tpu.memory_space<vmem>>, vector<16xf32>,
        %mul3A_889 = vector.broadcast %squeeze3A_877 : f32 to vector<16xf32>
        %mul3A_890 = arith.mulf %get3A_888, %mul3A_889 : vector<16xf32>
        %swap3A_891 = arith.index_cast %add3A_875 : i32 to index
        %swap3A_892 = arith.constant 16 : index
        %swap3A_893 = tpu.vector_load %arg15[%swap3A_891, %swap3A_892] {strides = array<i32>} : memref<80x128xf32, #tpu.memory_space<vmem>>, vector<16xf32>,
        tpu.vector_store %arg15[%swap3A_891, %swap3A_892], %mul3A_890 {strides = array<i32>} : memref<80x128xf32, #tpu.memory_space<vmem>>, vector<16xf32>,
        %get3A_894 = arith.index_cast %add3A_875 : i32 to index
        %get3A_895 = arith.constant 32 : index
        %get3A_896 = tpu.vector_load %arg15[%get3A_894, %get3A_895] {strides = array<i32>} : memref<80x128xf32, #tpu.memory_space<vmem>>, vector<16xf32>,
        %mul3A_897 = vector.broadcast %squeeze3A_877 : f32 to vector<16xf32>
        %mul3A_898 = arith.mulf %get3A_896, %mul3A_897 : vector<16xf32>
        %swap3A_899 = arith.index_cast %add3A_875 : i32 to index
        %swap3A_900 = arith.constant 32 : index
        %swap3A_901 = tpu.vector_load %arg15[%swap3A_899, %swap3A_900] {strides = array<i32>} : memref<80x128xf32, #tpu.memory_space<vmem>>, vector<16xf32>,
        tpu.vector_store %arg15[%swap3A_899, %swap3A_900], %mul3A_898 {strides = array<i32>} : memref<80x128xf32, #tpu.memory_space<vmem>>, vector<16xf32>,
        %get3A_902 = arith.index_cast %add3A_875 : i32 to index
        %get3A_903 = arith.constant 48 : index
        %get3A_904 = tpu.vector_load %arg15[%get3A_902, %get3A_903] {strides = array<i32>} : memref<80x128xf32, #tpu.memory_space<vmem>>, vector<16xf32>,
        %mul3A_905 = vector.broadcast %squeeze3A_877 : f32 to vector<16xf32>
        %mul3A_906 = arith.mulf %get3A_904, %mul3A_905 : vector<16xf32>
        %swap3A_907 = arith.index_cast %add3A_875 : i32 to index
        %swap3A_908 = arith.constant 48 : index
        %swap3A_909 = tpu.vector_load %arg15[%swap3A_907, %swap3A_908] {strides = array<i32>} : memref<80x128xf32, #tpu.memory_space<vmem>>, vector<16xf32>,
        tpu.vector_store %arg15[%swap3A_907, %swap3A_908], %mul3A_906 {strides = array<i32>} : memref<80x128xf32, #tpu.memory_space<vmem>>, vector<16xf32>,
        %get3A_910 = arith.index_cast %add3A_875 : i32 to index
        %get3A_911 = arith.constant 64 : index
        %get3A_912 = tpu.vector_load %arg15[%get3A_910, %get3A_911] {strides = array<i32>} : memref<80x128xf32, #tpu.memory_space<vmem>>, vector<16xf32>,
        %mul3A_913 = vector.broadcast %squeeze3A_877 : f32 to vector<16xf32>
        %mul3A_914 = arith.mulf %get3A_912, %mul3A_913 : vector<16xf32>
        %swap3A_915 = arith.index_cast %add3A_875 : i32 to index
        %swap3A_916 = arith.constant 64 : index
        %swap3A_917 = tpu.vector_load %arg15[%swap3A_915, %swap3A_916] {strides = array<i32>} : memref<80x128xf32, #tpu.memory_space<vmem>>, vector<16xf32>,
        tpu.vector_store %arg15[%swap3A_915, %swap3A_916], %mul3A_914 {strides = array<i32>} : memref<80x128xf32, #tpu.memory_space<vmem>>, vector<16xf32>,
        %get3A_918 = arith.index_cast %add3A_875 : i32 to index
        %get3A_919 = arith.constant 80 : index
        %get3A_920 = tpu.vector_load %arg15[%get3A_918, %get3A_919] {strides = array<i32>} : memref<80x128xf32, #tpu.memory_space<vmem>>, vector<16xf32>,
        %mul3A_921 = vector.broadcast %squeeze3A_877 : f32 to vector<16xf32>
        %mul3A_922 = arith.mulf %get3A_920, %mul3A_921 : vector<16xf32>
        %swap3A_923 = arith.index_cast %add3A_875 : i32 to index
        %swap3A_924 = arith.constant 80 : index
        %swap3A_925 = tpu.vector_load %arg15[%swap3A_923, %swap3A_924] {strides = array<i32>} : memref<80x128xf32, #tpu.memory_space<vmem>>, vector<16xf32>,
        tpu.vector_store %arg15[%swap3A_923, %swap3A_924], %mul3A_922 {strides = array<i32>} : memref<80x128xf32, #tpu.memory_space<vmem>>, vector<16xf32>,
        %get3A_926 = arith.index_cast %add3A_875 : i32 to index
        %get3A_927 = arith.constant 96 : index
        %get3A_928 = tpu.vector_load %arg15[%get3A_926, %get3A_927] {strides = array<i32>} : memref<80x128xf32, #tpu.memory_space<vmem>>, vector<16xf32>,
        %mul3A_929 = vector.broadcast %squeeze3A_877 : f32 to vector<16xf32>
        %mul3A_930 = arith.mulf %get3A_928, %mul3A_929 : vector<16xf32>
        %swap3A_931 = arith.index_cast %add3A_875 : i32 to index
        %swap3A_932 = arith.constant 96 : index
        %swap3A_933 = tpu.vector_load %arg15[%swap3A_931, %swap3A_932] {strides = array<i32>} : memref<80x128xf32, #tpu.memory_space<vmem>>, vector<16xf32>,
        tpu.vector_store %arg15[%swap3A_931, %swap3A_932], %mul3A_930 {strides = array<i32>} : memref<80x128xf32, #tpu.memory_space<vmem>>, vector<16xf32>,
        %get3A_934 = arith.index_cast %add3A_875 : i32 to index
        %get3A_935 = arith.constant 112 : index
        %get3A_936 = tpu.vector_load %arg15[%get3A_934, %get3A_935] {strides = array<i32>} : memref<80x128xf32, #tpu.memory_space<vmem>>, vector<16xf32>,
        %mul3A_937 = vector.broadcast %squeeze3A_877 : f32 to vector<16xf32>
        %mul3A_938 = arith.mulf %get3A_936, %mul3A_937 : vector<16xf32>
        %swap3A_939 = arith.index_cast %add3A_875 : i32 to index
        %swap3A_940 = arith.constant 112 : index
        %swap3A_941 = tpu.vector_load %arg15[%swap3A_939, %swap3A_940] {strides = array<i32>} : memref<80x128xf32, #tpu.memory_space<vmem>>, vector<16xf32>,
        tpu.vector_store %arg15[%swap3A_939, %swap3A_940], %mul3A_938 {strides = array<i32>} : memref<80x128xf32, #tpu.memory_space<vmem>>, vector<16xf32>,
        %mul3A_942 = arith.constant 16 : i32
        %mul3A_943 = arith.muli %scan3A_308, %mul3A_942 : i32
        %add3A_944 = arith.constant 9 : i32
        %add3A_945 = arith.addi %mul3A_943, %add3A_944 : i32
        %slice3A_946 = vector.extract_strided_slice %get3A_313 {offsets = [9], sizes = [1], strides = [1]} : vector<16xf32> to vector<1xf32>
        %squeeze3A_947 = vector.extract %slice3A_946[0] : f32 from vector<1xf32>
        %get3A_948 = arith.index_cast %add3A_945 : i32 to index
        %get3A_949 = arith.constant 0 : index
        %get3A_950 = tpu.vector_load %arg15[%get3A_948, %get3A_949] {strides = array<i32>} : memref<80x128xf32, #tpu.memory_space<vmem>>, vector<16xf32>,
        %mul3A_951 = vector.broadcast %squeeze3A_947 : f32 to vector<16xf32>
        %mul3A_952 = arith.mulf %get3A_950, %mul3A_951 : vector<16xf32>
        %swap3A_953 = arith.index_cast %add3A_945 : i32 to index
        %swap3A_954 = arith.constant 0 : index
        %swap3A_955 = tpu.vector_load %arg15[%swap3A_953, %swap3A_954] {strides = array<i32>} : memref<80x128xf32, #tpu.memory_space<vmem>>, vector<16xf32>,
        tpu.vector_store %arg15[%swap3A_953, %swap3A_954], %mul3A_952 {strides = array<i32>} : memref<80x128xf32, #tpu.memory_space<vmem>>, vector<16xf32>,
        %get3A_956 = arith.index_cast %add3A_945 : i32 to index
        %get3A_957 = arith.constant 16 : index
        %get3A_958 = tpu.vector_load %arg15[%get3A_956, %get3A_957] {strides = array<i32>} : memref<80x128xf32, #tpu.memory_space<vmem>>, vector<16xf32>,
        %mul3A_959 = vector.broadcast %squeeze3A_947 : f32 to vector<16xf32>
        %mul3A_960 = arith.mulf %get3A_958, %mul3A_959 : vector<16xf32>
        %swap3A_961 = arith.index_cast %add3A_945 : i32 to index
        %swap3A_962 = arith.constant 16 : index
        %swap3A_963 = tpu.vector_load %arg15[%swap3A_961, %swap3A_962] {strides = array<i32>} : memref<80x128xf32, #tpu.memory_space<vmem>>, vector<16xf32>,
        tpu.vector_store %arg15[%swap3A_961, %swap3A_962], %mul3A_960 {strides = array<i32>} : memref<80x128xf32, #tpu.memory_space<vmem>>, vector<16xf32>,
        %get3A_964 = arith.index_cast %add3A_945 : i32 to index
        %get3A_965 = arith.constant 32 : index
        %get3A_966 = tpu.vector_load %arg15[%get3A_964, %get3A_965] {strides = array<i32>} : memref<80x128xf32, #tpu.memory_space<vmem>>, vector<16xf32>,
        %mul3A_967 = vector.broadcast %squeeze3A_947 : f32 to vector<16xf32>
        %mul3A_968 = arith.mulf %get3A_966, %mul3A_967 : vector<16xf32>
        %swap3A_969 = arith.index_cast %add3A_945 : i32 to index
        %swap3A_970 = arith.constant 32 : index
        %swap3A_971 = tpu.vector_load %arg15[%swap3A_969, %swap3A_970] {strides = array<i32>} : memref<80x128xf32, #tpu.memory_space<vmem>>, vector<16xf32>,
        tpu.vector_store %arg15[%swap3A_969, %swap3A_970], %mul3A_968 {strides = array<i32>} : memref<80x128xf32, #tpu.memory_space<vmem>>, vector<16xf32>,
        %get3A_972 = arith.index_cast %add3A_945 : i32 to index
        %get3A_973 = arith.constant 48 : index
        %get3A_974 = tpu.vector_load %arg15[%get3A_972, %get3A_973] {strides = array<i32>} : memref<80x128xf32, #tpu.memory_space<vmem>>, vector<16xf32>,
        %mul3A_975 = vector.broadcast %squeeze3A_947 : f32 to vector<16xf32>
        %mul3A_976 = arith.mulf %get3A_974, %mul3A_975 : vector<16xf32>
        %swap3A_977 = arith.index_cast %add3A_945 : i32 to index
        %swap3A_978 = arith.constant 48 : index
        %swap3A_979 = tpu.vector_load %arg15[%swap3A_977, %swap3A_978] {strides = array<i32>} : memref<80x128xf32, #tpu.memory_space<vmem>>, vector<16xf32>,
        tpu.vector_store %arg15[%swap3A_977, %swap3A_978], %mul3A_976 {strides = array<i32>} : memref<80x128xf32, #tpu.memory_space<vmem>>, vector<16xf32>,
        %get3A_980 = arith.index_cast %add3A_945 : i32 to index
        %get3A_981 = arith.constant 64 : index
        %get3A_982 = tpu.vector_load %arg15[%get3A_980, %get3A_981] {strides = array<i32>} : memref<80x128xf32, #tpu.memory_space<vmem>>, vector<16xf32>,
        %mul3A_983 = vector.broadcast %squeeze3A_947 : f32 to vector<16xf32>
        %mul3A_984 = arith.mulf %get3A_982, %mul3A_983 : vector<16xf32>
        %swap3A_985 = arith.index_cast %add3A_945 : i32 to index
        %swap3A_986 = arith.constant 64 : index
        %swap3A_987 = tpu.vector_load %arg15[%swap3A_985, %swap3A_986] {strides = array<i32>} : memref<80x128xf32, #tpu.memory_space<vmem>>, vector<16xf32>,
        tpu.vector_store %arg15[%swap3A_985, %swap3A_986], %mul3A_984 {strides = array<i32>} : memref<80x128xf32, #tpu.memory_space<vmem>>, vector<16xf32>,
        %get3A_988 = arith.index_cast %add3A_945 : i32 to index
        %get3A_989 = arith.constant 80 : index
        %get3A_990 = tpu.vector_load %arg15[%get3A_988, %get3A_989] {strides = array<i32>} : memref<80x128xf32, #tpu.memory_space<vmem>>, vector<16xf32>,
        %mul3A_991 = vector.broadcast %squeeze3A_947 : f32 to vector<16xf32>
        %mul3A_992 = arith.mulf %get3A_990, %mul3A_991 : vector<16xf32>
        %swap3A_993 = arith.index_cast %add3A_945 : i32 to index
        %swap3A_994 = arith.constant 80 : index
        %swap3A_995 = tpu.vector_load %arg15[%swap3A_993, %swap3A_994] {strides = array<i32>} : memref<80x128xf32, #tpu.memory_space<vmem>>, vector<16xf32>,
        tpu.vector_store %arg15[%swap3A_993, %swap3A_994], %mul3A_992 {strides = array<i32>} : memref<80x128xf32, #tpu.memory_space<vmem>>, vector<16xf32>,
        %get3A_996 = arith.index_cast %add3A_945 : i32 to index
        %get3A_997 = arith.constant 96 : index
        %get3A_998 = tpu.vector_load %arg15[%get3A_996, %get3A_997] {strides = array<i32>} : memref<80x128xf32, #tpu.memory_space<vmem>>, vector<16xf32>,
        %mul3A_999 = vector.broadcast %squeeze3A_947 : f32 to vector<16xf32>
        %mul3A_1000 = arith.mulf %get3A_998, %mul3A_999 : vector<16xf32>
        %swap3A_1001 = arith.index_cast %add3A_945 : i32 to index
        %swap3A_1002 = arith.constant 96 : index
        %swap3A_1003 = tpu.vector_load %arg15[%swap3A_1001, %swap3A_1002] {strides = array<i32>} : memref<80x128xf32, #tpu.memory_space<vmem>>, vector<16xf32>,
        tpu.vector_store %arg15[%swap3A_1001, %swap3A_1002], %mul3A_1000 {strides = array<i32>} : memref<80x128xf32, #tpu.memory_space<vmem>>, vector<16xf32>,
        %get3A_1004 = arith.index_cast %add3A_945 : i32 to index
        %get3A_1005 = arith.constant 112 : index
        %get3A_1006 = tpu.vector_load %arg15[%get3A_1004, %get3A_1005] {strides = array<i32>} : memref<80x128xf32, #tpu.memory_space<vmem>>, vector<16xf32>,
        %mul3A_1007 = vector.broadcast %squeeze3A_947 : f32 to vector<16xf32>
        %mul3A_1008 = arith.mulf %get3A_1006, %mul3A_1007 : vector<16xf32>
        %swap3A_1009 = arith.index_cast %add3A_945 : i32 to index
        %swap3A_1010 = arith.constant 112 : index
        %swap3A_1011 = tpu.vector_load %arg15[%swap3A_1009, %swap3A_1010] {strides = array<i32>} : memref<80x128xf32, #tpu.memory_space<vmem>>, vector<16xf32>,
        tpu.vector_store %arg15[%swap3A_1009, %swap3A_1010], %mul3A_1008 {strides = array<i32>} : memref<80x128xf32, #tpu.memory_space<vmem>>, vector<16xf32>,
        %mul3A_1012 = arith.constant 16 : i32
        %mul3A_1013 = arith.muli %scan3A_308, %mul3A_1012 : i32
        %add3A_1014 = arith.constant 10 : i32
        %add3A_1015 = arith.addi %mul3A_1013, %add3A_1014 : i32
        %slice3A_1016 = vector.extract_strided_slice %get3A_313 {offsets = [10], sizes = [1], strides = [1]} : vector<16xf32> to vector<1xf32>
        %squeeze3A_1017 = vector.extract %slice3A_1016[0] : f32 from vector<1xf32>
        %get3A_1018 = arith.index_cast %add3A_1015 : i32 to index
        %get3A_1019 = arith.constant 0 : index
        %get3A_1020 = tpu.vector_load %arg15[%get3A_1018, %get3A_1019] {strides = array<i32>} : memref<80x128xf32, #tpu.memory_space<vmem>>, vector<16xf32>,
        %mul3A_1021 = vector.broadcast %squeeze3A_1017 : f32 to vector<16xf32>
        %mul3A_1022 = arith.mulf %get3A_1020, %mul3A_1021 : vector<16xf32>
        %swap3A_1023 = arith.index_cast %add3A_1015 : i32 to index
        %swap3A_1024 = arith.constant 0 : index
        %swap3A_1025 = tpu.vector_load %arg15[%swap3A_1023, %swap3A_1024] {strides = array<i32>} : memref<80x128xf32, #tpu.memory_space<vmem>>, vector<16xf32>,
        tpu.vector_store %arg15[%swap3A_1023, %swap3A_1024], %mul3A_1022 {strides = array<i32>} : memref<80x128xf32, #tpu.memory_space<vmem>>, vector<16xf32>,
        %get3A_1026 = arith.index_cast %add3A_1015 : i32 to index
        %get3A_1027 = arith.constant 16 : index
        %get3A_1028 = tpu.vector_load %arg15[%get3A_1026, %get3A_1027] {strides = array<i32>} : memref<80x128xf32, #tpu.memory_space<vmem>>, vector<16xf32>,
        %mul3A_1029 = vector.broadcast %squeeze3A_1017 : f32 to vector<16xf32>
        %mul3A_1030 = arith.mulf %get3A_1028, %mul3A_1029 : vector<16xf32>
        %swap3A_1031 = arith.index_cast %add3A_1015 : i32 to index
        %swap3A_1032 = arith.constant 16 : index
        %swap3A_1033 = tpu.vector_load %arg15[%swap3A_1031, %swap3A_1032] {strides = array<i32>} : memref<80x128xf32, #tpu.memory_space<vmem>>, vector<16xf32>,
        tpu.vector_store %arg15[%swap3A_1031, %swap3A_1032], %mul3A_1030 {strides = array<i32>} : memref<80x128xf32, #tpu.memory_space<vmem>>, vector<16xf32>,
        %get3A_1034 = arith.index_cast %add3A_1015 : i32 to index
        %get3A_1035 = arith.constant 32 : index
        %get3A_1036 = tpu.vector_load %arg15[%get3A_1034, %get3A_1035] {strides = array<i32>} : memref<80x128xf32, #tpu.memory_space<vmem>>, vector<16xf32>,
        %mul3A_1037 = vector.broadcast %squeeze3A_1017 : f32 to vector<16xf32>
        %mul3A_1038 = arith.mulf %get3A_1036, %mul3A_1037 : vector<16xf32>
        %swap3A_1039 = arith.index_cast %add3A_1015 : i32 to index
        %swap3A_1040 = arith.constant 32 : index
        %swap3A_1041 = tpu.vector_load %arg15[%swap3A_1039, %swap3A_1040] {strides = array<i32>} : memref<80x128xf32, #tpu.memory_space<vmem>>, vector<16xf32>,
        tpu.vector_store %arg15[%swap3A_1039, %swap3A_1040], %mul3A_1038 {strides = array<i32>} : memref<80x128xf32, #tpu.memory_space<vmem>>, vector<16xf32>,
        %get3A_1042 = arith.index_cast %add3A_1015 : i32 to index
        %get3A_1043 = arith.constant 48 : index
        %get3A_1044 = tpu.vector_load %arg15[%get3A_1042, %get3A_1043] {strides = array<i32>} : memref<80x128xf32, #tpu.memory_space<vmem>>, vector<16xf32>,
        %mul3A_1045 = vector.broadcast %squeeze3A_1017 : f32 to vector<16xf32>
        %mul3A_1046 = arith.mulf %get3A_1044, %mul3A_1045 : vector<16xf32>
        %swap3A_1047 = arith.index_cast %add3A_1015 : i32 to index
        %swap3A_1048 = arith.constant 48 : index
        %swap3A_1049 = tpu.vector_load %arg15[%swap3A_1047, %swap3A_1048] {strides = array<i32>} : memref<80x128xf32, #tpu.memory_space<vmem>>, vector<16xf32>,
        tpu.vector_store %arg15[%swap3A_1047, %swap3A_1048], %mul3A_1046 {strides = array<i32>} : memref<80x128xf32, #tpu.memory_space<vmem>>, vector<16xf32>,
        %get3A_1050 = arith.index_cast %add3A_1015 : i32 to index
        %get3A_1051 = arith.constant 64 : index
        %get3A_1052 = tpu.vector_load %arg15[%get3A_1050, %get3A_1051] {strides = array<i32>} : memref<80x128xf32, #tpu.memory_space<vmem>>, vector<16xf32>,
        %mul3A_1053 = vector.broadcast %squeeze3A_1017 : f32 to vector<16xf32>
        %mul3A_1054 = arith.mulf %get3A_1052, %mul3A_1053 : vector<16xf32>
        %swap3A_1055 = arith.index_cast %add3A_1015 : i32 to index
        %swap3A_1056 = arith.constant 64 : index
        %swap3A_1057 = tpu.vector_load %arg15[%swap3A_1055, %swap3A_1056] {strides = array<i32>} : memref<80x128xf32, #tpu.memory_space<vmem>>, vector<16xf32>,
        tpu.vector_store %arg15[%swap3A_1055, %swap3A_1056], %mul3A_1054 {strides = array<i32>} : memref<80x128xf32, #tpu.memory_space<vmem>>, vector<16xf32>,
        %get3A_1058 = arith.index_cast %add3A_1015 : i32 to index
        %get3A_1059 = arith.constant 80 : index
        %get3A_1060 = tpu.vector_load %arg15[%get3A_1058, %get3A_1059] {strides = array<i32>} : memref<80x128xf32, #tpu.memory_space<vmem>>, vector<16xf32>,
        %mul3A_1061 = vector.broadcast %squeeze3A_1017 : f32 to vector<16xf32>
        %mul3A_1062 = arith.mulf %get3A_1060, %mul3A_1061 : vector<16xf32>
        %swap3A_1063 = arith.index_cast %add3A_1015 : i32 to index
        %swap3A_1064 = arith.constant 80 : index
        %swap3A_1065 = tpu.vector_load %arg15[%swap3A_1063, %swap3A_1064] {strides = array<i32>} : memref<80x128xf32, #tpu.memory_space<vmem>>, vector<16xf32>,
        tpu.vector_store %arg15[%swap3A_1063, %swap3A_1064], %mul3A_1062 {strides = array<i32>} : memref<80x128xf32, #tpu.memory_space<vmem>>, vector<16xf32>,
        %get3A_1066 = arith.index_cast %add3A_1015 : i32 to index
        %get3A_1067 = arith.constant 96 : index
        %get3A_1068 = tpu.vector_load %arg15[%get3A_1066, %get3A_1067] {strides = array<i32>} : memref<80x128xf32, #tpu.memory_space<vmem>>, vector<16xf32>,
        %mul3A_1069 = vector.broadcast %squeeze3A_1017 : f32 to vector<16xf32>
        %mul3A_1070 = arith.mulf %get3A_1068, %mul3A_1069 : vector<16xf32>
        %swap3A_1071 = arith.index_cast %add3A_1015 : i32 to index
        %swap3A_1072 = arith.constant 96 : index
        %swap3A_1073 = tpu.vector_load %arg15[%swap3A_1071, %swap3A_1072] {strides = array<i32>} : memref<80x128xf32, #tpu.memory_space<vmem>>, vector<16xf32>,
        tpu.vector_store %arg15[%swap3A_1071, %swap3A_1072], %mul3A_1070 {strides = array<i32>} : memref<80x128xf32, #tpu.memory_space<vmem>>, vector<16xf32>,
        %get3A_1074 = arith.index_cast %add3A_1015 : i32 to index
        %get3A_1075 = arith.constant 112 : index
        %get3A_1076 = tpu.vector_load %arg15[%get3A_1074, %get3A_1075] {strides = array<i32>} : memref<80x128xf32, #tpu.memory_space<vmem>>, vector<16xf32>,
        %mul3A_1077 = vector.broadcast %squeeze3A_1017 : f32 to vector<16xf32>
        %mul3A_1078 = arith.mulf %get3A_1076, %mul3A_1077 : vector<16xf32>
        %swap3A_1079 = arith.index_cast %add3A_1015 : i32 to index
        %swap3A_1080 = arith.constant 112 : index
        %swap3A_1081 = tpu.vector_load %arg15[%swap3A_1079, %swap3A_1080] {strides = array<i32>} : memref<80x128xf32, #tpu.memory_space<vmem>>, vector<16xf32>,
        tpu.vector_store %arg15[%swap3A_1079, %swap3A_1080], %mul3A_1078 {strides = array<i32>} : memref<80x128xf32, #tpu.memory_space<vmem>>, vector<16xf32>,
        %mul3A_1082 = arith.constant 16 : i32
        %mul3A_1083 = arith.muli %scan3A_308, %mul3A_1082 : i32
        %add3A_1084 = arith.constant 11 : i32
        %add3A_1085 = arith.addi %mul3A_1083, %add3A_1084 : i32
        %slice3A_1086 = vector.extract_strided_slice %get3A_313 {offsets = [11], sizes = [1], strides = [1]} : vector<16xf32> to vector<1xf32>
        %squeeze3A_1087 = vector.extract %slice3A_1086[0] : f32 from vector<1xf32>
        %get3A_1088 = arith.index_cast %add3A_1085 : i32 to index
        %get3A_1089 = arith.constant 0 : index
        %get3A_1090 = tpu.vector_load %arg15[%get3A_1088, %get3A_1089] {strides = array<i32>} : memref<80x128xf32, #tpu.memory_space<vmem>>, vector<16xf32>,
        %mul3A_1091 = vector.broadcast %squeeze3A_1087 : f32 to vector<16xf32>
        %mul3A_1092 = arith.mulf %get3A_1090, %mul3A_1091 : vector<16xf32>
        %swap3A_1093 = arith.index_cast %add3A_1085 : i32 to index
        %swap3A_1094 = arith.constant 0 : index
        %swap3A_1095 = tpu.vector_load %arg15[%swap3A_1093, %swap3A_1094] {strides = array<i32>} : memref<80x128xf32, #tpu.memory_space<vmem>>, vector<16xf32>,
        tpu.vector_store %arg15[%swap3A_1093, %swap3A_1094], %mul3A_1092 {strides = array<i32>} : memref<80x128xf32, #tpu.memory_space<vmem>>, vector<16xf32>,
        %get3A_1096 = arith.index_cast %add3A_1085 : i32 to index
        %get3A_1097 = arith.constant 16 : index
        %get3A_1098 = tpu.vector_load %arg15[%get3A_1096, %get3A_1097] {strides = array<i32>} : memref<80x128xf32, #tpu.memory_space<vmem>>, vector<16xf32>,
        %mul3A_1099 = vector.broadcast %squeeze3A_1087 : f32 to vector<16xf32>
        %mul3A_1100 = arith.mulf %get3A_1098, %mul3A_1099 : vector<16xf32>
        %swap3A_1101 = arith.index_cast %add3A_1085 : i32 to index
        %swap3A_1102 = arith.constant 16 : index
        %swap3A_1103 = tpu.vector_load %arg15[%swap3A_1101, %swap3A_1102] {strides = array<i32>} : memref<80x128xf32, #tpu.memory_space<vmem>>, vector<16xf32>,
        tpu.vector_store %arg15[%swap3A_1101, %swap3A_1102], %mul3A_1100 {strides = array<i32>} : memref<80x128xf32, #tpu.memory_space<vmem>>, vector<16xf32>,
        %get3A_1104 = arith.index_cast %add3A_1085 : i32 to index
        %get3A_1105 = arith.constant 32 : index
        %get3A_1106 = tpu.vector_load %arg15[%get3A_1104, %get3A_1105] {strides = array<i32>} : memref<80x128xf32, #tpu.memory_space<vmem>>, vector<16xf32>,
        %mul3A_1107 = vector.broadcast %squeeze3A_1087 : f32 to vector<16xf32>
        %mul3A_1108 = arith.mulf %get3A_1106, %mul3A_1107 : vector<16xf32>
        %swap3A_1109 = arith.index_cast %add3A_1085 : i32 to index
        %swap3A_1110 = arith.constant 32 : index
        %swap3A_1111 = tpu.vector_load %arg15[%swap3A_1109, %swap3A_1110] {strides = array<i32>} : memref<80x128xf32, #tpu.memory_space<vmem>>, vector<16xf32>,
        tpu.vector_store %arg15[%swap3A_1109, %swap3A_1110], %mul3A_1108 {strides = array<i32>} : memref<80x128xf32, #tpu.memory_space<vmem>>, vector<16xf32>,
        %get3A_1112 = arith.index_cast %add3A_1085 : i32 to index
        %get3A_1113 = arith.constant 48 : index
        %get3A_1114 = tpu.vector_load %arg15[%get3A_1112, %get3A_1113] {strides = array<i32>} : memref<80x128xf32, #tpu.memory_space<vmem>>, vector<16xf32>,
        %mul3A_1115 = vector.broadcast %squeeze3A_1087 : f32 to vector<16xf32>
        %mul3A_1116 = arith.mulf %get3A_1114, %mul3A_1115 : vector<16xf32>
        %swap3A_1117 = arith.index_cast %add3A_1085 : i32 to index
        %swap3A_1118 = arith.constant 48 : index
        %swap3A_1119 = tpu.vector_load %arg15[%swap3A_1117, %swap3A_1118] {strides = array<i32>} : memref<80x128xf32, #tpu.memory_space<vmem>>, vector<16xf32>,
        tpu.vector_store %arg15[%swap3A_1117, %swap3A_1118], %mul3A_1116 {strides = array<i32>} : memref<80x128xf32, #tpu.memory_space<vmem>>, vector<16xf32>,
        %get3A_1120 = arith.index_cast %add3A_1085 : i32 to index
        %get3A_1121 = arith.constant 64 : index
        %get3A_1122 = tpu.vector_load %arg15[%get3A_1120, %get3A_1121] {strides = array<i32>} : memref<80x128xf32, #tpu.memory_space<vmem>>, vector<16xf32>,
        %mul3A_1123 = vector.broadcast %squeeze3A_1087 : f32 to vector<16xf32>
        %mul3A_1124 = arith.mulf %get3A_1122, %mul3A_1123 : vector<16xf32>
        %swap3A_1125 = arith.index_cast %add3A_1085 : i32 to index
        %swap3A_1126 = arith.constant 64 : index
        %swap3A_1127 = tpu.vector_load %arg15[%swap3A_1125, %swap3A_1126] {strides = array<i32>} : memref<80x128xf32, #tpu.memory_space<vmem>>, vector<16xf32>,
        tpu.vector_store %arg15[%swap3A_1125, %swap3A_1126], %mul3A_1124 {strides = array<i32>} : memref<80x128xf32, #tpu.memory_space<vmem>>, vector<16xf32>,
        %get3A_1128 = arith.index_cast %add3A_1085 : i32 to index
        %get3A_1129 = arith.constant 80 : index
        %get3A_1130 = tpu.vector_load %arg15[%get3A_1128, %get3A_1129] {strides = array<i32>} : memref<80x128xf32, #tpu.memory_space<vmem>>, vector<16xf32>,
        %mul3A_1131 = vector.broadcast %squeeze3A_1087 : f32 to vector<16xf32>
        %mul3A_1132 = arith.mulf %get3A_1130, %mul3A_1131 : vector<16xf32>
        %swap3A_1133 = arith.index_cast %add3A_1085 : i32 to index
        %swap3A_1134 = arith.constant 80 : index
        %swap3A_1135 = tpu.vector_load %arg15[%swap3A_1133, %swap3A_1134] {strides = array<i32>} : memref<80x128xf32, #tpu.memory_space<vmem>>, vector<16xf32>,
        tpu.vector_store %arg15[%swap3A_1133, %swap3A_1134], %mul3A_1132 {strides = array<i32>} : memref<80x128xf32, #tpu.memory_space<vmem>>, vector<16xf32>,
        %get3A_1136 = arith.index_cast %add3A_1085 : i32 to index
        %get3A_1137 = arith.constant 96 : index
        %get3A_1138 = tpu.vector_load %arg15[%get3A_1136, %get3A_1137] {strides = array<i32>} : memref<80x128xf32, #tpu.memory_space<vmem>>, vector<16xf32>,
        %mul3A_1139 = vector.broadcast %squeeze3A_1087 : f32 to vector<16xf32>
        %mul3A_1140 = arith.mulf %get3A_1138, %mul3A_1139 : vector<16xf32>
        %swap3A_1141 = arith.index_cast %add3A_1085 : i32 to index
        %swap3A_1142 = arith.constant 96 : index
        %swap3A_1143 = tpu.vector_load %arg15[%swap3A_1141, %swap3A_1142] {strides = array<i32>} : memref<80x128xf32, #tpu.memory_space<vmem>>, vector<16xf32>,
        tpu.vector_store %arg15[%swap3A_1141, %swap3A_1142], %mul3A_1140 {strides = array<i32>} : memref<80x128xf32, #tpu.memory_space<vmem>>, vector<16xf32>,
        %get3A_1144 = arith.index_cast %add3A_1085 : i32 to index
        %get3A_1145 = arith.constant 112 : index
        %get3A_1146 = tpu.vector_load %arg15[%get3A_1144, %get3A_1145] {strides = array<i32>} : memref<80x128xf32, #tpu.memory_space<vmem>>, vector<16xf32>,
        %mul3A_1147 = vector.broadcast %squeeze3A_1087 : f32 to vector<16xf32>
        %mul3A_1148 = arith.mulf %get3A_1146, %mul3A_1147 : vector<16xf32>
        %swap3A_1149 = arith.index_cast %add3A_1085 : i32 to index
        %swap3A_1150 = arith.constant 112 : index
        %swap3A_1151 = tpu.vector_load %arg15[%swap3A_1149, %swap3A_1150] {strides = array<i32>} : memref<80x128xf32, #tpu.memory_space<vmem>>, vector<16xf32>,
        tpu.vector_store %arg15[%swap3A_1149, %swap3A_1150], %mul3A_1148 {strides = array<i32>} : memref<80x128xf32, #tpu.memory_space<vmem>>, vector<16xf32>,
        %mul3A_1152 = arith.constant 16 : i32
        %mul3A_1153 = arith.muli %scan3A_308, %mul3A_1152 : i32
        %add3A_1154 = arith.constant 12 : i32
        %add3A_1155 = arith.addi %mul3A_1153, %add3A_1154 : i32
        %slice3A_1156 = vector.extract_strided_slice %get3A_313 {offsets = [12], sizes = [1], strides = [1]} : vector<16xf32> to vector<1xf32>
        %squeeze3A_1157 = vector.extract %slice3A_1156[0] : f32 from vector<1xf32>
        %get3A_1158 = arith.index_cast %add3A_1155 : i32 to index
        %get3A_1159 = arith.constant 0 : index
        %get3A_1160 = tpu.vector_load %arg15[%get3A_1158, %get3A_1159] {strides = array<i32>} : memref<80x128xf32, #tpu.memory_space<vmem>>, vector<16xf32>,
        %mul3A_1161 = vector.broadcast %squeeze3A_1157 : f32 to vector<16xf32>
        %mul3A_1162 = arith.mulf %get3A_1160, %mul3A_1161 : vector<16xf32>
        %swap3A_1163 = arith.index_cast %add3A_1155 : i32 to index
        %swap3A_1164 = arith.constant 0 : index
        %swap3A_1165 = tpu.vector_load %arg15[%swap3A_1163, %swap3A_1164] {strides = array<i32>} : memref<80x128xf32, #tpu.memory_space<vmem>>, vector<16xf32>,
        tpu.vector_store %arg15[%swap3A_1163, %swap3A_1164], %mul3A_1162 {strides = array<i32>} : memref<80x128xf32, #tpu.memory_space<vmem>>, vector<16xf32>,
        %get3A_1166 = arith.index_cast %add3A_1155 : i32 to index
        %get3A_1167 = arith.constant 16 : index
        %get3A_1168 = tpu.vector_load %arg15[%get3A_1166, %get3A_1167] {strides = array<i32>} : memref<80x128xf32, #tpu.memory_space<vmem>>, vector<16xf32>,
        %mul3A_1169 = vector.broadcast %squeeze3A_1157 : f32 to vector<16xf32>
        %mul3A_1170 = arith.mulf %get3A_1168, %mul3A_1169 : vector<16xf32>
        %swap3A_1171 = arith.index_cast %add3A_1155 : i32 to index
        %swap3A_1172 = arith.constant 16 : index
        %swap3A_1173 = tpu.vector_load %arg15[%swap3A_1171, %swap3A_1172] {strides = array<i32>} : memref<80x128xf32, #tpu.memory_space<vmem>>, vector<16xf32>,
        tpu.vector_store %arg15[%swap3A_1171, %swap3A_1172], %mul3A_1170 {strides = array<i32>} : memref<80x128xf32, #tpu.memory_space<vmem>>, vector<16xf32>,
        %get3A_1174 = arith.index_cast %add3A_1155 : i32 to index
        %get3A_1175 = arith.constant 32 : index
        %get3A_1176 = tpu.vector_load %arg15[%get3A_1174, %get3A_1175] {strides = array<i32>} : memref<80x128xf32, #tpu.memory_space<vmem>>, vector<16xf32>,
        %mul3A_1177 = vector.broadcast %squeeze3A_1157 : f32 to vector<16xf32>
        %mul3A_1178 = arith.mulf %get3A_1176, %mul3A_1177 : vector<16xf32>
        %swap3A_1179 = arith.index_cast %add3A_1155 : i32 to index
        %swap3A_1180 = arith.constant 32 : index
        %swap3A_1181 = tpu.vector_load %arg15[%swap3A_1179, %swap3A_1180] {strides = array<i32>} : memref<80x128xf32, #tpu.memory_space<vmem>>, vector<16xf32>,
        tpu.vector_store %arg15[%swap3A_1179, %swap3A_1180], %mul3A_1178 {strides = array<i32>} : memref<80x128xf32, #tpu.memory_space<vmem>>, vector<16xf32>,
        %get3A_1182 = arith.index_cast %add3A_1155 : i32 to index
        %get3A_1183 = arith.constant 48 : index
        %get3A_1184 = tpu.vector_load %arg15[%get3A_1182, %get3A_1183] {strides = array<i32>} : memref<80x128xf32, #tpu.memory_space<vmem>>, vector<16xf32>,
        %mul3A_1185 = vector.broadcast %squeeze3A_1157 : f32 to vector<16xf32>
        %mul3A_1186 = arith.mulf %get3A_1184, %mul3A_1185 : vector<16xf32>
        %swap3A_1187 = arith.index_cast %add3A_1155 : i32 to index
        %swap3A_1188 = arith.constant 48 : index
        %swap3A_1189 = tpu.vector_load %arg15[%swap3A_1187, %swap3A_1188] {strides = array<i32>} : memref<80x128xf32, #tpu.memory_space<vmem>>, vector<16xf32>,
        tpu.vector_store %arg15[%swap3A_1187, %swap3A_1188], %mul3A_1186 {strides = array<i32>} : memref<80x128xf32, #tpu.memory_space<vmem>>, vector<16xf32>,
        %get3A_1190 = arith.index_cast %add3A_1155 : i32 to index
        %get3A_1191 = arith.constant 64 : index
        %get3A_1192 = tpu.vector_load %arg15[%get3A_1190, %get3A_1191] {strides = array<i32>} : memref<80x128xf32, #tpu.memory_space<vmem>>, vector<16xf32>,
        %mul3A_1193 = vector.broadcast %squeeze3A_1157 : f32 to vector<16xf32>
        %mul3A_1194 = arith.mulf %get3A_1192, %mul3A_1193 : vector<16xf32>
        %swap3A_1195 = arith.index_cast %add3A_1155 : i32 to index
        %swap3A_1196 = arith.constant 64 : index
        %swap3A_1197 = tpu.vector_load %arg15[%swap3A_1195, %swap3A_1196] {strides = array<i32>} : memref<80x128xf32, #tpu.memory_space<vmem>>, vector<16xf32>,
        tpu.vector_store %arg15[%swap3A_1195, %swap3A_1196], %mul3A_1194 {strides = array<i32>} : memref<80x128xf32, #tpu.memory_space<vmem>>, vector<16xf32>,
        %get3A_1198 = arith.index_cast %add3A_1155 : i32 to index
        %get3A_1199 = arith.constant 80 : index
        %get3A_1200 = tpu.vector_load %arg15[%get3A_1198, %get3A_1199] {strides = array<i32>} : memref<80x128xf32, #tpu.memory_space<vmem>>, vector<16xf32>,
        %mul3A_1201 = vector.broadcast %squeeze3A_1157 : f32 to vector<16xf32>
        %mul3A_1202 = arith.mulf %get3A_1200, %mul3A_1201 : vector<16xf32>
        %swap3A_1203 = arith.index_cast %add3A_1155 : i32 to index
        %swap3A_1204 = arith.constant 80 : index
        %swap3A_1205 = tpu.vector_load %arg15[%swap3A_1203, %swap3A_1204] {strides = array<i32>} : memref<80x128xf32, #tpu.memory_space<vmem>>, vector<16xf32>,
        tpu.vector_store %arg15[%swap3A_1203, %swap3A_1204], %mul3A_1202 {strides = array<i32>} : memref<80x128xf32, #tpu.memory_space<vmem>>, vector<16xf32>,
        %get3A_1206 = arith.index_cast %add3A_1155 : i32 to index
        %get3A_1207 = arith.constant 96 : index
        %get3A_1208 = tpu.vector_load %arg15[%get3A_1206, %get3A_1207] {strides = array<i32>} : memref<80x128xf32, #tpu.memory_space<vmem>>, vector<16xf32>,
        %mul3A_1209 = vector.broadcast %squeeze3A_1157 : f32 to vector<16xf32>
        %mul3A_1210 = arith.mulf %get3A_1208, %mul3A_1209 : vector<16xf32>
        %swap3A_1211 = arith.index_cast %add3A_1155 : i32 to index
        %swap3A_1212 = arith.constant 96 : index
        %swap3A_1213 = tpu.vector_load %arg15[%swap3A_1211, %swap3A_1212] {strides = array<i32>} : memref<80x128xf32, #tpu.memory_space<vmem>>, vector<16xf32>,
        tpu.vector_store %arg15[%swap3A_1211, %swap3A_1212], %mul3A_1210 {strides = array<i32>} : memref<80x128xf32, #tpu.memory_space<vmem>>, vector<16xf32>,
        %get3A_1214 = arith.index_cast %add3A_1155 : i32 to index
        %get3A_1215 = arith.constant 112 : index
        %get3A_1216 = tpu.vector_load %arg15[%get3A_1214, %get3A_1215] {strides = array<i32>} : memref<80x128xf32, #tpu.memory_space<vmem>>, vector<16xf32>,
        %mul3A_1217 = vector.broadcast %squeeze3A_1157 : f32 to vector<16xf32>
        %mul3A_1218 = arith.mulf %get3A_1216, %mul3A_1217 : vector<16xf32>
        %swap3A_1219 = arith.index_cast %add3A_1155 : i32 to index
        %swap3A_1220 = arith.constant 112 : index
        %swap3A_1221 = tpu.vector_load %arg15[%swap3A_1219, %swap3A_1220] {strides = array<i32>} : memref<80x128xf32, #tpu.memory_space<vmem>>, vector<16xf32>,
        tpu.vector_store %arg15[%swap3A_1219, %swap3A_1220], %mul3A_1218 {strides = array<i32>} : memref<80x128xf32, #tpu.memory_space<vmem>>, vector<16xf32>,
        %mul3A_1222 = arith.constant 16 : i32
        %mul3A_1223 = arith.muli %scan3A_308, %mul3A_1222 : i32
        %add3A_1224 = arith.constant 13 : i32
        %add3A_1225 = arith.addi %mul3A_1223, %add3A_1224 : i32
        %slice3A_1226 = vector.extract_strided_slice %get3A_313 {offsets = [13], sizes = [1], strides = [1]} : vector<16xf32> to vector<1xf32>
        %squeeze3A_1227 = vector.extract %slice3A_1226[0] : f32 from vector<1xf32>
        %get3A_1228 = arith.index_cast %add3A_1225 : i32 to index
        %get3A_1229 = arith.constant 0 : index
        %get3A_1230 = tpu.vector_load %arg15[%get3A_1228, %get3A_1229] {strides = array<i32>} : memref<80x128xf32, #tpu.memory_space<vmem>>, vector<16xf32>,
        %mul3A_1231 = vector.broadcast %squeeze3A_1227 : f32 to vector<16xf32>
        %mul3A_1232 = arith.mulf %get3A_1230, %mul3A_1231 : vector<16xf32>
        %swap3A_1233 = arith.index_cast %add3A_1225 : i32 to index
        %swap3A_1234 = arith.constant 0 : index
        %swap3A_1235 = tpu.vector_load %arg15[%swap3A_1233, %swap3A_1234] {strides = array<i32>} : memref<80x128xf32, #tpu.memory_space<vmem>>, vector<16xf32>,
        tpu.vector_store %arg15[%swap3A_1233, %swap3A_1234], %mul3A_1232 {strides = array<i32>} : memref<80x128xf32, #tpu.memory_space<vmem>>, vector<16xf32>,
        %get3A_1236 = arith.index_cast %add3A_1225 : i32 to index
        %get3A_1237 = arith.constant 16 : index
        %get3A_1238 = tpu.vector_load %arg15[%get3A_1236, %get3A_1237] {strides = array<i32>} : memref<80x128xf32, #tpu.memory_space<vmem>>, vector<16xf32>,
        %mul3A_1239 = vector.broadcast %squeeze3A_1227 : f32 to vector<16xf32>
        %mul3A_1240 = arith.mulf %get3A_1238, %mul3A_1239 : vector<16xf32>
        %swap3A_1241 = arith.index_cast %add3A_1225 : i32 to index
        %swap3A_1242 = arith.constant 16 : index
        %swap3A_1243 = tpu.vector_load %arg15[%swap3A_1241, %swap3A_1242] {strides = array<i32>} : memref<80x128xf32, #tpu.memory_space<vmem>>, vector<16xf32>,
        tpu.vector_store %arg15[%swap3A_1241, %swap3A_1242], %mul3A_1240 {strides = array<i32>} : memref<80x128xf32, #tpu.memory_space<vmem>>, vector<16xf32>,
        %get3A_1244 = arith.index_cast %add3A_1225 : i32 to index
        %get3A_1245 = arith.constant 32 : index
        %get3A_1246 = tpu.vector_load %arg15[%get3A_1244, %get3A_1245] {strides = array<i32>} : memref<80x128xf32, #tpu.memory_space<vmem>>, vector<16xf32>,
        %mul3A_1247 = vector.broadcast %squeeze3A_1227 : f32 to vector<16xf32>
        %mul3A_1248 = arith.mulf %get3A_1246, %mul3A_1247 : vector<16xf32>
        %swap3A_1249 = arith.index_cast %add3A_1225 : i32 to index
        %swap3A_1250 = arith.constant 32 : index
        %swap3A_1251 = tpu.vector_load %arg15[%swap3A_1249, %swap3A_1250] {strides = array<i32>} : memref<80x128xf32, #tpu.memory_space<vmem>>, vector<16xf32>,
        tpu.vector_store %arg15[%swap3A_1249, %swap3A_1250], %mul3A_1248 {strides = array<i32>} : memref<80x128xf32, #tpu.memory_space<vmem>>, vector<16xf32>,
        %get3A_1252 = arith.index_cast %add3A_1225 : i32 to index
        %get3A_1253 = arith.constant 48 : index
        %get3A_1254 = tpu.vector_load %arg15[%get3A_1252, %get3A_1253] {strides = array<i32>} : memref<80x128xf32, #tpu.memory_space<vmem>>, vector<16xf32>,
        %mul3A_1255 = vector.broadcast %squeeze3A_1227 : f32 to vector<16xf32>
        %mul3A_1256 = arith.mulf %get3A_1254, %mul3A_1255 : vector<16xf32>
        %swap3A_1257 = arith.index_cast %add3A_1225 : i32 to index
        %swap3A_1258 = arith.constant 48 : index
        %swap3A_1259 = tpu.vector_load %arg15[%swap3A_1257, %swap3A_1258] {strides = array<i32>} : memref<80x128xf32, #tpu.memory_space<vmem>>, vector<16xf32>,
        tpu.vector_store %arg15[%swap3A_1257, %swap3A_1258], %mul3A_1256 {strides = array<i32>} : memref<80x128xf32, #tpu.memory_space<vmem>>, vector<16xf32>,
        %get3A_1260 = arith.index_cast %add3A_1225 : i32 to index
        %get3A_1261 = arith.constant 64 : index
        %get3A_1262 = tpu.vector_load %arg15[%get3A_1260, %get3A_1261] {strides = array<i32>} : memref<80x128xf32, #tpu.memory_space<vmem>>, vector<16xf32>,
        %mul3A_1263 = vector.broadcast %squeeze3A_1227 : f32 to vector<16xf32>
        %mul3A_1264 = arith.mulf %get3A_1262, %mul3A_1263 : vector<16xf32>
        %swap3A_1265 = arith.index_cast %add3A_1225 : i32 to index
        %swap3A_1266 = arith.constant 64 : index
        %swap3A_1267 = tpu.vector_load %arg15[%swap3A_1265, %swap3A_1266] {strides = array<i32>} : memref<80x128xf32, #tpu.memory_space<vmem>>, vector<16xf32>,
        tpu.vector_store %arg15[%swap3A_1265, %swap3A_1266], %mul3A_1264 {strides = array<i32>} : memref<80x128xf32, #tpu.memory_space<vmem>>, vector<16xf32>,
        %get3A_1268 = arith.index_cast %add3A_1225 : i32 to index
        %get3A_1269 = arith.constant 80 : index
        %get3A_1270 = tpu.vector_load %arg15[%get3A_1268, %get3A_1269] {strides = array<i32>} : memref<80x128xf32, #tpu.memory_space<vmem>>, vector<16xf32>,
        %mul3A_1271 = vector.broadcast %squeeze3A_1227 : f32 to vector<16xf32>
        %mul3A_1272 = arith.mulf %get3A_1270, %mul3A_1271 : vector<16xf32>
        %swap3A_1273 = arith.index_cast %add3A_1225 : i32 to index
        %swap3A_1274 = arith.constant 80 : index
        %swap3A_1275 = tpu.vector_load %arg15[%swap3A_1273, %swap3A_1274] {strides = array<i32>} : memref<80x128xf32, #tpu.memory_space<vmem>>, vector<16xf32>,
        tpu.vector_store %arg15[%swap3A_1273, %swap3A_1274], %mul3A_1272 {strides = array<i32>} : memref<80x128xf32, #tpu.memory_space<vmem>>, vector<16xf32>,
        %get3A_1276 = arith.index_cast %add3A_1225 : i32 to index
        %get3A_1277 = arith.constant 96 : index
        %get3A_1278 = tpu.vector_load %arg15[%get3A_1276, %get3A_1277] {strides = array<i32>} : memref<80x128xf32, #tpu.memory_space<vmem>>, vector<16xf32>,
        %mul3A_1279 = vector.broadcast %squeeze3A_1227 : f32 to vector<16xf32>
        %mul3A_1280 = arith.mulf %get3A_1278, %mul3A_1279 : vector<16xf32>
        %swap3A_1281 = arith.index_cast %add3A_1225 : i32 to index
        %swap3A_1282 = arith.constant 96 : index
        %swap3A_1283 = tpu.vector_load %arg15[%swap3A_1281, %swap3A_1282] {strides = array<i32>} : memref<80x128xf32, #tpu.memory_space<vmem>>, vector<16xf32>,
        tpu.vector_store %arg15[%swap3A_1281, %swap3A_1282], %mul3A_1280 {strides = array<i32>} : memref<80x128xf32, #tpu.memory_space<vmem>>, vector<16xf32>,
        %get3A_1284 = arith.index_cast %add3A_1225 : i32 to index
        %get3A_1285 = arith.constant 112 : index
        %get3A_1286 = tpu.vector_load %arg15[%get3A_1284, %get3A_1285] {strides = array<i32>} : memref<80x128xf32, #tpu.memory_space<vmem>>, vector<16xf32>,
        %mul3A_1287 = vector.broadcast %squeeze3A_1227 : f32 to vector<16xf32>
        %mul3A_1288 = arith.mulf %get3A_1286, %mul3A_1287 : vector<16xf32>
        %swap3A_1289 = arith.index_cast %add3A_1225 : i32 to index
        %swap3A_1290 = arith.constant 112 : index
        %swap3A_1291 = tpu.vector_load %arg15[%swap3A_1289, %swap3A_1290] {strides = array<i32>} : memref<80x128xf32, #tpu.memory_space<vmem>>, vector<16xf32>,
        tpu.vector_store %arg15[%swap3A_1289, %swap3A_1290], %mul3A_1288 {strides = array<i32>} : memref<80x128xf32, #tpu.memory_space<vmem>>, vector<16xf32>,
        %mul3A_1292 = arith.constant 16 : i32
        %mul3A_1293 = arith.muli %scan3A_308, %mul3A_1292 : i32
        %add3A_1294 = arith.constant 14 : i32
        %add3A_1295 = arith.addi %mul3A_1293, %add3A_1294 : i32
        %slice3A_1296 = vector.extract_strided_slice %get3A_313 {offsets = [14], sizes = [1], strides = [1]} : vector<16xf32> to vector<1xf32>
        %squeeze3A_1297 = vector.extract %slice3A_1296[0] : f32 from vector<1xf32>
        %get3A_1298 = arith.index_cast %add3A_1295 : i32 to index
        %get3A_1299 = arith.constant 0 : index
        %get3A_1300 = tpu.vector_load %arg15[%get3A_1298, %get3A_1299] {strides = array<i32>} : memref<80x128xf32, #tpu.memory_space<vmem>>, vector<16xf32>,
        %mul3A_1301 = vector.broadcast %squeeze3A_1297 : f32 to vector<16xf32>
        %mul3A_1302 = arith.mulf %get3A_1300, %mul3A_1301 : vector<16xf32>
        %swap3A_1303 = arith.index_cast %add3A_1295 : i32 to index
        %swap3A_1304 = arith.constant 0 : index
        %swap3A_1305 = tpu.vector_load %arg15[%swap3A_1303, %swap3A_1304] {strides = array<i32>} : memref<80x128xf32, #tpu.memory_space<vmem>>, vector<16xf32>,
        tpu.vector_store %arg15[%swap3A_1303, %swap3A_1304], %mul3A_1302 {strides = array<i32>} : memref<80x128xf32, #tpu.memory_space<vmem>>, vector<16xf32>,
        %get3A_1306 = arith.index_cast %add3A_1295 : i32 to index
        %get3A_1307 = arith.constant 16 : index
        %get3A_1308 = tpu.vector_load %arg15[%get3A_1306, %get3A_1307] {strides = array<i32>} : memref<80x128xf32, #tpu.memory_space<vmem>>, vector<16xf32>,
        %mul3A_1309 = vector.broadcast %squeeze3A_1297 : f32 to vector<16xf32>
        %mul3A_1310 = arith.mulf %get3A_1308, %mul3A_1309 : vector<16xf32>
        %swap3A_1311 = arith.index_cast %add3A_1295 : i32 to index
        %swap3A_1312 = arith.constant 16 : index
        %swap3A_1313 = tpu.vector_load %arg15[%swap3A_1311, %swap3A_1312] {strides = array<i32>} : memref<80x128xf32, #tpu.memory_space<vmem>>, vector<16xf32>,
        tpu.vector_store %arg15[%swap3A_1311, %swap3A_1312], %mul3A_1310 {strides = array<i32>} : memref<80x128xf32, #tpu.memory_space<vmem>>, vector<16xf32>,
        %get3A_1314 = arith.index_cast %add3A_1295 : i32 to index
        %get3A_1315 = arith.constant 32 : index
        %get3A_1316 = tpu.vector_load %arg15[%get3A_1314, %get3A_1315] {strides = array<i32>} : memref<80x128xf32, #tpu.memory_space<vmem>>, vector<16xf32>,
        %mul3A_1317 = vector.broadcast %squeeze3A_1297 : f32 to vector<16xf32>
        %mul3A_1318 = arith.mulf %get3A_1316, %mul3A_1317 : vector<16xf32>
        %swap3A_1319 = arith.index_cast %add3A_1295 : i32 to index
        %swap3A_1320 = arith.constant 32 : index
        %swap3A_1321 = tpu.vector_load %arg15[%swap3A_1319, %swap3A_1320] {strides = array<i32>} : memref<80x128xf32, #tpu.memory_space<vmem>>, vector<16xf32>,
        tpu.vector_store %arg15[%swap3A_1319, %swap3A_1320], %mul3A_1318 {strides = array<i32>} : memref<80x128xf32, #tpu.memory_space<vmem>>, vector<16xf32>,
        %get3A_1322 = arith.index_cast %add3A_1295 : i32 to index
        %get3A_1323 = arith.constant 48 : index
        %get3A_1324 = tpu.vector_load %arg15[%get3A_1322, %get3A_1323] {strides = array<i32>} : memref<80x128xf32, #tpu.memory_space<vmem>>, vector<16xf32>,
        %mul3A_1325 = vector.broadcast %squeeze3A_1297 : f32 to vector<16xf32>
        %mul3A_1326 = arith.mulf %get3A_1324, %mul3A_1325 : vector<16xf32>
        %swap3A_1327 = arith.index_cast %add3A_1295 : i32 to index
        %swap3A_1328 = arith.constant 48 : index
        %swap3A_1329 = tpu.vector_load %arg15[%swap3A_1327, %swap3A_1328] {strides = array<i32>} : memref<80x128xf32, #tpu.memory_space<vmem>>, vector<16xf32>,
        tpu.vector_store %arg15[%swap3A_1327, %swap3A_1328], %mul3A_1326 {strides = array<i32>} : memref<80x128xf32, #tpu.memory_space<vmem>>, vector<16xf32>,
        %get3A_1330 = arith.index_cast %add3A_1295 : i32 to index
        %get3A_1331 = arith.constant 64 : index
        %get3A_1332 = tpu.vector_load %arg15[%get3A_1330, %get3A_1331] {strides = array<i32>} : memref<80x128xf32, #tpu.memory_space<vmem>>, vector<16xf32>,
        %mul3A_1333 = vector.broadcast %squeeze3A_1297 : f32 to vector<16xf32>
        %mul3A_1334 = arith.mulf %get3A_1332, %mul3A_1333 : vector<16xf32>
        %swap3A_1335 = arith.index_cast %add3A_1295 : i32 to index
        %swap3A_1336 = arith.constant 64 : index
        %swap3A_1337 = tpu.vector_load %arg15[%swap3A_1335, %swap3A_1336] {strides = array<i32>} : memref<80x128xf32, #tpu.memory_space<vmem>>, vector<16xf32>,
        tpu.vector_store %arg15[%swap3A_1335, %swap3A_1336], %mul3A_1334 {strides = array<i32>} : memref<80x128xf32, #tpu.memory_space<vmem>>, vector<16xf32>,
        %get3A_1338 = arith.index_cast %add3A_1295 : i32 to index
        %get3A_1339 = arith.constant 80 : index
        %get3A_1340 = tpu.vector_load %arg15[%get3A_1338, %get3A_1339] {strides = array<i32>} : memref<80x128xf32, #tpu.memory_space<vmem>>, vector<16xf32>,
        %mul3A_1341 = vector.broadcast %squeeze3A_1297 : f32 to vector<16xf32>
        %mul3A_1342 = arith.mulf %get3A_1340, %mul3A_1341 : vector<16xf32>
        %swap3A_1343 = arith.index_cast %add3A_1295 : i32 to index
        %swap3A_1344 = arith.constant 80 : index
        %swap3A_1345 = tpu.vector_load %arg15[%swap3A_1343, %swap3A_1344] {strides = array<i32>} : memref<80x128xf32, #tpu.memory_space<vmem>>, vector<16xf32>,
        tpu.vector_store %arg15[%swap3A_1343, %swap3A_1344], %mul3A_1342 {strides = array<i32>} : memref<80x128xf32, #tpu.memory_space<vmem>>, vector<16xf32>,
        %get3A_1346 = arith.index_cast %add3A_1295 : i32 to index
        %get3A_1347 = arith.constant 96 : index
        %get3A_1348 = tpu.vector_load %arg15[%get3A_1346, %get3A_1347] {strides = array<i32>} : memref<80x128xf32, #tpu.memory_space<vmem>>, vector<16xf32>,
        %mul3A_1349 = vector.broadcast %squeeze3A_1297 : f32 to vector<16xf32>
        %mul3A_1350 = arith.mulf %get3A_1348, %mul3A_1349 : vector<16xf32>
        %swap3A_1351 = arith.index_cast %add3A_1295 : i32 to index
        %swap3A_1352 = arith.constant 96 : index
        %swap3A_1353 = tpu.vector_load %arg15[%swap3A_1351, %swap3A_1352] {strides = array<i32>} : memref<80x128xf32, #tpu.memory_space<vmem>>, vector<16xf32>,
        tpu.vector_store %arg15[%swap3A_1351, %swap3A_1352], %mul3A_1350 {strides = array<i32>} : memref<80x128xf32, #tpu.memory_space<vmem>>, vector<16xf32>,
        %get3A_1354 = arith.index_cast %add3A_1295 : i32 to index
        %get3A_1355 = arith.constant 112 : index
        %get3A_1356 = tpu.vector_load %arg15[%get3A_1354, %get3A_1355] {strides = array<i32>} : memref<80x128xf32, #tpu.memory_space<vmem>>, vector<16xf32>,
        %mul3A_1357 = vector.broadcast %squeeze3A_1297 : f32 to vector<16xf32>
        %mul3A_1358 = arith.mulf %get3A_1356, %mul3A_1357 : vector<16xf32>
        %swap3A_1359 = arith.index_cast %add3A_1295 : i32 to index
        %swap3A_1360 = arith.constant 112 : index
        %swap3A_1361 = tpu.vector_load %arg15[%swap3A_1359, %swap3A_1360] {strides = array<i32>} : memref<80x128xf32, #tpu.memory_space<vmem>>, vector<16xf32>,
        tpu.vector_store %arg15[%swap3A_1359, %swap3A_1360], %mul3A_1358 {strides = array<i32>} : memref<80x128xf32, #tpu.memory_space<vmem>>, vector<16xf32>,
        %mul3A_1362 = arith.constant 16 : i32
        %mul3A_1363 = arith.muli %scan3A_308, %mul3A_1362 : i32
        %add3A_1364 = arith.constant 15 : i32
        %add3A_1365 = arith.addi %mul3A_1363, %add3A_1364 : i32
        %slice3A_1366 = vector.extract_strided_slice %get3A_313 {offsets = [15], sizes = [1], strides = [1]} : vector<16xf32> to vector<1xf32>
        %squeeze3A_1367 = vector.extract %slice3A_1366[0] : f32 from vector<1xf32>
        %get3A_1368 = arith.index_cast %add3A_1365 : i32 to index
        %get3A_1369 = arith.constant 0 : index
        %get3A_1370 = tpu.vector_load %arg15[%get3A_1368, %get3A_1369] {strides = array<i32>} : memref<80x128xf32, #tpu.memory_space<vmem>>, vector<16xf32>,
        %mul3A_1371 = vector.broadcast %squeeze3A_1367 : f32 to vector<16xf32>
        %mul3A_1372 = arith.mulf %get3A_1370, %mul3A_1371 : vector<16xf32>
        %swap3A_1373 = arith.index_cast %add3A_1365 : i32 to index
        %swap3A_1374 = arith.constant 0 : index
        %swap3A_1375 = tpu.vector_load %arg15[%swap3A_1373, %swap3A_1374] {strides = array<i32>} : memref<80x128xf32, #tpu.memory_space<vmem>>, vector<16xf32>,
        tpu.vector_store %arg15[%swap3A_1373, %swap3A_1374], %mul3A_1372 {strides = array<i32>} : memref<80x128xf32, #tpu.memory_space<vmem>>, vector<16xf32>,
        %get3A_1376 = arith.index_cast %add3A_1365 : i32 to index
        %get3A_1377 = arith.constant 16 : index
        %get3A_1378 = tpu.vector_load %arg15[%get3A_1376, %get3A_1377] {strides = array<i32>} : memref<80x128xf32, #tpu.memory_space<vmem>>, vector<16xf32>,
        %mul3A_1379 = vector.broadcast %squeeze3A_1367 : f32 to vector<16xf32>
        %mul3A_1380 = arith.mulf %get3A_1378, %mul3A_1379 : vector<16xf32>
        %swap3A_1381 = arith.index_cast %add3A_1365 : i32 to index
        %swap3A_1382 = arith.constant 16 : index
        %swap3A_1383 = tpu.vector_load %arg15[%swap3A_1381, %swap3A_1382] {strides = array<i32>} : memref<80x128xf32, #tpu.memory_space<vmem>>, vector<16xf32>,
        tpu.vector_store %arg15[%swap3A_1381, %swap3A_1382], %mul3A_1380 {strides = array<i32>} : memref<80x128xf32, #tpu.memory_space<vmem>>, vector<16xf32>,
        %get3A_1384 = arith.index_cast %add3A_1365 : i32 to index
        %get3A_1385 = arith.constant 32 : index
        %get3A_1386 = tpu.vector_load %arg15[%get3A_1384, %get3A_1385] {strides = array<i32>} : memref<80x128xf32, #tpu.memory_space<vmem>>, vector<16xf32>,
        %mul3A_1387 = vector.broadcast %squeeze3A_1367 : f32 to vector<16xf32>
        %mul3A_1388 = arith.mulf %get3A_1386, %mul3A_1387 : vector<16xf32>
        %swap3A_1389 = arith.index_cast %add3A_1365 : i32 to index
        %swap3A_1390 = arith.constant 32 : index
        %swap3A_1391 = tpu.vector_load %arg15[%swap3A_1389, %swap3A_1390] {strides = array<i32>} : memref<80x128xf32, #tpu.memory_space<vmem>>, vector<16xf32>,
        tpu.vector_store %arg15[%swap3A_1389, %swap3A_1390], %mul3A_1388 {strides = array<i32>} : memref<80x128xf32, #tpu.memory_space<vmem>>, vector<16xf32>,
        %get3A_1392 = arith.index_cast %add3A_1365 : i32 to index
        %get3A_1393 = arith.constant 48 : index
        %get3A_1394 = tpu.vector_load %arg15[%get3A_1392, %get3A_1393] {strides = array<i32>} : memref<80x128xf32, #tpu.memory_space<vmem>>, vector<16xf32>,
        %mul3A_1395 = vector.broadcast %squeeze3A_1367 : f32 to vector<16xf32>
        %mul3A_1396 = arith.mulf %get3A_1394, %mul3A_1395 : vector<16xf32>
        %swap3A_1397 = arith.index_cast %add3A_1365 : i32 to index
        %swap3A_1398 = arith.constant 48 : index
        %swap3A_1399 = tpu.vector_load %arg15[%swap3A_1397, %swap3A_1398] {strides = array<i32>} : memref<80x128xf32, #tpu.memory_space<vmem>>, vector<16xf32>,
        tpu.vector_store %arg15[%swap3A_1397, %swap3A_1398], %mul3A_1396 {strides = array<i32>} : memref<80x128xf32, #tpu.memory_space<vmem>>, vector<16xf32>,
        %get3A_1400 = arith.index_cast %add3A_1365 : i32 to index
        %get3A_1401 = arith.constant 64 : index
        %get3A_1402 = tpu.vector_load %arg15[%get3A_1400, %get3A_1401] {strides = array<i32>} : memref<80x128xf32, #tpu.memory_space<vmem>>, vector<16xf32>,
        %mul3A_1403 = vector.broadcast %squeeze3A_1367 : f32 to vector<16xf32>
        %mul3A_1404 = arith.mulf %get3A_1402, %mul3A_1403 : vector<16xf32>
        %swap3A_1405 = arith.index_cast %add3A_1365 : i32 to index
        %swap3A_1406 = arith.constant 64 : index
        %swap3A_1407 = tpu.vector_load %arg15[%swap3A_1405, %swap3A_1406] {strides = array<i32>} : memref<80x128xf32, #tpu.memory_space<vmem>>, vector<16xf32>,
        tpu.vector_store %arg15[%swap3A_1405, %swap3A_1406], %mul3A_1404 {strides = array<i32>} : memref<80x128xf32, #tpu.memory_space<vmem>>, vector<16xf32>,
        %get3A_1408 = arith.index_cast %add3A_1365 : i32 to index
        %get3A_1409 = arith.constant 80 : index
        %get3A_1410 = tpu.vector_load %arg15[%get3A_1408, %get3A_1409] {strides = array<i32>} : memref<80x128xf32, #tpu.memory_space<vmem>>, vector<16xf32>,
        %mul3A_1411 = vector.broadcast %squeeze3A_1367 : f32 to vector<16xf32>
        %mul3A_1412 = arith.mulf %get3A_1410, %mul3A_1411 : vector<16xf32>
        %swap3A_1413 = arith.index_cast %add3A_1365 : i32 to index
        %swap3A_1414 = arith.constant 80 : index
        %swap3A_1415 = tpu.vector_load %arg15[%swap3A_1413, %swap3A_1414] {strides = array<i32>} : memref<80x128xf32, #tpu.memory_space<vmem>>, vector<16xf32>,
        tpu.vector_store %arg15[%swap3A_1413, %swap3A_1414], %mul3A_1412 {strides = array<i32>} : memref<80x128xf32, #tpu.memory_space<vmem>>, vector<16xf32>,
        %get3A_1416 = arith.index_cast %add3A_1365 : i32 to index
        %get3A_1417 = arith.constant 96 : index
        %get3A_1418 = tpu.vector_load %arg15[%get3A_1416, %get3A_1417] {strides = array<i32>} : memref<80x128xf32, #tpu.memory_space<vmem>>, vector<16xf32>,
        %mul3A_1419 = vector.broadcast %squeeze3A_1367 : f32 to vector<16xf32>
        %mul3A_1420 = arith.mulf %get3A_1418, %mul3A_1419 : vector<16xf32>
        %swap3A_1421 = arith.index_cast %add3A_1365 : i32 to index
        %swap3A_1422 = arith.constant 96 : index
        %swap3A_1423 = tpu.vector_load %arg15[%swap3A_1421, %swap3A_1422] {strides = array<i32>} : memref<80x128xf32, #tpu.memory_space<vmem>>, vector<16xf32>,
        tpu.vector_store %arg15[%swap3A_1421, %swap3A_1422], %mul3A_1420 {strides = array<i32>} : memref<80x128xf32, #tpu.memory_space<vmem>>, vector<16xf32>,
        %get3A_1424 = arith.index_cast %add3A_1365 : i32 to index
        %get3A_1425 = arith.constant 112 : index
        %get3A_1426 = tpu.vector_load %arg15[%get3A_1424, %get3A_1425] {strides = array<i32>} : memref<80x128xf32, #tpu.memory_space<vmem>>, vector<16xf32>,
        %mul3A_1427 = vector.broadcast %squeeze3A_1367 : f32 to vector<16xf32>
        %mul3A_1428 = arith.mulf %get3A_1426, %mul3A_1427 : vector<16xf32>
        %swap3A_1429 = arith.index_cast %add3A_1365 : i32 to index
        %swap3A_1430 = arith.constant 112 : index
        %swap3A_1431 = tpu.vector_load %arg15[%swap3A_1429, %swap3A_1430] {strides = array<i32>} : memref<80x128xf32, #tpu.memory_space<vmem>>, vector<16xf32>,
        tpu.vector_store %arg15[%swap3A_1429, %swap3A_1430], %mul3A_1428 {strides = array<i32>} : memref<80x128xf32, #tpu.memory_space<vmem>>, vector<16xf32>,
      }
      %scan3A_297 = arith.constant 5 : i32
      %dma_start3A_298 = arith.constant 0 : i32
      %dma_start3A_299 = arith.constant 0 : i32
      %dma_start3A_300 = tpu.memref_slice %arg20[%dma_start3A_298, %dma_start3A_299] : memref<10000x128xf32, #tpu.memory_space<vmem_shared>> -> memref<10000x128xf32, #tpu.memory_space<vmem_shared>>
      tpu.enqueue_indirect_dma source(%arg15 : memref<80x128xf32, #tpu.memory_space<vmem>>) target(%dma_start3A_300 : memref<10000x128xf32, #tpu.memory_space<vmem_shared>>) offsets(%arg12 : memref<80xi32, #tpu.memory_space<vmem>>) semaphore(%arg22 : memref<!tpu.dma_semaphore, #tpu.memory_space<semaphore_mem>>) {add = true}
      %dma_start3A_301 = arith.constant 0 : i32
      %dma_start3A_302 = tpu.memref_slice %arg21[%dma_start3A_301] : memref<10000xf32, #tpu.memory_space<vmem_shared>> -> memref<10000xf32, #tpu.memory_space<vmem_shared>>
      tpu.enqueue_indirect_dma source(%arg16 : memref<80xf32, #tpu.memory_space<vmem>>) target(%dma_start3A_302 : memref<10000xf32, #tpu.memory_space<vmem_shared>>) offsets(%arg12 : memref<80xi32, #tpu.memory_space<vmem>>) semaphore(%arg22 : memref<!tpu.dma_semaphore, #tpu.memory_space<semaphore_mem>>) {add = true}
      %dma_wait3A_303 = arith.constant 0 : i32
      %dma_wait3A_304 = arith.constant 0 : i32
      %dma_wait3A_305 = tpu.memref_slice %arg20[%dma_wait3A_303, %dma_wait3A_304] : memref<10000x128xf32, #tpu.memory_space<vmem_shared>> -> memref<10000x128xf32, #tpu.memory_space<vmem_shared>>
      tpu.wait_indirect_dma semaphore(%arg22 : memref<!tpu.dma_semaphore, #tpu.memory_space<semaphore_mem>>) src(%arg15 : memref<80x128xf32, #tpu.memory_space<vmem>>) dst(%dma_wait3A_305 : memref<10000x128xf32, #tpu.memory_space<vmem_shared>>)
      %dma_wait3A_306 = arith.constant 0 : i32
      %dma_wait3A_307 = tpu.memref_slice %arg21[%dma_wait3A_306] : memref<10000xf32, #tpu.memory_space<vmem_shared>> -> memref<10000xf32, #tpu.memory_space<vmem_shared>>
      tpu.wait_indirect_dma semaphore(%arg22 : memref<!tpu.dma_semaphore, #tpu.memory_space<semaphore_mem>>) src(%arg16 : memref<80xf32, #tpu.memory_space<vmem>>) dst(%dma_wait3A_307 : memref<10000xf32, #tpu.memory_space<vmem_shared>>)
    }
    %scan3A_102 = arith.constant 125 : i32
    %barrier3A_103 = arith.constant 0 : index
    tpu.barrier barrier_id(%barrier3A_103)
    %lt3A_104 = arith.constant 10 : i32
    %lt3A_105 = arith.cmpi slt, %arg1, %lt3A_104 : i32
    %convert_element_type3A_106 = arith.extui %lt3A_105 : i1 to i32
    %cond3A_107 = arith.constant 0 : i32
    %cond3A_108 = arith.cmpi ne, %convert_element_type3A_106, %cond3A_107 : i32
    scf.if %cond3A_108 {
      %mul3A_113 = arith.constant 1000 : i32
      %mul3A_114 = arith.muli %arg1, %mul3A_113 : i32
      "tpu.region"() ({
        %run_scoped3A = tpu.sem_alloc : memref<!tpu.dma_semaphore, #tpu.memory_space<semaphore_mem>>
        %dma_start3A = arith.constant 0 : i32
        %dma_start3A_115 = tpu.memref_slice %arg6[%arg0, %mul3A_114, %dma_start3A] : memref<2x10000x128xf32, #tpu.memory_space<hbm>> -> memref<1x1000x128xf32, #tpu.memory_space<hbm>>
        %dma_start3A_116 = tpu.memref_squeeze %dma_start3A_115 : memref<1x1000x128xf32, #tpu.memory_space<hbm>> -> memref<1000x128xf32, #tpu.memory_space<hbm>>
        %dma_start3A_117 = arith.constant 0 : i32
        %dma_start3A_118 = tpu.memref_slice %arg20[%mul3A_114, %dma_start3A_117] : memref<10000x128xf32, #tpu.memory_space<vmem_shared>> -> memref<1000x128xf32, #tpu.memory_space<vmem_shared>>
        tpu.enqueue_dma source(%dma_start3A_118 : memref<1000x128xf32, #tpu.memory_space<vmem_shared>>) target(%dma_start3A_116 : memref<1000x128xf32, #tpu.memory_space<hbm>>) target_semaphore(%run_scoped3A : memref<!tpu.dma_semaphore, #tpu.memory_space<semaphore_mem>>)
        %dma_wait3A = arith.constant 0 : i32
        %dma_wait3A_119 = tpu.memref_slice %arg6[%arg0, %mul3A_114, %dma_wait3A] : memref<2x10000x128xf32, #tpu.memory_space<hbm>> -> memref<1x1000x128xf32, #tpu.memory_space<hbm>>
        %dma_wait3A_120 = tpu.memref_squeeze %dma_wait3A_119 : memref<1x1000x128xf32, #tpu.memory_space<hbm>> -> memref<1000x128xf32, #tpu.memory_space<hbm>>
        %dma_wait3A_121 = arith.constant 0 : i32
        %dma_wait3A_122 = tpu.memref_slice %arg20[%mul3A_114, %dma_wait3A_121] : memref<10000x128xf32, #tpu.memory_space<vmem_shared>> -> memref<1000x128xf32, #tpu.memory_space<vmem_shared>>
        tpu.wait_dma2 semaphore(%run_scoped3A : memref<!tpu.dma_semaphore, #tpu.memory_space<semaphore_mem>>) src(%dma_wait3A_122 : memref<1000x128xf32, #tpu.memory_space<vmem_shared>>) dst(%dma_wait3A_120 : memref<1000x128xf32, #tpu.memory_space<hbm>>)
        tpu.yield
      }) : () -> ()
    } else {
    }
    %eq3A = arith.constant 0 : i32
    %eq3A_109 = arith.cmpi eq, %arg1, %eq3A : i32
    %convert_element_type3A_110 = arith.extui %eq3A_109 : i1 to i32
    %cond3A_111 = arith.constant 0 : i32
    %cond3A_112 = arith.cmpi ne, %convert_element_type3A_110, %cond3A_111 : i32
    scf.if %cond3A_112 {
      "tpu.region"() ({
        %run_scoped3A = tpu.sem_alloc : memref<!tpu.dma_semaphore, #tpu.memory_space<semaphore_mem>>
        %dma_start3A = arith.constant 0 : i32
        %dma_start3A_113 = tpu.memref_slice %arg7[%arg0, %dma_start3A] : memref<2x10000xf32, #tpu.memory_space<hbm>> -> memref<1x10000xf32, #tpu.memory_space<hbm>>
        %dma_start3A_114 = tpu.memref_squeeze %dma_start3A_113 : memref<1x10000xf32, #tpu.memory_space<hbm>> -> memref<10000xf32, #tpu.memory_space<hbm>>
        tpu.enqueue_dma source(%arg21 : memref<10000xf32, #tpu.memory_space<vmem_shared>>) target(%dma_start3A_114 : memref<10000xf32, #tpu.memory_space<hbm>>) target_semaphore(%run_scoped3A : memref<!tpu.dma_semaphore, #tpu.memory_space<semaphore_mem>>)
        %dma_wait3A = arith.constant 0 : i32
        %dma_wait3A_115 = tpu.memref_slice %arg7[%arg0, %dma_wait3A] : memref<2x10000xf32, #tpu.memory_space<hbm>> -> memref<1x10000xf32, #tpu.memory_space<hbm>>
        %dma_wait3A_116 = tpu.memref_squeeze %dma_wait3A_115 : memref<1x10000xf32, #tpu.memory_space<hbm>> -> memref<10000xf32, #tpu.memory_space<hbm>>
        tpu.wait_dma2 semaphore(%run_scoped3A : memref<!tpu.dma_semaphore, #tpu.memory_space<semaphore_mem>>) src(%arg21 : memref<10000xf32, #tpu.memory_space<vmem_shared>>) dst(%dma_wait3A_116 : memref<10000xf32, #tpu.memory_space<hbm>>)
        tpu.yield
      }) : () -> ()
    } else {
    }
    return
  }
}

module attributes {stable_mosaic.version = 14 : i64} {
  func.func @_proj_body(%arg0: i32, %arg1: memref<1000x128xf32, #tpu.memory_space<vmem>>, %arg2: memref<128x768xf32, #tpu.memory_space<vmem>>, %arg3: memref<1x768xf32, #tpu.memory_space<vmem>>, %arg4: memref<3x1000x128xf32, #tpu.memory_space<vmem>>, %arg5: memref<3x1000x128xf32, #tpu.memory_space<vmem>>) attributes {dimension_semantics = [#tpu.dimension_semantics<arbitrary>], iteration_bounds = array<i64: 10>, scalar_prefetch = 0 : i64, scratch_operands = 0 : i64, tpu.core_type = #tpu.core_type<tc>, window_params = [{transform_indices = @transform_0, window_bounds = array<i64: 1000, 128>}, {pipeline_mode = #tpu.pipeline_mode<synchronous>, transform_indices = @transform_1, window_bounds = array<i64: 128, 768>}, {pipeline_mode = #tpu.pipeline_mode<synchronous>, transform_indices = @transform_2, window_bounds = array<i64: 1, 768>}, {transform_indices = @transform_3, window_bounds = array<i64: 3, 1000, 128>}, {transform_indices = @transform_4, window_bounds = array<i64: 3, 1000, 128>}]} {
    %get3A = arith.constant 0 : index
    %get3A_0 = arith.constant 0 : index
    %get3A_1 = vector.load %arg1[%get3A, %get3A_0] : memref<1000x128xf32, #tpu.memory_space<vmem>>, vector<1000x128xf32>
    %get3A_2 = arith.constant 0 : index
    %get3A_3 = arith.constant 0 : index
    %get3A_4 = vector.load %arg2[%get3A_2, %get3A_3] : memref<128x768xf32, #tpu.memory_space<vmem>>, vector<128x768xf32>
    %dot_general3A = arith.constant dense<0.000000e+00> : vector<1000x768xf32>
    %dot_general3A_5 = tpu.matmul %get3A_1, %get3A_4, %dot_general3A {dimension_numbers = #tpu.dot_dimension_numbers<[1], [0], [0], [1], [0, 0, 1, 1], [], []>, transpose_lhs_hint = false} : vector<1000x128xf32>, vector<128x768xf32>, vector<1000x768xf32> -> vector<1000x768xf32>
    %get3A_6 = arith.constant 0 : index
    %get3A_7 = arith.constant 0 : index
    %get3A_8 = vector.load %arg3[%get3A_6, %get3A_7] : memref<1x768xf32, #tpu.memory_space<vmem>>, vector<1x768xf32>
    %add3A = vector.broadcast %get3A_8 : vector<1x768xf32> to vector<1000x768xf32>
    %add3A_9 = arith.addf %dot_general3A_5, %add3A : vector<1000x768xf32>
    %slice3A = vector.extract_strided_slice %add3A_9 {offsets = [0, 0], sizes = [1000, 128], strides = [1, 1]} : vector<1000x768xf32> to vector<1000x128xf32>
    %swap3A = arith.constant 0 : index
    %swap3A_10 = arith.constant 0 : index
    %swap3A_11 = arith.constant 0 : index
    %swap3A_12 = vector.load %arg4[%swap3A, %swap3A_10, %swap3A_11] : memref<3x1000x128xf32, #tpu.memory_space<vmem>>, vector<1x1000x128xf32>
    %swap3A_13 = vector.shape_cast %swap3A_12 : vector<1x1000x128xf32> to vector<1000x128xf32>
    %swap3A_14 = vector.shape_cast %slice3A : vector<1000x128xf32> to vector<1x1000x128xf32>
    tpu.vector_store %arg4[%swap3A, %swap3A_10, %swap3A_11], %swap3A_14 {strides = array<i32>} : memref<3x1000x128xf32, #tpu.memory_space<vmem>>, vector<1x1000x128xf32>,
    %slice3A_15 = vector.extract_strided_slice %add3A_9 {offsets = [0, 384], sizes = [1000, 128], strides = [1, 1]} : vector<1000x768xf32> to vector<1000x128xf32>
    %swap3A_16 = arith.constant 0 : index
    %swap3A_17 = arith.constant 0 : index
    %swap3A_18 = arith.constant 0 : index
    %swap3A_19 = vector.load %arg5[%swap3A_16, %swap3A_17, %swap3A_18] : memref<3x1000x128xf32, #tpu.memory_space<vmem>>, vector<1x1000x128xf32>
    %swap3A_20 = vector.shape_cast %swap3A_19 : vector<1x1000x128xf32> to vector<1000x128xf32>
    %swap3A_21 = vector.shape_cast %slice3A_15 : vector<1000x128xf32> to vector<1x1000x128xf32>
    tpu.vector_store %arg5[%swap3A_16, %swap3A_17, %swap3A_18], %swap3A_21 {strides = array<i32>} : memref<3x1000x128xf32, #tpu.memory_space<vmem>>, vector<1x1000x128xf32>,
    %slice3A_22 = vector.extract_strided_slice %add3A_9 {offsets = [0, 128], sizes = [1000, 128], strides = [1, 1]} : vector<1000x768xf32> to vector<1000x128xf32>
    %swap3A_23 = arith.constant 1 : index
    %swap3A_24 = arith.constant 0 : index
    %swap3A_25 = arith.constant 0 : index
    %swap3A_26 = vector.load %arg4[%swap3A_23, %swap3A_24, %swap3A_25] : memref<3x1000x128xf32, #tpu.memory_space<vmem>>, vector<1x1000x128xf32>
    %swap3A_27 = vector.shape_cast %swap3A_26 : vector<1x1000x128xf32> to vector<1000x128xf32>
    %swap3A_28 = vector.shape_cast %slice3A_22 : vector<1000x128xf32> to vector<1x1000x128xf32>
    tpu.vector_store %arg4[%swap3A_23, %swap3A_24, %swap3A_25], %swap3A_28 {strides = array<i32>} : memref<3x1000x128xf32, #tpu.memory_space<vmem>>, vector<1x1000x128xf32>,
    %slice3A_29 = vector.extract_strided_slice %add3A_9 {offsets = [0, 512], sizes = [1000, 128], strides = [1, 1]} : vector<1000x768xf32> to vector<1000x128xf32>
    %swap3A_30 = arith.constant 1 : index
    %swap3A_31 = arith.constant 0 : index
    %swap3A_32 = arith.constant 0 : index
    %swap3A_33 = vector.load %arg5[%swap3A_30, %swap3A_31, %swap3A_32] : memref<3x1000x128xf32, #tpu.memory_space<vmem>>, vector<1x1000x128xf32>
    %swap3A_34 = vector.shape_cast %swap3A_33 : vector<1x1000x128xf32> to vector<1000x128xf32>
    %swap3A_35 = vector.shape_cast %slice3A_29 : vector<1000x128xf32> to vector<1x1000x128xf32>
    tpu.vector_store %arg5[%swap3A_30, %swap3A_31, %swap3A_32], %swap3A_35 {strides = array<i32>} : memref<3x1000x128xf32, #tpu.memory_space<vmem>>, vector<1x1000x128xf32>,
    %slice3A_36 = vector.extract_strided_slice %add3A_9 {offsets = [0, 256], sizes = [1000, 128], strides = [1, 1]} : vector<1000x768xf32> to vector<1000x128xf32>
    %swap3A_37 = arith.constant 2 : index
    %swap3A_38 = arith.constant 0 : index
    %swap3A_39 = arith.constant 0 : index
    %swap3A_40 = vector.load %arg4[%swap3A_37, %swap3A_38, %swap3A_39] : memref<3x1000x128xf32, #tpu.memory_space<vmem>>, vector<1x1000x128xf32>
    %swap3A_41 = vector.shape_cast %swap3A_40 : vector<1x1000x128xf32> to vector<1000x128xf32>
    %swap3A_42 = vector.shape_cast %slice3A_36 : vector<1000x128xf32> to vector<1x1000x128xf32>
    tpu.vector_store %arg4[%swap3A_37, %swap3A_38, %swap3A_39], %swap3A_42 {strides = array<i32>} : memref<3x1000x128xf32, #tpu.memory_space<vmem>>, vector<1x1000x128xf32>,
    %slice3A_43 = vector.extract_strided_slice %add3A_9 {offsets = [0, 640], sizes = [1000, 128], strides = [1, 1]} : vector<1000x768xf32> to vector<1000x128xf32>
    %swap3A_44 = arith.constant 2 : index
    %swap3A_45 = arith.constant 0 : index
    %swap3A_46 = arith.constant 0 : index
    %swap3A_47 = vector.load %arg5[%swap3A_44, %swap3A_45, %swap3A_46] : memref<3x1000x128xf32, #tpu.memory_space<vmem>>, vector<1x1000x128xf32>
    %swap3A_48 = vector.shape_cast %swap3A_47 : vector<1x1000x128xf32> to vector<1000x128xf32>
    %swap3A_49 = vector.shape_cast %slice3A_43 : vector<1000x128xf32> to vector<1x1000x128xf32>
    tpu.vector_store %arg5[%swap3A_44, %swap3A_45, %swap3A_46], %swap3A_49 {strides = array<i32>} : memref<3x1000x128xf32, #tpu.memory_space<vmem>>, vector<1x1000x128xf32>,
    return
  }
  func.func @transform_0(%arg0: i32) -> (i32, i32) {
    %c0_i32 = arith.constant 0 : i32
    %c0_i32_0 = arith.constant 0 : i32
    return %arg0, %c0_i32 : i32, i32
  }
  func.func @transform_1(%arg0: i32) -> (i32, i32) {
    %c0_i32 = arith.constant 0 : i32
    %c0_i32_0 = arith.constant 0 : i32
    %c0_i32_1 = arith.constant 0 : i32
    return %c0_i32, %c0_i32_0 : i32, i32
  }
  func.func @transform_2(%arg0: i32) -> (i32, i32) {
    %c0_i32 = arith.constant 0 : i32
    %c0_i32_0 = arith.constant 0 : i32
    %c0_i32_1 = arith.constant 0 : i32
    return %c0_i32, %c0_i32_0 : i32, i32
  }
  func.func @transform_3(%arg0: i32) -> (i32, i32, i32) {
    %c0_i32 = arith.constant 0 : i32
    %c0_i32_0 = arith.constant 0 : i32
    %c0_i32_1 = arith.constant 0 : i32
    return %c0_i32, %arg0, %c0_i32_0 : i32, i32, i32
  }
  func.func @transform_4(%arg0: i32) -> (i32, i32, i32) {
    %c0_i32 = arith.constant 0 : i32
    %c0_i32_0 = arith.constant 0 : i32
    %c0_i32_1 = arith.constant 0 : i32
    return %c0_i32, %arg0, %c0_i32_0 : i32, i32, i32
  }
}

module attributes {stable_mosaic.version = 14 : i64} {
  func.func @_node_body(%arg0: i32, %arg1: memref<1000x128xf32, #tpu.memory_space<vmem>>, %arg2: memref<1000x128xf32, #tpu.memory_space<vmem>>, %arg3: memref<1000x128xf32, #tpu.memory_space<vmem>>, %arg4: memref<1000x1xf32, #tpu.memory_space<vmem>>, %arg5: memref<1000x1xf32, #tpu.memory_space<vmem>>, %arg6: memref<2x128x128xf32, #tpu.memory_space<vmem>>, %arg7: memref<2x128x128xf32, #tpu.memory_space<vmem>>, %arg8: memref<2x1x128xf32, #tpu.memory_space<vmem>>, %arg9: memref<1000x128xf32, #tpu.memory_space<vmem>>) attributes {dimension_semantics = [#tpu.dimension_semantics<arbitrary>], iteration_bounds = array<i64: 10>, scalar_prefetch = 0 : i64, scratch_operands = 0 : i64, tpu.core_type = #tpu.core_type<tc>, window_params = [{transform_indices = @transform_0, window_bounds = array<i64: 1000, 128>}, {transform_indices = @transform_1, window_bounds = array<i64: 1000, 128>}, {transform_indices = @transform_2, window_bounds = array<i64: 1000, 128>}, {transform_indices = @transform_3, window_bounds = array<i64: 1000, 1>}, {transform_indices = @transform_4, window_bounds = array<i64: 1000, 1>}, {pipeline_mode = #tpu.pipeline_mode<synchronous>, transform_indices = @transform_5, window_bounds = array<i64: 2, 128, 128>}, {pipeline_mode = #tpu.pipeline_mode<synchronous>, transform_indices = @transform_6, window_bounds = array<i64: 2, 128, 128>}, {pipeline_mode = #tpu.pipeline_mode<synchronous>, transform_indices = @transform_7, window_bounds = array<i64: 2, 1, 128>}, {transform_indices = @transform_8, window_bounds = array<i64: 1000, 128>}]} {
    %get3A = arith.constant 0 : index
    %get3A_0 = arith.constant 0 : index
    %get3A_1 = vector.load %arg4[%get3A, %get3A_0] : memref<1000x1xf32, #tpu.memory_space<vmem>>, vector<1000x1xf32>
    %get3A_2 = arith.constant 0 : index
    %get3A_3 = arith.constant 0 : index
    %get3A_4 = vector.load %arg5[%get3A_2, %get3A_3] : memref<1000x1xf32, #tpu.memory_space<vmem>>, vector<1000x1xf32>
    %add3A = arith.addf %get3A_1, %get3A_4 : vector<1000x1xf32>
    %add3A_5 = arith.constant 9.99999971E-10 : f32
    %add3A_6 = vector.broadcast %add3A_5 : f32 to vector<1000x1xf32>
    %add3A_7 = arith.addf %add3A, %add3A_6 : vector<1000x1xf32>
    %get3A_8 = arith.constant 0 : index
    %get3A_9 = arith.constant 0 : index
    %get3A_10 = vector.load %arg2[%get3A_8, %get3A_9] : memref<1000x128xf32, #tpu.memory_space<vmem>>, vector<1000x128xf32>
    %get3A_11 = arith.constant 0 : index
    %get3A_12 = arith.constant 0 : index
    %get3A_13 = vector.load %arg3[%get3A_11, %get3A_12] : memref<1000x128xf32, #tpu.memory_space<vmem>>, vector<1000x128xf32>
    %add3A_14 = arith.addf %get3A_10, %get3A_13 : vector<1000x128xf32>
    %div3A = vector.broadcast %add3A_7 : vector<1000x1xf32> to vector<1000x128xf32>
    %div3A_15 = arith.divf %add3A_14, %div3A : vector<1000x128xf32>
    %lt3A = arith.constant 3 : i32
    %lt3A_16 = arith.cmpi slt, %arg0, %lt3A : i32
    %get3A_17 = arith.constant 0 : index
    %get3A_18 = arith.constant 0 : index
    %get3A_19 = arith.constant 0 : index
    %get3A_20 = vector.load %arg6[%get3A_17, %get3A_18, %get3A_19] : memref<2x128x128xf32, #tpu.memory_space<vmem>>, vector<1x128x128xf32>
    %get3A_21 = vector.shape_cast %get3A_20 : vector<1x128x128xf32> to vector<128x128xf32>
    %get3A_22 = arith.constant 1 : index
    %get3A_23 = arith.constant 0 : index
    %get3A_24 = arith.constant 0 : index
    %get3A_25 = vector.load %arg6[%get3A_22, %get3A_23, %get3A_24] : memref<2x128x128xf32, #tpu.memory_space<vmem>>, vector<1x128x128xf32>
    %get3A_26 = vector.shape_cast %get3A_25 : vector<1x128x128xf32> to vector<128x128xf32>
    %select_n3A = arith.select %lt3A_16, %get3A_21, %get3A_26 : vector<128x128xf32>
    %get3A_27 = arith.constant 0 : index
    %get3A_28 = arith.constant 0 : index
    %get3A_29 = arith.constant 0 : index
    %get3A_30 = vector.load %arg7[%get3A_27, %get3A_28, %get3A_29] : memref<2x128x128xf32, #tpu.memory_space<vmem>>, vector<1x128x128xf32>
    %get3A_31 = vector.shape_cast %get3A_30 : vector<1x128x128xf32> to vector<128x128xf32>
    %get3A_32 = arith.constant 1 : index
    %get3A_33 = arith.constant 0 : index
    %get3A_34 = arith.constant 0 : index
    %get3A_35 = vector.load %arg7[%get3A_32, %get3A_33, %get3A_34] : memref<2x128x128xf32, #tpu.memory_space<vmem>>, vector<1x128x128xf32>
    %get3A_36 = vector.shape_cast %get3A_35 : vector<1x128x128xf32> to vector<128x128xf32>
    %select_n3A_37 = arith.select %lt3A_16, %get3A_31, %get3A_36 : vector<128x128xf32>
    %get3A_38 = arith.constant 0 : index
    %get3A_39 = arith.constant 0 : index
    %get3A_40 = arith.constant 0 : index
    %get3A_41 = vector.load %arg8[%get3A_38, %get3A_39, %get3A_40] : memref<2x1x128xf32, #tpu.memory_space<vmem>>, vector<1x1x128xf32>
    %get3A_42 = vector.shape_cast %get3A_41 : vector<1x1x128xf32> to vector<1x128xf32>
    %get3A_43 = arith.constant 1 : index
    %get3A_44 = arith.constant 0 : index
    %get3A_45 = arith.constant 0 : index
    %get3A_46 = vector.load %arg8[%get3A_43, %get3A_44, %get3A_45] : memref<2x1x128xf32, #tpu.memory_space<vmem>>, vector<1x1x128xf32>
    %get3A_47 = vector.shape_cast %get3A_46 : vector<1x1x128xf32> to vector<1x128xf32>
    %select_n3A_48 = arith.select %lt3A_16, %get3A_42, %get3A_47 : vector<1x128xf32>
    %get3A_49 = arith.constant 0 : index
    %get3A_50 = arith.constant 0 : index
    %get3A_51 = vector.load %arg1[%get3A_49, %get3A_50] : memref<1000x128xf32, #tpu.memory_space<vmem>>, vector<1000x128xf32>
    %dot_general3A = arith.constant dense<0.000000e+00> : vector<1000x128xf32>
    %dot_general3A_52 = tpu.matmul %get3A_51, %select_n3A, %dot_general3A {dimension_numbers = #tpu.dot_dimension_numbers<[1], [0], [0], [1], [0, 0, 1, 1], [], []>, transpose_lhs_hint = false} : vector<1000x128xf32>, vector<128x128xf32>, vector<1000x128xf32> -> vector<1000x128xf32>
    %dot_general3A_53 = arith.constant dense<0.000000e+00> : vector<1000x128xf32>
    %dot_general3A_54 = tpu.matmul %div3A_15, %select_n3A_37, %dot_general3A_53 {dimension_numbers = #tpu.dot_dimension_numbers<[1], [0], [0], [1], [0, 0, 1, 1], [], []>, transpose_lhs_hint = false} : vector<1000x128xf32>, vector<128x128xf32>, vector<1000x128xf32> -> vector<1000x128xf32>
    %add3A_55 = arith.addf %dot_general3A_52, %dot_general3A_54 : vector<1000x128xf32>
    %add3A_56 = vector.broadcast %select_n3A_48 : vector<1x128xf32> to vector<1000x128xf32>
    %add3A_57 = arith.addf %add3A_55, %add3A_56 : vector<1000x128xf32>
    %max3A = arith.constant 0.000000e+00 : f32
    %max3A_58 = vector.broadcast %max3A : f32 to vector<1000x128xf32>
    %max3A_59 = arith.maximumf %add3A_57, %max3A_58 : vector<1000x128xf32>
    %swap3A = arith.constant 0 : index
    %swap3A_60 = arith.constant 0 : index
    %swap3A_61 = vector.load %arg9[%swap3A, %swap3A_60] : memref<1000x128xf32, #tpu.memory_space<vmem>>, vector<1000x128xf32>
    tpu.vector_store %arg9[%swap3A, %swap3A_60], %max3A_59 {strides = array<i32>} : memref<1000x128xf32, #tpu.memory_space<vmem>>, vector<1000x128xf32>,
    return
  }
  func.func @transform_0(%arg0: i32) -> (i32, i32) {
    %c0_i32 = arith.constant 0 : i32
    %c0_i32_0 = arith.constant 0 : i32
    return %arg0, %c0_i32 : i32, i32
  }
  func.func @transform_1(%arg0: i32) -> (i32, i32) {
    %c0_i32 = arith.constant 0 : i32
    %c0_i32_0 = arith.constant 0 : i32
    return %arg0, %c0_i32 : i32, i32
  }
  func.func @transform_2(%arg0: i32) -> (i32, i32) {
    %c0_i32 = arith.constant 0 : i32
    %c0_i32_0 = arith.constant 0 : i32
    return %arg0, %c0_i32 : i32, i32
  }
  func.func @transform_3(%arg0: i32) -> (i32, i32) {
    %c0_i32 = arith.constant 0 : i32
    %c0_i32_0 = arith.constant 0 : i32
    return %arg0, %c0_i32 : i32, i32
  }
  func.func @transform_4(%arg0: i32) -> (i32, i32) {
    %c0_i32 = arith.constant 0 : i32
    %c0_i32_0 = arith.constant 0 : i32
    return %arg0, %c0_i32 : i32, i32
  }
  func.func @transform_5(%arg0: i32) -> (i32, i32, i32) {
    %c0_i32 = arith.constant 0 : i32
    %c0_i32_0 = arith.constant 0 : i32
    %c0_i32_1 = arith.constant 0 : i32
    %c0_i32_2 = arith.constant 0 : i32
    return %c0_i32, %c0_i32_0, %c0_i32_1 : i32, i32, i32
  }
  func.func @transform_6(%arg0: i32) -> (i32, i32, i32) {
    %c0_i32 = arith.constant 0 : i32
    %c0_i32_0 = arith.constant 0 : i32
    %c0_i32_1 = arith.constant 0 : i32
    %c0_i32_2 = arith.constant 0 : i32
    return %c0_i32, %c0_i32_0, %c0_i32_1 : i32, i32, i32
  }
  func.func @transform_7(%arg0: i32) -> (i32, i32, i32) {
    %c0_i32 = arith.constant 0 : i32
    %c0_i32_0 = arith.constant 0 : i32
    %c0_i32_1 = arith.constant 0 : i32
    %c0_i32_2 = arith.constant 0 : i32
    return %c0_i32, %c0_i32_0, %c0_i32_1 : i32, i32, i32
  }
  func.func @transform_8(%arg0: i32) -> (i32, i32) {
    %c0_i32 = arith.constant 0 : i32
    %c0_i32_0 = arith.constant 0 : i32
    return %arg0, %c0_i32 : i32, i32
  }
}

</mosaic_0001>

<sc_bundles>
// kernel: kernel.5.cloned.1.call-start
scs
__scs_entry_jumppad:
0x0: {  	(pc) =	sbr.rel $0x88, $3  }
0x1: {  	(tag) =	ssettag $0x0;
	lr =	simm.s32 $0x1  }
0x2: {  	[smem:$0x3F93] =	sst lr;
	_ =	strace $0xD0000000  }
0x3: {  	_ = 	snop  }
0x4: {  	_ = 	snop  }
0x5: {  	_ = 	snop  }
0x6: {  	_ = 	snop  }
0x7: {  	_ = 	snop  }
__scs_overlays_trampoline_lowered:
0x8: {  	[smem:$0x3FA2] =	sst s0  }
0x9: {  	[smem:$0x3FA3] =	sst s1  }
0xa: {  	[smem:$0x3FA4] =	sst s2  }
0xb: {  	[smem:$0x3FA5] =	sst s3  }
0xc: {  	[smem:$0x3FA6] =	sst s4  }
0xd: {  	[smem:$0x3FA7] =	sst s5  }
0xe: {  	[smem:$0x3FA8] =	sst s6  }
0xf: {  	[smem:$0x3FA9] =	sst s7  }
0x10: {  	[smem:$0x3FAA] =	sst s8  }
0x11: {  	[smem:$0x3FAB] =	sst s9;
	s0 =	simm.s32 @!p0 $0x0  }
0x12: {  	s1 =	sld [smem:$0x3F91];
	s0 =	simm.s32 @p0 $0x1  }
0x13: {  	[smem:$0x3FAC] =	sst s0;
	s0 =	simm.s32 @!p1 $0x0  }
0x14: {  	s2 =	sld [smem:$0x3F90];
	s0 =	simm.s32 @p1 $0x1  }
0x15: {  	[smem:$0x3FAD] =	sst s0;
	s0 =	simm.s32 @!p2 $0x0  }
0x16: {  	s3 =	sld [smem:$0x3FDB];
	s0 =	simm.s32 @p2 $0x1  }
0x17: {  	s4 =	simm.s32 $0x1BF5;
	[smem:$0x3FAF] =	sst s0  }
0x18: {  	s0 =	sld [smem:$0x3F92];
	_ =	swait.ge [sflag:s4], $0x0  }
0x19: {  	s7 =	sld [smem:$0x3F93]  }
0x1a: {  	s8 =	sadd.s32 $0xFFFFE003, lr  }
0x1b: {  	s9 =	sadd.s32 $0xFFFFFEF7, lr;
	s5 =	simm.s32 $0xFFFFFFFF;
	p2 =	slt.u32 s8, $0xFFFFF086  }
0x1c: {  	p1 =	slt.u32 s9, $0xF7A;
	s5 =	simm.s32 @!p2 $0x0  }
0x1d: {  	s5 =	simm.s32 @p1 $0x1;
	p0 =	seq.s32 s7, s2  }
0x1e: {  	s7 =	smul.u32 @!p0 $0xF7A, s2;
	p2 =	seq.s32 @!p0 s5, $0x0  }
0x1f: {  	s9 =	smul.u32 $0xF7A, s1;
	s8 =	simm.s32 @!p0 $0x1BF5;
	p2 =	por !p2, p0  }
0x20: {  	[sflag:s8] =	ssyncset.s32 @!p0 $0xFFFFF086;
	s6 =	sadd.s32 @!p0 s3, s7;
	s7 =	simm.s32 @!p0 $0x108  }
0x21: {  	s3 =	sadd.s32 s3, s9;
	s6 =	sadd.s32 @!p0 $0x88, s6;
	s7 =	simm.s32 @p2 $0x1082  }
0x22: {  	[simem:s7], [sflag:s8] =	dma.local @!p0 [hbm:s6], $0xF7A  }
0x23: {  	s9 =	sor.u32 $0xD0000000, s2;
	s6 =	simm.s32 $0x108;
	_ =	swait.ge @!p0 [sflag:s8], $0x0  }
0x24: {  	s3 =	sadd.s32 $0x88, s3;
	s6 =	simm.s32 @!p1 $0x1082;
	[sflag:s4] =	ssyncset.s32 $0xFFFFF086  }
0x25: {  	[simem:s6], [sflag:s4] =	dma.local [hbm:s3], $0xF7A  }
0x26: {  	[smem:$0x3F93] =	sst s1;
	(tag) =	ssettag s2;
	_ =	strace s9  }
0x27: {  	s1 =	sld [smem:$0x3FA3]  }
0x28: {  	s2 =	sld [smem:$0x3FA4]  }
0x29: {  	s4 =	sld [smem:$0x3FA6]  }
0x2a: {  	p0 =	seq.s32 s5, $0x0;
	s5 =	sld [smem:$0x3FA7]  }
0x2b: {  	s6 =	sld [smem:$0x3FA8]  }
0x2c: {  	s7 =	sld [smem:$0x3FA9]  }
0x2d: {  	s3 =	simm.s32 $0x108;
	s8 =	sld [smem:$0x3FAA]  }
0x2e: {  	s3 =	simm.s32 @!p0 $0x1082;
	s9 =	sld [smem:$0x3FAB]  }
0x2f: {  	lr =	sadd.s32 s0, s3;
	s0 =	sld [smem:$0x3FA2]  }
0x30: {  	s3 =	sld [smem:$0x3FA5]  }
0x31: {  	[smem:$0x3FAE] =	sst s10  }
0x32: {  	s10 =	sld [smem:$0x3FAC];
	_ =	sdelay $0x3  }
0x33: {  	p0 =	seq.s32 s10, $0x1;
	s10 =	sld [smem:$0x3FAE];
	_ =	sdelay $0x3  }
0x34: {  	[smem:$0x3FAE] =	sst s10  }
0x35: {  	s10 =	sld [smem:$0x3FAD];
	_ =	sdelay $0x3  }
0x36: {  	p1 =	seq.s32 s10, $0x1;
	s10 =	sld [smem:$0x3FAE];
	_ =	sdelay $0x3  }
0x37: {  	[smem:$0x3FAE] =	sst s10  }
0x38: {  	s10 =	sld [smem:$0x3FAF]  }
0x39: {  	_ = 	snop;
	(pc) =	sbr.ind lr, $3  }
0x3a: {  	_ = 	snop  }
0x3b: {  	_ = 	snop  }
0x3c: {  	p2 =	seq.s32 s10, $0x1;
	s10 =	sld [smem:$0x3FAE]  }
0x3d: {  	_ =	shalt  }
0x3e: {  	_ =	shalt  }
0x3f: {  	_ =	shalt  }
0x40: {  	_ =	shalt  }
0x41: {  	_ =	shalt  }
0x42: {  	_ =	shalt  }
0x43: {  	_ =	shalt  }
0x44: {  	_ =	shalt  }
0x45: {  	_ =	shalt  }
0x46: {  	_ =	shalt  }
0x47: {  	_ =	shalt  }
0x48: {  	_ =	shalt  }
0x49: {  	_ =	shalt  }
0x4a: {  	_ =	shalt  }
0x4b: {  	_ =	shalt  }
0x4c: {  	_ =	shalt  }
0x4d: {  	_ =	shalt  }
0x4e: {  	_ =	shalt  }
0x4f: {  	_ =	shalt  }
0x50: {  	_ =	shalt  }
0x51: {  	_ =	shalt  }
0x52: {  	_ =	shalt  }
0x53: {  	_ =	shalt  }
0x54: {  	_ =	shalt  }
0x55: {  	_ =	shalt  }
0x56: {  	_ =	shalt  }
0x57: {  	_ =	shalt  }
0x58: {  	_ =	shalt  }
0x59: {  	_ =	shalt  }
0x5a: {  	_ =	shalt  }
0x5b: {  	_ =	shalt  }
0x5c: {  	_ =	shalt  }
0x5d: {  	_ =	shalt  }
0x5e: {  	_ =	shalt  }
0x5f: {  	_ =	shalt  }
0x60: {  	_ =	shalt  }
0x61: {  	_ =	shalt  }
0x62: {  	_ =	shalt  }
0x63: {  	_ =	shalt  }
0x64: {  	_ =	shalt  }
0x65: {  	_ =	shalt  }
0x66: {  	_ =	shalt  }
0x67: {  	_ =	shalt  }
0x68: {  	_ =	shalt  }
0x69: {  	_ =	shalt  }
0x6a: {  	_ =	shalt  }
0x6b: {  	_ =	shalt  }
0x6c: {  	_ =	shalt  }
0x6d: {  	_ =	shalt  }
0x6e: {  	_ =	shalt  }
0x6f: {  	_ =	shalt  }
0x70: {  	_ =	shalt  }
0x71: {  	_ =	shalt  }
0x72: {  	_ =	shalt  }
0x73: {  	_ =	shalt  }
0x74: {  	_ =	shalt  }
0x75: {  	_ =	shalt  }
0x76: {  	_ =	shalt  }
0x77: {  	_ =	shalt  }
0x78: {  	_ =	shalt  }
0x79: {  	_ =	shalt  }
0x7a: {  	_ =	shalt  }
0x7b: {  	_ =	shalt  }
0x7c: {  	_ =	shalt  }
0x7d: {  	_ =	shalt  }
0x7e: {  	_ =	shalt  }
0x7f: {  	_ =	shalt  }
0x80: {  	_ =	shalt  }
0x81: {  	_ =	shalt  }
0x82: {  	_ =	shalt  }
0x83: {  	_ =	shalt  }
0x84: {  	_ =	shalt  }
0x85: {  	_ =	shalt  }
0x86: {  	_ =	shalt  }
0x87: {  	_ =	shalt  }
.Lfunc_end0:
.L_simem_size_0:
called_computation_lowered:
.L_overlay_start_0:
0x88: {  	s2 =	sld [smem:$0x3FD9]  }
0x89: {  	s3 =	sld [smem:$0x3FFE];
	_ =	sdelay $0x1  }
0x8a: {  	s1 =	srdreg.scid  }
0x8b: {  	s0 =	sand.u32 $0x1, s1  }
0x8c: {  	s17 =	sshll.u32 s0, $0xA;
	s2 =	sadd.s32 s3, s2  }
0x8d: {  	s2 =	sadd.s32 s2, s17  }
0x8e: {  	[smem:$0x3FBA] =	sst s2  }
0x8f: {  	_ = 	snop  }
0x90: {  	s2 =	sld [smem:$0x3FC1]  }
0x91: {  	s18 =	sld [smem:$0x3FD0];
	(tm) =	ssettm $0x1  }
0x92: {  	s4 =	sld [smem:$0x3FFB];
	_ =	sdelay $0x3  }
0x93: {  	_ =	strace s4  }
0x94: {  	s4 =	sld [smem:$0x3FFC];
	_ =	sdelay $0x3  }
0x95: {  	_ =	strace s4  }
0x96: {  	s4 =	sld [smem:$0x3FFD];
	_ =	sdelay $0x3  }
0x97: {  	_ =	strace s4  }
0x98: {  	_ =	strace $0x8FFFFFFF  }
0x99: {  	s19 =	sld [smem:$0x3FDB];
	_ =	sdelay $0x1  }
0x9a: {  	s5 =	simm.s32 $_scs_section_size  }
0x9b: {  	s6 =	simm.s32 $_size__tile_overlayer_lowered;
	s7 =	simm.s32 $_tile_overlayer_lowered  }
0x9c: {  	s22 =	simm.s32 $0x1BFF;
	s21 =	sshll.u32 s7, $0x1;
	s4 =	sadd.s32 s5, s19  }
0x9d: {  	s8 =	simm.s32 $0x0;
	s20 =	sshll.u32 s6, $0x1;
	s6 =	sadd.s32 s21, s4  }
0x9e: {  	[timem:s8], [sflag:s22] =	dma.local [hbm:s6], s20  }
0x9f: {  	_ =	swait.ge [sflag:s22], s20  }
0xa0: {  	s5 =	ssub.s32 $0x0, s20;
	[sflag:s22] =	ssyncset.done $0x0  }
0xa1: {  	[sflag:s22] =	ssyncadd.s32 s5;
	_ =	sdelay $0x1  }
0xa2: {  	s23 =	simm.s32 $0x1B8B  }
0xa3: {  	_ =	swait.ge [sflag:s23], $0x1  }
0xa4: {  	[sflag:s23] =	ssyncset.done $0x0  }
0xa5: {  	s25 =	simm.s32 $0x1B8E;
	s24 =	sld [smem:$0x3FFE];
	[sflag:s23] =	ssyncadd.s32 $0xFFFFFFFF  }
0xa6: {  	s26 =	simm.s32 $execute0_lowered;
	[smem:$0x3FD2] =	sst s25  }
0xa7: {  	s6 =	sshll.u32 s26, $0x1;
	_ =	strace $0x80000046;
	[dreg:$0x1] =	wrdreg $0xFFFFFFFF  }
0xa8: {  	s28 =	simm.s32 $_size_execute0_lowered;
	s4 =	sadd.s32 s4, s6;
	[dreg:$0x0] =	wrdreg $0x0  }
0xa9: {  	s6 =	sshll.u32 s28, $0x1;
	[dreg:$0x2] =	wrdreg s4  }
0xaa: {  	[dreg:$0x3] =	wrdreg s6  }
0xab: {  	[dreg:$0x4] =	wrdreg $0xC0  }
0xac: {  	_ =	task [dreg:s8], $0x5FFFF  }
0xad: {  	[dreg:$0x1] =	wrdreg $0xFFFFFFFF  }
0xae: {  	[dreg:$0x0] =	wrdreg $0x60  }
0xaf: {  	[dreg:$0x2] =	wrdreg s18  }
0xb0: {  	[dreg:$0x3] =	wrdreg s24  }
0xb1: {  	[dreg:$0x4] =	wrdreg s2  }
0xb2: {  	[dreg:$0x5] =	wrdreg $0x9C800  }
0xb3: {  	[dreg:$0x6] =	wrdreg $0x1D5000  }
0xb4: {  	[dreg:$0x7] =	wrdreg $0x9  }
0xb5: {  	_ =	task.clear_ibuf [dreg:s8], $0x8FFFF;
	_ =	strace $0x90000046  }
0xb6: {  	s29 =	simm.s32 $0x9;
	_ =	strace $0x80000048  }
0xb7: {  	_ =	swait.ge [sflag:s29], $0x1  }
0xb8: {  	[sflag:s29] =	ssyncadd.s32 $0xFFFFFFFF  }
0xb9: {  	_ =	strace $0x90000048  }
0xba: {  	_ =	sfence  }
0xbb: {  	s30 =	sld [smem:$0x0];
	_ =	sdelay $0x2  }
0xbc: {  	s31 =	sshll.u32 s1, $0xD;
	s1 =	sshrl.u32 s1, $0x2  }
0xbd: {  	s3 =	sand.u32 $0x4000, s31;
	s1 =	sadd.s32 s1, s30  }
0xbe: {  	s0 =	sor.u32 s3, s0;
	s1 =	sshll.u32 s1, $0x11  }
0xbf: {  	s0 =	sor.u32 s1, s0  }
0xc0: {  	s0 =	sadd.s32 $0x8F2B, s0  }
0xc1: {  	[sflag:s0] =	ssyncadd.remote.s32 $0x1  }
0xc2: {  	_ =	sfence.sel $0xFFFF  }
0xc3: {  	[dreg:$0x0] =	wrdreg $0xFFFFFFFF;
	(pc) =	sbr.abs _section_cstart, $3  }
0xc4: {  	[dreg:$0x1] =	wrdreg $0xFFFFFFFF  }
0xc5: {  	_ =	task.clear_ibuf [dreg:s8], $0x2FFFF;
	_ =	strace $0x9FFFFFFF  }
0xc6: {  	(tm) =	ssettm $0x7FFFFFFF  }
0xc7: {  	_ =	shalt  }
tec
execute0_lowered:
.L_overlay_start_1:
0x0: {  	(tag) =	ssettag $0x1  }
0x1: {  	s0 =	rddreg [dreg:$0x0]  }
0x2: {  	s1 =	rddreg [dreg:$0x1];
	s2 =	srdreg.scid  }
0x3: {  	s4 =	rddreg [dreg:$0x3];
	s3 =	sand.u32 $0x1, s2  }
0x4: {  	s2 =	stileid.u32;
	s7 =	smul.u32 $0x138800, s3  }
0x5: {  	s5 =	rddreg [dreg:$0x4];
	s6 =	simm.s32 $0x0;
	s8 =	smul.u32 $0x1F400, s2  }
0x6: {  	s14 =	simm.s32 $0x9C40;
	s28 =	simm.s32 $0x1980;
	s13 =	smul.u32 $0x7D000, s2  }
0x7: {  	s29 =	simm.s32 $0x4300;
	s30 =	simm.s32 $0x1A00;
	s8 =	sadd.s32 s8, s7  }
0x8: {  	s31 =	simm.s32 $0x1;
	s26 =	sshrl.u32 s13, $0x2;
	s9 =	sshrl.u32 s8, $0x3  }
0x9: {  	[smem:$0x7FF] =	sst s6;
	s10 =	sadd.s32 s9, s1;
	s9 =	sadd.s32 s26, s4  }
0xa: {  	_ =	strace $0x80000047;
	s24 =	ssub.s32 $0x2, s3;
	s13 =	sadd.s32 $0x1400, s9  }
0xb: {  	s11 =	sshll.u32 s3, $0x4;
	s15 =	sadd.s32 $0x2800, s9;
	[dreg:$0x6] =	wrdreg s13  }
0xc: {  	s25 =	sshll.u32 s2, $0x1;
	s16 =	sadd.s32 $0x3C00, s9;
	[dreg:$0x7] =	wrdreg s15  }
0xd: {  	p0 =	slt.u32 s2, $0xC;
	s18 =	sadd.s32 $0x5000, s9;
	[dreg:$0x8] =	wrdreg s16  }
0xe: {  	s17 =	smul.u32 $0xFA0, s2;
	s19 =	sadd.s32 $0x6400, s9;
	[dreg:$0x9] =	wrdreg s18  }
0xf: {  	s12 =	sshrl.u32 s24, $0x1;
	s20 =	sadd.s32 $0x7800, s9;
	[dreg:$0xa] =	wrdreg s19  }
0x10: {  	s7 =	sadd.s32 $0x78200, s1;
	s21 =	sadd.s32 $0x8C00, s9;
	[dreg:$0xb] =	wrdreg s20  }
0x11: {  	s8 =	sadd.s32 $0x2E00, s1;
	s22 =	sadd.s32 $0xA000, s9;
	[dreg:$0xc] =	wrdreg s21  }
0x12: {  	s1 =	sadd.s32 s11, s1;
	s23 =	sadd.s32 $0xB400, s9;
	[dreg:$0xd] =	wrdreg s22  }
0x13: {  	s11 =	ssub.s32 s24, s12;
	s24 =	sadd.s32 $0xC800, s9;
	[dreg:$0xe] =	wrdreg s23  }
0x14: {  	s3 =	sor.u32 s3, s25;
	s25 =	sadd.s32 $0xDC00, s9;
	[dreg:$0xf] =	wrdreg s24  }
0x15: {  	p1 =	slt.u32 s2, $0x8;
	s26 =	sadd.s32 $0xF000, s9;
	[dreg:$0x10] =	wrdreg s25  }
0x16: {  	s12 =	sshrl.u32 s17, $0x2;
	s17 =	sadd.s32 $0x19000, s9;
	[dreg:$0x11] =	wrdreg s26  }
0x17: {  	s21 =	smul.u32 $0x7D00, s3;
	s3 =	sadd.s32 $0x10400, s9;
	[dreg:$0x19] =	wrdreg s17  }
0x18: {  	s22 =	sadd.s32 $0x3000, s10;
	s10 =	sadd.s32 $0x11800, s9;
	[dreg:$0x12] =	wrdreg s3  }
0x19: {  	s24 =	smax.u32 s11, $0x1;
	s11 =	sadd.s32 $0x12C00, s9;
	[dreg:$0x13] =	wrdreg s10  }
0x1a: {  	s20 =	sadd.s32 s12, s5;
	s12 =	sadd.s32 $0x14000, s9;
	[dreg:$0x14] =	wrdreg s11  }
0x1b: {  	s14 =	simm.s32 @!p0 $0xC350;
	s13 =	sadd.s32 $0x15400, s9;
	[dreg:$0x15] =	wrdreg s12  }
0x1c: {  	v0 =	vlaneseq.u32;
	p0 =	sgt.u32 s2, $0x9;
	s15 =	sadd.s32 $0x16800, s9;
	[dreg:$0x16] =	wrdreg s13  }
0x1d: {  	v0 =	vmul.u32 $0x80, v0;
	s14 =	simm.s32 @p1 $0x7530;
	s16 =	sadd.s32 $0x17C00, s9;
	[dreg:$0x17] =	wrdreg s15  }
0x1e: {  	p1 =	sne.s32 @!p0 s2, $0x0;
	s18 =	sadd.s32 $0x1A400, s9;
	[dreg:$0x18] =	wrdreg s16  }
0x1f: {  	v2 =	vimm.f32 $0.0e+00;
	v3 =	vor.u32 $0x1, v0;
	p1 =	por p1, p0;
	s19 =	sadd.s32 $0x1B800, s9;
	[dreg:$0x1a] =	wrdreg s18  }
0x20: {  	v4 =	vor.u32 $0x2, v0;
	v5 =	vor.u32 $0x3, v0;
	v6 =	vor.u32 $0x4, v0;
	s23 =	sadd.s32 $0x51200, s1;
	s25 =	sadd.s32 $0x1CC00, s9;
	[dreg:$0x1b] =	wrdreg s19  }
0x21: {  	v7 =	vor.u32 $0x5, v0;
	v8 =	vor.u32 $0x6, v0;
	v9 =	vor.u32 $0x7, v0;
	s26 =	sadd.s32 $0x1E000, s9;
	s17 =	simm.s32 $0x6B00;
	[dreg:$0x1c] =	wrdreg s25  }
0x22: {  	v10 =	vor.u32 $0x8, v0;
	v11 =	vor.u32 $0x9, v0;
	v12 =	vor.u32 $0xA, v0;
	s1 =	simm.s32 $0x1A80;
	[dreg:$0x1d] =	wrdreg s26;
	s16 =	simm.s32 $0x2  }
0x23: {  	v13 =	vor.u32 $0xB, v0;
	v14 =	vor.u32 $0xC, v0;
	v15 =	vor.u32 $0xD, v0;
	s18 =	simm.s32 $0x9300;
	s19 =	simm.s32 $0x50;
	s25 =	simm.s32 $0x1900  }
0x24: {  	v16 =	vor.u32 $0xE, v0;
	v17 =	vor.u32 $0xF, v0;
	v1 =	vmov s14;
	s26 =	simm.s32 $0x1B00;
	s3 =	simm.s32 $0x9380;
	s10 =	simm.s32 $0x0  }
.LBB2_1:
0x25: {  	s11 =	rddreg [dreg:$0x2];
	s12 =	simm.s32 $0x9B80  }
0x26: {  	[tilespmem:s12], [sflag:$0x2] =	stream.linear.gather [hbm4b:s11+s6], $0x80, $0x38;
	[tilespmem:$0x1D778] =	vst v63  }
0x27: {  	_ =	swait.ge [sflag:s16], $0x80  }
0x28: {  	[sflag:s16] =	ssyncset.done $0x0  }
0x29: {  	s15 =	simm.s32 $0x9C00;
	[sflag:s16] =	ssyncadd.s32 $0xFFFFFF80  }
0x2a: {  	[tilespmem:s15], [sflag:$0x2] =	stream.linear.gather [hbm4b:s8+s6], $0x80, $0x38;
	[tilespmem:$0x1D778] =	vst v63  }
0x2b: {  	_ =	swait.ge [sflag:s16], $0x80  }
0x2c: {  	[sflag:s16] =	ssyncset.done $0x0  }
0x2d: {  	s11 =	simm.s32 $0x0;
	s12 =	simm.s32 $0x200;
	[sflag:s16] =	ssyncadd.s32 $0xFFFFFF80  }
.LBB2_2:
0x2e: {  	p2 =	sne.s32 s12, $0x4E00;
	[tilespmem:s11+$0x6B70] =	vst v2  }
0x2f: {  	[tilespmem:s11+$0x6B00] =	vst v2  }
0x30: {  	[tilespmem:s11+$0x6B10] =	vst v2  }
.Ltmp0:
0x31: {  	[tilespmem:s11+$0x6B20] =	vst v2;
	(pc) =	sbr.rel @p2 .LBB2_2-.Ltmp0, $4  }
0x32: {  	[tilespmem:s11+$0x6B30] =	vst v2  }
0x33: {  	[tilespmem:s11+$0x6B40] =	vst v2  }
0x34: {  	[tilespmem:s11+$0x6B50] =	vst v2  }
0x35: {  	[tilespmem:s11+$0x6B60] =	vst v2;
	s11 =	sshra.s32 s12, $0x2;
	s12 =	sadd.s32 $0x200, s12  }
0x36: {  	[tilespmem:s11+$0x6B70] =	vst v2  }
0x37: {  	[tilespmem:s11+$0x6B00] =	vst v2  }
0x38: {  	[tilespmem:s11+$0x6B10] =	vst v2  }
0x39: {  	[tilespmem:s11+$0x6B20] =	vst v2  }
0x3a: {  	[tilespmem:s11+$0x6B30] =	vst v2  }
0x3b: {  	[tilespmem:s11+$0x6B40] =	vst v2  }
0x3c: {  	[tilespmem:s11+$0x6B50] =	vst v2  }
0x3d: {  	[tilespmem:s11+$0x6B60] =	vst v2  }
0x3e: {  	[tilespmem:$0x9300] =	vst v2  }
0x3f: {  	[tilespmem:$0x9310] =	vst v2  }
0x40: {  	[tilespmem:$0x9320] =	vst v2  }
0x41: {  	[tilespmem:$0x9330] =	vst v2  }
0x42: {  	[tilespmem:$0x9340] =	vst v2  }
0x43: {  	[tilespmem:$0x9380] =	vst v2  }
0x44: {  	[tilespmem:$0x9400] =	vst v2  }
0x45: {  	[tilespmem:$0x9480] =	vst v2  }
0x46: {  	[tilespmem:$0x9500] =	vst v2  }
0x47: {  	[tilespmem:$0x9580] =	vst v2  }
0x48: {  	[tilespmem:$0x9600] =	vst v2  }
0x49: {  	[tilespmem:$0x9680] =	vst v2  }
0x4a: {  	[tilespmem:$0x9700] =	vst v2  }
0x4b: {  	[tilespmem:$0x9780] =	vst v2  }
0x4c: {  	[tilespmem:$0x9800] =	vst v2  }
0x4d: {  	[tilespmem:$0x9880] =	vst v2  }
.Ltmp1:
0x4e: {  	[tilespmem:$0x9900] =	vst v2;
	(pc) =	sbr.rel @p0 .LBB2_7-.Ltmp1, $4  }
0x4f: {  	[tilespmem:$0x9980] =	vst v2  }
0x50: {  	[tilespmem:$0x9A00] =	vst v2  }
0x51: {  	[tilespmem:$0x9A80] =	vst v2  }
0x52: {  	[tilespmem:$0x9B00] =	vst v2  }
0x53: {  	[spmem:s9] =	stream.linear.scatter [tilespmem:s17], [sflag:$0x2], $0x1400, $0x38;
	[tilespmem:$0x1D778] =	vst v63  }
0x54: {  	_ =	swait.ge [sflag:s16], $0x1400  }
0x55: {  	[sflag:s16] =	ssyncset.done $0x0  }
0x56: {  	s11 =	rddreg [dreg:$0x6];
	[sflag:s16] =	ssyncadd.s32 $0xFFFFEC00  }
0x57: {  	[spmem:s11] =	stream.linear.scatter [tilespmem:s17], [sflag:$0x2], $0x1400, $0x38;
	[tilespmem:$0x1D778] =	vst v63  }
0x58: {  	_ =	swait.ge [sflag:s16], $0x1400  }
0x59: {  	[sflag:s16] =	ssyncset.done $0x0  }
0x5a: {  	s12 =	rddreg [dreg:$0x7];
	[sflag:s16] =	ssyncadd.s32 $0xFFFFEC00  }
0x5b: {  	[spmem:s12] =	stream.linear.scatter [tilespmem:s17], [sflag:$0x2], $0x1400, $0x38;
	[tilespmem:$0x1D778] =	vst v63  }
0x5c: {  	_ =	swait.ge [sflag:s16], $0x1400  }
0x5d: {  	[sflag:s16] =	ssyncset.done $0x0  }
0x5e: {  	s13 =	rddreg [dreg:$0x8];
	[sflag:s16] =	ssyncadd.s32 $0xFFFFEC00  }
0x5f: {  	[spmem:s13] =	stream.linear.scatter [tilespmem:s17], [sflag:$0x2], $0x1400, $0x38;
	[tilespmem:$0x1D778] =	vst v63  }
0x60: {  	_ =	swait.ge [sflag:s16], $0x1400  }
0x61: {  	[sflag:s16] =	ssyncset.done $0x0  }
0x62: {  	s14 =	rddreg [dreg:$0x9];
	[sflag:s16] =	ssyncadd.s32 $0xFFFFEC00  }
0x63: {  	[spmem:s14] =	stream.linear.scatter [tilespmem:s17], [sflag:$0x2], $0x1400, $0x38;
	[tilespmem:$0x1D778] =	vst v63  }
0x64: {  	_ =	swait.ge [sflag:s16], $0x1400  }
0x65: {  	[sflag:s16] =	ssyncset.done $0x0  }
0x66: {  	s15 =	rddreg [dreg:$0xa];
	[sflag:s16] =	ssyncadd.s32 $0xFFFFEC00  }
0x67: {  	[spmem:s15] =	stream.linear.scatter [tilespmem:s17], [sflag:$0x2], $0x1400, $0x38;
	[tilespmem:$0x1D778] =	vst v63  }
0x68: {  	_ =	swait.ge [sflag:s16], $0x1400  }
0x69: {  	[sflag:s16] =	ssyncset.done $0x0  }
0x6a: {  	s12 =	rddreg [dreg:$0xb];
	[sflag:s16] =	ssyncadd.s32 $0xFFFFEC00  }
0x6b: {  	[spmem:s12] =	stream.linear.scatter [tilespmem:s17], [sflag:$0x2], $0x1400, $0x38;
	[tilespmem:$0x1D778] =	vst v63  }
0x6c: {  	_ =	swait.ge [sflag:s16], $0x1400  }
0x6d: {  	[sflag:s16] =	ssyncset.done $0x0  }
0x6e: {  	s13 =	rddreg [dreg:$0xc];
	[sflag:s16] =	ssyncadd.s32 $0xFFFFEC00  }
0x6f: {  	[spmem:s13] =	stream.linear.scatter [tilespmem:s17], [sflag:$0x2], $0x1400, $0x38;
	[tilespmem:$0x1D778] =	vst v63  }
0x70: {  	_ =	swait.ge [sflag:s16], $0x1400  }
0x71: {  	[sflag:s16] =	ssyncset.done $0x0  }
0x72: {  	s14 =	rddreg [dreg:$0xd];
	[sflag:s16] =	ssyncadd.s32 $0xFFFFEC00  }
0x73: {  	[spmem:s14] =	stream.linear.scatter [tilespmem:s17], [sflag:$0x2], $0x1400, $0x38;
	[tilespmem:$0x1D778] =	vst v63  }
0x74: {  	_ =	swait.ge [sflag:s16], $0x1400  }
0x75: {  	[sflag:s16] =	ssyncset.done $0x0  }
0x76: {  	s15 =	rddreg [dreg:$0xe];
	[sflag:s16] =	ssyncadd.s32 $0xFFFFEC00  }
0x77: {  	[spmem:s15] =	stream.linear.scatter [tilespmem:s17], [sflag:$0x2], $0x1400, $0x38;
	[tilespmem:$0x1D778] =	vst v63  }
0x78: {  	_ =	swait.ge [sflag:s16], $0x1400  }
0x79: {  	[sflag:s16] =	ssyncset.done $0x0  }
0x7a: {  	s12 =	rddreg [dreg:$0xf];
	[sflag:s16] =	ssyncadd.s32 $0xFFFFEC00  }
0x7b: {  	[spmem:s12] =	stream.linear.scatter [tilespmem:s17], [sflag:$0x2], $0x1400, $0x38;
	[tilespmem:$0x1D778] =	vst v63  }
0x7c: {  	_ =	swait.ge [sflag:s16], $0x1400  }
0x7d: {  	[sflag:s16] =	ssyncset.done $0x0  }
0x7e: {  	s13 =	rddreg [dreg:$0x10];
	[sflag:s16] =	ssyncadd.s32 $0xFFFFEC00  }
0x7f: {  	[spmem:s13] =	stream.linear.scatter [tilespmem:s17], [sflag:$0x2], $0x1400, $0x38;
	[tilespmem:$0x1D778] =	vst v63  }
0x80: {  	_ =	swait.ge [sflag:s16], $0x1400  }
0x81: {  	[sflag:s16] =	ssyncset.done $0x0  }
0x82: {  	s14 =	rddreg [dreg:$0x11];
	[sflag:s16] =	ssyncadd.s32 $0xFFFFEC00  }
0x83: {  	[spmem:s14] =	stream.linear.scatter [tilespmem:s17], [sflag:$0x2], $0x1400, $0x38;
	[tilespmem:$0x1D778] =	vst v63  }
0x84: {  	_ =	swait.ge [sflag:s16], $0x1400  }
0x85: {  	[sflag:s16] =	ssyncset.done $0x0  }
0x86: {  	s15 =	rddreg [dreg:$0x12];
	[sflag:s16] =	ssyncadd.s32 $0xFFFFEC00  }
0x87: {  	[spmem:s15] =	stream.linear.scatter [tilespmem:s17], [sflag:$0x2], $0x1400, $0x38;
	[tilespmem:$0x1D778] =	vst v63  }
0x88: {  	_ =	swait.ge [sflag:s16], $0x1400  }
0x89: {  	[sflag:s16] =	ssyncset.done $0x0  }
0x8a: {  	s12 =	rddreg [dreg:$0x13];
	[sflag:s16] =	ssyncadd.s32 $0xFFFFEC00  }
0x8b: {  	[spmem:s12] =	stream.linear.scatter [tilespmem:s17], [sflag:$0x2], $0x1400, $0x38;
	[tilespmem:$0x1D778] =	vst v63  }
0x8c: {  	_ =	swait.ge [sflag:s16], $0x1400  }
0x8d: {  	[sflag:s16] =	ssyncset.done $0x0  }
0x8e: {  	s13 =	rddreg [dreg:$0x14];
	[sflag:s16] =	ssyncadd.s32 $0xFFFFEC00  }
0x8f: {  	[spmem:s13] =	stream.linear.scatter [tilespmem:s17], [sflag:$0x2], $0x1400, $0x38;
	[tilespmem:$0x1D778] =	vst v63  }
0x90: {  	_ =	swait.ge [sflag:s16], $0x1400  }
0x91: {  	[sflag:s16] =	ssyncset.done $0x0  }
0x92: {  	s14 =	rddreg [dreg:$0x15];
	[sflag:s16] =	ssyncadd.s32 $0xFFFFEC00  }
0x93: {  	[spmem:s14] =	stream.linear.scatter [tilespmem:s17], [sflag:$0x2], $0x1400, $0x38;
	[tilespmem:$0x1D778] =	vst v63  }
0x94: {  	_ =	swait.ge [sflag:s16], $0x1400  }
0x95: {  	[sflag:s16] =	ssyncset.done $0x0  }
0x96: {  	s15 =	rddreg [dreg:$0x16];
	[sflag:s16] =	ssyncadd.s32 $0xFFFFEC00  }
0x97: {  	[spmem:s15] =	stream.linear.scatter [tilespmem:s17], [sflag:$0x2], $0x1400, $0x38;
	[tilespmem:$0x1D778] =	vst v63  }
0x98: {  	_ =	swait.ge [sflag:s16], $0x1400  }
0x99: {  	[sflag:s16] =	ssyncset.done $0x0  }
0x9a: {  	s12 =	rddreg [dreg:$0x17];
	[sflag:s16] =	ssyncadd.s32 $0xFFFFEC00  }
0x9b: {  	[spmem:s12] =	stream.linear.scatter [tilespmem:s17], [sflag:$0x2], $0x1400, $0x38;
	[tilespmem:$0x1D778] =	vst v63  }
0x9c: {  	_ =	swait.ge [sflag:s16], $0x1400  }
0x9d: {  	[sflag:s16] =	ssyncset.done $0x0  }
0x9e: {  	s13 =	rddreg [dreg:$0x18];
	[sflag:s16] =	ssyncadd.s32 $0xFFFFEC00  }
0x9f: {  	[spmem:s13] =	stream.linear.scatter [tilespmem:s17], [sflag:$0x2], $0x1400, $0x38;
	[tilespmem:$0x1D778] =	vst v63  }
0xa0: {  	_ =	swait.ge [sflag:s16], $0x1400  }
0xa1: {  	[sflag:s16] =	ssyncset.done $0x0  }
0xa2: {  	s14 =	rddreg [dreg:$0x19];
	[sflag:s16] =	ssyncadd.s32 $0xFFFFEC00  }
0xa3: {  	[spmem:s14] =	stream.linear.scatter [tilespmem:s17], [sflag:$0x2], $0x1400, $0x38;
	[tilespmem:$0x1D778] =	vst v63  }
0xa4: {  	_ =	swait.ge [sflag:s16], $0x1400  }
0xa5: {  	[sflag:s16] =	ssyncset.done $0x0  }
0xa6: {  	s15 =	rddreg [dreg:$0x1a];
	[sflag:s16] =	ssyncadd.s32 $0xFFFFEC00  }
0xa7: {  	[spmem:s15] =	stream.linear.scatter [tilespmem:s17], [sflag:$0x2], $0x1400, $0x38;
	[tilespmem:$0x1D778] =	vst v63  }
0xa8: {  	_ =	swait.ge [sflag:s16], $0x1400  }
0xa9: {  	[sflag:s16] =	ssyncset.done $0x0  }
0xaa: {  	s12 =	rddreg [dreg:$0x1b];
	[sflag:s16] =	ssyncadd.s32 $0xFFFFEC00  }
0xab: {  	[spmem:s12] =	stream.linear.scatter [tilespmem:s17], [sflag:$0x2], $0x1400, $0x38;
	[tilespmem:$0x1D778] =	vst v63  }
0xac: {  	_ =	swait.ge [sflag:s16], $0x1400  }
0xad: {  	[sflag:s16] =	ssyncset.done $0x0  }
0xae: {  	s13 =	rddreg [dreg:$0x1c];
	[sflag:s16] =	ssyncadd.s32 $0xFFFFEC00  }
0xaf: {  	[spmem:s13] =	stream.linear.scatter [tilespmem:s17], [sflag:$0x2], $0x1400, $0x38;
	[tilespmem:$0x1D778] =	vst v63  }
0xb0: {  	_ =	swait.ge [sflag:s16], $0x1400  }
0xb1: {  	[sflag:s16] =	ssyncset.done $0x0  }
0xb2: {  	s14 =	rddreg [dreg:$0x1d];
	[sflag:s16] =	ssyncadd.s32 $0xFFFFEC00  }
0xb3: {  	[spmem:s14] =	stream.linear.scatter [tilespmem:s17], [sflag:$0x2], $0x1400, $0x38;
	[tilespmem:$0x1D778] =	vst v63  }
0xb4: {  	_ =	swait.ge [sflag:s16], $0x1400  }
0xb5: {  	[sflag:s16] =	ssyncset.done $0x0  }
0xb6: {  	s15 =	sadd.s32 $0x0, s20;
	[sflag:s16] =	ssyncadd.s32 $0xFFFFEC00  }
0xb7: {  	[spmem:s15] =	stream.linear.scatter [tilespmem:s18], [sflag:$0x2], $0x28, $0x38;
	[tilespmem:$0x1D778] =	vst v63  }
0xb8: {  	s11 =	simm.s32 $0xA0;
	_ =	swait.ge [sflag:s16], $0x28  }
.LBB2_5:
0xb9: {  	s12 =	sshra.s32 s11, $0x2;
	[sflag:s16] =	ssyncset.done $0x0;
	p2 =	sne.s32 s11, $0xF00  }
.Ltmp2:
0xba: {  	s12 =	sadd.s32 s12, s20;
	[sflag:s16] =	ssyncadd.s32 $0xFFFFFFD8;
	(pc) =	sbr.rel @p2 .LBB2_5-.Ltmp2, $3  }
0xbb: {  	[spmem:s12] =	stream.linear.scatter [tilespmem:s18], [sflag:$0x2], $0x28, $0x38;
	[tilespmem:$0x1D778] =	vst v63  }
0xbc: {  	s11 =	sadd.s32 $0xA0, s11;
	_ =	sdelay $0x1  }
0xbd: {  	_ =	swait.ge [sflag:s16], $0x28  }
0xbe: {  	[sflag:s16] =	ssyncset.done $0x0  }
0xbf: {  	[sflag:s16] =	ssyncadd.s32 $0xFFFFFFD8  }
.LBB2_7:
0xc0: {  	[bflag:$0x0] =	sbarrier.arrive $0xFFFF;
	s11 =	simm.s32 $0x0  }
.LBB2_8:
0xc1: {  	s12 =	smul.u32 $0x29, s11;
	_ =	sdelay $0x1  }
0xc2: {  	s12 =	sshrl.u32 s12, $0xA  }
0xc3: {  	s12 =	sand.u32 $0x3F, s12  }
0xc4: {  	s12 =	smul.u32 $0x19, s12;
	_ =	sdelay $0x1  }
0xc5: {  	s12 =	ssub.s32 s11, s12  }
0xc6: {  	s12 =	sand.u32 $0xFF, s12  }
0xc7: {  	p2 =	sne.s32 s12, $0x0  }
0xc8: {  	s13 =	sshll.u32 @!p2 s11, $0x8  }
0xc9: {  	s13 =	sadd.s32 @!p2 s21, s13  }
0xca: {  	s13 =	sshrl.u32 @!p2 s13, $0x3  }
0xcb: {  	s14 =	simm.s32 @!p2 $0x0;
	s13 =	sadd.s32 @!p2 s0, s13  }
0xcc: {  	[tilespmem:s14], [sflag:$0x2] =	stream.linear.gather @!p2 [hbm4b:s13+s14], $0x1900, $0x38;
	[tilespmem:$0x1D778] =	vst v63  }
0xcd: {  	s13 =	simm.s32 @!p2 $0x2  }
0xce: {  	_ =	swait.ge @!p2 [sflag:s13], $0x1900  }
0xcf: {  	[sflag:s13] =	ssyncset.done @!p2 $0x0  }
0xd0: {  	s12 =	sshll.u32 s12, $0x8;
	[sflag:s13] =	ssyncadd.s32 @!p2 $0xFFFFE700  }
0xd1: {  	v18 =	vld [tilespmem:s12+$0x0];
	_ =	sdelay $0x4  }
0xd2: {  	[tilespmem:$0x1900] =	vst v18  }
0xd3: {  	v18 =	vld [tilespmem:s12+$0x50];
	_ =	sdelay $0x4  }
0xd4: {  	[tilespmem:$0x1980] =	vst v18;
	v18 =	vsub.s32 v18, v1  }
0xd5: {  	[tilespmem:$0x1A80] =	vst v18  }
0xd6: {  	v18 =	vld [tilespmem:s12+$0xA0];
	_ =	sdelay $0x4  }
0xd7: {  	[tilespmem:$0x1A00] =	vst v18  }
0xd8: {  	v18 =	vld [tilespmem:s12+$0x10];
	_ =	sdelay $0x4  }
0xd9: {  	[tilespmem:$0x1910] =	vst v18  }
0xda: {  	v18 =	vld [tilespmem:s12+$0x60];
	_ =	sdelay $0x4  }
0xdb: {  	[tilespmem:$0x1990] =	vst v18;
	v18 =	vsub.s32 v18, v1  }
0xdc: {  	[tilespmem:$0x1A90] =	vst v18  }
0xdd: {  	v18 =	vld [tilespmem:s12+$0xB0];
	_ =	sdelay $0x4  }
0xde: {  	[tilespmem:$0x1A10] =	vst v18  }
0xdf: {  	v18 =	vld [tilespmem:s12+$0x20];
	_ =	sdelay $0x4  }
0xe0: {  	[tilespmem:$0x1920] =	vst v18  }
0xe1: {  	v18 =	vld [tilespmem:s12+$0x70];
	_ =	sdelay $0x4  }
0xe2: {  	[tilespmem:$0x19A0] =	vst v18;
	v18 =	vsub.s32 v18, v1  }
0xe3: {  	[tilespmem:$0x1AA0] =	vst v18  }
0xe4: {  	v18 =	vld [tilespmem:s12+$0xC0];
	_ =	sdelay $0x4  }
0xe5: {  	[tilespmem:$0x1A20] =	vst v18  }
0xe6: {  	v18 =	vld [tilespmem:s12+$0x30];
	_ =	sdelay $0x4  }
0xe7: {  	[tilespmem:$0x1930] =	vst v18  }
0xe8: {  	v18 =	vld [tilespmem:s12+$0x80];
	_ =	sdelay $0x4  }
0xe9: {  	[tilespmem:$0x19B0] =	vst v18;
	v18 =	vsub.s32 v18, v1  }
0xea: {  	[tilespmem:$0x1AB0] =	vst v18  }
0xeb: {  	v18 =	vld [tilespmem:s12+$0xD0];
	_ =	sdelay $0x4  }
0xec: {  	[tilespmem:$0x1A30] =	vst v18  }
0xed: {  	v18 =	vld [tilespmem:s12+$0x40];
	_ =	sdelay $0x4  }
0xee: {  	[tilespmem:$0x1940] =	vst v18  }
0xef: {  	v18 =	vld [tilespmem:s12+$0x90];
	_ =	sdelay $0x4  }
0xf0: {  	[tilespmem:$0x19C0] =	vst v18;
	v18 =	vsub.s32 v18, v1  }
0xf1: {  	[tilespmem:$0x1AC0] =	vst v18  }
0xf2: {  	v18 =	vld [tilespmem:s12+$0xE0];
	_ =	sdelay $0x4  }
0xf3: {  	[tilespmem:$0x1A40] =	vst v18  }
0xf4: {  	[tilespmem:s26], [sflag:$0x1] =	stream.indirect.gather [hbm4b:s7+s19], $0x80, s25, s19, $0xb8;
	[tilespmem:$0x1D778] =	vst v63  }
0xf5: {  	_ = 	snop  }
0xf6: {  	[tilespmem:s29], [sflag:$0x1] =	stream.indirect.gather [hbm4b:s7+s19], $0x80, s28, s19, $0xb8;
	[tilespmem:$0x1D778] =	vst v63  }
0xf7: {  	_ = 	snop  }
0xf8: {  	[tilespmem:s17], [sflag:$0x1] =	stream.indirect.gather [hbm4b:s7+s19], $0x80, s30, s19, $0xb8;
	[tilespmem:$0x1D778] =	vst v63  }
0xf9: {  	_ =	swait.ge [sflag:s31], $0x2800  }
0xfa: {  	[sflag:s31] =	ssyncset.done $0x0  }
0xfb: {  	[sflag:s31] =	ssyncadd.s32 $0xFFFFD800  }
0xfc: {  	_ =	swait.ge [sflag:s31], $0x2800  }
0xfd: {  	[sflag:s31] =	ssyncset.done $0x0  }
0xfe: {  	[sflag:s31] =	ssyncadd.s32 $0xFFFFD800  }
0xff: {  	_ =	swait.ge [sflag:s31], $0x2800  }
0x100: {  	[sflag:s31] =	ssyncset.done $0x0  }
0x101: {  	[sflag:s31] =	ssyncadd.s32 $0xFFFFD800  }
0x102: {  	v18 =	vld [tilespmem:$0x9B80]  }
0x103: {  	v19 =	vld [tilespmem:$0x9B90]  }
0x104: {  	v20 =	vld [tilespmem:$0x9BA0]  }
0x105: {  	v21 =	vld [tilespmem:$0x9BB0]  }
0x106: {  	v22 =	vld [tilespmem:$0x9BC0]  }
0x107: {  	v23 =	vld [tilespmem:$0x9BD0]  }
0x108: {  	v24 =	vld [tilespmem:$0x9BE0]  }
0x109: {  	v25 =	vld [tilespmem:$0x9BF0]  }
0x10a: {  	s12 =	simm.s32 $0x0;
	v26 =	vld [tilespmem:$0x9C00]  }
.LBB2_9:
0x10b: {  	s13 =	sshll.u32 s12, $0xB  }
0x10c: {  	v27 =	vld [tilespmem:s13+$0x1B00]  }
0x10d: {  	v28 =	vld [tilespmem:s13+$0x4300]  }
0x10e: {  	v29 =	vld [tilespmem:s13+$0x1B10]  }
0x10f: {  	v30 =	vld [tilespmem:s13+$0x4310]  }
0x110: {  	v31 =	vld [tilespmem:s13+$0x1B20]  }
0x111: {  	v32 =	vld [tilespmem:s13+$0x4320]  }
0x112: {  	v33 =	vld [tilespmem:s13+$0x1B30]  }
0x113: {  	v34 =	vld [tilespmem:s13+$0x4330]  }
0x114: {  	v58 =	vld [tilespmem:s13+$0x1B40];
	v27 =	vadd.f32 v28, v27;
	v57 =	vadd.f32 v30, v29  }
0x115: {  	v59 =	vld [tilespmem:s13+$0x4340]  }
0x116: {  	v60 =	vld [tilespmem:s13+$0x1B50];
	v31 =	vadd.f32 v32, v31;
	v27 =	vmax.f32 v27, $0.0e+00;
	v28 =	vmax.f32 v57, $0.0e+00  }
0x117: {  	v35 =	vld [tilespmem:s13+$0x4350];
	v27 =	vmul.f32 v27, v18;
	v28 =	vmul.f32 v28, v19  }
0x118: {  	v61 =	vld [tilespmem:s13+$0x1B60];
	v33 =	vadd.f32 v34, v33;
	v31 =	vmax.f32 v31, $0.0e+00  }
0x119: {  	v63 =	vld [tilespmem:s13+$0x4360];
	v62 =	vmul.f32 v31, v20;
	v27 =	vadd.f32 v28, v27  }
0x11a: {  	v36 =	vld [tilespmem:s13+$0x1B70];
	v29 =	vadd.f32 v59, v58;
	v33 =	vmax.f32 v33, $0.0e+00  }
0x11b: {  	v38 =	vld [tilespmem:s13+$0x4370];
	v37 =	vmul.f32 v33, v21;
	v27 =	vadd.f32 v62, v27  }
0x11c: {  	v32 =	vadd.f32 v35, v60;
	v29 =	vmax.f32 v29, $0.0e+00  }
0x11d: {  	v39 =	vmul.f32 v29, v22;
	v27 =	vadd.f32 v37, v27  }
0x11e: {  	v40 =	vmax.f32 v32, $0.0e+00;
	v31 =	vadd.f32 v63, v61  }
0x11f: {  	v41 =	vmul.f32 v40, v23;
	v27 =	vadd.f32 v39, v27  }
0x120: {  	v30 =	vadd.f32 v38, v36;
	v42 =	vmax.f32 v31, $0.0e+00  }
0x121: {  	v43 =	vmul.f32 v42, v24;
	v27 =	vadd.f32 v41, v27  }
0x122: {  	v44 =	vmax.f32 v30, $0.0e+00  }
0x123: {  	v45 =	vmul.f32 v44, v25;
	v27 =	vadd.f32 v43, v27;
	_ =	sdelay $0x1  }
0x124: {  	v27 =	vadd.f32 v45, v27;
	_ =	sdelay $0x1  }
0x125: {  	[tilespmem:$0x9380] =	vst v27  }
0x126: {  	v27 =	vld [tilespmem:s13+$0x1B80]  }
0x127: {  	v46 =	vld [tilespmem:s13+$0x4380]  }
0x128: {  	v47 =	vld [tilespmem:s13+$0x1B90]  }
0x129: {  	v48 =	vld [tilespmem:s13+$0x4390]  }
0x12a: {  	v49 =	vld [tilespmem:s13+$0x1BA0]  }
0x12b: {  	v50 =	vld [tilespmem:s13+$0x43A0]  }
0x12c: {  	v51 =	vld [tilespmem:s13+$0x1BB0]  }
0x12d: {  	v52 =	vld [tilespmem:s13+$0x43B0]  }
0x12e: {  	v54 =	vld [tilespmem:s13+$0x1BC0];
	v27 =	vadd.f32 v46, v27;
	v53 =	vadd.f32 v48, v47  }
0x12f: {  	v55 =	vld [tilespmem:s13+$0x43C0]  }
0x130: {  	v56 =	vld [tilespmem:s13+$0x1BD0];
	v31 =	vadd.f32 v50, v49;
	v27 =	vmax.f32 v27, $0.0e+00;
	v28 =	vmax.f32 v53, $0.0e+00  }
0x131: {  	v57 =	vld [tilespmem:s13+$0x43D0];
	v27 =	vmul.f32 v27, v18;
	v28 =	vmul.f32 v28, v19  }
0x132: {  	v58 =	vld [tilespmem:s13+$0x1BE0];
	v33 =	vadd.f32 v52, v51;
	v31 =	vmax.f32 v31, $0.0e+00  }
0x133: {  	v60 =	vld [tilespmem:s13+$0x43E0];
	v59 =	vmul.f32 v31, v20;
	v27 =	vadd.f32 v28, v27  }
0x134: {  	v61 =	vld [tilespmem:s13+$0x1BF0];
	v29 =	vadd.f32 v55, v54;
	v33 =	vmax.f32 v33, $0.0e+00  }
0x135: {  	v63 =	vld [tilespmem:s13+$0x43F0];
	v62 =	vmul.f32 v33, v21;
	v27 =	vadd.f32 v59, v27  }
0x136: {  	v32 =	vadd.f32 v57, v56;
	v29 =	vmax.f32 v29, $0.0e+00  }
0x137: {  	v35 =	vmul.f32 v29, v22;
	v27 =	vadd.f32 v62, v27  }
0x138: {  	v36 =	vmax.f32 v32, $0.0e+00;
	v31 =	vadd.f32 v60, v58  }
0x139: {  	v37 =	vmul.f32 v36, v23;
	v27 =	vadd.f32 v35, v27  }
0x13a: {  	v30 =	vadd.f32 v63, v61;
	v38 =	vmax.f32 v31, $0.0e+00  }
0x13b: {  	v39 =	vmul.f32 v38, v24;
	v27 =	vadd.f32 v37, v27  }
0x13c: {  	v40 =	vmax.f32 v30, $0.0e+00  }
0x13d: {  	v41 =	vmul.f32 v40, v25;
	v27 =	vadd.f32 v39, v27;
	_ =	sdelay $0x1  }
0x13e: {  	v27 =	vadd.f32 v41, v27;
	_ =	sdelay $0x1  }
0x13f: {  	[tilespmem:$0x9400] =	vst v27  }
0x140: {  	v27 =	vld [tilespmem:s13+$0x1C00]  }
0x141: {  	v42 =	vld [tilespmem:s13+$0x4400]  }
0x142: {  	v43 =	vld [tilespmem:s13+$0x1C10]  }
0x143: {  	v44 =	vld [tilespmem:s13+$0x4410]  }
0x144: {  	v45 =	vld [tilespmem:s13+$0x1C20]  }
0x145: {  	v46 =	vld [tilespmem:s13+$0x4420]  }
0x146: {  	v47 =	vld [tilespmem:s13+$0x1C30]  }
0x147: {  	v48 =	vld [tilespmem:s13+$0x4430]  }
0x148: {  	v50 =	vld [tilespmem:s13+$0x1C40];
	v27 =	vadd.f32 v42, v27;
	v49 =	vadd.f32 v44, v43  }
0x149: {  	v51 =	vld [tilespmem:s13+$0x4440]  }
0x14a: {  	v52 =	vld [tilespmem:s13+$0x1C50];
	v31 =	vadd.f32 v46, v45;
	v27 =	vmax.f32 v27, $0.0e+00;
	v28 =	vmax.f32 v49, $0.0e+00  }
0x14b: {  	v53 =	vld [tilespmem:s13+$0x4450];
	v27 =	vmul.f32 v27, v18;
	v28 =	vmul.f32 v28, v19  }
0x14c: {  	v54 =	vld [tilespmem:s13+$0x1C60];
	v33 =	vadd.f32 v48, v47;
	v31 =	vmax.f32 v31, $0.0e+00  }
0x14d: {  	v56 =	vld [tilespmem:s13+$0x4460];
	v55 =	vmul.f32 v31, v20;
	v27 =	vadd.f32 v28, v27  }
0x14e: {  	v57 =	vld [tilespmem:s13+$0x1C70];
	v29 =	vadd.f32 v51, v50;
	v33 =	vmax.f32 v33, $0.0e+00  }
0x14f: {  	v59 =	vld [tilespmem:s13+$0x4470];
	v58 =	vmul.f32 v33, v21;
	v27 =	vadd.f32 v55, v27  }
0x150: {  	v32 =	vadd.f32 v53, v52;
	v29 =	vmax.f32 v29, $0.0e+00  }
0x151: {  	v60 =	vmul.f32 v29, v22;
	v27 =	vadd.f32 v58, v27  }
0x152: {  	v61 =	vmax.f32 v32, $0.0e+00;
	v31 =	vadd.f32 v56, v54  }
0x153: {  	v62 =	vmul.f32 v61, v23;
	v27 =	vadd.f32 v60, v27  }
0x154: {  	v30 =	vadd.f32 v59, v57;
	v63 =	vmax.f32 v31, $0.0e+00  }
0x155: {  	v33 =	vmul.f32 v63, v24;
	v27 =	vadd.f32 v62, v27  }
0x156: {  	v34 =	vmax.f32 v30, $0.0e+00  }
0x157: {  	v35 =	vmul.f32 v34, v25;
	v27 =	vadd.f32 v33, v27;
	_ =	sdelay $0x1  }
0x158: {  	v27 =	vadd.f32 v35, v27;
	_ =	sdelay $0x1  }
0x159: {  	[tilespmem:$0x9480] =	vst v27  }
0x15a: {  	v27 =	vld [tilespmem:s13+$0x1C80]  }
0x15b: {  	v36 =	vld [tilespmem:s13+$0x4480]  }
0x15c: {  	v37 =	vld [tilespmem:s13+$0x1C90]  }
0x15d: {  	v38 =	vld [tilespmem:s13+$0x4490]  }
0x15e: {  	v39 =	vld [tilespmem:s13+$0x1CA0]  }
0x15f: {  	v40 =	vld [tilespmem:s13+$0x44A0]  }
0x160: {  	v41 =	vld [tilespmem:s13+$0x1CB0]  }
0x161: {  	v42 =	vld [tilespmem:s13+$0x44B0]  }
0x162: {  	v44 =	vld [tilespmem:s13+$0x1CC0];
	v27 =	vadd.f32 v36, v27;
	v43 =	vadd.f32 v38, v37  }
0x163: {  	v45 =	vld [tilespmem:s13+$0x44C0]  }
0x164: {  	v46 =	vld [tilespmem:s13+$0x1CD0];
	v31 =	vadd.f32 v40, v39;
	v27 =	vmax.f32 v27, $0.0e+00;
	v28 =	vmax.f32 v43, $0.0e+00  }
0x165: {  	v47 =	vld [tilespmem:s13+$0x44D0];
	v27 =	vmul.f32 v27, v18;
	v28 =	vmul.f32 v28, v19  }
0x166: {  	v48 =	vld [tilespmem:s13+$0x1CE0];
	v33 =	vadd.f32 v42, v41;
	v31 =	vmax.f32 v31, $0.0e+00  }
0x167: {  	v50 =	vld [tilespmem:s13+$0x44E0];
	v49 =	vmul.f32 v31, v20;
	v27 =	vadd.f32 v28, v27  }
0x168: {  	v51 =	vld [tilespmem:s13+$0x1CF0];
	v29 =	vadd.f32 v45, v44;
	v33 =	vmax.f32 v33, $0.0e+00  }
0x169: {  	v53 =	vld [tilespmem:s13+$0x44F0];
	v52 =	vmul.f32 v33, v21;
	v27 =	vadd.f32 v49, v27  }
0x16a: {  	v32 =	vadd.f32 v47, v46;
	v29 =	vmax.f32 v29, $0.0e+00  }
0x16b: {  	v54 =	vmul.f32 v29, v22;
	v27 =	vadd.f32 v52, v27  }
0x16c: {  	v55 =	vmax.f32 v32, $0.0e+00;
	v31 =	vadd.f32 v50, v48  }
0x16d: {  	v56 =	vmul.f32 v55, v23;
	v27 =	vadd.f32 v54, v27  }
0x16e: {  	v30 =	vadd.f32 v53, v51;
	v57 =	vmax.f32 v31, $0.0e+00  }
0x16f: {  	v58 =	vmul.f32 v57, v24;
	v27 =	vadd.f32 v56, v27  }
0x170: {  	v59 =	vmax.f32 v30, $0.0e+00  }
0x171: {  	v60 =	vmul.f32 v59, v25;
	v27 =	vadd.f32 v58, v27;
	_ =	sdelay $0x1  }
0x172: {  	v27 =	vadd.f32 v60, v27;
	_ =	sdelay $0x1  }
0x173: {  	[tilespmem:$0x9500] =	vst v27  }
0x174: {  	v27 =	vld [tilespmem:s13+$0x1D00]  }
0x175: {  	v61 =	vld [tilespmem:s13+$0x4500]  }
0x176: {  	v62 =	vld [tilespmem:s13+$0x1D10]  }
0x177: {  	v63 =	vld [tilespmem:s13+$0x4510]  }
0x178: {  	v36 =	vld [tilespmem:s13+$0x1D20]  }
0x179: {  	v37 =	vld [tilespmem:s13+$0x4520]  }
0x17a: {  	v38 =	vld [tilespmem:s13+$0x1D30]  }
0x17b: {  	v39 =	vld [tilespmem:s13+$0x4530]  }
0x17c: {  	v41 =	vld [tilespmem:s13+$0x1D40];
	v27 =	vadd.f32 v61, v27;
	v40 =	vadd.f32 v63, v62  }
0x17d: {  	v42 =	vld [tilespmem:s13+$0x4540]  }
0x17e: {  	v43 =	vld [tilespmem:s13+$0x1D50];
	v31 =	vadd.f32 v37, v36;
	v27 =	vmax.f32 v27, $0.0e+00;
	v28 =	vmax.f32 v40, $0.0e+00  }
0x17f: {  	v44 =	vld [tilespmem:s13+$0x4550];
	v27 =	vmul.f32 v27, v18;
	v28 =	vmul.f32 v28, v19  }
0x180: {  	v45 =	vld [tilespmem:s13+$0x1D60];
	v33 =	vadd.f32 v39, v38;
	v31 =	vmax.f32 v31, $0.0e+00  }
0x181: {  	v47 =	vld [tilespmem:s13+$0x4560];
	v46 =	vmul.f32 v31, v20;
	v27 =	vadd.f32 v28, v27  }
0x182: {  	v48 =	vld [tilespmem:s13+$0x1D70];
	v29 =	vadd.f32 v42, v41;
	v33 =	vmax.f32 v33, $0.0e+00  }
0x183: {  	v50 =	vld [tilespmem:s13+$0x4570];
	v49 =	vmul.f32 v33, v21;
	v27 =	vadd.f32 v46, v27  }
0x184: {  	v32 =	vadd.f32 v44, v43;
	v29 =	vmax.f32 v29, $0.0e+00  }
0x185: {  	v51 =	vmul.f32 v29, v22;
	v27 =	vadd.f32 v49, v27  }
0x186: {  	v52 =	vmax.f32 v32, $0.0e+00;
	v31 =	vadd.f32 v47, v45  }
0x187: {  	v53 =	vmul.f32 v52, v23;
	v27 =	vadd.f32 v51, v27  }
0x188: {  	v30 =	vadd.f32 v50, v48;
	v54 =	vmax.f32 v31, $0.0e+00  }
0x189: {  	v55 =	vmul.f32 v54, v24;
	v27 =	vadd.f32 v53, v27  }
0x18a: {  	v56 =	vmax.f32 v30, $0.0e+00  }
0x18b: {  	v57 =	vmul.f32 v56, v25;
	v27 =	vadd.f32 v55, v27;
	_ =	sdelay $0x1  }
0x18c: {  	v27 =	vadd.f32 v57, v27;
	_ =	sdelay $0x1  }
0x18d: {  	[tilespmem:$0x9580] =	vst v27  }
0x18e: {  	v27 =	vld [tilespmem:s13+$0x1D80]  }
0x18f: {  	v58 =	vld [tilespmem:s13+$0x4580]  }
0x190: {  	v59 =	vld [tilespmem:s13+$0x1D90]  }
0x191: {  	v60 =	vld [tilespmem:s13+$0x4590]  }
0x192: {  	v61 =	vld [tilespmem:s13+$0x1DA0]  }
0x193: {  	v62 =	vld [tilespmem:s13+$0x45A0]  }
0x194: {  	v63 =	vld [tilespmem:s13+$0x1DB0]  }
0x195: {  	v36 =	vld [tilespmem:s13+$0x45B0]  }
0x196: {  	v38 =	vld [tilespmem:s13+$0x1DC0];
	v27 =	vadd.f32 v58, v27;
	v37 =	vadd.f32 v60, v59  }
0x197: {  	v39 =	vld [tilespmem:s13+$0x45C0]  }
0x198: {  	v40 =	vld [tilespmem:s13+$0x1DD0];
	v31 =	vadd.f32 v62, v61;
	v27 =	vmax.f32 v27, $0.0e+00;
	v28 =	vmax.f32 v37, $0.0e+00  }
0x199: {  	v41 =	vld [tilespmem:s13+$0x45D0];
	v27 =	vmul.f32 v27, v18;
	v28 =	vmul.f32 v28, v19  }
0x19a: {  	v42 =	vld [tilespmem:s13+$0x1DE0];
	v33 =	vadd.f32 v36, v63;
	v31 =	vmax.f32 v31, $0.0e+00  }
0x19b: {  	v44 =	vld [tilespmem:s13+$0x45E0];
	v43 =	vmul.f32 v31, v20;
	v27 =	vadd.f32 v28, v27  }
0x19c: {  	v45 =	vld [tilespmem:s13+$0x1DF0];
	v29 =	vadd.f32 v39, v38;
	v33 =	vmax.f32 v33, $0.0e+00  }
0x19d: {  	v47 =	vld [tilespmem:s13+$0x45F0];
	v46 =	vmul.f32 v33, v21;
	v27 =	vadd.f32 v43, v27  }
0x19e: {  	v32 =	vadd.f32 v41, v40;
	v29 =	vmax.f32 v29, $0.0e+00  }
0x19f: {  	v48 =	vmul.f32 v29, v22;
	v27 =	vadd.f32 v46, v27  }
0x1a0: {  	v49 =	vmax.f32 v32, $0.0e+00;
	v31 =	vadd.f32 v44, v42  }
0x1a1: {  	v50 =	vmul.f32 v49, v23;
	v27 =	vadd.f32 v48, v27  }
0x1a2: {  	v30 =	vadd.f32 v47, v45;
	v51 =	vmax.f32 v31, $0.0e+00  }
0x1a3: {  	v52 =	vmul.f32 v51, v24;
	v27 =	vadd.f32 v50, v27  }
0x1a4: {  	v53 =	vmax.f32 v30, $0.0e+00  }
0x1a5: {  	v54 =	vmul.f32 v53, v25;
	v27 =	vadd.f32 v52, v27;
	_ =	sdelay $0x1  }
0x1a6: {  	v27 =	vadd.f32 v54, v27;
	_ =	sdelay $0x1  }
0x1a7: {  	[tilespmem:$0x9600] =	vst v27  }
0x1a8: {  	v27 =	vld [tilespmem:s13+$0x1E00]  }
0x1a9: {  	v55 =	vld [tilespmem:s13+$0x4600]  }
0x1aa: {  	v56 =	vld [tilespmem:s13+$0x1E10]  }
0x1ab: {  	v57 =	vld [tilespmem:s13+$0x4610]  }
0x1ac: {  	v58 =	vld [tilespmem:s13+$0x1E20]  }
0x1ad: {  	v59 =	vld [tilespmem:s13+$0x4620]  }
0x1ae: {  	v60 =	vld [tilespmem:s13+$0x1E30]  }
0x1af: {  	v61 =	vld [tilespmem:s13+$0x4630]  }
0x1b0: {  	v63 =	vld [tilespmem:s13+$0x1E40];
	v27 =	vadd.f32 v55, v27;
	v62 =	vadd.f32 v57, v56  }
0x1b1: {  	v36 =	vld [tilespmem:s13+$0x4640]  }
0x1b2: {  	v37 =	vld [tilespmem:s13+$0x1E50];
	v31 =	vadd.f32 v59, v58;
	v27 =	vmax.f32 v27, $0.0e+00;
	v28 =	vmax.f32 v62, $0.0e+00  }
0x1b3: {  	v38 =	vld [tilespmem:s13+$0x4650];
	v27 =	vmul.f32 v27, v18;
	v28 =	vmul.f32 v28, v19  }
0x1b4: {  	v39 =	vld [tilespmem:s13+$0x1E60];
	v33 =	vadd.f32 v61, v60;
	v31 =	vmax.f32 v31, $0.0e+00  }
0x1b5: {  	v41 =	vld [tilespmem:s13+$0x4660];
	v40 =	vmul.f32 v31, v20;
	v27 =	vadd.f32 v28, v27  }
0x1b6: {  	v42 =	vld [tilespmem:s13+$0x1E70];
	v29 =	vadd.f32 v36, v63;
	v33 =	vmax.f32 v33, $0.0e+00  }
0x1b7: {  	v44 =	vld [tilespmem:s13+$0x4670];
	v43 =	vmul.f32 v33, v21;
	v27 =	vadd.f32 v40, v27  }
0x1b8: {  	v32 =	vadd.f32 v38, v37;
	v29 =	vmax.f32 v29, $0.0e+00  }
0x1b9: {  	v45 =	vmul.f32 v29, v22;
	v27 =	vadd.f32 v43, v27  }
0x1ba: {  	v46 =	vmax.f32 v32, $0.0e+00;
	v31 =	vadd.f32 v41, v39  }
0x1bb: {  	v47 =	vmul.f32 v46, v23;
	v27 =	vadd.f32 v45, v27  }
0x1bc: {  	v30 =	vadd.f32 v44, v42;
	v48 =	vmax.f32 v31, $0.0e+00  }
0x1bd: {  	v49 =	vmul.f32 v48, v24;
	v27 =	vadd.f32 v47, v27  }
0x1be: {  	v50 =	vmax.f32 v30, $0.0e+00  }
0x1bf: {  	v51 =	vmul.f32 v50, v25;
	v27 =	vadd.f32 v49, v27;
	_ =	sdelay $0x1  }
0x1c0: {  	v27 =	vadd.f32 v51, v27;
	_ =	sdelay $0x1  }
0x1c1: {  	[tilespmem:$0x9680] =	vst v27  }
0x1c2: {  	v27 =	vld [tilespmem:s13+$0x1E80]  }
0x1c3: {  	v52 =	vld [tilespmem:s13+$0x4680]  }
0x1c4: {  	v53 =	vld [tilespmem:s13+$0x1E90]  }
0x1c5: {  	v54 =	vld [tilespmem:s13+$0x4690]  }
0x1c6: {  	v55 =	vld [tilespmem:s13+$0x1EA0]  }
0x1c7: {  	v56 =	vld [tilespmem:s13+$0x46A0]  }
0x1c8: {  	v57 =	vld [tilespmem:s13+$0x1EB0]  }
0x1c9: {  	v58 =	vld [tilespmem:s13+$0x46B0]  }
0x1ca: {  	v60 =	vld [tilespmem:s13+$0x1EC0];
	v27 =	vadd.f32 v52, v27;
	v59 =	vadd.f32 v54, v53  }
0x1cb: {  	v61 =	vld [tilespmem:s13+$0x46C0]  }
0x1cc: {  	v62 =	vld [tilespmem:s13+$0x1ED0];
	v31 =	vadd.f32 v56, v55;
	v27 =	vmax.f32 v27, $0.0e+00;
	v28 =	vmax.f32 v59, $0.0e+00  }
0x1cd: {  	v63 =	vld [tilespmem:s13+$0x46D0];
	v27 =	vmul.f32 v27, v18;
	v28 =	vmul.f32 v28, v19  }
0x1ce: {  	v36 =	vld [tilespmem:s13+$0x1EE0];
	v33 =	vadd.f32 v58, v57;
	v31 =	vmax.f32 v31, $0.0e+00  }
0x1cf: {  	v38 =	vld [tilespmem:s13+$0x46E0];
	v37 =	vmul.f32 v31, v20;
	v27 =	vadd.f32 v28, v27  }
0x1d0: {  	v39 =	vld [tilespmem:s13+$0x1EF0];
	v29 =	vadd.f32 v61, v60;
	v33 =	vmax.f32 v33, $0.0e+00  }
0x1d1: {  	v41 =	vld [tilespmem:s13+$0x46F0];
	v40 =	vmul.f32 v33, v21;
	v27 =	vadd.f32 v37, v27  }
0x1d2: {  	v32 =	vadd.f32 v63, v62;
	v29 =	vmax.f32 v29, $0.0e+00  }
0x1d3: {  	v42 =	vmul.f32 v29, v22;
	v27 =	vadd.f32 v40, v27  }
0x1d4: {  	v43 =	vmax.f32 v32, $0.0e+00;
	v31 =	vadd.f32 v38, v36  }
0x1d5: {  	v44 =	vmul.f32 v43, v23;
	v27 =	vadd.f32 v42, v27  }
0x1d6: {  	v30 =	vadd.f32 v41, v39;
	v45 =	vmax.f32 v31, $0.0e+00  }
0x1d7: {  	v46 =	vmul.f32 v45, v24;
	v27 =	vadd.f32 v44, v27  }
0x1d8: {  	v47 =	vmax.f32 v30, $0.0e+00  }
0x1d9: {  	v48 =	vmul.f32 v47, v25;
	v27 =	vadd.f32 v46, v27;
	_ =	sdelay $0x1  }
0x1da: {  	v27 =	vadd.f32 v48, v27;
	_ =	sdelay $0x1  }
0x1db: {  	[tilespmem:$0x9700] =	vst v27  }
0x1dc: {  	v27 =	vld [tilespmem:s13+$0x1F00]  }
0x1dd: {  	v49 =	vld [tilespmem:s13+$0x4700]  }
0x1de: {  	v50 =	vld [tilespmem:s13+$0x1F10]  }
0x1df: {  	v51 =	vld [tilespmem:s13+$0x4710]  }
0x1e0: {  	v52 =	vld [tilespmem:s13+$0x1F20]  }
0x1e1: {  	v53 =	vld [tilespmem:s13+$0x4720]  }
0x1e2: {  	v54 =	vld [tilespmem:s13+$0x1F30]  }
0x1e3: {  	v55 =	vld [tilespmem:s13+$0x4730]  }
0x1e4: {  	v57 =	vld [tilespmem:s13+$0x1F40];
	v27 =	vadd.f32 v49, v27;
	v56 =	vadd.f32 v51, v50  }
0x1e5: {  	v58 =	vld [tilespmem:s13+$0x4740]  }
0x1e6: {  	v59 =	vld [tilespmem:s13+$0x1F50];
	v31 =	vadd.f32 v53, v52;
	v27 =	vmax.f32 v27, $0.0e+00;
	v28 =	vmax.f32 v56, $0.0e+00  }
0x1e7: {  	v60 =	vld [tilespmem:s13+$0x4750];
	v27 =	vmul.f32 v27, v18;
	v28 =	vmul.f32 v28, v19  }
0x1e8: {  	v61 =	vld [tilespmem:s13+$0x1F60];
	v33 =	vadd.f32 v55, v54;
	v31 =	vmax.f32 v31, $0.0e+00  }
0x1e9: {  	v63 =	vld [tilespmem:s13+$0x4760];
	v62 =	vmul.f32 v31, v20;
	v27 =	vadd.f32 v28, v27  }
0x1ea: {  	v36 =	vld [tilespmem:s13+$0x1F70];
	v29 =	vadd.f32 v58, v57;
	v33 =	vmax.f32 v33, $0.0e+00  }
0x1eb: {  	v38 =	vld [tilespmem:s13+$0x4770];
	v37 =	vmul.f32 v33, v21;
	v27 =	vadd.f32 v62, v27  }
0x1ec: {  	v32 =	vadd.f32 v60, v59;
	v29 =	vmax.f32 v29, $0.0e+00  }
0x1ed: {  	v39 =	vmul.f32 v29, v22;
	v27 =	vadd.f32 v37, v27  }
0x1ee: {  	v40 =	vmax.f32 v32, $0.0e+00;
	v31 =	vadd.f32 v63, v61  }
0x1ef: {  	v41 =	vmul.f32 v40, v23;
	v27 =	vadd.f32 v39, v27  }
0x1f0: {  	v30 =	vadd.f32 v38, v36;
	v42 =	vmax.f32 v31, $0.0e+00  }
0x1f1: {  	v43 =	vmul.f32 v42, v24;
	v27 =	vadd.f32 v41, v27  }
0x1f2: {  	v44 =	vmax.f32 v30, $0.0e+00  }
0x1f3: {  	v45 =	vmul.f32 v44, v25;
	v27 =	vadd.f32 v43, v27;
	_ =	sdelay $0x1  }
0x1f4: {  	v27 =	vadd.f32 v45, v27;
	_ =	sdelay $0x1  }
0x1f5: {  	[tilespmem:$0x9780] =	vst v27  }
0x1f6: {  	v27 =	vld [tilespmem:s13+$0x1F80]  }
0x1f7: {  	v46 =	vld [tilespmem:s13+$0x4780]  }
0x1f8: {  	v47 =	vld [tilespmem:s13+$0x1F90]  }
0x1f9: {  	v48 =	vld [tilespmem:s13+$0x4790]  }
0x1fa: {  	v49 =	vld [tilespmem:s13+$0x1FA0]  }
0x1fb: {  	v50 =	vld [tilespmem:s13+$0x47A0]  }
0x1fc: {  	v51 =	vld [tilespmem:s13+$0x1FB0]  }
0x1fd: {  	v52 =	vld [tilespmem:s13+$0x47B0]  }
0x1fe: {  	v54 =	vld [tilespmem:s13+$0x1FC0];
	v27 =	vadd.f32 v46, v27;
	v53 =	vadd.f32 v48, v47  }
0x1ff: {  	v55 =	vld [tilespmem:s13+$0x47C0]  }
0x200: {  	v56 =	vld [tilespmem:s13+$0x1FD0];
	v31 =	vadd.f32 v50, v49;
	v27 =	vmax.f32 v27, $0.0e+00;
	v28 =	vmax.f32 v53, $0.0e+00  }
0x201: {  	v57 =	vld [tilespmem:s13+$0x47D0];
	v27 =	vmul.f32 v27, v18;
	v28 =	vmul.f32 v28, v19  }
0x202: {  	v58 =	vld [tilespmem:s13+$0x1FE0];
	v33 =	vadd.f32 v52, v51;
	v31 =	vmax.f32 v31, $0.0e+00  }
0x203: {  	v60 =	vld [tilespmem:s13+$0x47E0];
	v59 =	vmul.f32 v31, v20;
	v27 =	vadd.f32 v28, v27  }
0x204: {  	v61 =	vld [tilespmem:s13+$0x1FF0];
	v29 =	vadd.f32 v55, v54;
	v33 =	vmax.f32 v33, $0.0e+00  }
0x205: {  	v63 =	vld [tilespmem:s13+$0x47F0];
	v62 =	vmul.f32 v33, v21;
	v27 =	vadd.f32 v59, v27  }
0x206: {  	v32 =	vadd.f32 v57, v56;
	v29 =	vmax.f32 v29, $0.0e+00  }
0x207: {  	v35 =	vmul.f32 v29, v22;
	v27 =	vadd.f32 v62, v27  }
0x208: {  	v36 =	vmax.f32 v32, $0.0e+00;
	v31 =	vadd.f32 v60, v58  }
0x209: {  	v37 =	vmul.f32 v36, v23;
	v27 =	vadd.f32 v35, v27  }
0x20a: {  	v30 =	vadd.f32 v63, v61;
	v38 =	vmax.f32 v31, $0.0e+00  }
0x20b: {  	v39 =	vmul.f32 v38, v24;
	v27 =	vadd.f32 v37, v27  }
0x20c: {  	v40 =	vmax.f32 v30, $0.0e+00  }
0x20d: {  	v41 =	vmul.f32 v40, v25;
	v27 =	vadd.f32 v39, v27;
	_ =	sdelay $0x1  }
0x20e: {  	v27 =	vadd.f32 v41, v27;
	_ =	sdelay $0x1  }
0x20f: {  	[tilespmem:$0x9800] =	vst v27  }
0x210: {  	v27 =	vld [tilespmem:s13+$0x2000]  }
0x211: {  	v42 =	vld [tilespmem:s13+$0x4800]  }
0x212: {  	v43 =	vld [tilespmem:s13+$0x2010]  }
0x213: {  	v44 =	vld [tilespmem:s13+$0x4810]  }
0x214: {  	v45 =	vld [tilespmem:s13+$0x2020]  }
0x215: {  	v46 =	vld [tilespmem:s13+$0x4820]  }
0x216: {  	v47 =	vld [tilespmem:s13+$0x2030]  }
0x217: {  	v48 =	vld [tilespmem:s13+$0x4830]  }
0x218: {  	v50 =	vld [tilespmem:s13+$0x2040];
	v27 =	vadd.f32 v42, v27;
	v49 =	vadd.f32 v44, v43  }
0x219: {  	v51 =	vld [tilespmem:s13+$0x4840]  }
0x21a: {  	v52 =	vld [tilespmem:s13+$0x2050];
	v31 =	vadd.f32 v46, v45;
	v27 =	vmax.f32 v27, $0.0e+00;
	v28 =	vmax.f32 v49, $0.0e+00  }
0x21b: {  	v53 =	vld [tilespmem:s13+$0x4850];
	v27 =	vmul.f32 v27, v18;
	v28 =	vmul.f32 v28, v19  }
0x21c: {  	v54 =	vld [tilespmem:s13+$0x2060];
	v33 =	vadd.f32 v48, v47;
	v31 =	vmax.f32 v31, $0.0e+00  }
0x21d: {  	v56 =	vld [tilespmem:s13+$0x4860];
	v55 =	vmul.f32 v31, v20;
	v27 =	vadd.f32 v28, v27  }
0x21e: {  	v57 =	vld [tilespmem:s13+$0x2070];
	v29 =	vadd.f32 v51, v50;
	v33 =	vmax.f32 v33, $0.0e+00  }
0x21f: {  	v59 =	vld [tilespmem:s13+$0x4870];
	v58 =	vmul.f32 v33, v21;
	v27 =	vadd.f32 v55, v27  }
0x220: {  	v32 =	vadd.f32 v53, v52;
	v29 =	vmax.f32 v29, $0.0e+00  }
0x221: {  	v60 =	vmul.f32 v29, v22;
	v27 =	vadd.f32 v58, v27  }
0x222: {  	v61 =	vmax.f32 v32, $0.0e+00;
	v31 =	vadd.f32 v56, v54  }
0x223: {  	v62 =	vmul.f32 v61, v23;
	v27 =	vadd.f32 v60, v27  }
0x224: {  	v30 =	vadd.f32 v59, v57;
	v63 =	vmax.f32 v31, $0.0e+00  }
0x225: {  	v33 =	vmul.f32 v63, v24;
	v27 =	vadd.f32 v62, v27  }
0x226: {  	v34 =	vmax.f32 v30, $0.0e+00  }
0x227: {  	v35 =	vmul.f32 v34, v25;
	v27 =	vadd.f32 v33, v27;
	_ =	sdelay $0x1  }
0x228: {  	v27 =	vadd.f32 v35, v27;
	_ =	sdelay $0x1  }
0x229: {  	[tilespmem:$0x9880] =	vst v27  }
0x22a: {  	v27 =	vld [tilespmem:s13+$0x2080]  }
0x22b: {  	v36 =	vld [tilespmem:s13+$0x4880]  }
0x22c: {  	v37 =	vld [tilespmem:s13+$0x2090]  }
0x22d: {  	v38 =	vld [tilespmem:s13+$0x4890]  }
0x22e: {  	v39 =	vld [tilespmem:s13+$0x20A0]  }
0x22f: {  	v40 =	vld [tilespmem:s13+$0x48A0]  }
0x230: {  	v41 =	vld [tilespmem:s13+$0x20B0]  }
0x231: {  	v42 =	vld [tilespmem:s13+$0x48B0]  }
0x232: {  	v44 =	vld [tilespmem:s13+$0x20C0];
	v27 =	vadd.f32 v36, v27;
	v43 =	vadd.f32 v38, v37  }
0x233: {  	v45 =	vld [tilespmem:s13+$0x48C0]  }
0x234: {  	v46 =	vld [tilespmem:s13+$0x20D0];
	v31 =	vadd.f32 v40, v39;
	v27 =	vmax.f32 v27, $0.0e+00;
	v28 =	vmax.f32 v43, $0.0e+00  }
0x235: {  	v47 =	vld [tilespmem:s13+$0x48D0];
	v27 =	vmul.f32 v27, v18;
	v28 =	vmul.f32 v28, v19  }
0x236: {  	v48 =	vld [tilespmem:s13+$0x20E0];
	v33 =	vadd.f32 v42, v41;
	v31 =	vmax.f32 v31, $0.0e+00  }
0x237: {  	v50 =	vld [tilespmem:s13+$0x48E0];
	v49 =	vmul.f32 v31, v20;
	v27 =	vadd.f32 v28, v27  }
0x238: {  	v51 =	vld [tilespmem:s13+$0x20F0];
	v29 =	vadd.f32 v45, v44;
	v33 =	vmax.f32 v33, $0.0e+00  }
0x239: {  	v53 =	vld [tilespmem:s13+$0x48F0];
	v52 =	vmul.f32 v33, v21;
	v27 =	vadd.f32 v49, v27  }
0x23a: {  	v32 =	vadd.f32 v47, v46;
	v29 =	vmax.f32 v29, $0.0e+00  }
0x23b: {  	v54 =	vmul.f32 v29, v22;
	v27 =	vadd.f32 v52, v27  }
0x23c: {  	v55 =	vmax.f32 v32, $0.0e+00;
	v31 =	vadd.f32 v50, v48  }
0x23d: {  	v56 =	vmul.f32 v55, v23;
	v27 =	vadd.f32 v54, v27  }
0x23e: {  	v30 =	vadd.f32 v53, v51;
	v57 =	vmax.f32 v31, $0.0e+00  }
0x23f: {  	v58 =	vmul.f32 v57, v24;
	v27 =	vadd.f32 v56, v27  }
0x240: {  	v59 =	vmax.f32 v30, $0.0e+00  }
0x241: {  	v60 =	vmul.f32 v59, v25;
	v27 =	vadd.f32 v58, v27;
	_ =	sdelay $0x1  }
0x242: {  	v27 =	vadd.f32 v60, v27;
	_ =	sdelay $0x1  }
0x243: {  	[tilespmem:$0x9900] =	vst v27  }
0x244: {  	v27 =	vld [tilespmem:s13+$0x2100]  }
0x245: {  	v61 =	vld [tilespmem:s13+$0x4900]  }
0x246: {  	v62 =	vld [tilespmem:s13+$0x2110]  }
0x247: {  	v63 =	vld [tilespmem:s13+$0x4910]  }
0x248: {  	v36 =	vld [tilespmem:s13+$0x2120]  }
0x249: {  	v37 =	vld [tilespmem:s13+$0x4920]  }
0x24a: {  	v38 =	vld [tilespmem:s13+$0x2130]  }
0x24b: {  	v39 =	vld [tilespmem:s13+$0x4930]  }
0x24c: {  	v41 =	vld [tilespmem:s13+$0x2140];
	v27 =	vadd.f32 v61, v27;
	v40 =	vadd.f32 v63, v62  }
0x24d: {  	v42 =	vld [tilespmem:s13+$0x4940]  }
0x24e: {  	v43 =	vld [tilespmem:s13+$0x2150];
	v31 =	vadd.f32 v37, v36;
	v27 =	vmax.f32 v27, $0.0e+00;
	v28 =	vmax.f32 v40, $0.0e+00  }
0x24f: {  	v44 =	vld [tilespmem:s13+$0x4950];
	v27 =	vmul.f32 v27, v18;
	v28 =	vmul.f32 v28, v19  }
0x250: {  	v45 =	vld [tilespmem:s13+$0x2160];
	v33 =	vadd.f32 v39, v38;
	v31 =	vmax.f32 v31, $0.0e+00  }
0x251: {  	v47 =	vld [tilespmem:s13+$0x4960];
	v46 =	vmul.f32 v31, v20;
	v27 =	vadd.f32 v28, v27  }
0x252: {  	v48 =	vld [tilespmem:s13+$0x2170];
	v29 =	vadd.f32 v42, v41;
	v33 =	vmax.f32 v33, $0.0e+00  }
0x253: {  	v50 =	vld [tilespmem:s13+$0x4970];
	v49 =	vmul.f32 v33, v21;
	v27 =	vadd.f32 v46, v27  }
0x254: {  	v32 =	vadd.f32 v44, v43;
	v29 =	vmax.f32 v29, $0.0e+00  }
0x255: {  	v51 =	vmul.f32 v29, v22;
	v27 =	vadd.f32 v49, v27  }
0x256: {  	v52 =	vmax.f32 v32, $0.0e+00;
	v31 =	vadd.f32 v47, v45  }
0x257: {  	v53 =	vmul.f32 v52, v23;
	v27 =	vadd.f32 v51, v27  }
0x258: {  	v30 =	vadd.f32 v50, v48;
	v54 =	vmax.f32 v31, $0.0e+00  }
0x259: {  	v55 =	vmul.f32 v54, v24;
	v27 =	vadd.f32 v53, v27  }
0x25a: {  	v56 =	vmax.f32 v30, $0.0e+00  }
0x25b: {  	v57 =	vmul.f32 v56, v25;
	v27 =	vadd.f32 v55, v27;
	_ =	sdelay $0x1  }
0x25c: {  	v27 =	vadd.f32 v57, v27;
	_ =	sdelay $0x1  }
0x25d: {  	[tilespmem:$0x9980] =	vst v27  }
0x25e: {  	v27 =	vld [tilespmem:s13+$0x2180]  }
0x25f: {  	v58 =	vld [tilespmem:s13+$0x4980]  }
0x260: {  	v59 =	vld [tilespmem:s13+$0x2190]  }
0x261: {  	v60 =	vld [tilespmem:s13+$0x4990]  }
0x262: {  	v61 =	vld [tilespmem:s13+$0x21A0]  }
0x263: {  	v62 =	vld [tilespmem:s13+$0x49A0]  }
0x264: {  	v63 =	vld [tilespmem:s13+$0x21B0]  }
0x265: {  	v36 =	vld [tilespmem:s13+$0x49B0]  }
0x266: {  	v38 =	vld [tilespmem:s13+$0x21C0];
	v27 =	vadd.f32 v58, v27;
	v37 =	vadd.f32 v60, v59  }
0x267: {  	v39 =	vld [tilespmem:s13+$0x49C0]  }
0x268: {  	v40 =	vld [tilespmem:s13+$0x21D0];
	v31 =	vadd.f32 v62, v61;
	v27 =	vmax.f32 v27, $0.0e+00;
	v28 =	vmax.f32 v37, $0.0e+00  }
0x269: {  	v41 =	vld [tilespmem:s13+$0x49D0];
	v27 =	vmul.f32 v27, v18;
	v28 =	vmul.f32 v28, v19  }
0x26a: {  	v42 =	vld [tilespmem:s13+$0x21E0];
	v33 =	vadd.f32 v36, v63;
	v31 =	vmax.f32 v31, $0.0e+00  }
0x26b: {  	v44 =	vld [tilespmem:s13+$0x49E0];
	v43 =	vmul.f32 v31, v20;
	v27 =	vadd.f32 v28, v27  }
0x26c: {  	v45 =	vld [tilespmem:s13+$0x21F0];
	v29 =	vadd.f32 v39, v38;
	v33 =	vmax.f32 v33, $0.0e+00  }
0x26d: {  	v47 =	vld [tilespmem:s13+$0x49F0];
	v46 =	vmul.f32 v33, v21;
	v27 =	vadd.f32 v43, v27  }
0x26e: {  	v32 =	vadd.f32 v41, v40;
	v29 =	vmax.f32 v29, $0.0e+00  }
0x26f: {  	v48 =	vmul.f32 v29, v22;
	v27 =	vadd.f32 v46, v27  }
0x270: {  	v49 =	vmax.f32 v32, $0.0e+00;
	v31 =	vadd.f32 v44, v42  }
0x271: {  	v50 =	vmul.f32 v49, v23;
	v27 =	vadd.f32 v48, v27  }
0x272: {  	v30 =	vadd.f32 v47, v45;
	v51 =	vmax.f32 v31, $0.0e+00  }
0x273: {  	v52 =	vmul.f32 v51, v24;
	v27 =	vadd.f32 v50, v27  }
0x274: {  	v53 =	vmax.f32 v30, $0.0e+00  }
0x275: {  	v54 =	vmul.f32 v53, v25;
	v27 =	vadd.f32 v52, v27;
	_ =	sdelay $0x1  }
0x276: {  	v27 =	vadd.f32 v54, v27;
	_ =	sdelay $0x1  }
0x277: {  	[tilespmem:$0x9A00] =	vst v27  }
0x278: {  	v27 =	vld [tilespmem:s13+$0x2200]  }
0x279: {  	v55 =	vld [tilespmem:s13+$0x4A00]  }
0x27a: {  	v56 =	vld [tilespmem:s13+$0x2210]  }
0x27b: {  	v57 =	vld [tilespmem:s13+$0x4A10]  }
0x27c: {  	v58 =	vld [tilespmem:s13+$0x2220]  }
0x27d: {  	v59 =	vld [tilespmem:s13+$0x4A20]  }
0x27e: {  	v60 =	vld [tilespmem:s13+$0x2230]  }
0x27f: {  	v61 =	vld [tilespmem:s13+$0x4A30]  }
0x280: {  	v63 =	vld [tilespmem:s13+$0x2240];
	v27 =	vadd.f32 v55, v27;
	v62 =	vadd.f32 v57, v56  }
0x281: {  	v36 =	vld [tilespmem:s13+$0x4A40]  }
0x282: {  	v37 =	vld [tilespmem:s13+$0x2250];
	v31 =	vadd.f32 v59, v58;
	v27 =	vmax.f32 v27, $0.0e+00;
	v28 =	vmax.f32 v62, $0.0e+00  }
0x283: {  	v38 =	vld [tilespmem:s13+$0x4A50];
	v27 =	vmul.f32 v27, v18;
	v28 =	vmul.f32 v28, v19  }
0x284: {  	v39 =	vld [tilespmem:s13+$0x2260];
	v33 =	vadd.f32 v61, v60;
	v31 =	vmax.f32 v31, $0.0e+00  }
0x285: {  	v41 =	vld [tilespmem:s13+$0x4A60];
	v40 =	vmul.f32 v31, v20;
	v27 =	vadd.f32 v28, v27  }
0x286: {  	v42 =	vld [tilespmem:s13+$0x2270];
	v29 =	vadd.f32 v36, v63;
	v33 =	vmax.f32 v33, $0.0e+00  }
0x287: {  	v44 =	vld [tilespmem:s13+$0x4A70];
	v43 =	vmul.f32 v33, v21;
	v27 =	vadd.f32 v40, v27  }
0x288: {  	v32 =	vadd.f32 v38, v37;
	v29 =	vmax.f32 v29, $0.0e+00  }
0x289: {  	v45 =	vmul.f32 v29, v22;
	v27 =	vadd.f32 v43, v27  }
0x28a: {  	v46 =	vmax.f32 v32, $0.0e+00;
	v31 =	vadd.f32 v41, v39  }
0x28b: {  	v47 =	vmul.f32 v46, v23;
	v27 =	vadd.f32 v45, v27  }
0x28c: {  	v30 =	vadd.f32 v44, v42;
	v48 =	vmax.f32 v31, $0.0e+00  }
0x28d: {  	v49 =	vmul.f32 v48, v24;
	v27 =	vadd.f32 v47, v27  }
0x28e: {  	v50 =	vmax.f32 v30, $0.0e+00  }
0x28f: {  	v51 =	vmul.f32 v50, v25;
	v27 =	vadd.f32 v49, v27;
	_ =	sdelay $0x1  }
0x290: {  	v27 =	vadd.f32 v51, v27;
	_ =	sdelay $0x1  }
0x291: {  	[tilespmem:$0x9A80] =	vst v27  }
0x292: {  	v27 =	vld [tilespmem:s13+$0x2280]  }
0x293: {  	v52 =	vld [tilespmem:s13+$0x4A80]  }
0x294: {  	v53 =	vld [tilespmem:s13+$0x2290]  }
0x295: {  	v54 =	vld [tilespmem:s13+$0x4A90]  }
0x296: {  	v55 =	vld [tilespmem:s13+$0x22A0]  }
0x297: {  	v56 =	vld [tilespmem:s13+$0x4AA0]  }
0x298: {  	v57 =	vld [tilespmem:s13+$0x22B0]  }
0x299: {  	v58 =	vld [tilespmem:s13+$0x4AB0]  }
0x29a: {  	v60 =	vld [tilespmem:s13+$0x22C0];
	v27 =	vadd.f32 v52, v27;
	v59 =	vadd.f32 v54, v53  }
0x29b: {  	v61 =	vld [tilespmem:s13+$0x4AC0]  }
0x29c: {  	v62 =	vld [tilespmem:s13+$0x22D0];
	v31 =	vadd.f32 v56, v55;
	v27 =	vmax.f32 v27, $0.0e+00;
	v28 =	vmax.f32 v59, $0.0e+00  }
0x29d: {  	v63 =	vld [tilespmem:s13+$0x4AD0];
	v27 =	vmul.f32 v27, v18;
	v28 =	vmul.f32 v28, v19  }
0x29e: {  	v36 =	vld [tilespmem:s13+$0x22E0];
	v33 =	vadd.f32 v58, v57;
	v31 =	vmax.f32 v31, $0.0e+00  }
0x29f: {  	v38 =	vld [tilespmem:s13+$0x4AE0];
	v37 =	vmul.f32 v31, v20;
	v27 =	vadd.f32 v28, v27  }
0x2a0: {  	v39 =	vld [tilespmem:s13+$0x22F0];
	v29 =	vadd.f32 v61, v60;
	v33 =	vmax.f32 v33, $0.0e+00  }
0x2a1: {  	v41 =	vld [tilespmem:s13+$0x4AF0];
	v40 =	vmul.f32 v33, v21;
	v27 =	vadd.f32 v37, v27  }
0x2a2: {  	v32 =	vadd.f32 v63, v62;
	v29 =	vmax.f32 v29, $0.0e+00  }
0x2a3: {  	v42 =	vmul.f32 v29, v22;
	v27 =	vadd.f32 v40, v27  }
0x2a4: {  	v43 =	vadd.f32 v38, v36;
	v44 =	vmax.f32 v32, $0.0e+00  }
0x2a5: {  	v45 =	vmul.f32 v44, v23;
	v27 =	vadd.f32 v42, v27  }
0x2a6: {  	v30 =	vadd.f32 v41, v39;
	v29 =	vmax.f32 v43, $0.0e+00  }
0x2a7: {  	v46 =	vmul.f32 v29, v24;
	v27 =	vadd.f32 v45, v27  }
0x2a8: {  	v47 =	vmax.f32 v30, $0.0e+00  }
0x2a9: {  	v48 =	vmul.f32 v47, v25;
	v27 =	vadd.f32 v46, v27;
	_ =	sdelay $0x1  }
0x2aa: {  	v27 =	vadd.f32 v48, v27;
	_ =	sdelay $0x1  }
0x2ab: {  	[tilespmem:$0x9B00] =	vst v27  }
0x2ac: {  	v27 =	vld.idx.msk [tilespmem:v0+s3+$0x0], $0xffff  }
0x2ad: {  	v49 =	vld.idx.msk [tilespmem:v3+s3+$0x0], $0xffff;
	_ =	sdelay $0x1  }
0x2ae: {  	v50 =	vld.idx.msk [tilespmem:v4+s3+$0x0], $0xffff;
	_ =	sdelay $0x1  }
0x2af: {  	v51 =	vld.idx.msk [tilespmem:v5+s3+$0x0], $0xffff  }
0x2b0: {  	v27 =	vadd.f32 v49, v27  }
0x2b1: {  	v52 =	vld.idx.msk [tilespmem:v6+s3+$0x0], $0xffff  }
0x2b2: {  	v27 =	vadd.f32 v50, v27  }
0x2b3: {  	v53 =	vld.idx.msk [tilespmem:v7+s3+$0x0], $0xffff  }
0x2b4: {  	v27 =	vadd.f32 v51, v27  }
0x2b5: {  	v54 =	vld.idx.msk [tilespmem:v8+s3+$0x0], $0xffff  }
0x2b6: {  	v27 =	vadd.f32 v52, v27  }
0x2b7: {  	v55 =	vld.idx.msk [tilespmem:v9+s3+$0x0], $0xffff  }
0x2b8: {  	v27 =	vadd.f32 v53, v27  }
0x2b9: {  	v56 =	vld.idx.msk [tilespmem:v10+s3+$0x0], $0xffff  }
0x2ba: {  	v27 =	vadd.f32 v54, v27  }
0x2bb: {  	v57 =	vld.idx.msk [tilespmem:v11+s3+$0x0], $0xffff  }
0x2bc: {  	v27 =	vadd.f32 v55, v27  }
0x2bd: {  	v58 =	vld.idx.msk [tilespmem:v12+s3+$0x0], $0xffff  }
0x2be: {  	v27 =	vadd.f32 v56, v27  }
0x2bf: {  	v59 =	vld.idx.msk [tilespmem:v13+s3+$0x0], $0xffff  }
0x2c0: {  	v27 =	vadd.f32 v57, v27  }
0x2c1: {  	v60 =	vld.idx.msk [tilespmem:v14+s3+$0x0], $0xffff  }
0x2c2: {  	v27 =	vadd.f32 v58, v27  }
0x2c3: {  	v61 =	vld.idx.msk [tilespmem:v15+s3+$0x0], $0xffff  }
0x2c4: {  	v27 =	vadd.f32 v59, v27  }
0x2c5: {  	v62 =	vld.idx.msk [tilespmem:v16+s3+$0x0], $0xffff  }
0x2c6: {  	v27 =	vadd.f32 v60, v27  }
0x2c7: {  	v63 =	vld.idx.msk [tilespmem:v17+s3+$0x0], $0xffff  }
0x2c8: {  	v27 =	vadd.f32 v61, v27;
	_ =	sdelay $0x1  }
0x2c9: {  	v27 =	vadd.f32 v62, v27;
	_ =	sdelay $0x1  }
0x2ca: {  	v27 =	vadd.f32 v63, v27;
	_ =	sdelay $0x1  }
0x2cb: {  	v27 =	vadd.f32 v27, v26;
	_ =	sdelay $0x1  }
0x2cc: {  	v27 =	vmul.f32 $1.442695020e+00, v27;
	_ =	sdelay $0x1  }
0x2cd: {  	(erf) = vpow2.f32 v27;
	_ =	sdelay $0x4  }
0x2ce: {  	p2 =	sne.s32 s12, $0x4  }
.Ltmp3:
0x2cf: {  	_ = 	snop;
	(pc) =	sbr.rel @p2 .LBB2_9-.Ltmp3, $4  }
0x2d0: {  	_ = 	snop  }
0x2d1: {  	s15 =	sshll.u32 s12, $0x4  }
0x2d2: {  	s13 =	sand.u32 $0x3FFFFFF0, s15;
	v27 =	vpop (erf)  }
0x2d3: {  	s12 =	sadd.s32 $0x1, s12;
	[tilespmem:s13+$0x9300] =	vst v27  }
0x2d4: {  	s12 =	simm.s32 $0x0  }
0x2d5: {  	s13 =	simm.s32 $0x0;
	s12 =	sand.u32 $0x3FFFFFF0, s12  }
0x2d6: {  	v18 =	vld [tilespmem:s12+$0x9300];
	s12 =	sand.u32 $0x3FFFF800, s13  }
0x2d7: {  	v24 =	vld [tilespmem:s12+$0x6BC0]  }
0x2d8: {  	v20 =	vld [tilespmem:s12+$0x6B20]  }
0x2d9: {  	v21 =	vld [tilespmem:s12+$0x6B30]  }
0x2da: {  	v27 =	vld [tilespmem:s12+$0x6B60]  }
0x2db: {  	v28 =	vld [tilespmem:s12+$0x6B70];
	v19 =	vbroadcast v18, $0x0  }
0x2dc: {  	v29 =	vld [tilespmem:s12+$0x6B80]  }
0x2dd: {  	v30 =	vld [tilespmem:s12+$0x6B90];
	v20 =	vmul.f32 v20, v19  }
0x2de: {  	v31 =	vld [tilespmem:s12+$0x6BA0];
	v21 =	vmul.f32 v21, v19  }
0x2df: {  	v26 =	vld [tilespmem:s12+$0x6BB0];
	v51 =	vbroadcast v18, $0x1;
	v50 =	vmul.f32 v27, v19;
	[tilespmem:s12+$0x6B20] =	vst v20  }
0x2e0: {  	v25 =	vld [tilespmem:s12+$0x6BD0];
	v28 =	vmul.f32 v28, v19;
	[tilespmem:s12+$0x6B30] =	vst v21  }
0x2e1: {  	v23 =	vld [tilespmem:s12+$0x7070];
	v29 =	vmul.f32 v29, v51;
	[tilespmem:s12+$0x6B60] =	vst v50  }
0x2e2: {  	v53 =	vld [tilespmem:s12+$0x6BF0];
	v30 =	vmul.f32 v30, v51;
	[tilespmem:s12+$0x6B70] =	vst v28  }
0x2e3: {  	v54 =	vld [tilespmem:s12+$0x6C00];
	v31 =	vmul.f32 v31, v51;
	[tilespmem:s12+$0x6B80] =	vst v29  }
0x2e4: {  	v55 =	vld [tilespmem:s12+$0x6C10];
	v26 =	vmul.f32 v26, v51;
	[tilespmem:s12+$0x6B90] =	vst v30  }
0x2e5: {  	v52 =	vld [tilespmem:s12+$0x6BE0];
	v24 =	vmul.f32 v24, v51;
	[tilespmem:s12+$0x6BA0] =	vst v31  }
0x2e6: {  	v56 =	vld [tilespmem:s12+$0x6C20];
	v32 =	vbroadcast v18, $0x2;
	v25 =	vmul.f32 v25, v51;
	[tilespmem:s12+$0x6BB0] =	vst v26  }
0x2e7: {  	v57 =	vld [tilespmem:s12+$0x6C30];
	v27 =	vmul.f32 v53, v51;
	[tilespmem:s12+$0x6BC0] =	vst v24  }
0x2e8: {  	v58 =	vld [tilespmem:s12+$0x6C40];
	v22 =	vbroadcast v18, $0xA;
	v60 =	vmul.f32 v54, v32;
	[tilespmem:s12+$0x6BD0] =	vst v25  }
0x2e9: {  	v59 =	vld [tilespmem:s12+$0x6C50];
	v62 =	vmul.f32 v55, v32;
	[tilespmem:s12+$0x6BF0] =	vst v27  }
0x2ea: {  	v61 =	vld [tilespmem:s12+$0x6C60];
	v20 =	vmul.f32 v23, v22;
	[tilespmem:s12+$0x6C00] =	vst v60  }
0x2eb: {  	v63 =	vld [tilespmem:s12+$0x6C70];
	v28 =	vmul.f32 v52, v51;
	[tilespmem:s12+$0x6C10] =	vst v62  }
0x2ec: {  	v33 =	vld [tilespmem:s12+$0x6C80];
	v26 =	vmul.f32 v56, v32;
	[tilespmem:s12+$0x7070] =	vst v20  }
0x2ed: {  	v34 =	vld [tilespmem:s12+$0x6C90];
	v24 =	vmul.f32 v57, v32;
	[tilespmem:s12+$0x6BE0] =	vst v28  }
0x2ee: {  	v35 =	vld [tilespmem:s12+$0x6CA0];
	v25 =	vmul.f32 v58, v32;
	[tilespmem:s12+$0x6C20] =	vst v26  }
0x2ef: {  	v36 =	vld [tilespmem:s12+$0x6CB0];
	v38 =	vbroadcast v18, $0x3;
	v27 =	vmul.f32 v61, v32;
	[tilespmem:s12+$0x6C30] =	vst v24  }
0x2f0: {  	v37 =	vld [tilespmem:s12+$0x6CC0];
	v29 =	vmul.f32 v63, v32;
	[tilespmem:s12+$0x6C40] =	vst v25  }
0x2f1: {  	v39 =	vld [tilespmem:s12+$0x6CD0];
	v30 =	vmul.f32 v33, v38;
	[tilespmem:s12+$0x6C60] =	vst v27  }
0x2f2: {  	v40 =	vld [tilespmem:s12+$0x6CE0];
	v28 =	vmul.f32 v59, v32;
	[tilespmem:s12+$0x6C70] =	vst v29  }
0x2f3: {  	v41 =	vld [tilespmem:s12+$0x6CF0];
	v26 =	vmul.f32 v34, v38;
	[tilespmem:s12+$0x6C80] =	vst v30  }
0x2f4: {  	v42 =	vld [tilespmem:s12+$0x6D00];
	v24 =	vmul.f32 v35, v38;
	[tilespmem:s12+$0x6C50] =	vst v28  }
0x2f5: {  	v43 =	vld [tilespmem:s12+$0x6D10];
	v25 =	vmul.f32 v36, v38;
	[tilespmem:s12+$0x6C90] =	vst v26  }
0x2f6: {  	v44 =	vld [tilespmem:s12+$0x6D20];
	v27 =	vmul.f32 v39, v38;
	[tilespmem:s12+$0x6CA0] =	vst v24  }
0x2f7: {  	v45 =	vld [tilespmem:s12+$0x6D30];
	v29 =	vmul.f32 v40, v38;
	[tilespmem:s12+$0x6CB0] =	vst v25  }
0x2f8: {  	v46 =	vld [tilespmem:s12+$0x6D40];
	v47 =	vbroadcast v18, $0x4;
	v30 =	vmul.f32 v41, v38;
	[tilespmem:s12+$0x6CD0] =	vst v27  }
0x2f9: {  	v48 =	vld [tilespmem:s12+$0x6D50];
	v28 =	vmul.f32 v37, v38;
	[tilespmem:s12+$0x6CE0] =	vst v29  }
0x2fa: {  	v49 =	vld [tilespmem:s12+$0x6D60];
	v26 =	vmul.f32 v42, v47;
	[tilespmem:s12+$0x6CF0] =	vst v30  }
0x2fb: {  	v53 =	vld [tilespmem:s12+$0x6DA0];
	v24 =	vmul.f32 v43, v47;
	[tilespmem:s12+$0x6CC0] =	vst v28  }
0x2fc: {  	v50 =	vld [tilespmem:s12+$0x6D70];
	v25 =	vmul.f32 v44, v47;
	[tilespmem:s12+$0x6D00] =	vst v26  }
0x2fd: {  	v51 =	vld [tilespmem:s12+$0x6D80];
	v27 =	vmul.f32 v46, v47;
	[tilespmem:s12+$0x6D10] =	vst v24  }
0x2fe: {  	v52 =	vld [tilespmem:s12+$0x6D90];
	v29 =	vmul.f32 v48, v47;
	[tilespmem:s12+$0x6D20] =	vst v25  }
0x2ff: {  	v54 =	vld [tilespmem:s12+$0x6DB0];
	v30 =	vmul.f32 v49, v47;
	[tilespmem:s12+$0x6D40] =	vst v27  }
0x300: {  	v55 =	vld [tilespmem:s12+$0x6DC0];
	v56 =	vbroadcast v18, $0x5;
	v28 =	vmul.f32 v45, v47;
	[tilespmem:s12+$0x6D50] =	vst v29  }
0x301: {  	v57 =	vld [tilespmem:s12+$0x6DD0];
	v26 =	vmul.f32 v50, v47;
	[tilespmem:s12+$0x6D60] =	vst v30  }
0x302: {  	v21 =	vld [tilespmem:s12+$0x7080];
	v24 =	vmul.f32 v51, v56;
	[tilespmem:s12+$0x6D30] =	vst v28  }
0x303: {  	v58 =	vld [tilespmem:s12+$0x6DE0];
	v25 =	vmul.f32 v52, v56;
	[tilespmem:s12+$0x6D70] =	vst v26  }
0x304: {  	v59 =	vld [tilespmem:s12+$0x6DF0];
	v27 =	vmul.f32 v54, v56;
	[tilespmem:s12+$0x6D80] =	vst v24  }
0x305: {  	v60 =	vld [tilespmem:s12+$0x6E00];
	v29 =	vmul.f32 v55, v56;
	[tilespmem:s12+$0x6D90] =	vst v25  }
0x306: {  	v62 =	vld [tilespmem:s12+$0x6E20];
	v30 =	vmul.f32 v57, v56;
	[tilespmem:s12+$0x6DB0] =	vst v27  }
0x307: {  	v63 =	vld [tilespmem:s12+$0x6E30];
	v28 =	vmul.f32 v53, v56;
	[tilespmem:s12+$0x6DC0] =	vst v29  }
0x308: {  	v36 =	vld [tilespmem:s12+$0x6E40];
	v37 =	vbroadcast v18, $0x6;
	v26 =	vmul.f32 v58, v56;
	[tilespmem:s12+$0x6DD0] =	vst v30  }
0x309: {  	v61 =	vld [tilespmem:s12+$0x6E10];
	v24 =	vmul.f32 v59, v56;
	[tilespmem:s12+$0x6DA0] =	vst v28  }
0x30a: {  	v38 =	vld [tilespmem:s12+$0x6E50];
	v25 =	vmul.f32 v60, v37;
	[tilespmem:s12+$0x6DE0] =	vst v26  }
0x30b: {  	v39 =	vld [tilespmem:s12+$0x6E60];
	v27 =	vmul.f32 v62, v37;
	[tilespmem:s12+$0x6DF0] =	vst v24  }
0x30c: {  	v40 =	vld [tilespmem:s12+$0x6E70];
	v29 =	vmul.f32 v63, v37;
	[tilespmem:s12+$0x6E00] =	vst v25  }
0x30d: {  	v42 =	vld [tilespmem:s12+$0x6E90];
	v30 =	vmul.f32 v36, v37;
	[tilespmem:s12+$0x6E20] =	vst v27  }
0x30e: {  	v43 =	vld [tilespmem:s12+$0x6EA0];
	v28 =	vmul.f32 v61, v37;
	[tilespmem:s12+$0x6E30] =	vst v29  }
0x30f: {  	v44 =	vld [tilespmem:s12+$0x6EB0];
	v26 =	vmul.f32 v38, v37;
	[tilespmem:s12+$0x6E40] =	vst v30  }
0x310: {  	v41 =	vld [tilespmem:s12+$0x6E80];
	v46 =	vbroadcast v18, $0x7;
	v24 =	vmul.f32 v39, v37;
	[tilespmem:s12+$0x6E10] =	vst v28  }
0x311: {  	v45 =	vld [tilespmem:s12+$0x6EC0];
	v25 =	vmul.f32 v40, v37;
	[tilespmem:s12+$0x6E50] =	vst v26  }
0x312: {  	v47 =	vld [tilespmem:s12+$0x6ED0];
	v27 =	vmul.f32 v42, v46;
	[tilespmem:s12+$0x6E60] =	vst v24  }
0x313: {  	v48 =	vld [tilespmem:s12+$0x6EE0];
	v29 =	vmul.f32 v43, v46;
	[tilespmem:s12+$0x6E70] =	vst v25  }
0x314: {  	v50 =	vld [tilespmem:s12+$0x6F00];
	v30 =	vmul.f32 v44, v46;
	[tilespmem:s12+$0x6E90] =	vst v27  }
0x315: {  	v51 =	vld [tilespmem:s12+$0x6F10];
	v28 =	vmul.f32 v41, v46;
	[tilespmem:s12+$0x6EA0] =	vst v29  }
0x316: {  	v52 =	vld [tilespmem:s12+$0x6F20];
	v26 =	vmul.f32 v45, v46;
	[tilespmem:s12+$0x6EB0] =	vst v30  }
0x317: {  	v49 =	vld [tilespmem:s12+$0x6EF0];
	v55 =	vbroadcast v18, $0x8;
	v24 =	vmul.f32 v47, v46;
	[tilespmem:s12+$0x6E80] =	vst v28  }
0x318: {  	v53 =	vld [tilespmem:s12+$0x6F30];
	v25 =	vmul.f32 v48, v46;
	[tilespmem:s12+$0x6EC0] =	vst v26  }
0x319: {  	v54 =	vld [tilespmem:s12+$0x6F40];
	v27 =	vmul.f32 v50, v55;
	[tilespmem:s12+$0x6ED0] =	vst v24  }
0x31a: {  	v56 =	vld [tilespmem:s12+$0x6F50];
	v29 =	vmul.f32 v51, v55;
	[tilespmem:s12+$0x6EE0] =	vst v25  }
0x31b: {  	v58 =	vld [tilespmem:s12+$0x6F70];
	v30 =	vmul.f32 v52, v55;
	[tilespmem:s12+$0x6F00] =	vst v27  }
0x31c: {  	v59 =	vld [tilespmem:s12+$0x6F80];
	v28 =	vmul.f32 v49, v46;
	[tilespmem:s12+$0x6F10] =	vst v29  }
0x31d: {  	v60 =	vld [tilespmem:s12+$0x6F90];
	v26 =	vmul.f32 v53, v55;
	[tilespmem:s12+$0x6F20] =	vst v30  }
0x31e: {  	v37 =	vld [tilespmem:s12+$0x7000];
	v24 =	vmul.f32 v54, v55;
	[tilespmem:s12+$0x6EF0] =	vst v28  }
0x31f: {  	v33 =	vbroadcast v18, $0x9;
	v42 =	vld [tilespmem:s12+$0x7050];
	v25 =	vmul.f32 v56, v55;
	[tilespmem:s12+$0x6F30] =	vst v26  }
0x320: {  	v57 =	vld [tilespmem:s12+$0x6F60];
	v27 =	vmul.f32 v58, v55;
	[tilespmem:s12+$0x6F40] =	vst v24  }
0x321: {  	v61 =	vld [tilespmem:s12+$0x6FA0];
	v29 =	vmul.f32 v59, v33;
	[tilespmem:s12+$0x6F50] =	vst v25  }
0x322: {  	v62 =	vld [tilespmem:s12+$0x6FB0];
	v30 =	vmul.f32 v60, v33;
	[tilespmem:s12+$0x6F70] =	vst v27  }
0x323: {  	v63 =	vld [tilespmem:s12+$0x6FC0];
	v43 =	vmul.f32 v37, v22;
	[tilespmem:s12+$0x6F80] =	vst v29  }
0x324: {  	v35 =	vld [tilespmem:s12+$0x6FE0];
	v50 =	vmul.f32 v42, v22;
	[tilespmem:s12+$0x6F90] =	vst v30  }
0x325: {  	v36 =	vld [tilespmem:s12+$0x6FF0];
	v28 =	vmul.f32 v57, v55;
	[tilespmem:s12+$0x7000] =	vst v43  }
0x326: {  	v23 =	vld [tilespmem:s12+$0x7090];
	v26 =	vmul.f32 v61, v33;
	[tilespmem:s12+$0x7050] =	vst v50  }
0x327: {  	v20 =	vld [tilespmem:s12+$0x72D0];
	v24 =	vmul.f32 v62, v33;
	[tilespmem:s12+$0x6F60] =	vst v28  }
0x328: {  	v41 =	vld [tilespmem:s12+$0x7040];
	v25 =	vmul.f32 v63, v33;
	[tilespmem:s12+$0x6FA0] =	vst v26  }
0x329: {  	v45 =	vld [tilespmem:s12+$0x6B00];
	v53 =	vbroadcast v18, $0xB;
	v27 =	vmul.f32 v35, v33;
	[tilespmem:s12+$0x6FB0] =	vst v24  }
0x32a: {  	v34 =	vld [tilespmem:s12+$0x6FD0];
	v29 =	vmul.f32 v36, v33;
	[tilespmem:s12+$0x6FC0] =	vst v25  }
0x32b: {  	v38 =	vld [tilespmem:s12+$0x7010];
	v21 =	vmul.f32 v21, v53;
	[tilespmem:s12+$0x6FE0] =	vst v27  }
0x32c: {  	v39 =	vld [tilespmem:s12+$0x7020];
	v23 =	vmul.f32 v23, v53;
	[tilespmem:s12+$0x6FF0] =	vst v29  }
0x32d: {  	v40 =	vld [tilespmem:s12+$0x7030];
	v48 =	vmul.f32 v41, v22;
	[tilespmem:s12+$0x7080] =	vst v21  }
0x32e: {  	v44 =	vld [tilespmem:s12+$0x7060];
	v54 =	vmul.f32 v19, v45;
	[tilespmem:s12+$0x7090] =	vst v23  }
0x32f: {  	v46 =	vld [tilespmem:s12+$0x6B10];
	v28 =	vmul.f32 v34, v33;
	[tilespmem:s12+$0x7040] =	vst v48  }
0x330: {  	v56 =	vld [tilespmem:s12+$0x70D0];
	v26 =	vmul.f32 v38, v22;
	[tilespmem:s12+$0x6B00] =	vst v54  }
0x331: {  	v59 =	vld [tilespmem:s12+$0x7100];
	v24 =	vmul.f32 v39, v22;
	[tilespmem:s12+$0x6FD0] =	vst v28  }
0x332: {  	v58 =	vld [tilespmem:s12+$0x70F0];
	v25 =	vmul.f32 v40, v22;
	[tilespmem:s12+$0x7010] =	vst v26  }
0x333: {  	v47 =	vld [tilespmem:s12+$0x6B40];
	v22 =	vmul.f32 v44, v22;
	[tilespmem:s12+$0x7020] =	vst v24  }
0x334: {  	v51 =	vld [tilespmem:s12+$0x70A0];
	v30 =	vbroadcast v18, $0xC;
	v29 =	vmul.f32 v46, v19;
	[tilespmem:s12+$0x7030] =	vst v25  }
0x335: {  	v52 =	vld [tilespmem:s12+$0x70B0];
	v61 =	vmul.f32 v56, v53;
	[tilespmem:s12+$0x7060] =	vst v22  }
0x336: {  	v60 =	vld [tilespmem:s12+$0x7110];
	v21 =	vbroadcast v18, $0xF;
	v32 =	vmul.f32 v59, v30;
	[tilespmem:s12+$0x6B10] =	vst v29  }
0x337: {  	v55 =	vld [tilespmem:s12+$0x70C0];
	v23 =	vmul.f32 v58, v53;
	[tilespmem:s12+$0x70D0] =	vst v61  }
0x338: {  	v57 =	vld [tilespmem:s12+$0x70E0];
	v20 =	vmul.f32 v20, v21;
	[tilespmem:s12+$0x7100] =	vst v32  }
0x339: {  	v63 =	vld [tilespmem:s12+$0x7140];
	v24 =	vmul.f32 v51, v53;
	[tilespmem:s12+$0x70F0] =	vst v23  }
0x33a: {  	v49 =	vld [tilespmem:s12+$0x6B50];
	v25 =	vmul.f32 v52, v53;
	[tilespmem:s12+$0x72D0] =	vst v20  }
0x33b: {  	v62 =	vld [tilespmem:s12+$0x7130];
	v26 =	vmul.f32 v60, v30;
	[tilespmem:s12+$0x70A0] =	vst v24  }
0x33c: {  	v22 =	vmul.f32 v55, v53;
	[tilespmem:s12+$0x70B0] =	vst v25  }
0x33d: {  	v36 =	vld [tilespmem:s12+$0x7150];
	v40 =	vmul.f32 v57, v53;
	[tilespmem:s12+$0x7110] =	vst v26  }
0x33e: {  	v41 =	vld [tilespmem:s12+$0x71A0];
	v29 =	vmul.f32 v63, v30;
	[tilespmem:s12+$0x70C0] =	vst v22  }
0x33f: {  	v50 =	vld [tilespmem:s12+$0x7230];
	v20 =	vmul.f32 v47, v19;
	v19 =	vmul.f32 v49, v19;
	[tilespmem:s12+$0x70E0] =	vst v40  }
0x340: {  	v37 =	vld [tilespmem:s12+$0x7160];
	v62 =	vmul.f32 v62, v30;
	[tilespmem:s12+$0x7140] =	vst v29  }
0x341: {  	v44 =	vbroadcast v18, $0xD;
	[tilespmem:s12+$0x6B50] =	vst v19;
	v19 =	vld [tilespmem:s12+$0x7190]  }
0x342: {  	v38 =	vld [tilespmem:s12+$0x7170];
	v18 =	vbroadcast v18, $0xE;
	v25 =	vmul.f32 v36, v30;
	[tilespmem:s12+$0x7130] =	vst v62  }
0x343: {  	v39 =	vld [tilespmem:s12+$0x7180];
	v28 =	vmul.f32 v41, v44;
	[tilespmem:s12+$0x6B40] =	vst v20  }
0x344: {  	v42 =	vld [tilespmem:s12+$0x71B0];
	v23 =	vmul.f32 v50, v18;
	[tilespmem:s12+$0x7150] =	vst v25  }
0x345: {  	v46 =	vld [tilespmem:s12+$0x71E0];
	v22 =	vmul.f32 v37, v30;
	[tilespmem:s12+$0x71A0] =	vst v28  }
0x346: {  	v48 =	vld [tilespmem:s12+$0x7210];
	[tilespmem:s12+$0x7230] =	vst v23;
	v19 =	vmul.f32 v19, v44  }
0x347: {  	v43 =	vld [tilespmem:s12+$0x71C0];
	v32 =	vmul.f32 v38, v30;
	[tilespmem:s12+$0x7160] =	vst v22  }
0x348: {  	v26 =	vmul.f32 v39, v44;
	[tilespmem:s12+$0x7190] =	vst v19;
	v19 =	vld [tilespmem:s12+$0x7200]  }
0x349: {  	v45 =	vld [tilespmem:s12+$0x71D0];
	v29 =	vmul.f32 v42, v44;
	[tilespmem:s12+$0x7170] =	vst v32  }
0x34a: {  	v55 =	vld [tilespmem:s12+$0x7280];
	v51 =	vmul.f32 v46, v44;
	[tilespmem:s12+$0x7180] =	vst v26  }
0x34b: {  	v57 =	vld [tilespmem:s12+$0x72A0];
	v28 =	vmul.f32 v48, v18;
	[tilespmem:s12+$0x71B0] =	vst v29  }
0x34c: {  	v61 =	vld [tilespmem:s12+$0x72F0];
	v25 =	vmul.f32 v43, v44;
	[tilespmem:s12+$0x71E0] =	vst v51  }
0x34d: {  	v47 =	vld [tilespmem:s12+$0x71F0];
	[tilespmem:s12+$0x7210] =	vst v28;
	v19 =	vmul.f32 v19, v18  }
0x34e: {  	v49 =	vld [tilespmem:s12+$0x7220];
	v22 =	vmul.f32 v45, v44;
	[tilespmem:s12+$0x71C0] =	vst v25  }
0x34f: {  	v28 =	vmul.f32 v55, v21;
	[tilespmem:s12+$0x7200] =	vst v19;
	v19 =	vld [tilespmem:s12+$0x7270]  }
0x350: {  	v52 =	vld [tilespmem:s12+$0x7240];
	v23 =	vmul.f32 v57, v21;
	[tilespmem:s12+$0x71D0] =	vst v22  }
0x351: {  	v56 =	vld [tilespmem:s12+$0x7290];
	v63 =	vmul.f32 v61, v21;
	[tilespmem:s12+$0x7280] =	vst v28  }
0x352: {  	v54 =	vld [tilespmem:s12+$0x7260];
	v26 =	vmul.f32 v47, v44;
	[tilespmem:s12+$0x72A0] =	vst v23  }
0x353: {  	v58 =	vld [tilespmem:s12+$0x72B0];
	v27 =	vmul.f32 v49, v18;
	[tilespmem:s12+$0x72F0] =	vst v63  }
0x354: {  	v53 =	vld [tilespmem:s12+$0x7250];
	[tilespmem:s12+$0x71F0] =	vst v26;
	v19 =	vmul.f32 v19, v18  }
0x355: {  	v59 =	vld [tilespmem:s12+$0x72C0];
	v22 =	vmul.f32 v52, v18;
	[tilespmem:s12+$0x7220] =	vst v27  }
0x356: {  	v60 =	vld [tilespmem:s12+$0x72E0];
	[tilespmem:s12+$0x7270] =	vst v19;
	v19 =	vmul.f32 v56, v21  }
0x357: {  	[tilespmem:s12+$0x7240] =	vst v22;
	v26 =	vmul.f32 v54, v18  }
0x358: {  	v20 =	vld [tilespmem:s12+$0x7120];
	[tilespmem:s12+$0x7290] =	vst v19;
	v19 =	vmul.f32 v58, v21  }
0x359: {  	[tilespmem:s12+$0x7260] =	vst v26;
	v18 =	vmul.f32 v53, v18  }
0x35a: {  	[tilespmem:s12+$0x72B0] =	vst v19;
	v19 =	vmul.f32 v59, v21  }
0x35b: {  	[tilespmem:s12+$0x7250] =	vst v18;
	v21 =	vmul.f32 v60, v21  }
0x35c: {  	[tilespmem:s12+$0x72C0] =	vst v19  }
0x35d: {  	s13 =	simm.s32 $0x1;
	v19 =	vmul.f32 v20, v30;
	[tilespmem:s12+$0x72E0] =	vst v21  }
.LBB2_11:
0x35e: {  	s14 =	sshll.u32 s13, $0x4  }
0x35f: {  	p2 =	sne.s32 s13, $0x4;
	[tilespmem:s12+$0x7120] =	vst v19;
	s12 =	smov.u32 s13;
	s13 =	sadd.s32 $0x1, s13  }
0x360: {  	s14 =	sand.u32 $0x3FFFFFF0, s14  }
0x361: {  	s12 =	sshll.u32 s12, $0xB;
	v18 =	vld [tilespmem:s14+$0x9300]  }
0x362: {  	s12 =	sand.u32 $0x3FFFF800, s12  }
0x363: {  	v25 =	vld [tilespmem:s12+$0x6BC0]  }
0x364: {  	v26 =	vld [tilespmem:s12+$0x6BD0]  }
0x365: {  	v27 =	vld [tilespmem:s12+$0x6BB0]  }
0x366: {  	v19 =	vbroadcast v18, $0x0;
	v20 =	vld [tilespmem:s12+$0x6B20];
	v24 =	vbroadcast v18, $0x4  }
0x367: {  	v22 =	vld [tilespmem:s12+$0x6B30]  }
0x368: {  	v23 =	vld [tilespmem:s12+$0x7070]  }
0x369: {  	v28 =	vld [tilespmem:s12+$0x6B60]  }
0x36a: {  	v29 =	vld [tilespmem:s12+$0x6B70]  }
0x36b: {  	v21 =	vbroadcast v18, $0xA;
	v20 =	vmul.f32 v20, v19;
	v30 =	vld [tilespmem:s12+$0x6B80]  }
0x36c: {  	v22 =	vmul.f32 v22, v19;
	v31 =	vld [tilespmem:s12+$0x6B90]  }
0x36d: {  	[tilespmem:s12+$0x6B20] =	vst v20;
	v32 =	vld [tilespmem:s12+$0x6BA0];
	v20 =	vmul.f32 v23, v21  }
0x36e: {  	[tilespmem:s12+$0x6B30] =	vst v22;
	v23 =	vmul.f32 v28, v19;
	v28 =	vbroadcast v18, $0x1;
	v22 =	vld [tilespmem:s12+$0x7080]  }
0x36f: {  	v29 =	vmul.f32 v29, v19;
	[tilespmem:s12+$0x7070] =	vst v20;
	v20 =	vld [tilespmem:s12+$0x72D0]  }
0x370: {  	[tilespmem:s12+$0x6B60] =	vst v23;
	v30 =	vmul.f32 v30, v28;
	v23 =	vld [tilespmem:s12+$0x7090]  }
0x371: {  	[tilespmem:s12+$0x6B70] =	vst v29;
	v29 =	vmul.f32 v31, v28;
	v31 =	vld [tilespmem:s12+$0x6BE0]  }
0x372: {  	[tilespmem:s12+$0x6B80] =	vst v30;
	v30 =	vmul.f32 v32, v28;
	v32 =	vld [tilespmem:s12+$0x6BF0]  }
0x373: {  	v27 =	vmul.f32 v27, v28;
	[tilespmem:s12+$0x6B90] =	vst v29;
	v29 =	vld [tilespmem:s12+$0x6C00]  }
0x374: {  	v25 =	vmul.f32 v25, v28;
	[tilespmem:s12+$0x6BA0] =	vst v30;
	v30 =	vld [tilespmem:s12+$0x6C10]  }
0x375: {  	v26 =	vmul.f32 v26, v28;
	[tilespmem:s12+$0x6BB0] =	vst v27;
	v27 =	vld [tilespmem:s12+$0x6C20]  }
0x376: {  	[tilespmem:s12+$0x6BC0] =	vst v25;
	v25 =	vmul.f32 v31, v28;
	v31 =	vbroadcast v18, $0x2;
	v33 =	vld [tilespmem:s12+$0x6C30]  }
0x377: {  	[tilespmem:s12+$0x6BD0] =	vst v26;
	v26 =	vmul.f32 v32, v28;
	v28 =	vld [tilespmem:s12+$0x6C40]  }
0x378: {  	[tilespmem:s12+$0x6BE0] =	vst v25;
	v25 =	vmul.f32 v29, v31;
	v29 =	vld [tilespmem:s12+$0x6C50]  }
0x379: {  	[tilespmem:s12+$0x6BF0] =	vst v26;
	v26 =	vmul.f32 v30, v31;
	v30 =	vld [tilespmem:s12+$0x6C60]  }
0x37a: {  	[tilespmem:s12+$0x6C00] =	vst v25;
	v25 =	vmul.f32 v27, v31;
	v27 =	vld [tilespmem:s12+$0x6C70]  }
0x37b: {  	[tilespmem:s12+$0x6C10] =	vst v26;
	v26 =	vmul.f32 v33, v31;
	v32 =	vld [tilespmem:s12+$0x6C80]  }
0x37c: {  	[tilespmem:s12+$0x6C20] =	vst v25;
	v25 =	vmul.f32 v28, v31;
	v28 =	vld [tilespmem:s12+$0x6C90]  }
0x37d: {  	[tilespmem:s12+$0x6C30] =	vst v26;
	v26 =	vmul.f32 v29, v31;
	v29 =	vld [tilespmem:s12+$0x6CA0]  }
0x37e: {  	[tilespmem:s12+$0x6C40] =	vst v25;
	v25 =	vmul.f32 v30, v31;
	v30 =	vbroadcast v18, $0x3;
	v33 =	vld [tilespmem:s12+$0x6CB0]  }
0x37f: {  	[tilespmem:s12+$0x6C50] =	vst v26;
	v26 =	vmul.f32 v27, v31;
	v27 =	vld [tilespmem:s12+$0x6CC0]  }
0x380: {  	[tilespmem:s12+$0x6C60] =	vst v25;
	v25 =	vmul.f32 v32, v30;
	v31 =	vld [tilespmem:s12+$0x6CD0]  }
0x381: {  	[tilespmem:s12+$0x6C70] =	vst v26;
	v26 =	vmul.f32 v28, v30;
	v28 =	vld [tilespmem:s12+$0x6CE0]  }
0x382: {  	[tilespmem:s12+$0x6C80] =	vst v25;
	v25 =	vmul.f32 v29, v30;
	v29 =	vld [tilespmem:s12+$0x6CF0]  }
0x383: {  	[tilespmem:s12+$0x6C90] =	vst v26;
	v26 =	vmul.f32 v33, v30;
	v32 =	vld [tilespmem:s12+$0x6D00]  }
0x384: {  	[tilespmem:s12+$0x6CA0] =	vst v25;
	v25 =	vmul.f32 v27, v30;
	v27 =	vld [tilespmem:s12+$0x6D10]  }
0x385: {  	[tilespmem:s12+$0x6CB0] =	vst v26;
	v26 =	vmul.f32 v31, v30;
	v31 =	vld [tilespmem:s12+$0x6D20]  }
0x386: {  	[tilespmem:s12+$0x6CC0] =	vst v25;
	v25 =	vmul.f32 v28, v30;
	v28 =	vld [tilespmem:s12+$0x6D30]  }
0x387: {  	[tilespmem:s12+$0x6CD0] =	vst v26;
	v26 =	vmul.f32 v29, v30;
	v29 =	vld [tilespmem:s12+$0x6D40]  }
0x388: {  	[tilespmem:s12+$0x6CE0] =	vst v25;
	v25 =	vmul.f32 v32, v24;
	v30 =	vld [tilespmem:s12+$0x6D50]  }
0x389: {  	[tilespmem:s12+$0x6CF0] =	vst v26;
	v26 =	vmul.f32 v27, v24;
	v27 =	vld [tilespmem:s12+$0x6D60]  }
0x38a: {  	[tilespmem:s12+$0x6D00] =	vst v25;
	v25 =	vmul.f32 v31, v24;
	v31 =	vld [tilespmem:s12+$0x6D70]  }
0x38b: {  	[tilespmem:s12+$0x6D10] =	vst v26;
	v26 =	vmul.f32 v28, v24;
	v28 =	vld [tilespmem:s12+$0x6D80]  }
0x38c: {  	[tilespmem:s12+$0x6D20] =	vst v25;
	v25 =	vmul.f32 v29, v24;
	v29 =	vld [tilespmem:s12+$0x6D90]  }
0x38d: {  	[tilespmem:s12+$0x6D30] =	vst v26;
	v26 =	vmul.f32 v30, v24;
	v30 =	vld [tilespmem:s12+$0x6DA0]  }
0x38e: {  	[tilespmem:s12+$0x6D40] =	vst v25;
	v25 =	vmul.f32 v27, v24;
	v27 =	vbroadcast v18, $0x5;
	v32 =	vld [tilespmem:s12+$0x6DB0]  }
0x38f: {  	[tilespmem:s12+$0x6D50] =	vst v26;
	v24 =	vmul.f32 v31, v24;
	v26 =	vld [tilespmem:s12+$0x6DC0]  }
0x390: {  	[tilespmem:s12+$0x6D60] =	vst v25;
	v25 =	vmul.f32 v28, v27;
	v28 =	vld [tilespmem:s12+$0x6DD0]  }
0x391: {  	[tilespmem:s12+$0x6D70] =	vst v24;
	v24 =	vmul.f32 v29, v27;
	v29 =	vld [tilespmem:s12+$0x6DE0]  }
0x392: {  	[tilespmem:s12+$0x6D80] =	vst v25;
	v25 =	vmul.f32 v30, v27;
	v30 =	vld [tilespmem:s12+$0x6DF0]  }
0x393: {  	[tilespmem:s12+$0x6D90] =	vst v24;
	v24 =	vmul.f32 v32, v27;
	v31 =	vld [tilespmem:s12+$0x6E00]  }
0x394: {  	[tilespmem:s12+$0x6DA0] =	vst v25;
	v25 =	vmul.f32 v26, v27;
	v26 =	vld [tilespmem:s12+$0x6E10]  }
0x395: {  	[tilespmem:s12+$0x6DB0] =	vst v24;
	v24 =	vmul.f32 v28, v27;
	v28 =	vld [tilespmem:s12+$0x6E20]  }
0x396: {  	[tilespmem:s12+$0x6DC0] =	vst v25;
	v25 =	vmul.f32 v29, v27;
	v29 =	vbroadcast v18, $0x6;
	v32 =	vld [tilespmem:s12+$0x6E30]  }
0x397: {  	[tilespmem:s12+$0x6DD0] =	vst v24;
	v24 =	vmul.f32 v30, v27;
	v27 =	vld [tilespmem:s12+$0x6E40]  }
0x398: {  	[tilespmem:s12+$0x6DE0] =	vst v25;
	v25 =	vmul.f32 v31, v29;
	v30 =	vld [tilespmem:s12+$0x6E50]  }
0x399: {  	[tilespmem:s12+$0x6DF0] =	vst v24;
	v24 =	vmul.f32 v26, v29;
	v26 =	vld [tilespmem:s12+$0x6E60]  }
0x39a: {  	[tilespmem:s12+$0x6E00] =	vst v25;
	v25 =	vmul.f32 v28, v29;
	v28 =	vld [tilespmem:s12+$0x6E70]  }
0x39b: {  	[tilespmem:s12+$0x6E10] =	vst v24;
	v24 =	vmul.f32 v32, v29;
	v31 =	vld [tilespmem:s12+$0x6E80]  }
0x39c: {  	[tilespmem:s12+$0x6E20] =	vst v25;
	v25 =	vmul.f32 v27, v29;
	v27 =	vld [tilespmem:s12+$0x6E90]  }
0x39d: {  	[tilespmem:s12+$0x6E30] =	vst v24;
	v24 =	vmul.f32 v30, v29;
	v30 =	vld [tilespmem:s12+$0x6EA0]  }
0x39e: {  	[tilespmem:s12+$0x6E40] =	vst v25;
	v25 =	vmul.f32 v26, v29;
	v26 =	vbroadcast v18, $0x7;
	v32 =	vld [tilespmem:s12+$0x6EB0]  }
0x39f: {  	[tilespmem:s12+$0x6E50] =	vst v24;
	v24 =	vmul.f32 v28, v29;
	v28 =	vld [tilespmem:s12+$0x6EC0]  }
0x3a0: {  	[tilespmem:s12+$0x6E60] =	vst v25;
	v25 =	vmul.f32 v31, v26;
	v29 =	vld [tilespmem:s12+$0x6ED0]  }
0x3a1: {  	[tilespmem:s12+$0x6E70] =	vst v24;
	v24 =	vmul.f32 v27, v26;
	v27 =	vld [tilespmem:s12+$0x6EE0]  }
0x3a2: {  	[tilespmem:s12+$0x6E80] =	vst v25;
	v25 =	vmul.f32 v30, v26;
	v30 =	vld [tilespmem:s12+$0x6EF0]  }
0x3a3: {  	[tilespmem:s12+$0x6E90] =	vst v24;
	v24 =	vmul.f32 v32, v26;
	v31 =	vld [tilespmem:s12+$0x6F00]  }
0x3a4: {  	[tilespmem:s12+$0x6EA0] =	vst v25;
	v25 =	vmul.f32 v28, v26;
	v28 =	vld [tilespmem:s12+$0x6F10]  }
0x3a5: {  	[tilespmem:s12+$0x6EB0] =	vst v24;
	v24 =	vmul.f32 v29, v26;
	v29 =	vld [tilespmem:s12+$0x6F20]  }
0x3a6: {  	[tilespmem:s12+$0x6EC0] =	vst v25;
	v25 =	vmul.f32 v27, v26;
	v27 =	vbroadcast v18, $0x8;
	v32 =	vld [tilespmem:s12+$0x6F30]  }
0x3a7: {  	[tilespmem:s12+$0x6ED0] =	vst v24;
	v24 =	vmul.f32 v30, v26;
	v26 =	vld [tilespmem:s12+$0x6F40]  }
0x3a8: {  	[tilespmem:s12+$0x6EE0] =	vst v25;
	v25 =	vmul.f32 v31, v27;
	v30 =	vld [tilespmem:s12+$0x6F50]  }
0x3a9: {  	[tilespmem:s12+$0x6EF0] =	vst v24;
	v24 =	vmul.f32 v28, v27;
	v28 =	vld [tilespmem:s12+$0x6F60]  }
0x3aa: {  	[tilespmem:s12+$0x6F00] =	vst v25;
	v25 =	vmul.f32 v29, v27;
	v29 =	vld [tilespmem:s12+$0x6F70]  }
0x3ab: {  	[tilespmem:s12+$0x6F10] =	vst v24;
	v24 =	vmul.f32 v32, v27;
	v31 =	vld [tilespmem:s12+$0x6F80]  }
0x3ac: {  	[tilespmem:s12+$0x6F20] =	vst v25;
	v25 =	vmul.f32 v26, v27;
	v26 =	vld [tilespmem:s12+$0x6F90]  }
0x3ad: {  	[tilespmem:s12+$0x6F30] =	vst v24;
	v24 =	vmul.f32 v30, v27;
	v30 =	vld [tilespmem:s12+$0x6FA0]  }
0x3ae: {  	[tilespmem:s12+$0x6F40] =	vst v25;
	v25 =	vmul.f32 v28, v27;
	v28 =	vbroadcast v18, $0x9;
	v32 =	vld [tilespmem:s12+$0x6FB0]  }
0x3af: {  	[tilespmem:s12+$0x6F50] =	vst v24;
	v24 =	vmul.f32 v29, v27;
	v27 =	vld [tilespmem:s12+$0x6FC0]  }
0x3b0: {  	[tilespmem:s12+$0x6F60] =	vst v25;
	v25 =	vmul.f32 v31, v28;
	v29 =	vld [tilespmem:s12+$0x6FD0]  }
0x3b1: {  	[tilespmem:s12+$0x6F70] =	vst v24;
	v24 =	vmul.f32 v26, v28;
	v26 =	vld [tilespmem:s12+$0x6FE0]  }
0x3b2: {  	[tilespmem:s12+$0x6F80] =	vst v25;
	v25 =	vmul.f32 v30, v28;
	v30 =	vld [tilespmem:s12+$0x6FF0]  }
0x3b3: {  	[tilespmem:s12+$0x6F90] =	vst v24;
	v24 =	vmul.f32 v32, v28;
	v31 =	vld [tilespmem:s12+$0x7000]  }
0x3b4: {  	[tilespmem:s12+$0x6FA0] =	vst v25;
	v25 =	vmul.f32 v27, v28;
	v27 =	vld [tilespmem:s12+$0x7010]  }
0x3b5: {  	[tilespmem:s12+$0x6FB0] =	vst v24;
	v24 =	vmul.f32 v29, v28;
	v29 =	vld [tilespmem:s12+$0x7020]  }
0x3b6: {  	[tilespmem:s12+$0x6FC0] =	vst v25;
	v25 =	vmul.f32 v26, v28;
	v26 =	vld [tilespmem:s12+$0x7030]  }
0x3b7: {  	[tilespmem:s12+$0x6FD0] =	vst v24;
	v24 =	vmul.f32 v30, v28;
	v28 =	vld [tilespmem:s12+$0x7040]  }
0x3b8: {  	[tilespmem:s12+$0x6FE0] =	vst v25;
	v25 =	vmul.f32 v31, v21;
	v30 =	vld [tilespmem:s12+$0x7050]  }
0x3b9: {  	[tilespmem:s12+$0x6FF0] =	vst v24;
	v24 =	vmul.f32 v27, v21;
	v27 =	vld [tilespmem:s12+$0x7060]  }
0x3ba: {  	v31 =	vld [tilespmem:s12+$0x6B00];
	[tilespmem:s12+$0x7000] =	vst v25;
	v25 =	vmul.f32 v29, v21  }
0x3bb: {  	v29 =	vld [tilespmem:s12+$0x6B10];
	[tilespmem:s12+$0x7010] =	vst v24;
	v24 =	vmul.f32 v26, v21  }
0x3bc: {  	v26 =	vld [tilespmem:s12+$0x6B40];
	[tilespmem:s12+$0x7020] =	vst v25;
	v25 =	vmul.f32 v28, v21  }
0x3bd: {  	v28 =	vld [tilespmem:s12+$0x6B50];
	[tilespmem:s12+$0x7030] =	vst v24;
	v24 =	vmul.f32 v30, v21  }
0x3be: {  	[tilespmem:s12+$0x7040] =	vst v25;
	v25 =	vmul.f32 v27, v21;
	v27 =	vbroadcast v18, $0xB;
	v30 =	vld [tilespmem:s12+$0x70A0]  }
0x3bf: {  	v21 =	vbroadcast v18, $0xF;
	v31 =	vmul.f32 v19, v31;
	[tilespmem:s12+$0x7050] =	vst v24;
	v24 =	vld [tilespmem:s12+$0x70B0]  }
0x3c0: {  	v29 =	vmul.f32 v29, v19;
	[tilespmem:s12+$0x7060] =	vst v25;
	v22 =	vmul.f32 v22, v27;
	v25 =	vld [tilespmem:s12+$0x70C0]  }
0x3c1: {  	v23 =	vmul.f32 v23, v27;
	[tilespmem:s12+$0x6B00] =	vst v31;
	v26 =	vmul.f32 v26, v19;
	v31 =	vld [tilespmem:s12+$0x70D0]  }
0x3c2: {  	v20 =	vmul.f32 v20, v21;
	v28 =	vmul.f32 v28, v19;
	[tilespmem:s12+$0x7080] =	vst v22;
	v19 =	vld [tilespmem:s12+$0x70E0]  }
0x3c3: {  	[tilespmem:s12+$0x7090] =	vst v23;
	v22 =	vmul.f32 v30, v27;
	v23 =	vld [tilespmem:s12+$0x70F0]  }
0x3c4: {  	v24 =	vmul.f32 v24, v27;
	v30 =	vld [tilespmem:s12+$0x7100];
	[tilespmem:s12+$0x72D0] =	vst v20  }
0x3c5: {  	[tilespmem:s12+$0x6B10] =	vst v29;
	v20 =	vmul.f32 v25, v27;
	v25 =	vld [tilespmem:s12+$0x7110]  }
0x3c6: {  	[tilespmem:s12+$0x6B40] =	vst v26;
	v26 =	vmul.f32 v31, v27;
	v29 =	vld [tilespmem:s12+$0x7120]  }
0x3c7: {  	v31 =	vbroadcast v18, $0xC;
	[tilespmem:s12+$0x70A0] =	vst v22;
	v22 =	vmul.f32 v19, v27;
	v32 =	vld [tilespmem:s12+$0x7130]  }
0x3c8: {  	[tilespmem:s12+$0x70D0] =	vst v26;
	v23 =	vmul.f32 v23, v27;
	v26 =	vld [tilespmem:s12+$0x7140]  }
0x3c9: {  	[tilespmem:s12+$0x70B0] =	vst v24;
	v19 =	vmul.f32 v30, v31;
	v24 =	vld [tilespmem:s12+$0x7150]  }
0x3ca: {  	[tilespmem:s12+$0x70C0] =	vst v20;
	v20 =	vmul.f32 v25, v31;
	v25 =	vld [tilespmem:s12+$0x7160]  }
0x3cb: {  	[tilespmem:s12+$0x7100] =	vst v19;
	v19 =	vmul.f32 v29, v31;
	v27 =	vld [tilespmem:s12+$0x7170]  }
0x3cc: {  	[tilespmem:s12+$0x7110] =	vst v20;
	v20 =	vld [tilespmem:s12+$0x7180]  }
0x3cd: {  	[tilespmem:s12+$0x6B50] =	vst v28;
	v26 =	vmul.f32 v26, v31;
	v28 =	vld [tilespmem:s12+$0x7190]  }
0x3ce: {  	[tilespmem:s12+$0x70E0] =	vst v22;
	v22 =	vmul.f32 v24, v31;
	v24 =	vld [tilespmem:s12+$0x71A0]  }
0x3cf: {  	[tilespmem:s12+$0x7140] =	vst v26;
	v25 =	vmul.f32 v25, v31;
	v26 =	vbroadcast v18, $0xD;
	v29 =	vld [tilespmem:s12+$0x71B0]  }
0x3d0: {  	[tilespmem:s12+$0x7150] =	vst v22;
	v22 =	vmul.f32 v27, v31;
	v27 =	vld [tilespmem:s12+$0x71C0]  }
0x3d1: {  	[tilespmem:s12+$0x7160] =	vst v25;
	v20 =	vmul.f32 v20, v26;
	v25 =	vld [tilespmem:s12+$0x71D0]  }
0x3d2: {  	[tilespmem:s12+$0x7170] =	vst v22;
	v22 =	vmul.f32 v28, v26;
	v28 =	vld [tilespmem:s12+$0x71E0]  }
0x3d3: {  	[tilespmem:s12+$0x7180] =	vst v20;
	v20 =	vmul.f32 v24, v26;
	v24 =	vld [tilespmem:s12+$0x71F0]  }
0x3d4: {  	[tilespmem:s12+$0x7190] =	vst v22;
	v22 =	vmul.f32 v29, v26;
	v29 =	vld [tilespmem:s12+$0x7200]  }
0x3d5: {  	[tilespmem:s12+$0x71A0] =	vst v20;
	v20 =	vmul.f32 v27, v26;
	v27 =	vld [tilespmem:s12+$0x7210]  }
0x3d6: {  	[tilespmem:s12+$0x71B0] =	vst v22;
	v22 =	vmul.f32 v25, v26;
	v25 =	vld [tilespmem:s12+$0x7220]  }
0x3d7: {  	v18 =	vbroadcast v18, $0xE;
	[tilespmem:s12+$0x70F0] =	vst v23;
	v23 =	vmul.f32 v28, v26;
	v28 =	vld [tilespmem:s12+$0x7230]  }
0x3d8: {  	[tilespmem:s12+$0x71D0] =	vst v22;
	v22 =	vmul.f32 v24, v26;
	v24 =	vld [tilespmem:s12+$0x7240]  }
0x3d9: {  	[tilespmem:s12+$0x71E0] =	vst v23;
	v23 =	vmul.f32 v29, v18;
	v26 =	vld [tilespmem:s12+$0x7250]  }
0x3da: {  	[tilespmem:s12+$0x71F0] =	vst v22;
	v22 =	vmul.f32 v27, v18;
	v27 =	vld [tilespmem:s12+$0x7260]  }
0x3db: {  	[tilespmem:s12+$0x7200] =	vst v23;
	v23 =	vmul.f32 v25, v18;
	v25 =	vld [tilespmem:s12+$0x7270]  }
0x3dc: {  	[tilespmem:s12+$0x7210] =	vst v22;
	v22 =	vmul.f32 v28, v18;
	v28 =	vld [tilespmem:s12+$0x7280]  }
0x3dd: {  	[tilespmem:s12+$0x7220] =	vst v23;
	v23 =	vmul.f32 v24, v18;
	v24 =	vld [tilespmem:s12+$0x7290]  }
0x3de: {  	[tilespmem:s12+$0x7230] =	vst v22;
	v22 =	vmul.f32 v26, v18;
	v26 =	vld [tilespmem:s12+$0x72A0]  }
0x3df: {  	[tilespmem:s12+$0x7240] =	vst v23;
	v23 =	vmul.f32 v27, v18;
	v27 =	vld [tilespmem:s12+$0x72B0]  }
0x3e0: {  	[tilespmem:s12+$0x71C0] =	vst v20;
	v18 =	vmul.f32 v25, v18;
	v20 =	vld [tilespmem:s12+$0x72C0]  }
0x3e1: {  	[tilespmem:s12+$0x7260] =	vst v23;
	v23 =	vmul.f32 v28, v21;
	v25 =	vld [tilespmem:s12+$0x72E0]  }
0x3e2: {  	[tilespmem:s12+$0x7270] =	vst v18;
	v18 =	vmul.f32 v24, v21;
	v24 =	vld [tilespmem:s12+$0x72F0]  }
0x3e3: {  	[tilespmem:s12+$0x7280] =	vst v23;
	v23 =	vmul.f32 v26, v21  }
0x3e4: {  	[tilespmem:s12+$0x7290] =	vst v18;
	v18 =	vmul.f32 v27, v21  }
0x3e5: {  	v26 =	vmul.f32 v32, v31;
	[tilespmem:s12+$0x72A0] =	vst v23  }
0x3e6: {  	[tilespmem:s12+$0x72B0] =	vst v18;
	v18 =	vmul.f32 v20, v21  }
.Ltmp4:
0x3e7: {  	[tilespmem:s12+$0x7130] =	vst v26;
	v20 =	vmul.f32 v24, v21;
	(pc) =	sbr.rel @p2 .LBB2_11-.Ltmp4, $4  }
0x3e8: {  	[tilespmem:s12+$0x72C0] =	vst v18  }
0x3e9: {  	v18 =	vmul.f32 v25, v21;
	[tilespmem:s12+$0x72F0] =	vst v20  }
0x3ea: {  	[tilespmem:s12+$0x7250] =	vst v22  }
0x3eb: {  	[tilespmem:s12+$0x72E0] =	vst v18  }
0x3ec: {  	[tilespmem:s12+$0x7120] =	vst v19  }
0x3ed: {  	[spmem:s4] =	stream.indirect.scatter.add.f32 [tilespmem:s17], [sflag:$0x1], $0x80, s1, s19, $0xb8;
	[tilespmem:$0x1D778] =	vst v63  }
0x3ee: {  	s11 =	sadd.s32 $0x1, s11  }
0x3ef: {  	[spmem:s5] =	stream.indirect.scatter.add.f32 [tilespmem:s18], [sflag:$0x1], $0x1, s1, s19, $0xb8;
	[tilespmem:$0x1D778] =	vst v63  }
0x3f0: {  	p2 =	sne.s32 s11, $0x7D;
	_ =	swait.ge [sflag:s31], $0x2800  }
.Ltmp5:
0x3f1: {  	[sflag:s31] =	ssyncset.done $0x0;
	(pc) =	sbr.rel @p2 .LBB2_8-.Ltmp5, $4  }
0x3f2: {  	[sflag:s31] =	ssyncadd.s32 $0xFFFFD800  }
0x3f3: {  	_ =	swait.ge [sflag:s31], $0x50  }
0x3f4: {  	[sflag:s31] =	ssyncset.done $0x0  }
0x3f5: {  	[sflag:s31] =	ssyncadd.s32 $0xFFFFFFB0  }
0x3f6: {  	s11 =	sshll.u32 @!p0 s2, $0x6  }
0x3f7: {  	[bflag:$0x0] =	sbarrier.arrive $0xFFFF;
	s12 =	sshrl.u32 @!p0 s9, $0x3;
	s11 =	sor.u32 @!p0 $0x1C02, s11  }
0x3f8: {  	[hbm:s22], [sflag:s11] =	dma.local @!p0 [spmem:s12], $0x3E80  }
0x3f9: {  	s13 =	simm.s32 @!p1 $0x20;
	s11 =	simm.s32 @!p0 $0x2  }
0x3fa: {  	s14 =	simm.s32 @!p1 $0x10;
	s10 =	sadd.s32 $0x1, s10;
	_ =	swait.ge @!p0 [sflag:s11], $0x3E80  }
0x3fb: {  	s15 =	simm.s32 @!p1 $0x1C02;
	p2 =	sne.s32 s10, s24;
	[sflag:s11] =	ssyncset.done @!p0 $0x0  }
0x3fc: {  	s12 =	simm.s32 @!p1 $0x1;
	[sflag:s11] =	ssyncadd.s32 @!p0 $0xFFFFC180;
	s11 =	sshrl.u32 @!p1 s5, $0x3  }
0x3fd: {  	[hbm:s23@s13], [sflag:s15] =	dma.strided @!p1 [spmem:s11@s14], $0x4F0, s12, $0x10   }
.Ltmp6:
0x3fe: {  	_ = 	snop;
	(pc) =	sbr.rel @p2 .LBB2_1-.Ltmp6, $4  }
0x3ff: {  	s11 =	simm.s32 @!p1 $0x2  }
0x400: {  	_ =	swait.ge @!p1 [sflag:s11], $0x4F0  }
0x401: {  	[sflag:s11] =	ssyncset.done @!p1 $0x0  }
0x402: {  	[sflag:s11] =	ssyncadd.s32 @!p1 $0xFFFFFB10  }
0x403: {  	_ =	sfence.sel $0x180000  }
0x404: {  	[bflag:$0x0] =	sbarrier.arrive $0xFFFF  }
0x405: {  	_ =	strace $0x90000047  }
0x406: {  	[bflag:$0x2] =	sbarrier.arrive $0xFFFF  }
0x407: {  	p0 =	sne.s32 s2, $0x0;
	s0 =	rddreg [dreg:$0x5]  }
0x408: {  	s0 =	sadd.s32 @!p0 $0x100000, s0  }
0x409: {  	[sflag:s0] =	ssyncadd.tile.s32 @!p0 $0x1;
	_ =	shalt  }
.Lfunc_end2:
_tile_overlayer_lowered:
.L_overlay_start_2:
0x40a: {  	(tag) =	ssettag $0x2  }
0x40b: {  	s0 =	rddreg [dreg:$0x0];
	s2 =	stileid.u32  }
0x40c: {  	s1 =	rddreg [dreg:$0x1];
	p0 =	sne.s32 s2, $0x0  }
0x40d: {  	s3 =	rddreg [dreg:$0x2];
	[bflag:$0x3] =	sbarrier.arrive $0xFFFF;
	s2 =	simm.s32 @!p0 $0x1C02  }
0x40e: {  	[timem:s3], [sflag:s2] =	dma.local @!p0 [hbm:s0], s1  }
0x40f: {  	s0 =	simm.s32 @!p0 $0x2  }
0x410: {  	_ =	swait.ge @!p0 [sflag:s0], s1  }
0x411: {  	s1 =	ssub.s32 @!p0 $0x0, s1;
	[sflag:s0] =	ssyncset.done @!p0 $0x0  }
0x412: {  	[sflag:s0] =	ssyncadd.s32 @!p0 s1  }
0x413: {  	[bflag:$0x3] =	sbarrier.arrive $0xFFFF  }
0x414: {  	_ =	shalt  }

</sc_bundles>
